<compile_context>
chip_gen: v7x
topology: tpu7x:2x2x1
jax: 0.10.2.dev20260603
libtpu: 0.0.44.dev20260713+nightly
codegen_flags: <defaults>
</compile_context>

<pallas_src>
import functools

import jax
import jax.numpy as jnp
from jax import lax
from jax.experimental import pallas as pl
from jax.experimental.pallas import tpu as pltpu
from jax.experimental.pallas import tpu_sc as plsc

H = 512
W = 512
P = H * W
BC = 192
G = 4
NCORES = 2
NSUB = 16
GROUPS_PER_CORE = BC // (NCORES * G)
PT = P // NSUB
CH = 1024
NCHUNK = PT // CH
IROWS = 2 * CH // 128
NFIRE = IROWS
ZROWS = 256


def _corner_kernel(smx_ref, smy_ref, base_ref, w_ref):
    sx = smx_ref[...]
    sy = smy_ref[...]
    x0 = jnp.floor(sx)
    y0 = jnp.floor(sy)
    x0i = jnp.clip(x0.astype(jnp.int32), 0, W - 2)
    y0i = jnp.clip(y0.astype(jnp.int32), 0, H - 2)
    fx = sx - x0i.astype(jnp.float32)
    fy = sy - y0i.astype(jnp.float32)
    base_ref[...] = y0i * W + x0i
    w_ref[0] = (1.0 - fx) * (1.0 - fy)
    w_ref[1] = fx * (1.0 - fy)
    w_ref[2] = (1.0 - fx) * fy
    w_ref[3] = fx * fy


def _compute_corners(smx, smy):
    return pl.pallas_call(
        _corner_kernel,
        out_shape=[
            jax.ShapeDtypeStruct((H, W), jnp.int32),
            jax.ShapeDtypeStruct((4, H, W), jnp.float32),
        ],
    )(smx, smy)


def _sc_body(
    x_hbm,
    base_hbm,
    w_hbm,
    out_hbm,
    acc,
    xb,
    wb,
    bflat,
    idxq,
    vals,
    wstage,
    zb,
    sem,
    sem2,
    semz,
    semo,
):
    cid = lax.axis_index("c")
    sid = lax.axis_index("s")
    iota = lax.iota(jnp.int32, 16)
    half = (iota >> 2) & 1
    colv = iota & 7
    civ = iota & 3
    unit2 = iota >> 3
    zero16 = jnp.zeros((16,), jnp.float32)
    base_t = sid * PT

    def z_init(i, c):
        zb[i, pl.ds(0, 8)] = jnp.zeros((8,), jnp.float32)
        return c

    def z_init16(i, c):
        plsc.store_scatter(zb, [i * 2 + unit2, colv], zero16)
        return c

    lax.fori_loop(0, ZROWS // 2, z_init16, 0)
    for z in range(PT // 2 // ZROWS):
        pltpu.sync_copy(
            zb, acc.at[pl.ds(pl.multiple_of(base_t // 2 + z * ZROWS, ZROWS), ZROWS)]
        )

    def zb2_init(i, c):
        rowv = CH + i * 2 + unit2
        for l in range(2):
            plsc.store_scatter(vals.at[l], [rowv, 4 + civ], zero16)
        return c

    lax.fori_loop(0, CH // 2, zb2_init, 0)
    plsc.subcore_barrier()

    def group_body(g, carry):
        pg = cid * (GROUPS_PER_CORE * G) + g * G

        def chunk_body(cc, carry2):
            base = pl.multiple_of(base_t + cc * CH, CH)
            for gp in range(G):
                pltpu.async_copy(x_hbm.at[pg + gp, pl.ds(base, CH)], xb.at[gp], sem2)
            for k in range(4):
                pltpu.async_copy(w_hbm.at[k, pl.ds(base, CH)], wb.at[k], sem2)
            pltpu.sync_copy(base_hbm.at[pl.ds(base, CH)], bflat)

            for l in range(2):
                lw = l * W

                def d_body(j, c3, l=l):
                    pltpu.make_async_copy(
                        vals.at[l, pl.ds(pl.multiple_of(j * 128, 128), 128)],
                        acc.at[idxq.at[l, j]],
                        sem,
                    ).wait()
                    return c3

                @pl.when(cc > 0)
                def _drain():
                    lax.fori_loop(0, NFIRE, d_body, 0)

                def i_body(r, c3, l=l, lw=lw):
                    for v in range(8):
                        s = pl.ds(pl.multiple_of(v * 16, 16), 16)
                        bv = bflat[pl.ds(pl.multiple_of(r * 128 + v * 16, 16), 16)] + lw
                        idxq[l, r, s] = bv >> 1
                        idxq[l, (CH // 128) + r, s] = (bv + 1) >> 1
                    return c3

                lax.fori_loop(0, CH // 128, i_body, 0)

                if l == 0:
                    for gp in range(G):
                        pltpu.make_async_copy(
                            x_hbm.at[pg + gp, pl.ds(base, CH)], xb.at[gp], sem2
                        ).wait()
                    for k in range(4):
                        pltpu.make_async_copy(
                            w_hbm.at[k, pl.ds(base, CH)], wb.at[k], sem2
                        ).wait()

                def v_body(i, c3, l=l, lw=lw):
                    for u in range(2):
                        ii = i * 2 + u
                        s = pl.ds(pl.multiple_of(ii * 16, 16), 16)
                        pix16 = ii * 16 + iota
                        even = ((bflat[s] + lw) & 1) == 0
                        wa16 = wb[2 * l, s]
                        wb16 = wb[2 * l + 1, s]
                        rowA = pix16
                        rowB = CH + pix16
                        for gp in range(G):
                            xv = xb[gp, s]
                            pa = xv * wa16
                            pb = xv * wb16
                            cg = jnp.full((16,), gp, jnp.int32)
                            plsc.store_scatter(
                                vals.at[l], [rowA, cg], jnp.where(even, pa, 0.0)
                            )
                            plsc.store_scatter(
                                vals.at[l], [rowA, cg + 4], jnp.where(even, pb, pa)
                            )
                            plsc.store_scatter(
                                vals.at[l], [rowB, cg], jnp.where(even, 0.0, pb)
                            )
                    return c3

                lax.fori_loop(0, CH // 32, v_body, 0)

                def f_body(j, c3, l=l):
                    pltpu.async_copy(
                        vals.at[l, pl.ds(pl.multiple_of(j * 128, 128), 128)],
                        acc.at[idxq.at[l, j]],
                        sem,
                        add=True,
                    )
                    return c3

                lax.fori_loop(0, NFIRE, f_body, 0)
            return carry2

        lax.fori_loop(0, NCHUNK, chunk_body, 0)

        for l in range(2):
            def d_body(j, c3, l=l):
                pltpu.make_async_copy(
                    vals.at[l, pl.ds(pl.multiple_of(j * 128, 128), 128)],
                    acc.at[idxq.at[l, j]],
                    sem,
                ).wait()
                return c3

            lax.fori_loop(0, NFIRE, d_body, 0)
        plsc.subcore_barrier()

        def _stage(cc):
            r0 = pl.multiple_of(base_t // 2 + cc * (CH // 2), CH // 2)
            return pltpu.make_async_copy(
                acc.at[pl.ds(r0, CH // 2)], vals.at[cc & 1, pl.ds(0, CH // 2)], sem2
            )

        def _zero(cc, z):
            r0 = pl.multiple_of(base_t // 2 + cc * (CH // 2) + z * ZROWS, ZROWS)
            return pltpu.make_async_copy(zb, acc.at[pl.ds(r0, ZROWS)], semz)

        def _out(cc, gp):
            c0 = pl.multiple_of(base_t + cc * CH, CH)
            return pltpu.make_async_copy(
                wstage.at[gp], out_hbm.at[pg + gp, pl.ds(c0, CH)], semo
            )

        _stage(0).start()

        def wb_body(cc, carry2):
            _stage(cc).wait()

            @pl.when(cc < NCHUNK - 1)
            def _prefetch():
                _stage(cc + 1).start()

            for z in range(CH // 2 // ZROWS):
                _zero(cc, z).start()

            @pl.when(cc > 0)
            def _drain_out():
                for gp in range(G):
                    _out(cc - 1, gp).wait()

            bufv = jnp.full((16,), cc & 1, jnp.int32)

            def t_body(i, c3):
                for u in range(2):
                    ii = i * 2 + u
                    cv = ii * 16 + iota
                    rowv = cv >> 1
                    colb = (cv & 1) << 2
                    for gp in range(G):
                        v = plsc.load_gather(vals, [bufv, rowv, colb + gp])
                        wstage[gp, pl.ds(pl.multiple_of(ii * 16, 16), 16)] = v
                return c3

            lax.fori_loop(0, CH // 32, t_body, 0)
            for gp in range(G):
                _out(cc, gp).start()
            return carry2

        lax.fori_loop(0, NCHUNK, wb_body, 0)
        for gp in range(G):
            _out(NCHUNK - 1, gp).wait()

        def z_drain(cc, carry2):
            for z in range(CH // 2 // ZROWS):
                _zero(cc, z).wait()
            return carry2

        lax.fori_loop(0, NCHUNK, z_drain, 0)
        plsc.subcore_barrier()
        return carry

    lax.fori_loop(0, GROUPS_PER_CORE, group_body, 0)


def _sc_scatter(x2d, base_flat, w4):
    mesh = plsc.VectorSubcoreMesh(
        core_axis_name="c", subcore_axis_name="s", num_cores=NCORES, num_subcores=NSUB
    )
    fn = pl.kernel(
        _sc_body,
        out_type=jax.ShapeDtypeStruct((BC, P), jnp.float32),
        mesh=mesh,
        scratch_types=[
            pltpu.VMEM_SHARED((P // 2, 8), jnp.float32),
            pltpu.VMEM((G, CH), jnp.float32),
            pltpu.VMEM((4, CH), jnp.float32),
            pltpu.VMEM((CH,), jnp.int32),
            pltpu.VMEM((2, IROWS, 128), jnp.int32),
            pltpu.VMEM((2, 2 * CH, 8), jnp.float32),
            pltpu.VMEM((G, CH), jnp.float32),
            pltpu.VMEM((ZROWS, 8), jnp.float32),
            pltpu.SemaphoreType.DMA,
            pltpu.SemaphoreType.DMA,
            pltpu.SemaphoreType.DMA,
            pltpu.SemaphoreType.DMA,
        ],
        compiler_params=pltpu.CompilerParams(
            use_tc_tiling_on_sc=False, needs_layout_passes=False
        ),
    )
    return fn(x2d, base_flat, w4)


@jax.jit
def kernel(x, sample_map, output_shape):
    del output_shape
    B, C, Hin, Win = x.shape
    smx = sample_map[..., 0]
    smy = sample_map[..., 1]
    base_arr, w4 = _compute_corners(smx, smy)
    base_flat = base_arr.reshape(P)
    w4 = w4.reshape(4, P)
    x2d = x.reshape(B * C, Hin * Win)
    out = _sc_scatter(x2d, base_flat, w4)
    return out.reshape(B, C, H, W)

# --- scband reference (transcript-rebuilt; emitter-appended) ---
"""Pipeline reference for scband-resample-45561013076303 (READ-ONLY COPY).

The authoritative reference and input builder live on the scoring server;
editing this copy changes nothing except your own understanding.
"""

import jax, jax.numpy as jnp
import numpy as np

H_OUT = 512
W_OUT = 512

def _resample_to_map(x, sample_map, Hout, Wout, Hout_static, Wout_static):
    # Bilinear 'splat' resampling: each input pixel (i,j) is scattered to the
    # real-valued output location sample_map[i,j] = (x, y) with bilinear weights.
    B, C, Hin, Win = x.shape
    xf = x.reshape(B, C, Hin * Win)
    sx = sample_map[..., 0].reshape(-1)
    sy = sample_map[..., 1].reshape(-1)
    x0 = jnp.floor(sx)
    y0 = jnp.floor(sy)
    fx = sx - x0
    fy = sy - y0
    x0i = x0.astype(jnp.int32)
    y0i = y0.astype(jnp.int32)
    out = jnp.zeros((B, C, Hout_static * Wout_static), dtype=x.dtype)
    corners = [
        (0, 0, (1.0 - fx) * (1.0 - fy)),
        (1, 0, fx * (1.0 - fy)),
        (0, 1, (1.0 - fx) * fy),
        (1, 1, fx * fy),
    ]
    for dx, dy, w in corners:
        xi = x0i + dx
        yi = y0i + dy
        valid = (xi >= 0) & (xi < Wout) & (yi >= 0) & (yi < Hout)
        idx = jnp.clip(yi, 0, Hout - 1) * Wout + jnp.clip(xi, 0, Wout - 1)
        ww = jnp.where(valid, w, 0.0).astype(x.dtype)
        out = out.at[:, :, idx].add(xf * ww[None, None, :])
    return out.reshape(B, C, Hout_static, Wout_static)

def setup_inputs(seed: int = 0):
    key = jax.random.key(seed)
    k1, k2 = jax.random.split(key)
    x = jax.random.normal(k1, (2, 96, 512, 512), dtype=jnp.float32)
    u = jax.random.uniform(k2, (512, 512, 2), dtype=jnp.float32)
    # sample_map holds (x, y) real-valued output coordinates, in-bounds of output
    sample_map = u * jnp.array([W_OUT - 1, H_OUT - 1], dtype=jnp.float32)
    output_shape = jnp.array([H_OUT, W_OUT], dtype=jnp.int32)
    return {"x": x, "sample_map": sample_map, "output_shape": output_shape}

def reference(x, sample_map, output_shape):
    Hout = output_shape[0].astype(jnp.int32)
    Wout = output_shape[1].astype(jnp.int32)
    return _resample_to_map(x, sample_map, Hout, Wout, H_OUT, W_OUT)

if __name__ == "__main__":
    import jax
    _d = setup_inputs()
    print(jax.jit(kernel)(*tuple(_d.values())))

</pallas_src>

<mosaic_0001>
#map = affine_map<(d0, d1) -> (0, 0)>
#map1 = affine_map<(d0, d1) -> (0)>
module attributes {stable_mosaic.version = 14 : i64} {
  func.func @_sc_body(%arg0: i32, %arg1: i32, %arg2: memref<192x262144xf32, #tpu.memory_space<hbm>>, %arg3: memref<262144xi32, #tpu.memory_space<hbm>>, %arg4: memref<4x262144xf32, #tpu.memory_space<hbm>>, %arg5: memref<192x262144xf32, #tpu.memory_space<hbm>>, %arg6: memref<131072x8xf32, #tpu.memory_space<vmem_shared>>, %arg7: memref<4x1024xf32, #tpu.memory_space<vmem>>, %arg8: memref<4x1024xf32, #tpu.memory_space<vmem>>, %arg9: memref<1024xi32, #tpu.memory_space<vmem>>, %arg10: memref<2x16x128xi32, #tpu.memory_space<vmem>>, %arg11: memref<2x2048x8xf32, #tpu.memory_space<vmem>>, %arg12: memref<4x1024xf32, #tpu.memory_space<vmem>>, %arg13: memref<256x8xf32, #tpu.memory_space<vmem>>, %arg14: memref<!tpu.dma_semaphore, #tpu.memory_space<semaphore_mem>>, %arg15: memref<!tpu.dma_semaphore, #tpu.memory_space<semaphore_mem>>, %arg16: memref<!tpu.dma_semaphore, #tpu.memory_space<semaphore_mem>>, %arg17: memref<!tpu.dma_semaphore, #tpu.memory_space<semaphore_mem>>) attributes {dimension_semantics = [#tpu.dimension_semantics<core_parallel>, #tpu.dimension_semantics<subcore_parallel>], iteration_bounds = array<i64: 2, 16>, scalar_prefetch = 0 : i64, scratch_operands = 12 : i64, tpu.core_type = #tpu.core_type<sc_vector_subcore>, window_params = [{transform_indices = #map}, {transform_indices = #map1}, {transform_indices = #map}, {transform_indices = #map}]} {
    %iota3A = tpu.iota {dimensions = array<i32: 0>} : vector<16xi32>
    %shift_right_arithmetic3A = arith.constant 2 : i32
    %shift_right_arithmetic3A_0 = vector.broadcast %shift_right_arithmetic3A : i32 to vector<16xi32>
    %shift_right_arithmetic3A_1 = arith.shrsi %iota3A, %shift_right_arithmetic3A_0 : vector<16xi32>
    %and3A = arith.constant 1 : i32
    %and3A_2 = vector.broadcast %and3A : i32 to vector<16xi32>
    %and3A_3 = arith.andi %shift_right_arithmetic3A_1, %and3A_2 : vector<16xi32>
    %and3A_4 = arith.constant 7 : i32
    %and3A_5 = vector.broadcast %and3A_4 : i32 to vector<16xi32>
    %and3A_6 = arith.andi %iota3A, %and3A_5 : vector<16xi32>
    %and3A_7 = arith.constant 3 : i32
    %and3A_8 = vector.broadcast %and3A_7 : i32 to vector<16xi32>
    %and3A_9 = arith.andi %iota3A, %and3A_8 : vector<16xi32>
    %shift_right_arithmetic3A_10 = arith.constant 3 : i32
    %shift_right_arithmetic3A_11 = vector.broadcast %shift_right_arithmetic3A_10 : i32 to vector<16xi32>
    %shift_right_arithmetic3A_12 = arith.shrsi %iota3A, %shift_right_arithmetic3A_11 : vector<16xi32>
    %broadcast_in_dim3A = arith.constant 0.000000e+00 : f32
    %broadcast_in_dim3A_13 = vector.broadcast %broadcast_in_dim3A : f32 to vector<16xf32>
    %mul3A = arith.constant 16384 : i32
    %mul3A_14 = arith.muli %arg1, %mul3A : i32
    %scan3A = arith.constant 0 : i32
    %scan3A_15 = arith.constant 0 : i32
    %scan3A_16 = arith.constant 128 : i32
    %scan3A_17 = arith.addi %scan3A_15, %scan3A_16 : i32
    %scan3A_18 = arith.constant 1 : i32
    scf.for %scan3A_887 = %scan3A_15 to %scan3A_17 step %scan3A_18  : i32 {
      %mul3A_888 = arith.constant 2 : i32
      %mul3A_889 = arith.muli %scan3A_887, %mul3A_888 : i32
      %add3A_890 = vector.broadcast %mul3A_889 : i32 to vector<16xi32>
      %add3A_891 = arith.addi %add3A_890, %shift_right_arithmetic3A_12 : vector<16xi32>
      tpu.vector_store_idx %arg13[%add3A_891, %and3A_6], %broadcast_in_dim3A_13 : memref<256x8xf32, #tpu.memory_space<vmem>>[vector<16xi32>, vector<16xi32>], vector<16xf32>,
    }
    %scan3A_19 = arith.constant 128 : i32
    %jit3A = arith.constant 2 : i32
    %div3A = arith.divsi %mul3A_14, %jit3A : i32
    %sign3A = arith.constant 0 : i32
    %sign3A_20 = arith.cmpi sgt, %mul3A_14, %sign3A : i32
    %sign3A_21 = arith.extui %sign3A_20 : i1 to i32
    %sign3A_22 = arith.constant 0 : i32
    %sign3A_23 = arith.cmpi slt, %mul3A_14, %sign3A_22 : i32
    %sign3A_24 = arith.extui %sign3A_23 : i1 to i32
    %sign3A_25 = arith.subi %sign3A_21, %sign3A_24 : i32
    %sign3A_26 = arith.constant 0 : i32
    %sign3A_27 = arith.cmpi sgt, %jit3A, %sign3A_26 : i32
    %sign3A_28 = arith.extui %sign3A_27 : i1 to i32
    %sign3A_29 = arith.constant 0 : i32
    %sign3A_30 = arith.cmpi slt, %jit3A, %sign3A_29 : i32
    %sign3A_31 = arith.extui %sign3A_30 : i1 to i32
    %sign3A_32 = arith.subi %sign3A_28, %sign3A_31 : i32
    %ne3A = arith.cmpi ne, %sign3A_25, %sign3A_32 : i32
    %rem3A = arith.remsi %mul3A_14, %jit3A : i32
    %ne3A_33 = arith.constant 0 : i32
    %ne3A_34 = arith.cmpi ne, %rem3A, %ne3A_33 : i32
    %and3A_35 = arith.andi %ne3A, %ne3A_34 : i1
    %sub3A = arith.constant 1 : i32
    %sub3A_36 = arith.subi %div3A, %sub3A : i32
    %select_n3A = arith.select %and3A_35, %sub3A_36, %div3A : i32
    %add3A = arith.constant 0 : i32
    %add3A_37 = arith.addi %select_n3A, %add3A : i32
    %multiple_of3A = tpu.assume_multiple %add3A_37, 256 : i32
    "tpu.region"() ({
      %run_scoped3A = tpu.sem_alloc : memref<!tpu.dma_semaphore, #tpu.memory_space<semaphore_mem>>
      %dma_start3A = arith.constant 0 : i32
      %dma_start3A_887 = tpu.memref_slice %arg6[%multiple_of3A, %dma_start3A] : memref<131072x8xf32, #tpu.memory_space<vmem_shared>> -> memref<256x8xf32, #tpu.memory_space<vmem_shared>>
      %dma_start3A_888 = arith.constant 0 : i32
      %dma_start3A_889 = tpu.memref_slice %arg6[%multiple_of3A, %dma_start3A_888] : memref<131072x8xf32, #tpu.memory_space<vmem_shared>> -> memref<256x8xf32, #tpu.memory_space<vmem_shared>>
      tpu.enqueue_dma source(%arg13 : memref<256x8xf32, #tpu.memory_space<vmem>>) target(%dma_start3A_889 : memref<256x8xf32, #tpu.memory_space<vmem_shared>>) target_semaphore(%run_scoped3A : memref<!tpu.dma_semaphore, #tpu.memory_space<semaphore_mem>>)
      %dma_wait3A = arith.constant 0 : i32
      %dma_wait3A_890 = tpu.memref_slice %arg6[%multiple_of3A, %dma_wait3A] : memref<131072x8xf32, #tpu.memory_space<vmem_shared>> -> memref<256x8xf32, #tpu.memory_space<vmem_shared>>
      %dma_wait3A_891 = arith.constant 0 : i32
      %dma_wait3A_892 = tpu.memref_slice %arg6[%multiple_of3A, %dma_wait3A_891] : memref<131072x8xf32, #tpu.memory_space<vmem_shared>> -> memref<256x8xf32, #tpu.memory_space<vmem_shared>>
      tpu.wait_dma2 semaphore(%run_scoped3A : memref<!tpu.dma_semaphore, #tpu.memory_space<semaphore_mem>>) src(%arg13 : memref<256x8xf32, #tpu.memory_space<vmem>>) dst(%dma_wait3A_892 : memref<256x8xf32, #tpu.memory_space<vmem_shared>>)
      tpu.yield
    }) : () -> ()
    %jit3A_38 = arith.constant 2 : i32
    %div3A_39 = arith.divsi %mul3A_14, %jit3A_38 : i32
    %sign3A_40 = arith.constant 0 : i32
    %sign3A_41 = arith.cmpi sgt, %mul3A_14, %sign3A_40 : i32
    %sign3A_42 = arith.extui %sign3A_41 : i1 to i32
    %sign3A_43 = arith.constant 0 : i32
    %sign3A_44 = arith.cmpi slt, %mul3A_14, %sign3A_43 : i32
    %sign3A_45 = arith.extui %sign3A_44 : i1 to i32
    %sign3A_46 = arith.subi %sign3A_42, %sign3A_45 : i32
    %sign3A_47 = arith.constant 0 : i32
    %sign3A_48 = arith.cmpi sgt, %jit3A_38, %sign3A_47 : i32
    %sign3A_49 = arith.extui %sign3A_48 : i1 to i32
    %sign3A_50 = arith.constant 0 : i32
    %sign3A_51 = arith.cmpi slt, %jit3A_38, %sign3A_50 : i32
    %sign3A_52 = arith.extui %sign3A_51 : i1 to i32
    %sign3A_53 = arith.subi %sign3A_49, %sign3A_52 : i32
    %ne3A_54 = arith.cmpi ne, %sign3A_46, %sign3A_53 : i32
    %rem3A_55 = arith.remsi %mul3A_14, %jit3A_38 : i32
    %ne3A_56 = arith.constant 0 : i32
    %ne3A_57 = arith.cmpi ne, %rem3A_55, %ne3A_56 : i32
    %and3A_58 = arith.andi %ne3A_54, %ne3A_57 : i1
    %sub3A_59 = arith.constant 1 : i32
    %sub3A_60 = arith.subi %div3A_39, %sub3A_59 : i32
    %select_n3A_61 = arith.select %and3A_58, %sub3A_60, %div3A_39 : i32
    %add3A_62 = arith.constant 256 : i32
    %add3A_63 = arith.addi %select_n3A_61, %add3A_62 : i32
    %multiple_of3A_64 = tpu.assume_multiple %add3A_63, 256 : i32
    "tpu.region"() ({
      %run_scoped3A = tpu.sem_alloc : memref<!tpu.dma_semaphore, #tpu.memory_space<semaphore_mem>>
      %dma_start3A = arith.constant 0 : i32
      %dma_start3A_887 = tpu.memref_slice %arg6[%multiple_of3A_64, %dma_start3A] : memref<131072x8xf32, #tpu.memory_space<vmem_shared>> -> memref<256x8xf32, #tpu.memory_space<vmem_shared>>
      %dma_start3A_888 = arith.constant 0 : i32
      %dma_start3A_889 = tpu.memref_slice %arg6[%multiple_of3A_64, %dma_start3A_888] : memref<131072x8xf32, #tpu.memory_space<vmem_shared>> -> memref<256x8xf32, #tpu.memory_space<vmem_shared>>
      tpu.enqueue_dma source(%arg13 : memref<256x8xf32, #tpu.memory_space<vmem>>) target(%dma_start3A_889 : memref<256x8xf32, #tpu.memory_space<vmem_shared>>) target_semaphore(%run_scoped3A : memref<!tpu.dma_semaphore, #tpu.memory_space<semaphore_mem>>)
      %dma_wait3A = arith.constant 0 : i32
      %dma_wait3A_890 = tpu.memref_slice %arg6[%multiple_of3A_64, %dma_wait3A] : memref<131072x8xf32, #tpu.memory_space<vmem_shared>> -> memref<256x8xf32, #tpu.memory_space<vmem_shared>>
      %dma_wait3A_891 = arith.constant 0 : i32
      %dma_wait3A_892 = tpu.memref_slice %arg6[%multiple_of3A_64, %dma_wait3A_891] : memref<131072x8xf32, #tpu.memory_space<vmem_shared>> -> memref<256x8xf32, #tpu.memory_space<vmem_shared>>
      tpu.wait_dma2 semaphore(%run_scoped3A : memref<!tpu.dma_semaphore, #tpu.memory_space<semaphore_mem>>) src(%arg13 : memref<256x8xf32, #tpu.memory_space<vmem>>) dst(%dma_wait3A_892 : memref<256x8xf32, #tpu.memory_space<vmem_shared>>)
      tpu.yield
    }) : () -> ()
    %jit3A_65 = arith.constant 2 : i32
    %div3A_66 = arith.divsi %mul3A_14, %jit3A_65 : i32
    %sign3A_67 = arith.constant 0 : i32
    %sign3A_68 = arith.cmpi sgt, %mul3A_14, %sign3A_67 : i32
    %sign3A_69 = arith.extui %sign3A_68 : i1 to i32
    %sign3A_70 = arith.constant 0 : i32
    %sign3A_71 = arith.cmpi slt, %mul3A_14, %sign3A_70 : i32
    %sign3A_72 = arith.extui %sign3A_71 : i1 to i32
    %sign3A_73 = arith.subi %sign3A_69, %sign3A_72 : i32
    %sign3A_74 = arith.constant 0 : i32
    %sign3A_75 = arith.cmpi sgt, %jit3A_65, %sign3A_74 : i32
    %sign3A_76 = arith.extui %sign3A_75 : i1 to i32
    %sign3A_77 = arith.constant 0 : i32
    %sign3A_78 = arith.cmpi slt, %jit3A_65, %sign3A_77 : i32
    %sign3A_79 = arith.extui %sign3A_78 : i1 to i32
    %sign3A_80 = arith.subi %sign3A_76, %sign3A_79 : i32
    %ne3A_81 = arith.cmpi ne, %sign3A_73, %sign3A_80 : i32
    %rem3A_82 = arith.remsi %mul3A_14, %jit3A_65 : i32
    %ne3A_83 = arith.constant 0 : i32
    %ne3A_84 = arith.cmpi ne, %rem3A_82, %ne3A_83 : i32
    %and3A_85 = arith.andi %ne3A_81, %ne3A_84 : i1
    %sub3A_86 = arith.constant 1 : i32
    %sub3A_87 = arith.subi %div3A_66, %sub3A_86 : i32
    %select_n3A_88 = arith.select %and3A_85, %sub3A_87, %div3A_66 : i32
    %add3A_89 = arith.constant 512 : i32
    %add3A_90 = arith.addi %select_n3A_88, %add3A_89 : i32
    %multiple_of3A_91 = tpu.assume_multiple %add3A_90, 256 : i32
    "tpu.region"() ({
      %run_scoped3A = tpu.sem_alloc : memref<!tpu.dma_semaphore, #tpu.memory_space<semaphore_mem>>
      %dma_start3A = arith.constant 0 : i32
      %dma_start3A_887 = tpu.memref_slice %arg6[%multiple_of3A_91, %dma_start3A] : memref<131072x8xf32, #tpu.memory_space<vmem_shared>> -> memref<256x8xf32, #tpu.memory_space<vmem_shared>>
      %dma_start3A_888 = arith.constant 0 : i32
      %dma_start3A_889 = tpu.memref_slice %arg6[%multiple_of3A_91, %dma_start3A_888] : memref<131072x8xf32, #tpu.memory_space<vmem_shared>> -> memref<256x8xf32, #tpu.memory_space<vmem_shared>>
      tpu.enqueue_dma source(%arg13 : memref<256x8xf32, #tpu.memory_space<vmem>>) target(%dma_start3A_889 : memref<256x8xf32, #tpu.memory_space<vmem_shared>>) target_semaphore(%run_scoped3A : memref<!tpu.dma_semaphore, #tpu.memory_space<semaphore_mem>>)
      %dma_wait3A = arith.constant 0 : i32
      %dma_wait3A_890 = tpu.memref_slice %arg6[%multiple_of3A_91, %dma_wait3A] : memref<131072x8xf32, #tpu.memory_space<vmem_shared>> -> memref<256x8xf32, #tpu.memory_space<vmem_shared>>
      %dma_wait3A_891 = arith.constant 0 : i32
      %dma_wait3A_892 = tpu.memref_slice %arg6[%multiple_of3A_91, %dma_wait3A_891] : memref<131072x8xf32, #tpu.memory_space<vmem_shared>> -> memref<256x8xf32, #tpu.memory_space<vmem_shared>>
      tpu.wait_dma2 semaphore(%run_scoped3A : memref<!tpu.dma_semaphore, #tpu.memory_space<semaphore_mem>>) src(%arg13 : memref<256x8xf32, #tpu.memory_space<vmem>>) dst(%dma_wait3A_892 : memref<256x8xf32, #tpu.memory_space<vmem_shared>>)
      tpu.yield
    }) : () -> ()
    %jit3A_92 = arith.constant 2 : i32
    %div3A_93 = arith.divsi %mul3A_14, %jit3A_92 : i32
    %sign3A_94 = arith.constant 0 : i32
    %sign3A_95 = arith.cmpi sgt, %mul3A_14, %sign3A_94 : i32
    %sign3A_96 = arith.extui %sign3A_95 : i1 to i32
    %sign3A_97 = arith.constant 0 : i32
    %sign3A_98 = arith.cmpi slt, %mul3A_14, %sign3A_97 : i32
    %sign3A_99 = arith.extui %sign3A_98 : i1 to i32
    %sign3A_100 = arith.subi %sign3A_96, %sign3A_99 : i32
    %sign3A_101 = arith.constant 0 : i32
    %sign3A_102 = arith.cmpi sgt, %jit3A_92, %sign3A_101 : i32
    %sign3A_103 = arith.extui %sign3A_102 : i1 to i32
    %sign3A_104 = arith.constant 0 : i32
    %sign3A_105 = arith.cmpi slt, %jit3A_92, %sign3A_104 : i32
    %sign3A_106 = arith.extui %sign3A_105 : i1 to i32
    %sign3A_107 = arith.subi %sign3A_103, %sign3A_106 : i32
    %ne3A_108 = arith.cmpi ne, %sign3A_100, %sign3A_107 : i32
    %rem3A_109 = arith.remsi %mul3A_14, %jit3A_92 : i32
    %ne3A_110 = arith.constant 0 : i32
    %ne3A_111 = arith.cmpi ne, %rem3A_109, %ne3A_110 : i32
    %and3A_112 = arith.andi %ne3A_108, %ne3A_111 : i1
    %sub3A_113 = arith.constant 1 : i32
    %sub3A_114 = arith.subi %div3A_93, %sub3A_113 : i32
    %select_n3A_115 = arith.select %and3A_112, %sub3A_114, %div3A_93 : i32
    %add3A_116 = arith.constant 768 : i32
    %add3A_117 = arith.addi %select_n3A_115, %add3A_116 : i32
    %multiple_of3A_118 = tpu.assume_multiple %add3A_117, 256 : i32
    "tpu.region"() ({
      %run_scoped3A = tpu.sem_alloc : memref<!tpu.dma_semaphore, #tpu.memory_space<semaphore_mem>>
      %dma_start3A = arith.constant 0 : i32
      %dma_start3A_887 = tpu.memref_slice %arg6[%multiple_of3A_118, %dma_start3A] : memref<131072x8xf32, #tpu.memory_space<vmem_shared>> -> memref<256x8xf32, #tpu.memory_space<vmem_shared>>
      %dma_start3A_888 = arith.constant 0 : i32
      %dma_start3A_889 = tpu.memref_slice %arg6[%multiple_of3A_118, %dma_start3A_888] : memref<131072x8xf32, #tpu.memory_space<vmem_shared>> -> memref<256x8xf32, #tpu.memory_space<vmem_shared>>
      tpu.enqueue_dma source(%arg13 : memref<256x8xf32, #tpu.memory_space<vmem>>) target(%dma_start3A_889 : memref<256x8xf32, #tpu.memory_space<vmem_shared>>) target_semaphore(%run_scoped3A : memref<!tpu.dma_semaphore, #tpu.memory_space<semaphore_mem>>)
      %dma_wait3A = arith.constant 0 : i32
      %dma_wait3A_890 = tpu.memref_slice %arg6[%multiple_of3A_118, %dma_wait3A] : memref<131072x8xf32, #tpu.memory_space<vmem_shared>> -> memref<256x8xf32, #tpu.memory_space<vmem_shared>>
      %dma_wait3A_891 = arith.constant 0 : i32
      %dma_wait3A_892 = tpu.memref_slice %arg6[%multiple_of3A_118, %dma_wait3A_891] : memref<131072x8xf32, #tpu.memory_space<vmem_shared>> -> memref<256x8xf32, #tpu.memory_space<vmem_shared>>
      tpu.wait_dma2 semaphore(%run_scoped3A : memref<!tpu.dma_semaphore, #tpu.memory_space<semaphore_mem>>) src(%arg13 : memref<256x8xf32, #tpu.memory_space<vmem>>) dst(%dma_wait3A_892 : memref<256x8xf32, #tpu.memory_space<vmem_shared>>)
      tpu.yield
    }) : () -> ()
    %jit3A_119 = arith.constant 2 : i32
    %div3A_120 = arith.divsi %mul3A_14, %jit3A_119 : i32
    %sign3A_121 = arith.constant 0 : i32
    %sign3A_122 = arith.cmpi sgt, %mul3A_14, %sign3A_121 : i32
    %sign3A_123 = arith.extui %sign3A_122 : i1 to i32
    %sign3A_124 = arith.constant 0 : i32
    %sign3A_125 = arith.cmpi slt, %mul3A_14, %sign3A_124 : i32
    %sign3A_126 = arith.extui %sign3A_125 : i1 to i32
    %sign3A_127 = arith.subi %sign3A_123, %sign3A_126 : i32
    %sign3A_128 = arith.constant 0 : i32
    %sign3A_129 = arith.cmpi sgt, %jit3A_119, %sign3A_128 : i32
    %sign3A_130 = arith.extui %sign3A_129 : i1 to i32
    %sign3A_131 = arith.constant 0 : i32
    %sign3A_132 = arith.cmpi slt, %jit3A_119, %sign3A_131 : i32
    %sign3A_133 = arith.extui %sign3A_132 : i1 to i32
    %sign3A_134 = arith.subi %sign3A_130, %sign3A_133 : i32
    %ne3A_135 = arith.cmpi ne, %sign3A_127, %sign3A_134 : i32
    %rem3A_136 = arith.remsi %mul3A_14, %jit3A_119 : i32
    %ne3A_137 = arith.constant 0 : i32
    %ne3A_138 = arith.cmpi ne, %rem3A_136, %ne3A_137 : i32
    %and3A_139 = arith.andi %ne3A_135, %ne3A_138 : i1
    %sub3A_140 = arith.constant 1 : i32
    %sub3A_141 = arith.subi %div3A_120, %sub3A_140 : i32
    %select_n3A_142 = arith.select %and3A_139, %sub3A_141, %div3A_120 : i32
    %add3A_143 = arith.constant 1024 : i32
    %add3A_144 = arith.addi %select_n3A_142, %add3A_143 : i32
    %multiple_of3A_145 = tpu.assume_multiple %add3A_144, 256 : i32
    "tpu.region"() ({
      %run_scoped3A = tpu.sem_alloc : memref<!tpu.dma_semaphore, #tpu.memory_space<semaphore_mem>>
      %dma_start3A = arith.constant 0 : i32
      %dma_start3A_887 = tpu.memref_slice %arg6[%multiple_of3A_145, %dma_start3A] : memref<131072x8xf32, #tpu.memory_space<vmem_shared>> -> memref<256x8xf32, #tpu.memory_space<vmem_shared>>
      %dma_start3A_888 = arith.constant 0 : i32
      %dma_start3A_889 = tpu.memref_slice %arg6[%multiple_of3A_145, %dma_start3A_888] : memref<131072x8xf32, #tpu.memory_space<vmem_shared>> -> memref<256x8xf32, #tpu.memory_space<vmem_shared>>
      tpu.enqueue_dma source(%arg13 : memref<256x8xf32, #tpu.memory_space<vmem>>) target(%dma_start3A_889 : memref<256x8xf32, #tpu.memory_space<vmem_shared>>) target_semaphore(%run_scoped3A : memref<!tpu.dma_semaphore, #tpu.memory_space<semaphore_mem>>)
      %dma_wait3A = arith.constant 0 : i32
      %dma_wait3A_890 = tpu.memref_slice %arg6[%multiple_of3A_145, %dma_wait3A] : memref<131072x8xf32, #tpu.memory_space<vmem_shared>> -> memref<256x8xf32, #tpu.memory_space<vmem_shared>>
      %dma_wait3A_891 = arith.constant 0 : i32
      %dma_wait3A_892 = tpu.memref_slice %arg6[%multiple_of3A_145, %dma_wait3A_891] : memref<131072x8xf32, #tpu.memory_space<vmem_shared>> -> memref<256x8xf32, #tpu.memory_space<vmem_shared>>
      tpu.wait_dma2 semaphore(%run_scoped3A : memref<!tpu.dma_semaphore, #tpu.memory_space<semaphore_mem>>) src(%arg13 : memref<256x8xf32, #tpu.memory_space<vmem>>) dst(%dma_wait3A_892 : memref<256x8xf32, #tpu.memory_space<vmem_shared>>)
      tpu.yield
    }) : () -> ()
    %jit3A_146 = arith.constant 2 : i32
    %div3A_147 = arith.divsi %mul3A_14, %jit3A_146 : i32
    %sign3A_148 = arith.constant 0 : i32
    %sign3A_149 = arith.cmpi sgt, %mul3A_14, %sign3A_148 : i32
    %sign3A_150 = arith.extui %sign3A_149 : i1 to i32
    %sign3A_151 = arith.constant 0 : i32
    %sign3A_152 = arith.cmpi slt, %mul3A_14, %sign3A_151 : i32
    %sign3A_153 = arith.extui %sign3A_152 : i1 to i32
    %sign3A_154 = arith.subi %sign3A_150, %sign3A_153 : i32
    %sign3A_155 = arith.constant 0 : i32
    %sign3A_156 = arith.cmpi sgt, %jit3A_146, %sign3A_155 : i32
    %sign3A_157 = arith.extui %sign3A_156 : i1 to i32
    %sign3A_158 = arith.constant 0 : i32
    %sign3A_159 = arith.cmpi slt, %jit3A_146, %sign3A_158 : i32
    %sign3A_160 = arith.extui %sign3A_159 : i1 to i32
    %sign3A_161 = arith.subi %sign3A_157, %sign3A_160 : i32
    %ne3A_162 = arith.cmpi ne, %sign3A_154, %sign3A_161 : i32
    %rem3A_163 = arith.remsi %mul3A_14, %jit3A_146 : i32
    %ne3A_164 = arith.constant 0 : i32
    %ne3A_165 = arith.cmpi ne, %rem3A_163, %ne3A_164 : i32
    %and3A_166 = arith.andi %ne3A_162, %ne3A_165 : i1
    %sub3A_167 = arith.constant 1 : i32
    %sub3A_168 = arith.subi %div3A_147, %sub3A_167 : i32
    %select_n3A_169 = arith.select %and3A_166, %sub3A_168, %div3A_147 : i32
    %add3A_170 = arith.constant 1280 : i32
    %add3A_171 = arith.addi %select_n3A_169, %add3A_170 : i32
    %multiple_of3A_172 = tpu.assume_multiple %add3A_171, 256 : i32
    "tpu.region"() ({
      %run_scoped3A = tpu.sem_alloc : memref<!tpu.dma_semaphore, #tpu.memory_space<semaphore_mem>>
      %dma_start3A = arith.constant 0 : i32
      %dma_start3A_887 = tpu.memref_slice %arg6[%multiple_of3A_172, %dma_start3A] : memref<131072x8xf32, #tpu.memory_space<vmem_shared>> -> memref<256x8xf32, #tpu.memory_space<vmem_shared>>
      %dma_start3A_888 = arith.constant 0 : i32
      %dma_start3A_889 = tpu.memref_slice %arg6[%multiple_of3A_172, %dma_start3A_888] : memref<131072x8xf32, #tpu.memory_space<vmem_shared>> -> memref<256x8xf32, #tpu.memory_space<vmem_shared>>
      tpu.enqueue_dma source(%arg13 : memref<256x8xf32, #tpu.memory_space<vmem>>) target(%dma_start3A_889 : memref<256x8xf32, #tpu.memory_space<vmem_shared>>) target_semaphore(%run_scoped3A : memref<!tpu.dma_semaphore, #tpu.memory_space<semaphore_mem>>)
      %dma_wait3A = arith.constant 0 : i32
      %dma_wait3A_890 = tpu.memref_slice %arg6[%multiple_of3A_172, %dma_wait3A] : memref<131072x8xf32, #tpu.memory_space<vmem_shared>> -> memref<256x8xf32, #tpu.memory_space<vmem_shared>>
      %dma_wait3A_891 = arith.constant 0 : i32
      %dma_wait3A_892 = tpu.memref_slice %arg6[%multiple_of3A_172, %dma_wait3A_891] : memref<131072x8xf32, #tpu.memory_space<vmem_shared>> -> memref<256x8xf32, #tpu.memory_space<vmem_shared>>
      tpu.wait_dma2 semaphore(%run_scoped3A : memref<!tpu.dma_semaphore, #tpu.memory_space<semaphore_mem>>) src(%arg13 : memref<256x8xf32, #tpu.memory_space<vmem>>) dst(%dma_wait3A_892 : memref<256x8xf32, #tpu.memory_space<vmem_shared>>)
      tpu.yield
    }) : () -> ()
    %jit3A_173 = arith.constant 2 : i32
    %div3A_174 = arith.divsi %mul3A_14, %jit3A_173 : i32
    %sign3A_175 = arith.constant 0 : i32
    %sign3A_176 = arith.cmpi sgt, %mul3A_14, %sign3A_175 : i32
    %sign3A_177 = arith.extui %sign3A_176 : i1 to i32
    %sign3A_178 = arith.constant 0 : i32
    %sign3A_179 = arith.cmpi slt, %mul3A_14, %sign3A_178 : i32
    %sign3A_180 = arith.extui %sign3A_179 : i1 to i32
    %sign3A_181 = arith.subi %sign3A_177, %sign3A_180 : i32
    %sign3A_182 = arith.constant 0 : i32
    %sign3A_183 = arith.cmpi sgt, %jit3A_173, %sign3A_182 : i32
    %sign3A_184 = arith.extui %sign3A_183 : i1 to i32
    %sign3A_185 = arith.constant 0 : i32
    %sign3A_186 = arith.cmpi slt, %jit3A_173, %sign3A_185 : i32
    %sign3A_187 = arith.extui %sign3A_186 : i1 to i32
    %sign3A_188 = arith.subi %sign3A_184, %sign3A_187 : i32
    %ne3A_189 = arith.cmpi ne, %sign3A_181, %sign3A_188 : i32
    %rem3A_190 = arith.remsi %mul3A_14, %jit3A_173 : i32
    %ne3A_191 = arith.constant 0 : i32
    %ne3A_192 = arith.cmpi ne, %rem3A_190, %ne3A_191 : i32
    %and3A_193 = arith.andi %ne3A_189, %ne3A_192 : i1
    %sub3A_194 = arith.constant 1 : i32
    %sub3A_195 = arith.subi %div3A_174, %sub3A_194 : i32
    %select_n3A_196 = arith.select %and3A_193, %sub3A_195, %div3A_174 : i32
    %add3A_197 = arith.constant 1536 : i32
    %add3A_198 = arith.addi %select_n3A_196, %add3A_197 : i32
    %multiple_of3A_199 = tpu.assume_multiple %add3A_198, 256 : i32
    "tpu.region"() ({
      %run_scoped3A = tpu.sem_alloc : memref<!tpu.dma_semaphore, #tpu.memory_space<semaphore_mem>>
      %dma_start3A = arith.constant 0 : i32
      %dma_start3A_887 = tpu.memref_slice %arg6[%multiple_of3A_199, %dma_start3A] : memref<131072x8xf32, #tpu.memory_space<vmem_shared>> -> memref<256x8xf32, #tpu.memory_space<vmem_shared>>
      %dma_start3A_888 = arith.constant 0 : i32
      %dma_start3A_889 = tpu.memref_slice %arg6[%multiple_of3A_199, %dma_start3A_888] : memref<131072x8xf32, #tpu.memory_space<vmem_shared>> -> memref<256x8xf32, #tpu.memory_space<vmem_shared>>
      tpu.enqueue_dma source(%arg13 : memref<256x8xf32, #tpu.memory_space<vmem>>) target(%dma_start3A_889 : memref<256x8xf32, #tpu.memory_space<vmem_shared>>) target_semaphore(%run_scoped3A : memref<!tpu.dma_semaphore, #tpu.memory_space<semaphore_mem>>)
      %dma_wait3A = arith.constant 0 : i32
      %dma_wait3A_890 = tpu.memref_slice %arg6[%multiple_of3A_199, %dma_wait3A] : memref<131072x8xf32, #tpu.memory_space<vmem_shared>> -> memref<256x8xf32, #tpu.memory_space<vmem_shared>>
      %dma_wait3A_891 = arith.constant 0 : i32
      %dma_wait3A_892 = tpu.memref_slice %arg6[%multiple_of3A_199, %dma_wait3A_891] : memref<131072x8xf32, #tpu.memory_space<vmem_shared>> -> memref<256x8xf32, #tpu.memory_space<vmem_shared>>
      tpu.wait_dma2 semaphore(%run_scoped3A : memref<!tpu.dma_semaphore, #tpu.memory_space<semaphore_mem>>) src(%arg13 : memref<256x8xf32, #tpu.memory_space<vmem>>) dst(%dma_wait3A_892 : memref<256x8xf32, #tpu.memory_space<vmem_shared>>)
      tpu.yield
    }) : () -> ()
    %jit3A_200 = arith.constant 2 : i32
    %div3A_201 = arith.divsi %mul3A_14, %jit3A_200 : i32
    %sign3A_202 = arith.constant 0 : i32
    %sign3A_203 = arith.cmpi sgt, %mul3A_14, %sign3A_202 : i32
    %sign3A_204 = arith.extui %sign3A_203 : i1 to i32
    %sign3A_205 = arith.constant 0 : i32
    %sign3A_206 = arith.cmpi slt, %mul3A_14, %sign3A_205 : i32
    %sign3A_207 = arith.extui %sign3A_206 : i1 to i32
    %sign3A_208 = arith.subi %sign3A_204, %sign3A_207 : i32
    %sign3A_209 = arith.constant 0 : i32
    %sign3A_210 = arith.cmpi sgt, %jit3A_200, %sign3A_209 : i32
    %sign3A_211 = arith.extui %sign3A_210 : i1 to i32
    %sign3A_212 = arith.constant 0 : i32
    %sign3A_213 = arith.cmpi slt, %jit3A_200, %sign3A_212 : i32
    %sign3A_214 = arith.extui %sign3A_213 : i1 to i32
    %sign3A_215 = arith.subi %sign3A_211, %sign3A_214 : i32
    %ne3A_216 = arith.cmpi ne, %sign3A_208, %sign3A_215 : i32
    %rem3A_217 = arith.remsi %mul3A_14, %jit3A_200 : i32
    %ne3A_218 = arith.constant 0 : i32
    %ne3A_219 = arith.cmpi ne, %rem3A_217, %ne3A_218 : i32
    %and3A_220 = arith.andi %ne3A_216, %ne3A_219 : i1
    %sub3A_221 = arith.constant 1 : i32
    %sub3A_222 = arith.subi %div3A_201, %sub3A_221 : i32
    %select_n3A_223 = arith.select %and3A_220, %sub3A_222, %div3A_201 : i32
    %add3A_224 = arith.constant 1792 : i32
    %add3A_225 = arith.addi %select_n3A_223, %add3A_224 : i32
    %multiple_of3A_226 = tpu.assume_multiple %add3A_225, 256 : i32
    "tpu.region"() ({
      %run_scoped3A = tpu.sem_alloc : memref<!tpu.dma_semaphore, #tpu.memory_space<semaphore_mem>>
      %dma_start3A = arith.constant 0 : i32
      %dma_start3A_887 = tpu.memref_slice %arg6[%multiple_of3A_226, %dma_start3A] : memref<131072x8xf32, #tpu.memory_space<vmem_shared>> -> memref<256x8xf32, #tpu.memory_space<vmem_shared>>
      %dma_start3A_888 = arith.constant 0 : i32
      %dma_start3A_889 = tpu.memref_slice %arg6[%multiple_of3A_226, %dma_start3A_888] : memref<131072x8xf32, #tpu.memory_space<vmem_shared>> -> memref<256x8xf32, #tpu.memory_space<vmem_shared>>
      tpu.enqueue_dma source(%arg13 : memref<256x8xf32, #tpu.memory_space<vmem>>) target(%dma_start3A_889 : memref<256x8xf32, #tpu.memory_space<vmem_shared>>) target_semaphore(%run_scoped3A : memref<!tpu.dma_semaphore, #tpu.memory_space<semaphore_mem>>)
      %dma_wait3A = arith.constant 0 : i32
      %dma_wait3A_890 = tpu.memref_slice %arg6[%multiple_of3A_226, %dma_wait3A] : memref<131072x8xf32, #tpu.memory_space<vmem_shared>> -> memref<256x8xf32, #tpu.memory_space<vmem_shared>>
      %dma_wait3A_891 = arith.constant 0 : i32
      %dma_wait3A_892 = tpu.memref_slice %arg6[%multiple_of3A_226, %dma_wait3A_891] : memref<131072x8xf32, #tpu.memory_space<vmem_shared>> -> memref<256x8xf32, #tpu.memory_space<vmem_shared>>
      tpu.wait_dma2 semaphore(%run_scoped3A : memref<!tpu.dma_semaphore, #tpu.memory_space<semaphore_mem>>) src(%arg13 : memref<256x8xf32, #tpu.memory_space<vmem>>) dst(%dma_wait3A_892 : memref<256x8xf32, #tpu.memory_space<vmem_shared>>)
      tpu.yield
    }) : () -> ()
    %jit3A_227 = arith.constant 2 : i32
    %div3A_228 = arith.divsi %mul3A_14, %jit3A_227 : i32
    %sign3A_229 = arith.constant 0 : i32
    %sign3A_230 = arith.cmpi sgt, %mul3A_14, %sign3A_229 : i32
    %sign3A_231 = arith.extui %sign3A_230 : i1 to i32
    %sign3A_232 = arith.constant 0 : i32
    %sign3A_233 = arith.cmpi slt, %mul3A_14, %sign3A_232 : i32
    %sign3A_234 = arith.extui %sign3A_233 : i1 to i32
    %sign3A_235 = arith.subi %sign3A_231, %sign3A_234 : i32
    %sign3A_236 = arith.constant 0 : i32
    %sign3A_237 = arith.cmpi sgt, %jit3A_227, %sign3A_236 : i32
    %sign3A_238 = arith.extui %sign3A_237 : i1 to i32
    %sign3A_239 = arith.constant 0 : i32
    %sign3A_240 = arith.cmpi slt, %jit3A_227, %sign3A_239 : i32
    %sign3A_241 = arith.extui %sign3A_240 : i1 to i32
    %sign3A_242 = arith.subi %sign3A_238, %sign3A_241 : i32
    %ne3A_243 = arith.cmpi ne, %sign3A_235, %sign3A_242 : i32
    %rem3A_244 = arith.remsi %mul3A_14, %jit3A_227 : i32
    %ne3A_245 = arith.constant 0 : i32
    %ne3A_246 = arith.cmpi ne, %rem3A_244, %ne3A_245 : i32
    %and3A_247 = arith.andi %ne3A_243, %ne3A_246 : i1
    %sub3A_248 = arith.constant 1 : i32
    %sub3A_249 = arith.subi %div3A_228, %sub3A_248 : i32
    %select_n3A_250 = arith.select %and3A_247, %sub3A_249, %div3A_228 : i32
    %add3A_251 = arith.constant 2048 : i32
    %add3A_252 = arith.addi %select_n3A_250, %add3A_251 : i32
    %multiple_of3A_253 = tpu.assume_multiple %add3A_252, 256 : i32
    "tpu.region"() ({
      %run_scoped3A = tpu.sem_alloc : memref<!tpu.dma_semaphore, #tpu.memory_space<semaphore_mem>>
      %dma_start3A = arith.constant 0 : i32
      %dma_start3A_887 = tpu.memref_slice %arg6[%multiple_of3A_253, %dma_start3A] : memref<131072x8xf32, #tpu.memory_space<vmem_shared>> -> memref<256x8xf32, #tpu.memory_space<vmem_shared>>
      %dma_start3A_888 = arith.constant 0 : i32
      %dma_start3A_889 = tpu.memref_slice %arg6[%multiple_of3A_253, %dma_start3A_888] : memref<131072x8xf32, #tpu.memory_space<vmem_shared>> -> memref<256x8xf32, #tpu.memory_space<vmem_shared>>
      tpu.enqueue_dma source(%arg13 : memref<256x8xf32, #tpu.memory_space<vmem>>) target(%dma_start3A_889 : memref<256x8xf32, #tpu.memory_space<vmem_shared>>) target_semaphore(%run_scoped3A : memref<!tpu.dma_semaphore, #tpu.memory_space<semaphore_mem>>)
      %dma_wait3A = arith.constant 0 : i32
      %dma_wait3A_890 = tpu.memref_slice %arg6[%multiple_of3A_253, %dma_wait3A] : memref<131072x8xf32, #tpu.memory_space<vmem_shared>> -> memref<256x8xf32, #tpu.memory_space<vmem_shared>>
      %dma_wait3A_891 = arith.constant 0 : i32
      %dma_wait3A_892 = tpu.memref_slice %arg6[%multiple_of3A_253, %dma_wait3A_891] : memref<131072x8xf32, #tpu.memory_space<vmem_shared>> -> memref<256x8xf32, #tpu.memory_space<vmem_shared>>
      tpu.wait_dma2 semaphore(%run_scoped3A : memref<!tpu.dma_semaphore, #tpu.memory_space<semaphore_mem>>) src(%arg13 : memref<256x8xf32, #tpu.memory_space<vmem>>) dst(%dma_wait3A_892 : memref<256x8xf32, #tpu.memory_space<vmem_shared>>)
      tpu.yield
    }) : () -> ()
    %jit3A_254 = arith.constant 2 : i32
    %div3A_255 = arith.divsi %mul3A_14, %jit3A_254 : i32
    %sign3A_256 = arith.constant 0 : i32
    %sign3A_257 = arith.cmpi sgt, %mul3A_14, %sign3A_256 : i32
    %sign3A_258 = arith.extui %sign3A_257 : i1 to i32
    %sign3A_259 = arith.constant 0 : i32
    %sign3A_260 = arith.cmpi slt, %mul3A_14, %sign3A_259 : i32
    %sign3A_261 = arith.extui %sign3A_260 : i1 to i32
    %sign3A_262 = arith.subi %sign3A_258, %sign3A_261 : i32
    %sign3A_263 = arith.constant 0 : i32
    %sign3A_264 = arith.cmpi sgt, %jit3A_254, %sign3A_263 : i32
    %sign3A_265 = arith.extui %sign3A_264 : i1 to i32
    %sign3A_266 = arith.constant 0 : i32
    %sign3A_267 = arith.cmpi slt, %jit3A_254, %sign3A_266 : i32
    %sign3A_268 = arith.extui %sign3A_267 : i1 to i32
    %sign3A_269 = arith.subi %sign3A_265, %sign3A_268 : i32
    %ne3A_270 = arith.cmpi ne, %sign3A_262, %sign3A_269 : i32
    %rem3A_271 = arith.remsi %mul3A_14, %jit3A_254 : i32
    %ne3A_272 = arith.constant 0 : i32
    %ne3A_273 = arith.cmpi ne, %rem3A_271, %ne3A_272 : i32
    %and3A_274 = arith.andi %ne3A_270, %ne3A_273 : i1
    %sub3A_275 = arith.constant 1 : i32
    %sub3A_276 = arith.subi %div3A_255, %sub3A_275 : i32
    %select_n3A_277 = arith.select %and3A_274, %sub3A_276, %div3A_255 : i32
    %add3A_278 = arith.constant 2304 : i32
    %add3A_279 = arith.addi %select_n3A_277, %add3A_278 : i32
    %multiple_of3A_280 = tpu.assume_multiple %add3A_279, 256 : i32
    "tpu.region"() ({
      %run_scoped3A = tpu.sem_alloc : memref<!tpu.dma_semaphore, #tpu.memory_space<semaphore_mem>>
      %dma_start3A = arith.constant 0 : i32
      %dma_start3A_887 = tpu.memref_slice %arg6[%multiple_of3A_280, %dma_start3A] : memref<131072x8xf32, #tpu.memory_space<vmem_shared>> -> memref<256x8xf32, #tpu.memory_space<vmem_shared>>
      %dma_start3A_888 = arith.constant 0 : i32
      %dma_start3A_889 = tpu.memref_slice %arg6[%multiple_of3A_280, %dma_start3A_888] : memref<131072x8xf32, #tpu.memory_space<vmem_shared>> -> memref<256x8xf32, #tpu.memory_space<vmem_shared>>
      tpu.enqueue_dma source(%arg13 : memref<256x8xf32, #tpu.memory_space<vmem>>) target(%dma_start3A_889 : memref<256x8xf32, #tpu.memory_space<vmem_shared>>) target_semaphore(%run_scoped3A : memref<!tpu.dma_semaphore, #tpu.memory_space<semaphore_mem>>)
      %dma_wait3A = arith.constant 0 : i32
      %dma_wait3A_890 = tpu.memref_slice %arg6[%multiple_of3A_280, %dma_wait3A] : memref<131072x8xf32, #tpu.memory_space<vmem_shared>> -> memref<256x8xf32, #tpu.memory_space<vmem_shared>>
      %dma_wait3A_891 = arith.constant 0 : i32
      %dma_wait3A_892 = tpu.memref_slice %arg6[%multiple_of3A_280, %dma_wait3A_891] : memref<131072x8xf32, #tpu.memory_space<vmem_shared>> -> memref<256x8xf32, #tpu.memory_space<vmem_shared>>
      tpu.wait_dma2 semaphore(%run_scoped3A : memref<!tpu.dma_semaphore, #tpu.memory_space<semaphore_mem>>) src(%arg13 : memref<256x8xf32, #tpu.memory_space<vmem>>) dst(%dma_wait3A_892 : memref<256x8xf32, #tpu.memory_space<vmem_shared>>)
      tpu.yield
    }) : () -> ()
    %jit3A_281 = arith.constant 2 : i32
    %div3A_282 = arith.divsi %mul3A_14, %jit3A_281 : i32
    %sign3A_283 = arith.constant 0 : i32
    %sign3A_284 = arith.cmpi sgt, %mul3A_14, %sign3A_283 : i32
    %sign3A_285 = arith.extui %sign3A_284 : i1 to i32
    %sign3A_286 = arith.constant 0 : i32
    %sign3A_287 = arith.cmpi slt, %mul3A_14, %sign3A_286 : i32
    %sign3A_288 = arith.extui %sign3A_287 : i1 to i32
    %sign3A_289 = arith.subi %sign3A_285, %sign3A_288 : i32
    %sign3A_290 = arith.constant 0 : i32
    %sign3A_291 = arith.cmpi sgt, %jit3A_281, %sign3A_290 : i32
    %sign3A_292 = arith.extui %sign3A_291 : i1 to i32
    %sign3A_293 = arith.constant 0 : i32
    %sign3A_294 = arith.cmpi slt, %jit3A_281, %sign3A_293 : i32
    %sign3A_295 = arith.extui %sign3A_294 : i1 to i32
    %sign3A_296 = arith.subi %sign3A_292, %sign3A_295 : i32
    %ne3A_297 = arith.cmpi ne, %sign3A_289, %sign3A_296 : i32
    %rem3A_298 = arith.remsi %mul3A_14, %jit3A_281 : i32
    %ne3A_299 = arith.constant 0 : i32
    %ne3A_300 = arith.cmpi ne, %rem3A_298, %ne3A_299 : i32
    %and3A_301 = arith.andi %ne3A_297, %ne3A_300 : i1
    %sub3A_302 = arith.constant 1 : i32
    %sub3A_303 = arith.subi %div3A_282, %sub3A_302 : i32
    %select_n3A_304 = arith.select %and3A_301, %sub3A_303, %div3A_282 : i32
    %add3A_305 = arith.constant 2560 : i32
    %add3A_306 = arith.addi %select_n3A_304, %add3A_305 : i32
    %multiple_of3A_307 = tpu.assume_multiple %add3A_306, 256 : i32
    "tpu.region"() ({
      %run_scoped3A = tpu.sem_alloc : memref<!tpu.dma_semaphore, #tpu.memory_space<semaphore_mem>>
      %dma_start3A = arith.constant 0 : i32
      %dma_start3A_887 = tpu.memref_slice %arg6[%multiple_of3A_307, %dma_start3A] : memref<131072x8xf32, #tpu.memory_space<vmem_shared>> -> memref<256x8xf32, #tpu.memory_space<vmem_shared>>
      %dma_start3A_888 = arith.constant 0 : i32
      %dma_start3A_889 = tpu.memref_slice %arg6[%multiple_of3A_307, %dma_start3A_888] : memref<131072x8xf32, #tpu.memory_space<vmem_shared>> -> memref<256x8xf32, #tpu.memory_space<vmem_shared>>
      tpu.enqueue_dma source(%arg13 : memref<256x8xf32, #tpu.memory_space<vmem>>) target(%dma_start3A_889 : memref<256x8xf32, #tpu.memory_space<vmem_shared>>) target_semaphore(%run_scoped3A : memref<!tpu.dma_semaphore, #tpu.memory_space<semaphore_mem>>)
      %dma_wait3A = arith.constant 0 : i32
      %dma_wait3A_890 = tpu.memref_slice %arg6[%multiple_of3A_307, %dma_wait3A] : memref<131072x8xf32, #tpu.memory_space<vmem_shared>> -> memref<256x8xf32, #tpu.memory_space<vmem_shared>>
      %dma_wait3A_891 = arith.constant 0 : i32
      %dma_wait3A_892 = tpu.memref_slice %arg6[%multiple_of3A_307, %dma_wait3A_891] : memref<131072x8xf32, #tpu.memory_space<vmem_shared>> -> memref<256x8xf32, #tpu.memory_space<vmem_shared>>
      tpu.wait_dma2 semaphore(%run_scoped3A : memref<!tpu.dma_semaphore, #tpu.memory_space<semaphore_mem>>) src(%arg13 : memref<256x8xf32, #tpu.memory_space<vmem>>) dst(%dma_wait3A_892 : memref<256x8xf32, #tpu.memory_space<vmem_shared>>)
      tpu.yield
    }) : () -> ()
    %jit3A_308 = arith.constant 2 : i32
    %div3A_309 = arith.divsi %mul3A_14, %jit3A_308 : i32
    %sign3A_310 = arith.constant 0 : i32
    %sign3A_311 = arith.cmpi sgt, %mul3A_14, %sign3A_310 : i32
    %sign3A_312 = arith.extui %sign3A_311 : i1 to i32
    %sign3A_313 = arith.constant 0 : i32
    %sign3A_314 = arith.cmpi slt, %mul3A_14, %sign3A_313 : i32
    %sign3A_315 = arith.extui %sign3A_314 : i1 to i32
    %sign3A_316 = arith.subi %sign3A_312, %sign3A_315 : i32
    %sign3A_317 = arith.constant 0 : i32
    %sign3A_318 = arith.cmpi sgt, %jit3A_308, %sign3A_317 : i32
    %sign3A_319 = arith.extui %sign3A_318 : i1 to i32
    %sign3A_320 = arith.constant 0 : i32
    %sign3A_321 = arith.cmpi slt, %jit3A_308, %sign3A_320 : i32
    %sign3A_322 = arith.extui %sign3A_321 : i1 to i32
    %sign3A_323 = arith.subi %sign3A_319, %sign3A_322 : i32
    %ne3A_324 = arith.cmpi ne, %sign3A_316, %sign3A_323 : i32
    %rem3A_325 = arith.remsi %mul3A_14, %jit3A_308 : i32
    %ne3A_326 = arith.constant 0 : i32
    %ne3A_327 = arith.cmpi ne, %rem3A_325, %ne3A_326 : i32
    %and3A_328 = arith.andi %ne3A_324, %ne3A_327 : i1
    %sub3A_329 = arith.constant 1 : i32
    %sub3A_330 = arith.subi %div3A_309, %sub3A_329 : i32
    %select_n3A_331 = arith.select %and3A_328, %sub3A_330, %div3A_309 : i32
    %add3A_332 = arith.constant 2816 : i32
    %add3A_333 = arith.addi %select_n3A_331, %add3A_332 : i32
    %multiple_of3A_334 = tpu.assume_multiple %add3A_333, 256 : i32
    "tpu.region"() ({
      %run_scoped3A = tpu.sem_alloc : memref<!tpu.dma_semaphore, #tpu.memory_space<semaphore_mem>>
      %dma_start3A = arith.constant 0 : i32
      %dma_start3A_887 = tpu.memref_slice %arg6[%multiple_of3A_334, %dma_start3A] : memref<131072x8xf32, #tpu.memory_space<vmem_shared>> -> memref<256x8xf32, #tpu.memory_space<vmem_shared>>
      %dma_start3A_888 = arith.constant 0 : i32
      %dma_start3A_889 = tpu.memref_slice %arg6[%multiple_of3A_334, %dma_start3A_888] : memref<131072x8xf32, #tpu.memory_space<vmem_shared>> -> memref<256x8xf32, #tpu.memory_space<vmem_shared>>
      tpu.enqueue_dma source(%arg13 : memref<256x8xf32, #tpu.memory_space<vmem>>) target(%dma_start3A_889 : memref<256x8xf32, #tpu.memory_space<vmem_shared>>) target_semaphore(%run_scoped3A : memref<!tpu.dma_semaphore, #tpu.memory_space<semaphore_mem>>)
      %dma_wait3A = arith.constant 0 : i32
      %dma_wait3A_890 = tpu.memref_slice %arg6[%multiple_of3A_334, %dma_wait3A] : memref<131072x8xf32, #tpu.memory_space<vmem_shared>> -> memref<256x8xf32, #tpu.memory_space<vmem_shared>>
      %dma_wait3A_891 = arith.constant 0 : i32
      %dma_wait3A_892 = tpu.memref_slice %arg6[%multiple_of3A_334, %dma_wait3A_891] : memref<131072x8xf32, #tpu.memory_space<vmem_shared>> -> memref<256x8xf32, #tpu.memory_space<vmem_shared>>
      tpu.wait_dma2 semaphore(%run_scoped3A : memref<!tpu.dma_semaphore, #tpu.memory_space<semaphore_mem>>) src(%arg13 : memref<256x8xf32, #tpu.memory_space<vmem>>) dst(%dma_wait3A_892 : memref<256x8xf32, #tpu.memory_space<vmem_shared>>)
      tpu.yield
    }) : () -> ()
    %jit3A_335 = arith.constant 2 : i32
    %div3A_336 = arith.divsi %mul3A_14, %jit3A_335 : i32
    %sign3A_337 = arith.constant 0 : i32
    %sign3A_338 = arith.cmpi sgt, %mul3A_14, %sign3A_337 : i32
    %sign3A_339 = arith.extui %sign3A_338 : i1 to i32
    %sign3A_340 = arith.constant 0 : i32
    %sign3A_341 = arith.cmpi slt, %mul3A_14, %sign3A_340 : i32
    %sign3A_342 = arith.extui %sign3A_341 : i1 to i32
    %sign3A_343 = arith.subi %sign3A_339, %sign3A_342 : i32
    %sign3A_344 = arith.constant 0 : i32
    %sign3A_345 = arith.cmpi sgt, %jit3A_335, %sign3A_344 : i32
    %sign3A_346 = arith.extui %sign3A_345 : i1 to i32
    %sign3A_347 = arith.constant 0 : i32
    %sign3A_348 = arith.cmpi slt, %jit3A_335, %sign3A_347 : i32
    %sign3A_349 = arith.extui %sign3A_348 : i1 to i32
    %sign3A_350 = arith.subi %sign3A_346, %sign3A_349 : i32
    %ne3A_351 = arith.cmpi ne, %sign3A_343, %sign3A_350 : i32
    %rem3A_352 = arith.remsi %mul3A_14, %jit3A_335 : i32
    %ne3A_353 = arith.constant 0 : i32
    %ne3A_354 = arith.cmpi ne, %rem3A_352, %ne3A_353 : i32
    %and3A_355 = arith.andi %ne3A_351, %ne3A_354 : i1
    %sub3A_356 = arith.constant 1 : i32
    %sub3A_357 = arith.subi %div3A_336, %sub3A_356 : i32
    %select_n3A_358 = arith.select %and3A_355, %sub3A_357, %div3A_336 : i32
    %add3A_359 = arith.constant 3072 : i32
    %add3A_360 = arith.addi %select_n3A_358, %add3A_359 : i32
    %multiple_of3A_361 = tpu.assume_multiple %add3A_360, 256 : i32
    "tpu.region"() ({
      %run_scoped3A = tpu.sem_alloc : memref<!tpu.dma_semaphore, #tpu.memory_space<semaphore_mem>>
      %dma_start3A = arith.constant 0 : i32
      %dma_start3A_887 = tpu.memref_slice %arg6[%multiple_of3A_361, %dma_start3A] : memref<131072x8xf32, #tpu.memory_space<vmem_shared>> -> memref<256x8xf32, #tpu.memory_space<vmem_shared>>
      %dma_start3A_888 = arith.constant 0 : i32
      %dma_start3A_889 = tpu.memref_slice %arg6[%multiple_of3A_361, %dma_start3A_888] : memref<131072x8xf32, #tpu.memory_space<vmem_shared>> -> memref<256x8xf32, #tpu.memory_space<vmem_shared>>
      tpu.enqueue_dma source(%arg13 : memref<256x8xf32, #tpu.memory_space<vmem>>) target(%dma_start3A_889 : memref<256x8xf32, #tpu.memory_space<vmem_shared>>) target_semaphore(%run_scoped3A : memref<!tpu.dma_semaphore, #tpu.memory_space<semaphore_mem>>)
      %dma_wait3A = arith.constant 0 : i32
      %dma_wait3A_890 = tpu.memref_slice %arg6[%multiple_of3A_361, %dma_wait3A] : memref<131072x8xf32, #tpu.memory_space<vmem_shared>> -> memref<256x8xf32, #tpu.memory_space<vmem_shared>>
      %dma_wait3A_891 = arith.constant 0 : i32
      %dma_wait3A_892 = tpu.memref_slice %arg6[%multiple_of3A_361, %dma_wait3A_891] : memref<131072x8xf32, #tpu.memory_space<vmem_shared>> -> memref<256x8xf32, #tpu.memory_space<vmem_shared>>
      tpu.wait_dma2 semaphore(%run_scoped3A : memref<!tpu.dma_semaphore, #tpu.memory_space<semaphore_mem>>) src(%arg13 : memref<256x8xf32, #tpu.memory_space<vmem>>) dst(%dma_wait3A_892 : memref<256x8xf32, #tpu.memory_space<vmem_shared>>)
      tpu.yield
    }) : () -> ()
    %jit3A_362 = arith.constant 2 : i32
    %div3A_363 = arith.divsi %mul3A_14, %jit3A_362 : i32
    %sign3A_364 = arith.constant 0 : i32
    %sign3A_365 = arith.cmpi sgt, %mul3A_14, %sign3A_364 : i32
    %sign3A_366 = arith.extui %sign3A_365 : i1 to i32
    %sign3A_367 = arith.constant 0 : i32
    %sign3A_368 = arith.cmpi slt, %mul3A_14, %sign3A_367 : i32
    %sign3A_369 = arith.extui %sign3A_368 : i1 to i32
    %sign3A_370 = arith.subi %sign3A_366, %sign3A_369 : i32
    %sign3A_371 = arith.constant 0 : i32
    %sign3A_372 = arith.cmpi sgt, %jit3A_362, %sign3A_371 : i32
    %sign3A_373 = arith.extui %sign3A_372 : i1 to i32
    %sign3A_374 = arith.constant 0 : i32
    %sign3A_375 = arith.cmpi slt, %jit3A_362, %sign3A_374 : i32
    %sign3A_376 = arith.extui %sign3A_375 : i1 to i32
    %sign3A_377 = arith.subi %sign3A_373, %sign3A_376 : i32
    %ne3A_378 = arith.cmpi ne, %sign3A_370, %sign3A_377 : i32
    %rem3A_379 = arith.remsi %mul3A_14, %jit3A_362 : i32
    %ne3A_380 = arith.constant 0 : i32
    %ne3A_381 = arith.cmpi ne, %rem3A_379, %ne3A_380 : i32
    %and3A_382 = arith.andi %ne3A_378, %ne3A_381 : i1
    %sub3A_383 = arith.constant 1 : i32
    %sub3A_384 = arith.subi %div3A_363, %sub3A_383 : i32
    %select_n3A_385 = arith.select %and3A_382, %sub3A_384, %div3A_363 : i32
    %add3A_386 = arith.constant 3328 : i32
    %add3A_387 = arith.addi %select_n3A_385, %add3A_386 : i32
    %multiple_of3A_388 = tpu.assume_multiple %add3A_387, 256 : i32
    "tpu.region"() ({
      %run_scoped3A = tpu.sem_alloc : memref<!tpu.dma_semaphore, #tpu.memory_space<semaphore_mem>>
      %dma_start3A = arith.constant 0 : i32
      %dma_start3A_887 = tpu.memref_slice %arg6[%multiple_of3A_388, %dma_start3A] : memref<131072x8xf32, #tpu.memory_space<vmem_shared>> -> memref<256x8xf32, #tpu.memory_space<vmem_shared>>
      %dma_start3A_888 = arith.constant 0 : i32
      %dma_start3A_889 = tpu.memref_slice %arg6[%multiple_of3A_388, %dma_start3A_888] : memref<131072x8xf32, #tpu.memory_space<vmem_shared>> -> memref<256x8xf32, #tpu.memory_space<vmem_shared>>
      tpu.enqueue_dma source(%arg13 : memref<256x8xf32, #tpu.memory_space<vmem>>) target(%dma_start3A_889 : memref<256x8xf32, #tpu.memory_space<vmem_shared>>) target_semaphore(%run_scoped3A : memref<!tpu.dma_semaphore, #tpu.memory_space<semaphore_mem>>)
      %dma_wait3A = arith.constant 0 : i32
      %dma_wait3A_890 = tpu.memref_slice %arg6[%multiple_of3A_388, %dma_wait3A] : memref<131072x8xf32, #tpu.memory_space<vmem_shared>> -> memref<256x8xf32, #tpu.memory_space<vmem_shared>>
      %dma_wait3A_891 = arith.constant 0 : i32
      %dma_wait3A_892 = tpu.memref_slice %arg6[%multiple_of3A_388, %dma_wait3A_891] : memref<131072x8xf32, #tpu.memory_space<vmem_shared>> -> memref<256x8xf32, #tpu.memory_space<vmem_shared>>
      tpu.wait_dma2 semaphore(%run_scoped3A : memref<!tpu.dma_semaphore, #tpu.memory_space<semaphore_mem>>) src(%arg13 : memref<256x8xf32, #tpu.memory_space<vmem>>) dst(%dma_wait3A_892 : memref<256x8xf32, #tpu.memory_space<vmem_shared>>)
      tpu.yield
    }) : () -> ()
    %jit3A_389 = arith.constant 2 : i32
    %div3A_390 = arith.divsi %mul3A_14, %jit3A_389 : i32
    %sign3A_391 = arith.constant 0 : i32
    %sign3A_392 = arith.cmpi sgt, %mul3A_14, %sign3A_391 : i32
    %sign3A_393 = arith.extui %sign3A_392 : i1 to i32
    %sign3A_394 = arith.constant 0 : i32
    %sign3A_395 = arith.cmpi slt, %mul3A_14, %sign3A_394 : i32
    %sign3A_396 = arith.extui %sign3A_395 : i1 to i32
    %sign3A_397 = arith.subi %sign3A_393, %sign3A_396 : i32
    %sign3A_398 = arith.constant 0 : i32
    %sign3A_399 = arith.cmpi sgt, %jit3A_389, %sign3A_398 : i32
    %sign3A_400 = arith.extui %sign3A_399 : i1 to i32
    %sign3A_401 = arith.constant 0 : i32
    %sign3A_402 = arith.cmpi slt, %jit3A_389, %sign3A_401 : i32
    %sign3A_403 = arith.extui %sign3A_402 : i1 to i32
    %sign3A_404 = arith.subi %sign3A_400, %sign3A_403 : i32
    %ne3A_405 = arith.cmpi ne, %sign3A_397, %sign3A_404 : i32
    %rem3A_406 = arith.remsi %mul3A_14, %jit3A_389 : i32
    %ne3A_407 = arith.constant 0 : i32
    %ne3A_408 = arith.cmpi ne, %rem3A_406, %ne3A_407 : i32
    %and3A_409 = arith.andi %ne3A_405, %ne3A_408 : i1
    %sub3A_410 = arith.constant 1 : i32
    %sub3A_411 = arith.subi %div3A_390, %sub3A_410 : i32
    %select_n3A_412 = arith.select %and3A_409, %sub3A_411, %div3A_390 : i32
    %add3A_413 = arith.constant 3584 : i32
    %add3A_414 = arith.addi %select_n3A_412, %add3A_413 : i32
    %multiple_of3A_415 = tpu.assume_multiple %add3A_414, 256 : i32
    "tpu.region"() ({
      %run_scoped3A = tpu.sem_alloc : memref<!tpu.dma_semaphore, #tpu.memory_space<semaphore_mem>>
      %dma_start3A = arith.constant 0 : i32
      %dma_start3A_887 = tpu.memref_slice %arg6[%multiple_of3A_415, %dma_start3A] : memref<131072x8xf32, #tpu.memory_space<vmem_shared>> -> memref<256x8xf32, #tpu.memory_space<vmem_shared>>
      %dma_start3A_888 = arith.constant 0 : i32
      %dma_start3A_889 = tpu.memref_slice %arg6[%multiple_of3A_415, %dma_start3A_888] : memref<131072x8xf32, #tpu.memory_space<vmem_shared>> -> memref<256x8xf32, #tpu.memory_space<vmem_shared>>
      tpu.enqueue_dma source(%arg13 : memref<256x8xf32, #tpu.memory_space<vmem>>) target(%dma_start3A_889 : memref<256x8xf32, #tpu.memory_space<vmem_shared>>) target_semaphore(%run_scoped3A : memref<!tpu.dma_semaphore, #tpu.memory_space<semaphore_mem>>)
      %dma_wait3A = arith.constant 0 : i32
      %dma_wait3A_890 = tpu.memref_slice %arg6[%multiple_of3A_415, %dma_wait3A] : memref<131072x8xf32, #tpu.memory_space<vmem_shared>> -> memref<256x8xf32, #tpu.memory_space<vmem_shared>>
      %dma_wait3A_891 = arith.constant 0 : i32
      %dma_wait3A_892 = tpu.memref_slice %arg6[%multiple_of3A_415, %dma_wait3A_891] : memref<131072x8xf32, #tpu.memory_space<vmem_shared>> -> memref<256x8xf32, #tpu.memory_space<vmem_shared>>
      tpu.wait_dma2 semaphore(%run_scoped3A : memref<!tpu.dma_semaphore, #tpu.memory_space<semaphore_mem>>) src(%arg13 : memref<256x8xf32, #tpu.memory_space<vmem>>) dst(%dma_wait3A_892 : memref<256x8xf32, #tpu.memory_space<vmem_shared>>)
      tpu.yield
    }) : () -> ()
    %jit3A_416 = arith.constant 2 : i32
    %div3A_417 = arith.divsi %mul3A_14, %jit3A_416 : i32
    %sign3A_418 = arith.constant 0 : i32
    %sign3A_419 = arith.cmpi sgt, %mul3A_14, %sign3A_418 : i32
    %sign3A_420 = arith.extui %sign3A_419 : i1 to i32
    %sign3A_421 = arith.constant 0 : i32
    %sign3A_422 = arith.cmpi slt, %mul3A_14, %sign3A_421 : i32
    %sign3A_423 = arith.extui %sign3A_422 : i1 to i32
    %sign3A_424 = arith.subi %sign3A_420, %sign3A_423 : i32
    %sign3A_425 = arith.constant 0 : i32
    %sign3A_426 = arith.cmpi sgt, %jit3A_416, %sign3A_425 : i32
    %sign3A_427 = arith.extui %sign3A_426 : i1 to i32
    %sign3A_428 = arith.constant 0 : i32
    %sign3A_429 = arith.cmpi slt, %jit3A_416, %sign3A_428 : i32
    %sign3A_430 = arith.extui %sign3A_429 : i1 to i32
    %sign3A_431 = arith.subi %sign3A_427, %sign3A_430 : i32
    %ne3A_432 = arith.cmpi ne, %sign3A_424, %sign3A_431 : i32
    %rem3A_433 = arith.remsi %mul3A_14, %jit3A_416 : i32
    %ne3A_434 = arith.constant 0 : i32
    %ne3A_435 = arith.cmpi ne, %rem3A_433, %ne3A_434 : i32
    %and3A_436 = arith.andi %ne3A_432, %ne3A_435 : i1
    %sub3A_437 = arith.constant 1 : i32
    %sub3A_438 = arith.subi %div3A_417, %sub3A_437 : i32
    %select_n3A_439 = arith.select %and3A_436, %sub3A_438, %div3A_417 : i32
    %add3A_440 = arith.constant 3840 : i32
    %add3A_441 = arith.addi %select_n3A_439, %add3A_440 : i32
    %multiple_of3A_442 = tpu.assume_multiple %add3A_441, 256 : i32
    "tpu.region"() ({
      %run_scoped3A = tpu.sem_alloc : memref<!tpu.dma_semaphore, #tpu.memory_space<semaphore_mem>>
      %dma_start3A = arith.constant 0 : i32
      %dma_start3A_887 = tpu.memref_slice %arg6[%multiple_of3A_442, %dma_start3A] : memref<131072x8xf32, #tpu.memory_space<vmem_shared>> -> memref<256x8xf32, #tpu.memory_space<vmem_shared>>
      %dma_start3A_888 = arith.constant 0 : i32
      %dma_start3A_889 = tpu.memref_slice %arg6[%multiple_of3A_442, %dma_start3A_888] : memref<131072x8xf32, #tpu.memory_space<vmem_shared>> -> memref<256x8xf32, #tpu.memory_space<vmem_shared>>
      tpu.enqueue_dma source(%arg13 : memref<256x8xf32, #tpu.memory_space<vmem>>) target(%dma_start3A_889 : memref<256x8xf32, #tpu.memory_space<vmem_shared>>) target_semaphore(%run_scoped3A : memref<!tpu.dma_semaphore, #tpu.memory_space<semaphore_mem>>)
      %dma_wait3A = arith.constant 0 : i32
      %dma_wait3A_890 = tpu.memref_slice %arg6[%multiple_of3A_442, %dma_wait3A] : memref<131072x8xf32, #tpu.memory_space<vmem_shared>> -> memref<256x8xf32, #tpu.memory_space<vmem_shared>>
      %dma_wait3A_891 = arith.constant 0 : i32
      %dma_wait3A_892 = tpu.memref_slice %arg6[%multiple_of3A_442, %dma_wait3A_891] : memref<131072x8xf32, #tpu.memory_space<vmem_shared>> -> memref<256x8xf32, #tpu.memory_space<vmem_shared>>
      tpu.wait_dma2 semaphore(%run_scoped3A : memref<!tpu.dma_semaphore, #tpu.memory_space<semaphore_mem>>) src(%arg13 : memref<256x8xf32, #tpu.memory_space<vmem>>) dst(%dma_wait3A_892 : memref<256x8xf32, #tpu.memory_space<vmem_shared>>)
      tpu.yield
    }) : () -> ()
    %jit3A_443 = arith.constant 2 : i32
    %div3A_444 = arith.divsi %mul3A_14, %jit3A_443 : i32
    %sign3A_445 = arith.constant 0 : i32
    %sign3A_446 = arith.cmpi sgt, %mul3A_14, %sign3A_445 : i32
    %sign3A_447 = arith.extui %sign3A_446 : i1 to i32
    %sign3A_448 = arith.constant 0 : i32
    %sign3A_449 = arith.cmpi slt, %mul3A_14, %sign3A_448 : i32
    %sign3A_450 = arith.extui %sign3A_449 : i1 to i32
    %sign3A_451 = arith.subi %sign3A_447, %sign3A_450 : i32
    %sign3A_452 = arith.constant 0 : i32
    %sign3A_453 = arith.cmpi sgt, %jit3A_443, %sign3A_452 : i32
    %sign3A_454 = arith.extui %sign3A_453 : i1 to i32
    %sign3A_455 = arith.constant 0 : i32
    %sign3A_456 = arith.cmpi slt, %jit3A_443, %sign3A_455 : i32
    %sign3A_457 = arith.extui %sign3A_456 : i1 to i32
    %sign3A_458 = arith.subi %sign3A_454, %sign3A_457 : i32
    %ne3A_459 = arith.cmpi ne, %sign3A_451, %sign3A_458 : i32
    %rem3A_460 = arith.remsi %mul3A_14, %jit3A_443 : i32
    %ne3A_461 = arith.constant 0 : i32
    %ne3A_462 = arith.cmpi ne, %rem3A_460, %ne3A_461 : i32
    %and3A_463 = arith.andi %ne3A_459, %ne3A_462 : i1
    %sub3A_464 = arith.constant 1 : i32
    %sub3A_465 = arith.subi %div3A_444, %sub3A_464 : i32
    %select_n3A_466 = arith.select %and3A_463, %sub3A_465, %div3A_444 : i32
    %add3A_467 = arith.constant 4096 : i32
    %add3A_468 = arith.addi %select_n3A_466, %add3A_467 : i32
    %multiple_of3A_469 = tpu.assume_multiple %add3A_468, 256 : i32
    "tpu.region"() ({
      %run_scoped3A = tpu.sem_alloc : memref<!tpu.dma_semaphore, #tpu.memory_space<semaphore_mem>>
      %dma_start3A = arith.constant 0 : i32
      %dma_start3A_887 = tpu.memref_slice %arg6[%multiple_of3A_469, %dma_start3A] : memref<131072x8xf32, #tpu.memory_space<vmem_shared>> -> memref<256x8xf32, #tpu.memory_space<vmem_shared>>
      %dma_start3A_888 = arith.constant 0 : i32
      %dma_start3A_889 = tpu.memref_slice %arg6[%multiple_of3A_469, %dma_start3A_888] : memref<131072x8xf32, #tpu.memory_space<vmem_shared>> -> memref<256x8xf32, #tpu.memory_space<vmem_shared>>
      tpu.enqueue_dma source(%arg13 : memref<256x8xf32, #tpu.memory_space<vmem>>) target(%dma_start3A_889 : memref<256x8xf32, #tpu.memory_space<vmem_shared>>) target_semaphore(%run_scoped3A : memref<!tpu.dma_semaphore, #tpu.memory_space<semaphore_mem>>)
      %dma_wait3A = arith.constant 0 : i32
      %dma_wait3A_890 = tpu.memref_slice %arg6[%multiple_of3A_469, %dma_wait3A] : memref<131072x8xf32, #tpu.memory_space<vmem_shared>> -> memref<256x8xf32, #tpu.memory_space<vmem_shared>>
      %dma_wait3A_891 = arith.constant 0 : i32
      %dma_wait3A_892 = tpu.memref_slice %arg6[%multiple_of3A_469, %dma_wait3A_891] : memref<131072x8xf32, #tpu.memory_space<vmem_shared>> -> memref<256x8xf32, #tpu.memory_space<vmem_shared>>
      tpu.wait_dma2 semaphore(%run_scoped3A : memref<!tpu.dma_semaphore, #tpu.memory_space<semaphore_mem>>) src(%arg13 : memref<256x8xf32, #tpu.memory_space<vmem>>) dst(%dma_wait3A_892 : memref<256x8xf32, #tpu.memory_space<vmem_shared>>)
      tpu.yield
    }) : () -> ()
    %jit3A_470 = arith.constant 2 : i32
    %div3A_471 = arith.divsi %mul3A_14, %jit3A_470 : i32
    %sign3A_472 = arith.constant 0 : i32
    %sign3A_473 = arith.cmpi sgt, %mul3A_14, %sign3A_472 : i32
    %sign3A_474 = arith.extui %sign3A_473 : i1 to i32
    %sign3A_475 = arith.constant 0 : i32
    %sign3A_476 = arith.cmpi slt, %mul3A_14, %sign3A_475 : i32
    %sign3A_477 = arith.extui %sign3A_476 : i1 to i32
    %sign3A_478 = arith.subi %sign3A_474, %sign3A_477 : i32
    %sign3A_479 = arith.constant 0 : i32
    %sign3A_480 = arith.cmpi sgt, %jit3A_470, %sign3A_479 : i32
    %sign3A_481 = arith.extui %sign3A_480 : i1 to i32
    %sign3A_482 = arith.constant 0 : i32
    %sign3A_483 = arith.cmpi slt, %jit3A_470, %sign3A_482 : i32
    %sign3A_484 = arith.extui %sign3A_483 : i1 to i32
    %sign3A_485 = arith.subi %sign3A_481, %sign3A_484 : i32
    %ne3A_486 = arith.cmpi ne, %sign3A_478, %sign3A_485 : i32
    %rem3A_487 = arith.remsi %mul3A_14, %jit3A_470 : i32
    %ne3A_488 = arith.constant 0 : i32
    %ne3A_489 = arith.cmpi ne, %rem3A_487, %ne3A_488 : i32
    %and3A_490 = arith.andi %ne3A_486, %ne3A_489 : i1
    %sub3A_491 = arith.constant 1 : i32
    %sub3A_492 = arith.subi %div3A_471, %sub3A_491 : i32
    %select_n3A_493 = arith.select %and3A_490, %sub3A_492, %div3A_471 : i32
    %add3A_494 = arith.constant 4352 : i32
    %add3A_495 = arith.addi %select_n3A_493, %add3A_494 : i32
    %multiple_of3A_496 = tpu.assume_multiple %add3A_495, 256 : i32
    "tpu.region"() ({
      %run_scoped3A = tpu.sem_alloc : memref<!tpu.dma_semaphore, #tpu.memory_space<semaphore_mem>>
      %dma_start3A = arith.constant 0 : i32
      %dma_start3A_887 = tpu.memref_slice %arg6[%multiple_of3A_496, %dma_start3A] : memref<131072x8xf32, #tpu.memory_space<vmem_shared>> -> memref<256x8xf32, #tpu.memory_space<vmem_shared>>
      %dma_start3A_888 = arith.constant 0 : i32
      %dma_start3A_889 = tpu.memref_slice %arg6[%multiple_of3A_496, %dma_start3A_888] : memref<131072x8xf32, #tpu.memory_space<vmem_shared>> -> memref<256x8xf32, #tpu.memory_space<vmem_shared>>
      tpu.enqueue_dma source(%arg13 : memref<256x8xf32, #tpu.memory_space<vmem>>) target(%dma_start3A_889 : memref<256x8xf32, #tpu.memory_space<vmem_shared>>) target_semaphore(%run_scoped3A : memref<!tpu.dma_semaphore, #tpu.memory_space<semaphore_mem>>)
      %dma_wait3A = arith.constant 0 : i32
      %dma_wait3A_890 = tpu.memref_slice %arg6[%multiple_of3A_496, %dma_wait3A] : memref<131072x8xf32, #tpu.memory_space<vmem_shared>> -> memref<256x8xf32, #tpu.memory_space<vmem_shared>>
      %dma_wait3A_891 = arith.constant 0 : i32
      %dma_wait3A_892 = tpu.memref_slice %arg6[%multiple_of3A_496, %dma_wait3A_891] : memref<131072x8xf32, #tpu.memory_space<vmem_shared>> -> memref<256x8xf32, #tpu.memory_space<vmem_shared>>
      tpu.wait_dma2 semaphore(%run_scoped3A : memref<!tpu.dma_semaphore, #tpu.memory_space<semaphore_mem>>) src(%arg13 : memref<256x8xf32, #tpu.memory_space<vmem>>) dst(%dma_wait3A_892 : memref<256x8xf32, #tpu.memory_space<vmem_shared>>)
      tpu.yield
    }) : () -> ()
    %jit3A_497 = arith.constant 2 : i32
    %div3A_498 = arith.divsi %mul3A_14, %jit3A_497 : i32
    %sign3A_499 = arith.constant 0 : i32
    %sign3A_500 = arith.cmpi sgt, %mul3A_14, %sign3A_499 : i32
    %sign3A_501 = arith.extui %sign3A_500 : i1 to i32
    %sign3A_502 = arith.constant 0 : i32
    %sign3A_503 = arith.cmpi slt, %mul3A_14, %sign3A_502 : i32
    %sign3A_504 = arith.extui %sign3A_503 : i1 to i32
    %sign3A_505 = arith.subi %sign3A_501, %sign3A_504 : i32
    %sign3A_506 = arith.constant 0 : i32
    %sign3A_507 = arith.cmpi sgt, %jit3A_497, %sign3A_506 : i32
    %sign3A_508 = arith.extui %sign3A_507 : i1 to i32
    %sign3A_509 = arith.constant 0 : i32
    %sign3A_510 = arith.cmpi slt, %jit3A_497, %sign3A_509 : i32
    %sign3A_511 = arith.extui %sign3A_510 : i1 to i32
    %sign3A_512 = arith.subi %sign3A_508, %sign3A_511 : i32
    %ne3A_513 = arith.cmpi ne, %sign3A_505, %sign3A_512 : i32
    %rem3A_514 = arith.remsi %mul3A_14, %jit3A_497 : i32
    %ne3A_515 = arith.constant 0 : i32
    %ne3A_516 = arith.cmpi ne, %rem3A_514, %ne3A_515 : i32
    %and3A_517 = arith.andi %ne3A_513, %ne3A_516 : i1
    %sub3A_518 = arith.constant 1 : i32
    %sub3A_519 = arith.subi %div3A_498, %sub3A_518 : i32
    %select_n3A_520 = arith.select %and3A_517, %sub3A_519, %div3A_498 : i32
    %add3A_521 = arith.constant 4608 : i32
    %add3A_522 = arith.addi %select_n3A_520, %add3A_521 : i32
    %multiple_of3A_523 = tpu.assume_multiple %add3A_522, 256 : i32
    "tpu.region"() ({
      %run_scoped3A = tpu.sem_alloc : memref<!tpu.dma_semaphore, #tpu.memory_space<semaphore_mem>>
      %dma_start3A = arith.constant 0 : i32
      %dma_start3A_887 = tpu.memref_slice %arg6[%multiple_of3A_523, %dma_start3A] : memref<131072x8xf32, #tpu.memory_space<vmem_shared>> -> memref<256x8xf32, #tpu.memory_space<vmem_shared>>
      %dma_start3A_888 = arith.constant 0 : i32
      %dma_start3A_889 = tpu.memref_slice %arg6[%multiple_of3A_523, %dma_start3A_888] : memref<131072x8xf32, #tpu.memory_space<vmem_shared>> -> memref<256x8xf32, #tpu.memory_space<vmem_shared>>
      tpu.enqueue_dma source(%arg13 : memref<256x8xf32, #tpu.memory_space<vmem>>) target(%dma_start3A_889 : memref<256x8xf32, #tpu.memory_space<vmem_shared>>) target_semaphore(%run_scoped3A : memref<!tpu.dma_semaphore, #tpu.memory_space<semaphore_mem>>)
      %dma_wait3A = arith.constant 0 : i32
      %dma_wait3A_890 = tpu.memref_slice %arg6[%multiple_of3A_523, %dma_wait3A] : memref<131072x8xf32, #tpu.memory_space<vmem_shared>> -> memref<256x8xf32, #tpu.memory_space<vmem_shared>>
      %dma_wait3A_891 = arith.constant 0 : i32
      %dma_wait3A_892 = tpu.memref_slice %arg6[%multiple_of3A_523, %dma_wait3A_891] : memref<131072x8xf32, #tpu.memory_space<vmem_shared>> -> memref<256x8xf32, #tpu.memory_space<vmem_shared>>
      tpu.wait_dma2 semaphore(%run_scoped3A : memref<!tpu.dma_semaphore, #tpu.memory_space<semaphore_mem>>) src(%arg13 : memref<256x8xf32, #tpu.memory_space<vmem>>) dst(%dma_wait3A_892 : memref<256x8xf32, #tpu.memory_space<vmem_shared>>)
      tpu.yield
    }) : () -> ()
    %jit3A_524 = arith.constant 2 : i32
    %div3A_525 = arith.divsi %mul3A_14, %jit3A_524 : i32
    %sign3A_526 = arith.constant 0 : i32
    %sign3A_527 = arith.cmpi sgt, %mul3A_14, %sign3A_526 : i32
    %sign3A_528 = arith.extui %sign3A_527 : i1 to i32
    %sign3A_529 = arith.constant 0 : i32
    %sign3A_530 = arith.cmpi slt, %mul3A_14, %sign3A_529 : i32
    %sign3A_531 = arith.extui %sign3A_530 : i1 to i32
    %sign3A_532 = arith.subi %sign3A_528, %sign3A_531 : i32
    %sign3A_533 = arith.constant 0 : i32
    %sign3A_534 = arith.cmpi sgt, %jit3A_524, %sign3A_533 : i32
    %sign3A_535 = arith.extui %sign3A_534 : i1 to i32
    %sign3A_536 = arith.constant 0 : i32
    %sign3A_537 = arith.cmpi slt, %jit3A_524, %sign3A_536 : i32
    %sign3A_538 = arith.extui %sign3A_537 : i1 to i32
    %sign3A_539 = arith.subi %sign3A_535, %sign3A_538 : i32
    %ne3A_540 = arith.cmpi ne, %sign3A_532, %sign3A_539 : i32
    %rem3A_541 = arith.remsi %mul3A_14, %jit3A_524 : i32
    %ne3A_542 = arith.constant 0 : i32
    %ne3A_543 = arith.cmpi ne, %rem3A_541, %ne3A_542 : i32
    %and3A_544 = arith.andi %ne3A_540, %ne3A_543 : i1
    %sub3A_545 = arith.constant 1 : i32
    %sub3A_546 = arith.subi %div3A_525, %sub3A_545 : i32
    %select_n3A_547 = arith.select %and3A_544, %sub3A_546, %div3A_525 : i32
    %add3A_548 = arith.constant 4864 : i32
    %add3A_549 = arith.addi %select_n3A_547, %add3A_548 : i32
    %multiple_of3A_550 = tpu.assume_multiple %add3A_549, 256 : i32
    "tpu.region"() ({
      %run_scoped3A = tpu.sem_alloc : memref<!tpu.dma_semaphore, #tpu.memory_space<semaphore_mem>>
      %dma_start3A = arith.constant 0 : i32
      %dma_start3A_887 = tpu.memref_slice %arg6[%multiple_of3A_550, %dma_start3A] : memref<131072x8xf32, #tpu.memory_space<vmem_shared>> -> memref<256x8xf32, #tpu.memory_space<vmem_shared>>
      %dma_start3A_888 = arith.constant 0 : i32
      %dma_start3A_889 = tpu.memref_slice %arg6[%multiple_of3A_550, %dma_start3A_888] : memref<131072x8xf32, #tpu.memory_space<vmem_shared>> -> memref<256x8xf32, #tpu.memory_space<vmem_shared>>
      tpu.enqueue_dma source(%arg13 : memref<256x8xf32, #tpu.memory_space<vmem>>) target(%dma_start3A_889 : memref<256x8xf32, #tpu.memory_space<vmem_shared>>) target_semaphore(%run_scoped3A : memref<!tpu.dma_semaphore, #tpu.memory_space<semaphore_mem>>)
      %dma_wait3A = arith.constant 0 : i32
      %dma_wait3A_890 = tpu.memref_slice %arg6[%multiple_of3A_550, %dma_wait3A] : memref<131072x8xf32, #tpu.memory_space<vmem_shared>> -> memref<256x8xf32, #tpu.memory_space<vmem_shared>>
      %dma_wait3A_891 = arith.constant 0 : i32
      %dma_wait3A_892 = tpu.memref_slice %arg6[%multiple_of3A_550, %dma_wait3A_891] : memref<131072x8xf32, #tpu.memory_space<vmem_shared>> -> memref<256x8xf32, #tpu.memory_space<vmem_shared>>
      tpu.wait_dma2 semaphore(%run_scoped3A : memref<!tpu.dma_semaphore, #tpu.memory_space<semaphore_mem>>) src(%arg13 : memref<256x8xf32, #tpu.memory_space<vmem>>) dst(%dma_wait3A_892 : memref<256x8xf32, #tpu.memory_space<vmem_shared>>)
      tpu.yield
    }) : () -> ()
    %jit3A_551 = arith.constant 2 : i32
    %div3A_552 = arith.divsi %mul3A_14, %jit3A_551 : i32
    %sign3A_553 = arith.constant 0 : i32
    %sign3A_554 = arith.cmpi sgt, %mul3A_14, %sign3A_553 : i32
    %sign3A_555 = arith.extui %sign3A_554 : i1 to i32
    %sign3A_556 = arith.constant 0 : i32
    %sign3A_557 = arith.cmpi slt, %mul3A_14, %sign3A_556 : i32
    %sign3A_558 = arith.extui %sign3A_557 : i1 to i32
    %sign3A_559 = arith.subi %sign3A_555, %sign3A_558 : i32
    %sign3A_560 = arith.constant 0 : i32
    %sign3A_561 = arith.cmpi sgt, %jit3A_551, %sign3A_560 : i32
    %sign3A_562 = arith.extui %sign3A_561 : i1 to i32
    %sign3A_563 = arith.constant 0 : i32
    %sign3A_564 = arith.cmpi slt, %jit3A_551, %sign3A_563 : i32
    %sign3A_565 = arith.extui %sign3A_564 : i1 to i32
    %sign3A_566 = arith.subi %sign3A_562, %sign3A_565 : i32
    %ne3A_567 = arith.cmpi ne, %sign3A_559, %sign3A_566 : i32
    %rem3A_568 = arith.remsi %mul3A_14, %jit3A_551 : i32
    %ne3A_569 = arith.constant 0 : i32
    %ne3A_570 = arith.cmpi ne, %rem3A_568, %ne3A_569 : i32
    %and3A_571 = arith.andi %ne3A_567, %ne3A_570 : i1
    %sub3A_572 = arith.constant 1 : i32
    %sub3A_573 = arith.subi %div3A_552, %sub3A_572 : i32
    %select_n3A_574 = arith.select %and3A_571, %sub3A_573, %div3A_552 : i32
    %add3A_575 = arith.constant 5120 : i32
    %add3A_576 = arith.addi %select_n3A_574, %add3A_575 : i32
    %multiple_of3A_577 = tpu.assume_multiple %add3A_576, 256 : i32
    "tpu.region"() ({
      %run_scoped3A = tpu.sem_alloc : memref<!tpu.dma_semaphore, #tpu.memory_space<semaphore_mem>>
      %dma_start3A = arith.constant 0 : i32
      %dma_start3A_887 = tpu.memref_slice %arg6[%multiple_of3A_577, %dma_start3A] : memref<131072x8xf32, #tpu.memory_space<vmem_shared>> -> memref<256x8xf32, #tpu.memory_space<vmem_shared>>
      %dma_start3A_888 = arith.constant 0 : i32
      %dma_start3A_889 = tpu.memref_slice %arg6[%multiple_of3A_577, %dma_start3A_888] : memref<131072x8xf32, #tpu.memory_space<vmem_shared>> -> memref<256x8xf32, #tpu.memory_space<vmem_shared>>
      tpu.enqueue_dma source(%arg13 : memref<256x8xf32, #tpu.memory_space<vmem>>) target(%dma_start3A_889 : memref<256x8xf32, #tpu.memory_space<vmem_shared>>) target_semaphore(%run_scoped3A : memref<!tpu.dma_semaphore, #tpu.memory_space<semaphore_mem>>)
      %dma_wait3A = arith.constant 0 : i32
      %dma_wait3A_890 = tpu.memref_slice %arg6[%multiple_of3A_577, %dma_wait3A] : memref<131072x8xf32, #tpu.memory_space<vmem_shared>> -> memref<256x8xf32, #tpu.memory_space<vmem_shared>>
      %dma_wait3A_891 = arith.constant 0 : i32
      %dma_wait3A_892 = tpu.memref_slice %arg6[%multiple_of3A_577, %dma_wait3A_891] : memref<131072x8xf32, #tpu.memory_space<vmem_shared>> -> memref<256x8xf32, #tpu.memory_space<vmem_shared>>
      tpu.wait_dma2 semaphore(%run_scoped3A : memref<!tpu.dma_semaphore, #tpu.memory_space<semaphore_mem>>) src(%arg13 : memref<256x8xf32, #tpu.memory_space<vmem>>) dst(%dma_wait3A_892 : memref<256x8xf32, #tpu.memory_space<vmem_shared>>)
      tpu.yield
    }) : () -> ()
    %jit3A_578 = arith.constant 2 : i32
    %div3A_579 = arith.divsi %mul3A_14, %jit3A_578 : i32
    %sign3A_580 = arith.constant 0 : i32
    %sign3A_581 = arith.cmpi sgt, %mul3A_14, %sign3A_580 : i32
    %sign3A_582 = arith.extui %sign3A_581 : i1 to i32
    %sign3A_583 = arith.constant 0 : i32
    %sign3A_584 = arith.cmpi slt, %mul3A_14, %sign3A_583 : i32
    %sign3A_585 = arith.extui %sign3A_584 : i1 to i32
    %sign3A_586 = arith.subi %sign3A_582, %sign3A_585 : i32
    %sign3A_587 = arith.constant 0 : i32
    %sign3A_588 = arith.cmpi sgt, %jit3A_578, %sign3A_587 : i32
    %sign3A_589 = arith.extui %sign3A_588 : i1 to i32
    %sign3A_590 = arith.constant 0 : i32
    %sign3A_591 = arith.cmpi slt, %jit3A_578, %sign3A_590 : i32
    %sign3A_592 = arith.extui %sign3A_591 : i1 to i32
    %sign3A_593 = arith.subi %sign3A_589, %sign3A_592 : i32
    %ne3A_594 = arith.cmpi ne, %sign3A_586, %sign3A_593 : i32
    %rem3A_595 = arith.remsi %mul3A_14, %jit3A_578 : i32
    %ne3A_596 = arith.constant 0 : i32
    %ne3A_597 = arith.cmpi ne, %rem3A_595, %ne3A_596 : i32
    %and3A_598 = arith.andi %ne3A_594, %ne3A_597 : i1
    %sub3A_599 = arith.constant 1 : i32
    %sub3A_600 = arith.subi %div3A_579, %sub3A_599 : i32
    %select_n3A_601 = arith.select %and3A_598, %sub3A_600, %div3A_579 : i32
    %add3A_602 = arith.constant 5376 : i32
    %add3A_603 = arith.addi %select_n3A_601, %add3A_602 : i32
    %multiple_of3A_604 = tpu.assume_multiple %add3A_603, 256 : i32
    "tpu.region"() ({
      %run_scoped3A = tpu.sem_alloc : memref<!tpu.dma_semaphore, #tpu.memory_space<semaphore_mem>>
      %dma_start3A = arith.constant 0 : i32
      %dma_start3A_887 = tpu.memref_slice %arg6[%multiple_of3A_604, %dma_start3A] : memref<131072x8xf32, #tpu.memory_space<vmem_shared>> -> memref<256x8xf32, #tpu.memory_space<vmem_shared>>
      %dma_start3A_888 = arith.constant 0 : i32
      %dma_start3A_889 = tpu.memref_slice %arg6[%multiple_of3A_604, %dma_start3A_888] : memref<131072x8xf32, #tpu.memory_space<vmem_shared>> -> memref<256x8xf32, #tpu.memory_space<vmem_shared>>
      tpu.enqueue_dma source(%arg13 : memref<256x8xf32, #tpu.memory_space<vmem>>) target(%dma_start3A_889 : memref<256x8xf32, #tpu.memory_space<vmem_shared>>) target_semaphore(%run_scoped3A : memref<!tpu.dma_semaphore, #tpu.memory_space<semaphore_mem>>)
      %dma_wait3A = arith.constant 0 : i32
      %dma_wait3A_890 = tpu.memref_slice %arg6[%multiple_of3A_604, %dma_wait3A] : memref<131072x8xf32, #tpu.memory_space<vmem_shared>> -> memref<256x8xf32, #tpu.memory_space<vmem_shared>>
      %dma_wait3A_891 = arith.constant 0 : i32
      %dma_wait3A_892 = tpu.memref_slice %arg6[%multiple_of3A_604, %dma_wait3A_891] : memref<131072x8xf32, #tpu.memory_space<vmem_shared>> -> memref<256x8xf32, #tpu.memory_space<vmem_shared>>
      tpu.wait_dma2 semaphore(%run_scoped3A : memref<!tpu.dma_semaphore, #tpu.memory_space<semaphore_mem>>) src(%arg13 : memref<256x8xf32, #tpu.memory_space<vmem>>) dst(%dma_wait3A_892 : memref<256x8xf32, #tpu.memory_space<vmem_shared>>)
      tpu.yield
    }) : () -> ()
    %jit3A_605 = arith.constant 2 : i32
    %div3A_606 = arith.divsi %mul3A_14, %jit3A_605 : i32
    %sign3A_607 = arith.constant 0 : i32
    %sign3A_608 = arith.cmpi sgt, %mul3A_14, %sign3A_607 : i32
    %sign3A_609 = arith.extui %sign3A_608 : i1 to i32
    %sign3A_610 = arith.constant 0 : i32
    %sign3A_611 = arith.cmpi slt, %mul3A_14, %sign3A_610 : i32
    %sign3A_612 = arith.extui %sign3A_611 : i1 to i32
    %sign3A_613 = arith.subi %sign3A_609, %sign3A_612 : i32
    %sign3A_614 = arith.constant 0 : i32
    %sign3A_615 = arith.cmpi sgt, %jit3A_605, %sign3A_614 : i32
    %sign3A_616 = arith.extui %sign3A_615 : i1 to i32
    %sign3A_617 = arith.constant 0 : i32
    %sign3A_618 = arith.cmpi slt, %jit3A_605, %sign3A_617 : i32
    %sign3A_619 = arith.extui %sign3A_618 : i1 to i32
    %sign3A_620 = arith.subi %sign3A_616, %sign3A_619 : i32
    %ne3A_621 = arith.cmpi ne, %sign3A_613, %sign3A_620 : i32
    %rem3A_622 = arith.remsi %mul3A_14, %jit3A_605 : i32
    %ne3A_623 = arith.constant 0 : i32
    %ne3A_624 = arith.cmpi ne, %rem3A_622, %ne3A_623 : i32
    %and3A_625 = arith.andi %ne3A_621, %ne3A_624 : i1
    %sub3A_626 = arith.constant 1 : i32
    %sub3A_627 = arith.subi %div3A_606, %sub3A_626 : i32
    %select_n3A_628 = arith.select %and3A_625, %sub3A_627, %div3A_606 : i32
    %add3A_629 = arith.constant 5632 : i32
    %add3A_630 = arith.addi %select_n3A_628, %add3A_629 : i32
    %multiple_of3A_631 = tpu.assume_multiple %add3A_630, 256 : i32
    "tpu.region"() ({
      %run_scoped3A = tpu.sem_alloc : memref<!tpu.dma_semaphore, #tpu.memory_space<semaphore_mem>>
      %dma_start3A = arith.constant 0 : i32
      %dma_start3A_887 = tpu.memref_slice %arg6[%multiple_of3A_631, %dma_start3A] : memref<131072x8xf32, #tpu.memory_space<vmem_shared>> -> memref<256x8xf32, #tpu.memory_space<vmem_shared>>
      %dma_start3A_888 = arith.constant 0 : i32
      %dma_start3A_889 = tpu.memref_slice %arg6[%multiple_of3A_631, %dma_start3A_888] : memref<131072x8xf32, #tpu.memory_space<vmem_shared>> -> memref<256x8xf32, #tpu.memory_space<vmem_shared>>
      tpu.enqueue_dma source(%arg13 : memref<256x8xf32, #tpu.memory_space<vmem>>) target(%dma_start3A_889 : memref<256x8xf32, #tpu.memory_space<vmem_shared>>) target_semaphore(%run_scoped3A : memref<!tpu.dma_semaphore, #tpu.memory_space<semaphore_mem>>)
      %dma_wait3A = arith.constant 0 : i32
      %dma_wait3A_890 = tpu.memref_slice %arg6[%multiple_of3A_631, %dma_wait3A] : memref<131072x8xf32, #tpu.memory_space<vmem_shared>> -> memref<256x8xf32, #tpu.memory_space<vmem_shared>>
      %dma_wait3A_891 = arith.constant 0 : i32
      %dma_wait3A_892 = tpu.memref_slice %arg6[%multiple_of3A_631, %dma_wait3A_891] : memref<131072x8xf32, #tpu.memory_space<vmem_shared>> -> memref<256x8xf32, #tpu.memory_space<vmem_shared>>
      tpu.wait_dma2 semaphore(%run_scoped3A : memref<!tpu.dma_semaphore, #tpu.memory_space<semaphore_mem>>) src(%arg13 : memref<256x8xf32, #tpu.memory_space<vmem>>) dst(%dma_wait3A_892 : memref<256x8xf32, #tpu.memory_space<vmem_shared>>)
      tpu.yield
    }) : () -> ()
    %jit3A_632 = arith.constant 2 : i32
    %div3A_633 = arith.divsi %mul3A_14, %jit3A_632 : i32
    %sign3A_634 = arith.constant 0 : i32
    %sign3A_635 = arith.cmpi sgt, %mul3A_14, %sign3A_634 : i32
    %sign3A_636 = arith.extui %sign3A_635 : i1 to i32
    %sign3A_637 = arith.constant 0 : i32
    %sign3A_638 = arith.cmpi slt, %mul3A_14, %sign3A_637 : i32
    %sign3A_639 = arith.extui %sign3A_638 : i1 to i32
    %sign3A_640 = arith.subi %sign3A_636, %sign3A_639 : i32
    %sign3A_641 = arith.constant 0 : i32
    %sign3A_642 = arith.cmpi sgt, %jit3A_632, %sign3A_641 : i32
    %sign3A_643 = arith.extui %sign3A_642 : i1 to i32
    %sign3A_644 = arith.constant 0 : i32
    %sign3A_645 = arith.cmpi slt, %jit3A_632, %sign3A_644 : i32
    %sign3A_646 = arith.extui %sign3A_645 : i1 to i32
    %sign3A_647 = arith.subi %sign3A_643, %sign3A_646 : i32
    %ne3A_648 = arith.cmpi ne, %sign3A_640, %sign3A_647 : i32
    %rem3A_649 = arith.remsi %mul3A_14, %jit3A_632 : i32
    %ne3A_650 = arith.constant 0 : i32
    %ne3A_651 = arith.cmpi ne, %rem3A_649, %ne3A_650 : i32
    %and3A_652 = arith.andi %ne3A_648, %ne3A_651 : i1
    %sub3A_653 = arith.constant 1 : i32
    %sub3A_654 = arith.subi %div3A_633, %sub3A_653 : i32
    %select_n3A_655 = arith.select %and3A_652, %sub3A_654, %div3A_633 : i32
    %add3A_656 = arith.constant 5888 : i32
    %add3A_657 = arith.addi %select_n3A_655, %add3A_656 : i32
    %multiple_of3A_658 = tpu.assume_multiple %add3A_657, 256 : i32
    "tpu.region"() ({
      %run_scoped3A = tpu.sem_alloc : memref<!tpu.dma_semaphore, #tpu.memory_space<semaphore_mem>>
      %dma_start3A = arith.constant 0 : i32
      %dma_start3A_887 = tpu.memref_slice %arg6[%multiple_of3A_658, %dma_start3A] : memref<131072x8xf32, #tpu.memory_space<vmem_shared>> -> memref<256x8xf32, #tpu.memory_space<vmem_shared>>
      %dma_start3A_888 = arith.constant 0 : i32
      %dma_start3A_889 = tpu.memref_slice %arg6[%multiple_of3A_658, %dma_start3A_888] : memref<131072x8xf32, #tpu.memory_space<vmem_shared>> -> memref<256x8xf32, #tpu.memory_space<vmem_shared>>
      tpu.enqueue_dma source(%arg13 : memref<256x8xf32, #tpu.memory_space<vmem>>) target(%dma_start3A_889 : memref<256x8xf32, #tpu.memory_space<vmem_shared>>) target_semaphore(%run_scoped3A : memref<!tpu.dma_semaphore, #tpu.memory_space<semaphore_mem>>)
      %dma_wait3A = arith.constant 0 : i32
      %dma_wait3A_890 = tpu.memref_slice %arg6[%multiple_of3A_658, %dma_wait3A] : memref<131072x8xf32, #tpu.memory_space<vmem_shared>> -> memref<256x8xf32, #tpu.memory_space<vmem_shared>>
      %dma_wait3A_891 = arith.constant 0 : i32
      %dma_wait3A_892 = tpu.memref_slice %arg6[%multiple_of3A_658, %dma_wait3A_891] : memref<131072x8xf32, #tpu.memory_space<vmem_shared>> -> memref<256x8xf32, #tpu.memory_space<vmem_shared>>
      tpu.wait_dma2 semaphore(%run_scoped3A : memref<!tpu.dma_semaphore, #tpu.memory_space<semaphore_mem>>) src(%arg13 : memref<256x8xf32, #tpu.memory_space<vmem>>) dst(%dma_wait3A_892 : memref<256x8xf32, #tpu.memory_space<vmem_shared>>)
      tpu.yield
    }) : () -> ()
    %jit3A_659 = arith.constant 2 : i32
    %div3A_660 = arith.divsi %mul3A_14, %jit3A_659 : i32
    %sign3A_661 = arith.constant 0 : i32
    %sign3A_662 = arith.cmpi sgt, %mul3A_14, %sign3A_661 : i32
    %sign3A_663 = arith.extui %sign3A_662 : i1 to i32
    %sign3A_664 = arith.constant 0 : i32
    %sign3A_665 = arith.cmpi slt, %mul3A_14, %sign3A_664 : i32
    %sign3A_666 = arith.extui %sign3A_665 : i1 to i32
    %sign3A_667 = arith.subi %sign3A_663, %sign3A_666 : i32
    %sign3A_668 = arith.constant 0 : i32
    %sign3A_669 = arith.cmpi sgt, %jit3A_659, %sign3A_668 : i32
    %sign3A_670 = arith.extui %sign3A_669 : i1 to i32
    %sign3A_671 = arith.constant 0 : i32
    %sign3A_672 = arith.cmpi slt, %jit3A_659, %sign3A_671 : i32
    %sign3A_673 = arith.extui %sign3A_672 : i1 to i32
    %sign3A_674 = arith.subi %sign3A_670, %sign3A_673 : i32
    %ne3A_675 = arith.cmpi ne, %sign3A_667, %sign3A_674 : i32
    %rem3A_676 = arith.remsi %mul3A_14, %jit3A_659 : i32
    %ne3A_677 = arith.constant 0 : i32
    %ne3A_678 = arith.cmpi ne, %rem3A_676, %ne3A_677 : i32
    %and3A_679 = arith.andi %ne3A_675, %ne3A_678 : i1
    %sub3A_680 = arith.constant 1 : i32
    %sub3A_681 = arith.subi %div3A_660, %sub3A_680 : i32
    %select_n3A_682 = arith.select %and3A_679, %sub3A_681, %div3A_660 : i32
    %add3A_683 = arith.constant 6144 : i32
    %add3A_684 = arith.addi %select_n3A_682, %add3A_683 : i32
    %multiple_of3A_685 = tpu.assume_multiple %add3A_684, 256 : i32
    "tpu.region"() ({
      %run_scoped3A = tpu.sem_alloc : memref<!tpu.dma_semaphore, #tpu.memory_space<semaphore_mem>>
      %dma_start3A = arith.constant 0 : i32
      %dma_start3A_887 = tpu.memref_slice %arg6[%multiple_of3A_685, %dma_start3A] : memref<131072x8xf32, #tpu.memory_space<vmem_shared>> -> memref<256x8xf32, #tpu.memory_space<vmem_shared>>
      %dma_start3A_888 = arith.constant 0 : i32
      %dma_start3A_889 = tpu.memref_slice %arg6[%multiple_of3A_685, %dma_start3A_888] : memref<131072x8xf32, #tpu.memory_space<vmem_shared>> -> memref<256x8xf32, #tpu.memory_space<vmem_shared>>
      tpu.enqueue_dma source(%arg13 : memref<256x8xf32, #tpu.memory_space<vmem>>) target(%dma_start3A_889 : memref<256x8xf32, #tpu.memory_space<vmem_shared>>) target_semaphore(%run_scoped3A : memref<!tpu.dma_semaphore, #tpu.memory_space<semaphore_mem>>)
      %dma_wait3A = arith.constant 0 : i32
      %dma_wait3A_890 = tpu.memref_slice %arg6[%multiple_of3A_685, %dma_wait3A] : memref<131072x8xf32, #tpu.memory_space<vmem_shared>> -> memref<256x8xf32, #tpu.memory_space<vmem_shared>>
      %dma_wait3A_891 = arith.constant 0 : i32
      %dma_wait3A_892 = tpu.memref_slice %arg6[%multiple_of3A_685, %dma_wait3A_891] : memref<131072x8xf32, #tpu.memory_space<vmem_shared>> -> memref<256x8xf32, #tpu.memory_space<vmem_shared>>
      tpu.wait_dma2 semaphore(%run_scoped3A : memref<!tpu.dma_semaphore, #tpu.memory_space<semaphore_mem>>) src(%arg13 : memref<256x8xf32, #tpu.memory_space<vmem>>) dst(%dma_wait3A_892 : memref<256x8xf32, #tpu.memory_space<vmem_shared>>)
      tpu.yield
    }) : () -> ()
    %jit3A_686 = arith.constant 2 : i32
    %div3A_687 = arith.divsi %mul3A_14, %jit3A_686 : i32
    %sign3A_688 = arith.constant 0 : i32
    %sign3A_689 = arith.cmpi sgt, %mul3A_14, %sign3A_688 : i32
    %sign3A_690 = arith.extui %sign3A_689 : i1 to i32
    %sign3A_691 = arith.constant 0 : i32
    %sign3A_692 = arith.cmpi slt, %mul3A_14, %sign3A_691 : i32
    %sign3A_693 = arith.extui %sign3A_692 : i1 to i32
    %sign3A_694 = arith.subi %sign3A_690, %sign3A_693 : i32
    %sign3A_695 = arith.constant 0 : i32
    %sign3A_696 = arith.cmpi sgt, %jit3A_686, %sign3A_695 : i32
    %sign3A_697 = arith.extui %sign3A_696 : i1 to i32
    %sign3A_698 = arith.constant 0 : i32
    %sign3A_699 = arith.cmpi slt, %jit3A_686, %sign3A_698 : i32
    %sign3A_700 = arith.extui %sign3A_699 : i1 to i32
    %sign3A_701 = arith.subi %sign3A_697, %sign3A_700 : i32
    %ne3A_702 = arith.cmpi ne, %sign3A_694, %sign3A_701 : i32
    %rem3A_703 = arith.remsi %mul3A_14, %jit3A_686 : i32
    %ne3A_704 = arith.constant 0 : i32
    %ne3A_705 = arith.cmpi ne, %rem3A_703, %ne3A_704 : i32
    %and3A_706 = arith.andi %ne3A_702, %ne3A_705 : i1
    %sub3A_707 = arith.constant 1 : i32
    %sub3A_708 = arith.subi %div3A_687, %sub3A_707 : i32
    %select_n3A_709 = arith.select %and3A_706, %sub3A_708, %div3A_687 : i32
    %add3A_710 = arith.constant 6400 : i32
    %add3A_711 = arith.addi %select_n3A_709, %add3A_710 : i32
    %multiple_of3A_712 = tpu.assume_multiple %add3A_711, 256 : i32
    "tpu.region"() ({
      %run_scoped3A = tpu.sem_alloc : memref<!tpu.dma_semaphore, #tpu.memory_space<semaphore_mem>>
      %dma_start3A = arith.constant 0 : i32
      %dma_start3A_887 = tpu.memref_slice %arg6[%multiple_of3A_712, %dma_start3A] : memref<131072x8xf32, #tpu.memory_space<vmem_shared>> -> memref<256x8xf32, #tpu.memory_space<vmem_shared>>
      %dma_start3A_888 = arith.constant 0 : i32
      %dma_start3A_889 = tpu.memref_slice %arg6[%multiple_of3A_712, %dma_start3A_888] : memref<131072x8xf32, #tpu.memory_space<vmem_shared>> -> memref<256x8xf32, #tpu.memory_space<vmem_shared>>
      tpu.enqueue_dma source(%arg13 : memref<256x8xf32, #tpu.memory_space<vmem>>) target(%dma_start3A_889 : memref<256x8xf32, #tpu.memory_space<vmem_shared>>) target_semaphore(%run_scoped3A : memref<!tpu.dma_semaphore, #tpu.memory_space<semaphore_mem>>)
      %dma_wait3A = arith.constant 0 : i32
      %dma_wait3A_890 = tpu.memref_slice %arg6[%multiple_of3A_712, %dma_wait3A] : memref<131072x8xf32, #tpu.memory_space<vmem_shared>> -> memref<256x8xf32, #tpu.memory_space<vmem_shared>>
      %dma_wait3A_891 = arith.constant 0 : i32
      %dma_wait3A_892 = tpu.memref_slice %arg6[%multiple_of3A_712, %dma_wait3A_891] : memref<131072x8xf32, #tpu.memory_space<vmem_shared>> -> memref<256x8xf32, #tpu.memory_space<vmem_shared>>
      tpu.wait_dma2 semaphore(%run_scoped3A : memref<!tpu.dma_semaphore, #tpu.memory_space<semaphore_mem>>) src(%arg13 : memref<256x8xf32, #tpu.memory_space<vmem>>) dst(%dma_wait3A_892 : memref<256x8xf32, #tpu.memory_space<vmem_shared>>)
      tpu.yield
    }) : () -> ()
    %jit3A_713 = arith.constant 2 : i32
    %div3A_714 = arith.divsi %mul3A_14, %jit3A_713 : i32
    %sign3A_715 = arith.constant 0 : i32
    %sign3A_716 = arith.cmpi sgt, %mul3A_14, %sign3A_715 : i32
    %sign3A_717 = arith.extui %sign3A_716 : i1 to i32
    %sign3A_718 = arith.constant 0 : i32
    %sign3A_719 = arith.cmpi slt, %mul3A_14, %sign3A_718 : i32
    %sign3A_720 = arith.extui %sign3A_719 : i1 to i32
    %sign3A_721 = arith.subi %sign3A_717, %sign3A_720 : i32
    %sign3A_722 = arith.constant 0 : i32
    %sign3A_723 = arith.cmpi sgt, %jit3A_713, %sign3A_722 : i32
    %sign3A_724 = arith.extui %sign3A_723 : i1 to i32
    %sign3A_725 = arith.constant 0 : i32
    %sign3A_726 = arith.cmpi slt, %jit3A_713, %sign3A_725 : i32
    %sign3A_727 = arith.extui %sign3A_726 : i1 to i32
    %sign3A_728 = arith.subi %sign3A_724, %sign3A_727 : i32
    %ne3A_729 = arith.cmpi ne, %sign3A_721, %sign3A_728 : i32
    %rem3A_730 = arith.remsi %mul3A_14, %jit3A_713 : i32
    %ne3A_731 = arith.constant 0 : i32
    %ne3A_732 = arith.cmpi ne, %rem3A_730, %ne3A_731 : i32
    %and3A_733 = arith.andi %ne3A_729, %ne3A_732 : i1
    %sub3A_734 = arith.constant 1 : i32
    %sub3A_735 = arith.subi %div3A_714, %sub3A_734 : i32
    %select_n3A_736 = arith.select %and3A_733, %sub3A_735, %div3A_714 : i32
    %add3A_737 = arith.constant 6656 : i32
    %add3A_738 = arith.addi %select_n3A_736, %add3A_737 : i32
    %multiple_of3A_739 = tpu.assume_multiple %add3A_738, 256 : i32
    "tpu.region"() ({
      %run_scoped3A = tpu.sem_alloc : memref<!tpu.dma_semaphore, #tpu.memory_space<semaphore_mem>>
      %dma_start3A = arith.constant 0 : i32
      %dma_start3A_887 = tpu.memref_slice %arg6[%multiple_of3A_739, %dma_start3A] : memref<131072x8xf32, #tpu.memory_space<vmem_shared>> -> memref<256x8xf32, #tpu.memory_space<vmem_shared>>
      %dma_start3A_888 = arith.constant 0 : i32
      %dma_start3A_889 = tpu.memref_slice %arg6[%multiple_of3A_739, %dma_start3A_888] : memref<131072x8xf32, #tpu.memory_space<vmem_shared>> -> memref<256x8xf32, #tpu.memory_space<vmem_shared>>
      tpu.enqueue_dma source(%arg13 : memref<256x8xf32, #tpu.memory_space<vmem>>) target(%dma_start3A_889 : memref<256x8xf32, #tpu.memory_space<vmem_shared>>) target_semaphore(%run_scoped3A : memref<!tpu.dma_semaphore, #tpu.memory_space<semaphore_mem>>)
      %dma_wait3A = arith.constant 0 : i32
      %dma_wait3A_890 = tpu.memref_slice %arg6[%multiple_of3A_739, %dma_wait3A] : memref<131072x8xf32, #tpu.memory_space<vmem_shared>> -> memref<256x8xf32, #tpu.memory_space<vmem_shared>>
      %dma_wait3A_891 = arith.constant 0 : i32
      %dma_wait3A_892 = tpu.memref_slice %arg6[%multiple_of3A_739, %dma_wait3A_891] : memref<131072x8xf32, #tpu.memory_space<vmem_shared>> -> memref<256x8xf32, #tpu.memory_space<vmem_shared>>
      tpu.wait_dma2 semaphore(%run_scoped3A : memref<!tpu.dma_semaphore, #tpu.memory_space<semaphore_mem>>) src(%arg13 : memref<256x8xf32, #tpu.memory_space<vmem>>) dst(%dma_wait3A_892 : memref<256x8xf32, #tpu.memory_space<vmem_shared>>)
      tpu.yield
    }) : () -> ()
    %jit3A_740 = arith.constant 2 : i32
    %div3A_741 = arith.divsi %mul3A_14, %jit3A_740 : i32
    %sign3A_742 = arith.constant 0 : i32
    %sign3A_743 = arith.cmpi sgt, %mul3A_14, %sign3A_742 : i32
    %sign3A_744 = arith.extui %sign3A_743 : i1 to i32
    %sign3A_745 = arith.constant 0 : i32
    %sign3A_746 = arith.cmpi slt, %mul3A_14, %sign3A_745 : i32
    %sign3A_747 = arith.extui %sign3A_746 : i1 to i32
    %sign3A_748 = arith.subi %sign3A_744, %sign3A_747 : i32
    %sign3A_749 = arith.constant 0 : i32
    %sign3A_750 = arith.cmpi sgt, %jit3A_740, %sign3A_749 : i32
    %sign3A_751 = arith.extui %sign3A_750 : i1 to i32
    %sign3A_752 = arith.constant 0 : i32
    %sign3A_753 = arith.cmpi slt, %jit3A_740, %sign3A_752 : i32
    %sign3A_754 = arith.extui %sign3A_753 : i1 to i32
    %sign3A_755 = arith.subi %sign3A_751, %sign3A_754 : i32
    %ne3A_756 = arith.cmpi ne, %sign3A_748, %sign3A_755 : i32
    %rem3A_757 = arith.remsi %mul3A_14, %jit3A_740 : i32
    %ne3A_758 = arith.constant 0 : i32
    %ne3A_759 = arith.cmpi ne, %rem3A_757, %ne3A_758 : i32
    %and3A_760 = arith.andi %ne3A_756, %ne3A_759 : i1
    %sub3A_761 = arith.constant 1 : i32
    %sub3A_762 = arith.subi %div3A_741, %sub3A_761 : i32
    %select_n3A_763 = arith.select %and3A_760, %sub3A_762, %div3A_741 : i32
    %add3A_764 = arith.constant 6912 : i32
    %add3A_765 = arith.addi %select_n3A_763, %add3A_764 : i32
    %multiple_of3A_766 = tpu.assume_multiple %add3A_765, 256 : i32
    "tpu.region"() ({
      %run_scoped3A = tpu.sem_alloc : memref<!tpu.dma_semaphore, #tpu.memory_space<semaphore_mem>>
      %dma_start3A = arith.constant 0 : i32
      %dma_start3A_887 = tpu.memref_slice %arg6[%multiple_of3A_766, %dma_start3A] : memref<131072x8xf32, #tpu.memory_space<vmem_shared>> -> memref<256x8xf32, #tpu.memory_space<vmem_shared>>
      %dma_start3A_888 = arith.constant 0 : i32
      %dma_start3A_889 = tpu.memref_slice %arg6[%multiple_of3A_766, %dma_start3A_888] : memref<131072x8xf32, #tpu.memory_space<vmem_shared>> -> memref<256x8xf32, #tpu.memory_space<vmem_shared>>
      tpu.enqueue_dma source(%arg13 : memref<256x8xf32, #tpu.memory_space<vmem>>) target(%dma_start3A_889 : memref<256x8xf32, #tpu.memory_space<vmem_shared>>) target_semaphore(%run_scoped3A : memref<!tpu.dma_semaphore, #tpu.memory_space<semaphore_mem>>)
      %dma_wait3A = arith.constant 0 : i32
      %dma_wait3A_890 = tpu.memref_slice %arg6[%multiple_of3A_766, %dma_wait3A] : memref<131072x8xf32, #tpu.memory_space<vmem_shared>> -> memref<256x8xf32, #tpu.memory_space<vmem_shared>>
      %dma_wait3A_891 = arith.constant 0 : i32
      %dma_wait3A_892 = tpu.memref_slice %arg6[%multiple_of3A_766, %dma_wait3A_891] : memref<131072x8xf32, #tpu.memory_space<vmem_shared>> -> memref<256x8xf32, #tpu.memory_space<vmem_shared>>
      tpu.wait_dma2 semaphore(%run_scoped3A : memref<!tpu.dma_semaphore, #tpu.memory_space<semaphore_mem>>) src(%arg13 : memref<256x8xf32, #tpu.memory_space<vmem>>) dst(%dma_wait3A_892 : memref<256x8xf32, #tpu.memory_space<vmem_shared>>)
      tpu.yield
    }) : () -> ()
    %jit3A_767 = arith.constant 2 : i32
    %div3A_768 = arith.divsi %mul3A_14, %jit3A_767 : i32
    %sign3A_769 = arith.constant 0 : i32
    %sign3A_770 = arith.cmpi sgt, %mul3A_14, %sign3A_769 : i32
    %sign3A_771 = arith.extui %sign3A_770 : i1 to i32
    %sign3A_772 = arith.constant 0 : i32
    %sign3A_773 = arith.cmpi slt, %mul3A_14, %sign3A_772 : i32
    %sign3A_774 = arith.extui %sign3A_773 : i1 to i32
    %sign3A_775 = arith.subi %sign3A_771, %sign3A_774 : i32
    %sign3A_776 = arith.constant 0 : i32
    %sign3A_777 = arith.cmpi sgt, %jit3A_767, %sign3A_776 : i32
    %sign3A_778 = arith.extui %sign3A_777 : i1 to i32
    %sign3A_779 = arith.constant 0 : i32
    %sign3A_780 = arith.cmpi slt, %jit3A_767, %sign3A_779 : i32
    %sign3A_781 = arith.extui %sign3A_780 : i1 to i32
    %sign3A_782 = arith.subi %sign3A_778, %sign3A_781 : i32
    %ne3A_783 = arith.cmpi ne, %sign3A_775, %sign3A_782 : i32
    %rem3A_784 = arith.remsi %mul3A_14, %jit3A_767 : i32
    %ne3A_785 = arith.constant 0 : i32
    %ne3A_786 = arith.cmpi ne, %rem3A_784, %ne3A_785 : i32
    %and3A_787 = arith.andi %ne3A_783, %ne3A_786 : i1
    %sub3A_788 = arith.constant 1 : i32
    %sub3A_789 = arith.subi %div3A_768, %sub3A_788 : i32
    %select_n3A_790 = arith.select %and3A_787, %sub3A_789, %div3A_768 : i32
    %add3A_791 = arith.constant 7168 : i32
    %add3A_792 = arith.addi %select_n3A_790, %add3A_791 : i32
    %multiple_of3A_793 = tpu.assume_multiple %add3A_792, 256 : i32
    "tpu.region"() ({
      %run_scoped3A = tpu.sem_alloc : memref<!tpu.dma_semaphore, #tpu.memory_space<semaphore_mem>>
      %dma_start3A = arith.constant 0 : i32
      %dma_start3A_887 = tpu.memref_slice %arg6[%multiple_of3A_793, %dma_start3A] : memref<131072x8xf32, #tpu.memory_space<vmem_shared>> -> memref<256x8xf32, #tpu.memory_space<vmem_shared>>
      %dma_start3A_888 = arith.constant 0 : i32
      %dma_start3A_889 = tpu.memref_slice %arg6[%multiple_of3A_793, %dma_start3A_888] : memref<131072x8xf32, #tpu.memory_space<vmem_shared>> -> memref<256x8xf32, #tpu.memory_space<vmem_shared>>
      tpu.enqueue_dma source(%arg13 : memref<256x8xf32, #tpu.memory_space<vmem>>) target(%dma_start3A_889 : memref<256x8xf32, #tpu.memory_space<vmem_shared>>) target_semaphore(%run_scoped3A : memref<!tpu.dma_semaphore, #tpu.memory_space<semaphore_mem>>)
      %dma_wait3A = arith.constant 0 : i32
      %dma_wait3A_890 = tpu.memref_slice %arg6[%multiple_of3A_793, %dma_wait3A] : memref<131072x8xf32, #tpu.memory_space<vmem_shared>> -> memref<256x8xf32, #tpu.memory_space<vmem_shared>>
      %dma_wait3A_891 = arith.constant 0 : i32
      %dma_wait3A_892 = tpu.memref_slice %arg6[%multiple_of3A_793, %dma_wait3A_891] : memref<131072x8xf32, #tpu.memory_space<vmem_shared>> -> memref<256x8xf32, #tpu.memory_space<vmem_shared>>
      tpu.wait_dma2 semaphore(%run_scoped3A : memref<!tpu.dma_semaphore, #tpu.memory_space<semaphore_mem>>) src(%arg13 : memref<256x8xf32, #tpu.memory_space<vmem>>) dst(%dma_wait3A_892 : memref<256x8xf32, #tpu.memory_space<vmem_shared>>)
      tpu.yield
    }) : () -> ()
    %jit3A_794 = arith.constant 2 : i32
    %div3A_795 = arith.divsi %mul3A_14, %jit3A_794 : i32
    %sign3A_796 = arith.constant 0 : i32
    %sign3A_797 = arith.cmpi sgt, %mul3A_14, %sign3A_796 : i32
    %sign3A_798 = arith.extui %sign3A_797 : i1 to i32
    %sign3A_799 = arith.constant 0 : i32
    %sign3A_800 = arith.cmpi slt, %mul3A_14, %sign3A_799 : i32
    %sign3A_801 = arith.extui %sign3A_800 : i1 to i32
    %sign3A_802 = arith.subi %sign3A_798, %sign3A_801 : i32
    %sign3A_803 = arith.constant 0 : i32
    %sign3A_804 = arith.cmpi sgt, %jit3A_794, %sign3A_803 : i32
    %sign3A_805 = arith.extui %sign3A_804 : i1 to i32
    %sign3A_806 = arith.constant 0 : i32
    %sign3A_807 = arith.cmpi slt, %jit3A_794, %sign3A_806 : i32
    %sign3A_808 = arith.extui %sign3A_807 : i1 to i32
    %sign3A_809 = arith.subi %sign3A_805, %sign3A_808 : i32
    %ne3A_810 = arith.cmpi ne, %sign3A_802, %sign3A_809 : i32
    %rem3A_811 = arith.remsi %mul3A_14, %jit3A_794 : i32
    %ne3A_812 = arith.constant 0 : i32
    %ne3A_813 = arith.cmpi ne, %rem3A_811, %ne3A_812 : i32
    %and3A_814 = arith.andi %ne3A_810, %ne3A_813 : i1
    %sub3A_815 = arith.constant 1 : i32
    %sub3A_816 = arith.subi %div3A_795, %sub3A_815 : i32
    %select_n3A_817 = arith.select %and3A_814, %sub3A_816, %div3A_795 : i32
    %add3A_818 = arith.constant 7424 : i32
    %add3A_819 = arith.addi %select_n3A_817, %add3A_818 : i32
    %multiple_of3A_820 = tpu.assume_multiple %add3A_819, 256 : i32
    "tpu.region"() ({
      %run_scoped3A = tpu.sem_alloc : memref<!tpu.dma_semaphore, #tpu.memory_space<semaphore_mem>>
      %dma_start3A = arith.constant 0 : i32
      %dma_start3A_887 = tpu.memref_slice %arg6[%multiple_of3A_820, %dma_start3A] : memref<131072x8xf32, #tpu.memory_space<vmem_shared>> -> memref<256x8xf32, #tpu.memory_space<vmem_shared>>
      %dma_start3A_888 = arith.constant 0 : i32
      %dma_start3A_889 = tpu.memref_slice %arg6[%multiple_of3A_820, %dma_start3A_888] : memref<131072x8xf32, #tpu.memory_space<vmem_shared>> -> memref<256x8xf32, #tpu.memory_space<vmem_shared>>
      tpu.enqueue_dma source(%arg13 : memref<256x8xf32, #tpu.memory_space<vmem>>) target(%dma_start3A_889 : memref<256x8xf32, #tpu.memory_space<vmem_shared>>) target_semaphore(%run_scoped3A : memref<!tpu.dma_semaphore, #tpu.memory_space<semaphore_mem>>)
      %dma_wait3A = arith.constant 0 : i32
      %dma_wait3A_890 = tpu.memref_slice %arg6[%multiple_of3A_820, %dma_wait3A] : memref<131072x8xf32, #tpu.memory_space<vmem_shared>> -> memref<256x8xf32, #tpu.memory_space<vmem_shared>>
      %dma_wait3A_891 = arith.constant 0 : i32
      %dma_wait3A_892 = tpu.memref_slice %arg6[%multiple_of3A_820, %dma_wait3A_891] : memref<131072x8xf32, #tpu.memory_space<vmem_shared>> -> memref<256x8xf32, #tpu.memory_space<vmem_shared>>
      tpu.wait_dma2 semaphore(%run_scoped3A : memref<!tpu.dma_semaphore, #tpu.memory_space<semaphore_mem>>) src(%arg13 : memref<256x8xf32, #tpu.memory_space<vmem>>) dst(%dma_wait3A_892 : memref<256x8xf32, #tpu.memory_space<vmem_shared>>)
      tpu.yield
    }) : () -> ()
    %jit3A_821 = arith.constant 2 : i32
    %div3A_822 = arith.divsi %mul3A_14, %jit3A_821 : i32
    %sign3A_823 = arith.constant 0 : i32
    %sign3A_824 = arith.cmpi sgt, %mul3A_14, %sign3A_823 : i32
    %sign3A_825 = arith.extui %sign3A_824 : i1 to i32
    %sign3A_826 = arith.constant 0 : i32
    %sign3A_827 = arith.cmpi slt, %mul3A_14, %sign3A_826 : i32
    %sign3A_828 = arith.extui %sign3A_827 : i1 to i32
    %sign3A_829 = arith.subi %sign3A_825, %sign3A_828 : i32
    %sign3A_830 = arith.constant 0 : i32
    %sign3A_831 = arith.cmpi sgt, %jit3A_821, %sign3A_830 : i32
    %sign3A_832 = arith.extui %sign3A_831 : i1 to i32
    %sign3A_833 = arith.constant 0 : i32
    %sign3A_834 = arith.cmpi slt, %jit3A_821, %sign3A_833 : i32
    %sign3A_835 = arith.extui %sign3A_834 : i1 to i32
    %sign3A_836 = arith.subi %sign3A_832, %sign3A_835 : i32
    %ne3A_837 = arith.cmpi ne, %sign3A_829, %sign3A_836 : i32
    %rem3A_838 = arith.remsi %mul3A_14, %jit3A_821 : i32
    %ne3A_839 = arith.constant 0 : i32
    %ne3A_840 = arith.cmpi ne, %rem3A_838, %ne3A_839 : i32
    %and3A_841 = arith.andi %ne3A_837, %ne3A_840 : i1
    %sub3A_842 = arith.constant 1 : i32
    %sub3A_843 = arith.subi %div3A_822, %sub3A_842 : i32
    %select_n3A_844 = arith.select %and3A_841, %sub3A_843, %div3A_822 : i32
    %add3A_845 = arith.constant 7680 : i32
    %add3A_846 = arith.addi %select_n3A_844, %add3A_845 : i32
    %multiple_of3A_847 = tpu.assume_multiple %add3A_846, 256 : i32
    "tpu.region"() ({
      %run_scoped3A = tpu.sem_alloc : memref<!tpu.dma_semaphore, #tpu.memory_space<semaphore_mem>>
      %dma_start3A = arith.constant 0 : i32
      %dma_start3A_887 = tpu.memref_slice %arg6[%multiple_of3A_847, %dma_start3A] : memref<131072x8xf32, #tpu.memory_space<vmem_shared>> -> memref<256x8xf32, #tpu.memory_space<vmem_shared>>
      %dma_start3A_888 = arith.constant 0 : i32
      %dma_start3A_889 = tpu.memref_slice %arg6[%multiple_of3A_847, %dma_start3A_888] : memref<131072x8xf32, #tpu.memory_space<vmem_shared>> -> memref<256x8xf32, #tpu.memory_space<vmem_shared>>
      tpu.enqueue_dma source(%arg13 : memref<256x8xf32, #tpu.memory_space<vmem>>) target(%dma_start3A_889 : memref<256x8xf32, #tpu.memory_space<vmem_shared>>) target_semaphore(%run_scoped3A : memref<!tpu.dma_semaphore, #tpu.memory_space<semaphore_mem>>)
      %dma_wait3A = arith.constant 0 : i32
      %dma_wait3A_890 = tpu.memref_slice %arg6[%multiple_of3A_847, %dma_wait3A] : memref<131072x8xf32, #tpu.memory_space<vmem_shared>> -> memref<256x8xf32, #tpu.memory_space<vmem_shared>>
      %dma_wait3A_891 = arith.constant 0 : i32
      %dma_wait3A_892 = tpu.memref_slice %arg6[%multiple_of3A_847, %dma_wait3A_891] : memref<131072x8xf32, #tpu.memory_space<vmem_shared>> -> memref<256x8xf32, #tpu.memory_space<vmem_shared>>
      tpu.wait_dma2 semaphore(%run_scoped3A : memref<!tpu.dma_semaphore, #tpu.memory_space<semaphore_mem>>) src(%arg13 : memref<256x8xf32, #tpu.memory_space<vmem>>) dst(%dma_wait3A_892 : memref<256x8xf32, #tpu.memory_space<vmem_shared>>)
      tpu.yield
    }) : () -> ()
    %jit3A_848 = arith.constant 2 : i32
    %div3A_849 = arith.divsi %mul3A_14, %jit3A_848 : i32
    %sign3A_850 = arith.constant 0 : i32
    %sign3A_851 = arith.cmpi sgt, %mul3A_14, %sign3A_850 : i32
    %sign3A_852 = arith.extui %sign3A_851 : i1 to i32
    %sign3A_853 = arith.constant 0 : i32
    %sign3A_854 = arith.cmpi slt, %mul3A_14, %sign3A_853 : i32
    %sign3A_855 = arith.extui %sign3A_854 : i1 to i32
    %sign3A_856 = arith.subi %sign3A_852, %sign3A_855 : i32
    %sign3A_857 = arith.constant 0 : i32
    %sign3A_858 = arith.cmpi sgt, %jit3A_848, %sign3A_857 : i32
    %sign3A_859 = arith.extui %sign3A_858 : i1 to i32
    %sign3A_860 = arith.constant 0 : i32
    %sign3A_861 = arith.cmpi slt, %jit3A_848, %sign3A_860 : i32
    %sign3A_862 = arith.extui %sign3A_861 : i1 to i32
    %sign3A_863 = arith.subi %sign3A_859, %sign3A_862 : i32
    %ne3A_864 = arith.cmpi ne, %sign3A_856, %sign3A_863 : i32
    %rem3A_865 = arith.remsi %mul3A_14, %jit3A_848 : i32
    %ne3A_866 = arith.constant 0 : i32
    %ne3A_867 = arith.cmpi ne, %rem3A_865, %ne3A_866 : i32
    %and3A_868 = arith.andi %ne3A_864, %ne3A_867 : i1
    %sub3A_869 = arith.constant 1 : i32
    %sub3A_870 = arith.subi %div3A_849, %sub3A_869 : i32
    %select_n3A_871 = arith.select %and3A_868, %sub3A_870, %div3A_849 : i32
    %add3A_872 = arith.constant 7936 : i32
    %add3A_873 = arith.addi %select_n3A_871, %add3A_872 : i32
    %multiple_of3A_874 = tpu.assume_multiple %add3A_873, 256 : i32
    "tpu.region"() ({
      %run_scoped3A = tpu.sem_alloc : memref<!tpu.dma_semaphore, #tpu.memory_space<semaphore_mem>>
      %dma_start3A = arith.constant 0 : i32
      %dma_start3A_887 = tpu.memref_slice %arg6[%multiple_of3A_874, %dma_start3A] : memref<131072x8xf32, #tpu.memory_space<vmem_shared>> -> memref<256x8xf32, #tpu.memory_space<vmem_shared>>
      %dma_start3A_888 = arith.constant 0 : i32
      %dma_start3A_889 = tpu.memref_slice %arg6[%multiple_of3A_874, %dma_start3A_888] : memref<131072x8xf32, #tpu.memory_space<vmem_shared>> -> memref<256x8xf32, #tpu.memory_space<vmem_shared>>
      tpu.enqueue_dma source(%arg13 : memref<256x8xf32, #tpu.memory_space<vmem>>) target(%dma_start3A_889 : memref<256x8xf32, #tpu.memory_space<vmem_shared>>) target_semaphore(%run_scoped3A : memref<!tpu.dma_semaphore, #tpu.memory_space<semaphore_mem>>)
      %dma_wait3A = arith.constant 0 : i32
      %dma_wait3A_890 = tpu.memref_slice %arg6[%multiple_of3A_874, %dma_wait3A] : memref<131072x8xf32, #tpu.memory_space<vmem_shared>> -> memref<256x8xf32, #tpu.memory_space<vmem_shared>>
      %dma_wait3A_891 = arith.constant 0 : i32
      %dma_wait3A_892 = tpu.memref_slice %arg6[%multiple_of3A_874, %dma_wait3A_891] : memref<131072x8xf32, #tpu.memory_space<vmem_shared>> -> memref<256x8xf32, #tpu.memory_space<vmem_shared>>
      tpu.wait_dma2 semaphore(%run_scoped3A : memref<!tpu.dma_semaphore, #tpu.memory_space<semaphore_mem>>) src(%arg13 : memref<256x8xf32, #tpu.memory_space<vmem>>) dst(%dma_wait3A_892 : memref<256x8xf32, #tpu.memory_space<vmem_shared>>)
      tpu.yield
    }) : () -> ()
    %scan3A_875 = arith.constant 0 : i32
    %scan3A_876 = arith.constant 0 : i32
    %scan3A_877 = arith.constant 512 : i32
    %scan3A_878 = arith.addi %scan3A_876, %scan3A_877 : i32
    %scan3A_879 = arith.constant 1 : i32
    scf.for %scan3A_887 = %scan3A_876 to %scan3A_878 step %scan3A_879  : i32 {
      %mul3A_888 = arith.constant 2 : i32
      %mul3A_889 = arith.muli %scan3A_887, %mul3A_888 : i32
      %add3A_890 = arith.constant 1024 : i32
      %add3A_891 = arith.addi %add3A_890, %mul3A_889 : i32
      %add3A_892 = vector.broadcast %add3A_891 : i32 to vector<16xi32>
      %add3A_893 = arith.addi %add3A_892, %shift_right_arithmetic3A_12 : vector<16xi32>
      %add3A_894 = arith.constant 4 : i32
      %add3A_895 = vector.broadcast %add3A_894 : i32 to vector<16xi32>
      %add3A_896 = arith.addi %add3A_895, %and3A_9 : vector<16xi32>
      %scatter3A = arith.constant 0 : i32
      %scatter3A_897 = arith.constant 0 : i32
      %scatter3A_898 = arith.constant 0 : i32
      %scatter3A_899 = tpu.memref_slice %arg11[%scatter3A, %scatter3A_897, %scatter3A_898] : memref<2x2048x8xf32, #tpu.memory_space<vmem>> -> memref<1x2048x8xf32, #tpu.memory_space<vmem>>
      %scatter3A_900 = tpu.memref_squeeze %scatter3A_899 : memref<1x2048x8xf32, #tpu.memory_space<vmem>> -> memref<2048x8xf32, #tpu.memory_space<vmem>>
      tpu.vector_store_idx %scatter3A_900[%add3A_893, %add3A_896], %broadcast_in_dim3A_13 : memref<2048x8xf32, #tpu.memory_space<vmem>>[vector<16xi32>, vector<16xi32>], vector<16xf32>,
      %add3A_901 = arith.constant 4 : i32
      %add3A_902 = vector.broadcast %add3A_901 : i32 to vector<16xi32>
      %add3A_903 = arith.addi %add3A_902, %and3A_9 : vector<16xi32>
      %scatter3A_904 = arith.constant 1 : i32
      %scatter3A_905 = arith.constant 0 : i32
      %scatter3A_906 = arith.constant 0 : i32
      %scatter3A_907 = tpu.memref_slice %arg11[%scatter3A_904, %scatter3A_905, %scatter3A_906] : memref<2x2048x8xf32, #tpu.memory_space<vmem>> -> memref<1x2048x8xf32, #tpu.memory_space<vmem>>
      %scatter3A_908 = tpu.memref_squeeze %scatter3A_907 : memref<1x2048x8xf32, #tpu.memory_space<vmem>> -> memref<2048x8xf32, #tpu.memory_space<vmem>>
      tpu.vector_store_idx %scatter3A_908[%add3A_893, %add3A_903], %broadcast_in_dim3A_13 : memref<2048x8xf32, #tpu.memory_space<vmem>>[vector<16xi32>, vector<16xi32>], vector<16xf32>,
    }
    %scan3A_880 = arith.constant 512 : i32
    %barrier3A = arith.constant 0 : index
    tpu.barrier barrier_id(%barrier3A)
    %scan3A_881 = arith.constant 0 : i32
    %scan3A_882 = arith.constant 0 : i32
    %scan3A_883 = arith.constant 24 : i32
    %scan3A_884 = arith.addi %scan3A_882, %scan3A_883 : i32
    %scan3A_885 = arith.constant 1 : i32
    scf.for %scan3A_887 = %scan3A_882 to %scan3A_884 step %scan3A_885  : i32 {
      %mul3A_888 = arith.constant 96 : i32
      %mul3A_889 = arith.muli %arg0, %mul3A_888 : i32
      %mul3A_890 = arith.constant 4 : i32
      %mul3A_891 = arith.muli %scan3A_887, %mul3A_890 : i32
      %add3A_892 = arith.addi %mul3A_889, %mul3A_891 : i32
      %scan3A_893 = arith.constant 0 : i32
      %scan3A_894 = arith.constant 0 : i32
      %scan3A_895 = arith.constant 16 : i32
      %scan3A_896 = arith.addi %scan3A_894, %scan3A_895 : i32
      %scan3A_897 = arith.constant 1 : i32
      scf.for %scan3A_1027 = %scan3A_894 to %scan3A_896 step %scan3A_897  : i32 {
        %mul3A_1028 = arith.constant 1024 : i32
        %mul3A_1029 = arith.muli %scan3A_1027, %mul3A_1028 : i32
        %add3A_1030 = arith.addi %mul3A_14, %mul3A_1029 : i32
        %multiple_of3A_1031 = tpu.assume_multiple %add3A_1030, 1024 : i32
        %add3A_1032 = arith.constant 0 : i32
        %add3A_1033 = arith.addi %add3A_892, %add3A_1032 : i32
        %dma_start3A_1034 = arith.constant 0 : i32
        %dma_start3A_1035 = arith.constant 0 : i32
        %dma_start3A_1036 = tpu.memref_slice %arg7[%dma_start3A_1034, %dma_start3A_1035] : memref<4x1024xf32, #tpu.memory_space<vmem>> -> memref<1x1024xf32, #tpu.memory_space<vmem>>
        %dma_start3A_1037 = tpu.memref_squeeze %dma_start3A_1036 : memref<1x1024xf32, #tpu.memory_space<vmem>> -> memref<1024xf32, #tpu.memory_space<vmem>>
        %dma_start3A_1038 = tpu.memref_slice %arg2[%add3A_1033, %multiple_of3A_1031] : memref<192x262144xf32, #tpu.memory_space<hbm>> -> memref<1x1024xf32, #tpu.memory_space<hbm>>
        %dma_start3A_1039 = tpu.memref_squeeze %dma_start3A_1038 : memref<1x1024xf32, #tpu.memory_space<hbm>> -> memref<1024xf32, #tpu.memory_space<hbm>>
        %dma_start3A_1040 = arith.constant 0 : i32
        %dma_start3A_1041 = tpu.memref_slice %arg7[%dma_start3A_1034, %dma_start3A_1040] : memref<4x1024xf32, #tpu.memory_space<vmem>> -> memref<1x1024xf32, #tpu.memory_space<vmem>>
        %dma_start3A_1042 = tpu.memref_squeeze %dma_start3A_1041 : memref<1x1024xf32, #tpu.memory_space<vmem>> -> memref<1024xf32, #tpu.memory_space<vmem>>
        %dma_start3A_1043 = tpu.memref_slice %arg2[%add3A_1033, %multiple_of3A_1031] : memref<192x262144xf32, #tpu.memory_space<hbm>> -> memref<1x1024xf32, #tpu.memory_space<hbm>>
        %dma_start3A_1044 = tpu.memref_squeeze %dma_start3A_1043 : memref<1x1024xf32, #tpu.memory_space<hbm>> -> memref<1024xf32, #tpu.memory_space<hbm>>
        tpu.enqueue_dma source(%dma_start3A_1044 : memref<1024xf32, #tpu.memory_space<hbm>>) target(%dma_start3A_1042 : memref<1024xf32, #tpu.memory_space<vmem>>) target_semaphore(%arg15 : memref<!tpu.dma_semaphore, #tpu.memory_space<semaphore_mem>>)
        %add3A_1045 = arith.constant 1 : i32
        %add3A_1046 = arith.addi %add3A_892, %add3A_1045 : i32
        %dma_start3A_1047 = arith.constant 1 : i32
        %dma_start3A_1048 = arith.constant 0 : i32
        %dma_start3A_1049 = tpu.memref_slice %arg7[%dma_start3A_1047, %dma_start3A_1048] : memref<4x1024xf32, #tpu.memory_space<vmem>> -> memref<1x1024xf32, #tpu.memory_space<vmem>>
        %dma_start3A_1050 = tpu.memref_squeeze %dma_start3A_1049 : memref<1x1024xf32, #tpu.memory_space<vmem>> -> memref<1024xf32, #tpu.memory_space<vmem>>
        %dma_start3A_1051 = tpu.memref_slice %arg2[%add3A_1046, %multiple_of3A_1031] : memref<192x262144xf32, #tpu.memory_space<hbm>> -> memref<1x1024xf32, #tpu.memory_space<hbm>>
        %dma_start3A_1052 = tpu.memref_squeeze %dma_start3A_1051 : memref<1x1024xf32, #tpu.memory_space<hbm>> -> memref<1024xf32, #tpu.memory_space<hbm>>
        %dma_start3A_1053 = arith.constant 0 : i32
        %dma_start3A_1054 = tpu.memref_slice %arg7[%dma_start3A_1047, %dma_start3A_1053] : memref<4x1024xf32, #tpu.memory_space<vmem>> -> memref<1x1024xf32, #tpu.memory_space<vmem>>
        %dma_start3A_1055 = tpu.memref_squeeze %dma_start3A_1054 : memref<1x1024xf32, #tpu.memory_space<vmem>> -> memref<1024xf32, #tpu.memory_space<vmem>>
        %dma_start3A_1056 = tpu.memref_slice %arg2[%add3A_1046, %multiple_of3A_1031] : memref<192x262144xf32, #tpu.memory_space<hbm>> -> memref<1x1024xf32, #tpu.memory_space<hbm>>
        %dma_start3A_1057 = tpu.memref_squeeze %dma_start3A_1056 : memref<1x1024xf32, #tpu.memory_space<hbm>> -> memref<1024xf32, #tpu.memory_space<hbm>>
        tpu.enqueue_dma source(%dma_start3A_1057 : memref<1024xf32, #tpu.memory_space<hbm>>) target(%dma_start3A_1055 : memref<1024xf32, #tpu.memory_space<vmem>>) target_semaphore(%arg15 : memref<!tpu.dma_semaphore, #tpu.memory_space<semaphore_mem>>)
        %add3A_1058 = arith.constant 2 : i32
        %add3A_1059 = arith.addi %add3A_892, %add3A_1058 : i32
        %dma_start3A_1060 = arith.constant 2 : i32
        %dma_start3A_1061 = arith.constant 0 : i32
        %dma_start3A_1062 = tpu.memref_slice %arg7[%dma_start3A_1060, %dma_start3A_1061] : memref<4x1024xf32, #tpu.memory_space<vmem>> -> memref<1x1024xf32, #tpu.memory_space<vmem>>
        %dma_start3A_1063 = tpu.memref_squeeze %dma_start3A_1062 : memref<1x1024xf32, #tpu.memory_space<vmem>> -> memref<1024xf32, #tpu.memory_space<vmem>>
        %dma_start3A_1064 = tpu.memref_slice %arg2[%add3A_1059, %multiple_of3A_1031] : memref<192x262144xf32, #tpu.memory_space<hbm>> -> memref<1x1024xf32, #tpu.memory_space<hbm>>
        %dma_start3A_1065 = tpu.memref_squeeze %dma_start3A_1064 : memref<1x1024xf32, #tpu.memory_space<hbm>> -> memref<1024xf32, #tpu.memory_space<hbm>>
        %dma_start3A_1066 = arith.constant 0 : i32
        %dma_start3A_1067 = tpu.memref_slice %arg7[%dma_start3A_1060, %dma_start3A_1066] : memref<4x1024xf32, #tpu.memory_space<vmem>> -> memref<1x1024xf32, #tpu.memory_space<vmem>>
        %dma_start3A_1068 = tpu.memref_squeeze %dma_start3A_1067 : memref<1x1024xf32, #tpu.memory_space<vmem>> -> memref<1024xf32, #tpu.memory_space<vmem>>
        %dma_start3A_1069 = tpu.memref_slice %arg2[%add3A_1059, %multiple_of3A_1031] : memref<192x262144xf32, #tpu.memory_space<hbm>> -> memref<1x1024xf32, #tpu.memory_space<hbm>>
        %dma_start3A_1070 = tpu.memref_squeeze %dma_start3A_1069 : memref<1x1024xf32, #tpu.memory_space<hbm>> -> memref<1024xf32, #tpu.memory_space<hbm>>
        tpu.enqueue_dma source(%dma_start3A_1070 : memref<1024xf32, #tpu.memory_space<hbm>>) target(%dma_start3A_1068 : memref<1024xf32, #tpu.memory_space<vmem>>) target_semaphore(%arg15 : memref<!tpu.dma_semaphore, #tpu.memory_space<semaphore_mem>>)
        %add3A_1071 = arith.constant 3 : i32
        %add3A_1072 = arith.addi %add3A_892, %add3A_1071 : i32
        %dma_start3A_1073 = arith.constant 3 : i32
        %dma_start3A_1074 = arith.constant 0 : i32
        %dma_start3A_1075 = tpu.memref_slice %arg7[%dma_start3A_1073, %dma_start3A_1074] : memref<4x1024xf32, #tpu.memory_space<vmem>> -> memref<1x1024xf32, #tpu.memory_space<vmem>>
        %dma_start3A_1076 = tpu.memref_squeeze %dma_start3A_1075 : memref<1x1024xf32, #tpu.memory_space<vmem>> -> memref<1024xf32, #tpu.memory_space<vmem>>
        %dma_start3A_1077 = tpu.memref_slice %arg2[%add3A_1072, %multiple_of3A_1031] : memref<192x262144xf32, #tpu.memory_space<hbm>> -> memref<1x1024xf32, #tpu.memory_space<hbm>>
        %dma_start3A_1078 = tpu.memref_squeeze %dma_start3A_1077 : memref<1x1024xf32, #tpu.memory_space<hbm>> -> memref<1024xf32, #tpu.memory_space<hbm>>
        %dma_start3A_1079 = arith.constant 0 : i32
        %dma_start3A_1080 = tpu.memref_slice %arg7[%dma_start3A_1073, %dma_start3A_1079] : memref<4x1024xf32, #tpu.memory_space<vmem>> -> memref<1x1024xf32, #tpu.memory_space<vmem>>
        %dma_start3A_1081 = tpu.memref_squeeze %dma_start3A_1080 : memref<1x1024xf32, #tpu.memory_space<vmem>> -> memref<1024xf32, #tpu.memory_space<vmem>>
        %dma_start3A_1082 = tpu.memref_slice %arg2[%add3A_1072, %multiple_of3A_1031] : memref<192x262144xf32, #tpu.memory_space<hbm>> -> memref<1x1024xf32, #tpu.memory_space<hbm>>
        %dma_start3A_1083 = tpu.memref_squeeze %dma_start3A_1082 : memref<1x1024xf32, #tpu.memory_space<hbm>> -> memref<1024xf32, #tpu.memory_space<hbm>>
        tpu.enqueue_dma source(%dma_start3A_1083 : memref<1024xf32, #tpu.memory_space<hbm>>) target(%dma_start3A_1081 : memref<1024xf32, #tpu.memory_space<vmem>>) target_semaphore(%arg15 : memref<!tpu.dma_semaphore, #tpu.memory_space<semaphore_mem>>)
        %dma_start3A_1084 = arith.constant 0 : i32
        %dma_start3A_1085 = arith.constant 0 : i32
        %dma_start3A_1086 = arith.constant 0 : i32
        %dma_start3A_1087 = tpu.memref_slice %arg8[%dma_start3A_1085, %dma_start3A_1086] : memref<4x1024xf32, #tpu.memory_space<vmem>> -> memref<1x1024xf32, #tpu.memory_space<vmem>>
        %dma_start3A_1088 = tpu.memref_squeeze %dma_start3A_1087 : memref<1x1024xf32, #tpu.memory_space<vmem>> -> memref<1024xf32, #tpu.memory_space<vmem>>
        %dma_start3A_1089 = tpu.memref_slice %arg4[%dma_start3A_1084, %multiple_of3A_1031] : memref<4x262144xf32, #tpu.memory_space<hbm>> -> memref<1x1024xf32, #tpu.memory_space<hbm>>
        %dma_start3A_1090 = tpu.memref_squeeze %dma_start3A_1089 : memref<1x1024xf32, #tpu.memory_space<hbm>> -> memref<1024xf32, #tpu.memory_space<hbm>>
        %dma_start3A_1091 = arith.constant 0 : i32
        %dma_start3A_1092 = tpu.memref_slice %arg8[%dma_start3A_1085, %dma_start3A_1091] : memref<4x1024xf32, #tpu.memory_space<vmem>> -> memref<1x1024xf32, #tpu.memory_space<vmem>>
        %dma_start3A_1093 = tpu.memref_squeeze %dma_start3A_1092 : memref<1x1024xf32, #tpu.memory_space<vmem>> -> memref<1024xf32, #tpu.memory_space<vmem>>
        %dma_start3A_1094 = tpu.memref_slice %arg4[%dma_start3A_1084, %multiple_of3A_1031] : memref<4x262144xf32, #tpu.memory_space<hbm>> -> memref<1x1024xf32, #tpu.memory_space<hbm>>
        %dma_start3A_1095 = tpu.memref_squeeze %dma_start3A_1094 : memref<1x1024xf32, #tpu.memory_space<hbm>> -> memref<1024xf32, #tpu.memory_space<hbm>>
        tpu.enqueue_dma source(%dma_start3A_1095 : memref<1024xf32, #tpu.memory_space<hbm>>) target(%dma_start3A_1093 : memref<1024xf32, #tpu.memory_space<vmem>>) target_semaphore(%arg15 : memref<!tpu.dma_semaphore, #tpu.memory_space<semaphore_mem>>)
        %dma_start3A_1096 = arith.constant 1 : i32
        %dma_start3A_1097 = arith.constant 1 : i32
        %dma_start3A_1098 = arith.constant 0 : i32
        %dma_start3A_1099 = tpu.memref_slice %arg8[%dma_start3A_1097, %dma_start3A_1098] : memref<4x1024xf32, #tpu.memory_space<vmem>> -> memref<1x1024xf32, #tpu.memory_space<vmem>>
        %dma_start3A_1100 = tpu.memref_squeeze %dma_start3A_1099 : memref<1x1024xf32, #tpu.memory_space<vmem>> -> memref<1024xf32, #tpu.memory_space<vmem>>
        %dma_start3A_1101 = tpu.memref_slice %arg4[%dma_start3A_1096, %multiple_of3A_1031] : memref<4x262144xf32, #tpu.memory_space<hbm>> -> memref<1x1024xf32, #tpu.memory_space<hbm>>
        %dma_start3A_1102 = tpu.memref_squeeze %dma_start3A_1101 : memref<1x1024xf32, #tpu.memory_space<hbm>> -> memref<1024xf32, #tpu.memory_space<hbm>>
        %dma_start3A_1103 = arith.constant 0 : i32
        %dma_start3A_1104 = tpu.memref_slice %arg8[%dma_start3A_1097, %dma_start3A_1103] : memref<4x1024xf32, #tpu.memory_space<vmem>> -> memref<1x1024xf32, #tpu.memory_space<vmem>>
        %dma_start3A_1105 = tpu.memref_squeeze %dma_start3A_1104 : memref<1x1024xf32, #tpu.memory_space<vmem>> -> memref<1024xf32, #tpu.memory_space<vmem>>
        %dma_start3A_1106 = tpu.memref_slice %arg4[%dma_start3A_1096, %multiple_of3A_1031] : memref<4x262144xf32, #tpu.memory_space<hbm>> -> memref<1x1024xf32, #tpu.memory_space<hbm>>
        %dma_start3A_1107 = tpu.memref_squeeze %dma_start3A_1106 : memref<1x1024xf32, #tpu.memory_space<hbm>> -> memref<1024xf32, #tpu.memory_space<hbm>>
        tpu.enqueue_dma source(%dma_start3A_1107 : memref<1024xf32, #tpu.memory_space<hbm>>) target(%dma_start3A_1105 : memref<1024xf32, #tpu.memory_space<vmem>>) target_semaphore(%arg15 : memref<!tpu.dma_semaphore, #tpu.memory_space<semaphore_mem>>)
        %dma_start3A_1108 = arith.constant 2 : i32
        %dma_start3A_1109 = arith.constant 2 : i32
        %dma_start3A_1110 = arith.constant 0 : i32
        %dma_start3A_1111 = tpu.memref_slice %arg8[%dma_start3A_1109, %dma_start3A_1110] : memref<4x1024xf32, #tpu.memory_space<vmem>> -> memref<1x1024xf32, #tpu.memory_space<vmem>>
        %dma_start3A_1112 = tpu.memref_squeeze %dma_start3A_1111 : memref<1x1024xf32, #tpu.memory_space<vmem>> -> memref<1024xf32, #tpu.memory_space<vmem>>
        %dma_start3A_1113 = tpu.memref_slice %arg4[%dma_start3A_1108, %multiple_of3A_1031] : memref<4x262144xf32, #tpu.memory_space<hbm>> -> memref<1x1024xf32, #tpu.memory_space<hbm>>
        %dma_start3A_1114 = tpu.memref_squeeze %dma_start3A_1113 : memref<1x1024xf32, #tpu.memory_space<hbm>> -> memref<1024xf32, #tpu.memory_space<hbm>>
        %dma_start3A_1115 = arith.constant 0 : i32
        %dma_start3A_1116 = tpu.memref_slice %arg8[%dma_start3A_1109, %dma_start3A_1115] : memref<4x1024xf32, #tpu.memory_space<vmem>> -> memref<1x1024xf32, #tpu.memory_space<vmem>>
        %dma_start3A_1117 = tpu.memref_squeeze %dma_start3A_1116 : memref<1x1024xf32, #tpu.memory_space<vmem>> -> memref<1024xf32, #tpu.memory_space<vmem>>
        %dma_start3A_1118 = tpu.memref_slice %arg4[%dma_start3A_1108, %multiple_of3A_1031] : memref<4x262144xf32, #tpu.memory_space<hbm>> -> memref<1x1024xf32, #tpu.memory_space<hbm>>
        %dma_start3A_1119 = tpu.memref_squeeze %dma_start3A_1118 : memref<1x1024xf32, #tpu.memory_space<hbm>> -> memref<1024xf32, #tpu.memory_space<hbm>>
        tpu.enqueue_dma source(%dma_start3A_1119 : memref<1024xf32, #tpu.memory_space<hbm>>) target(%dma_start3A_1117 : memref<1024xf32, #tpu.memory_space<vmem>>) target_semaphore(%arg15 : memref<!tpu.dma_semaphore, #tpu.memory_space<semaphore_mem>>)
        %dma_start3A_1120 = arith.constant 3 : i32
        %dma_start3A_1121 = arith.constant 3 : i32
        %dma_start3A_1122 = arith.constant 0 : i32
        %dma_start3A_1123 = tpu.memref_slice %arg8[%dma_start3A_1121, %dma_start3A_1122] : memref<4x1024xf32, #tpu.memory_space<vmem>> -> memref<1x1024xf32, #tpu.memory_space<vmem>>
        %dma_start3A_1124 = tpu.memref_squeeze %dma_start3A_1123 : memref<1x1024xf32, #tpu.memory_space<vmem>> -> memref<1024xf32, #tpu.memory_space<vmem>>
        %dma_start3A_1125 = tpu.memref_slice %arg4[%dma_start3A_1120, %multiple_of3A_1031] : memref<4x262144xf32, #tpu.memory_space<hbm>> -> memref<1x1024xf32, #tpu.memory_space<hbm>>
        %dma_start3A_1126 = tpu.memref_squeeze %dma_start3A_1125 : memref<1x1024xf32, #tpu.memory_space<hbm>> -> memref<1024xf32, #tpu.memory_space<hbm>>
        %dma_start3A_1127 = arith.constant 0 : i32
        %dma_start3A_1128 = tpu.memref_slice %arg8[%dma_start3A_1121, %dma_start3A_1127] : memref<4x1024xf32, #tpu.memory_space<vmem>> -> memref<1x1024xf32, #tpu.memory_space<vmem>>
        %dma_start3A_1129 = tpu.memref_squeeze %dma_start3A_1128 : memref<1x1024xf32, #tpu.memory_space<vmem>> -> memref<1024xf32, #tpu.memory_space<vmem>>
        %dma_start3A_1130 = tpu.memref_slice %arg4[%dma_start3A_1120, %multiple_of3A_1031] : memref<4x262144xf32, #tpu.memory_space<hbm>> -> memref<1x1024xf32, #tpu.memory_space<hbm>>
        %dma_start3A_1131 = tpu.memref_squeeze %dma_start3A_1130 : memref<1x1024xf32, #tpu.memory_space<hbm>> -> memref<1024xf32, #tpu.memory_space<hbm>>
        tpu.enqueue_dma source(%dma_start3A_1131 : memref<1024xf32, #tpu.memory_space<hbm>>) target(%dma_start3A_1129 : memref<1024xf32, #tpu.memory_space<vmem>>) target_semaphore(%arg15 : memref<!tpu.dma_semaphore, #tpu.memory_space<semaphore_mem>>)
        "tpu.region"() ({
          %run_scoped3A = tpu.sem_alloc : memref<!tpu.dma_semaphore, #tpu.memory_space<semaphore_mem>>
          %dma_start3A_1275 = tpu.memref_slice %arg3[%multiple_of3A_1031] : memref<262144xi32, #tpu.memory_space<hbm>> -> memref<1024xi32, #tpu.memory_space<hbm>>
          %dma_start3A_1276 = tpu.memref_slice %arg3[%multiple_of3A_1031] : memref<262144xi32, #tpu.memory_space<hbm>> -> memref<1024xi32, #tpu.memory_space<hbm>>
          tpu.enqueue_dma source(%dma_start3A_1276 : memref<1024xi32, #tpu.memory_space<hbm>>) target(%arg9 : memref<1024xi32, #tpu.memory_space<vmem>>) target_semaphore(%run_scoped3A : memref<!tpu.dma_semaphore, #tpu.memory_space<semaphore_mem>>)
          %dma_wait3A_1277 = tpu.memref_slice %arg3[%multiple_of3A_1031] : memref<262144xi32, #tpu.memory_space<hbm>> -> memref<1024xi32, #tpu.memory_space<hbm>>
          %dma_wait3A_1278 = tpu.memref_slice %arg3[%multiple_of3A_1031] : memref<262144xi32, #tpu.memory_space<hbm>> -> memref<1024xi32, #tpu.memory_space<hbm>>
          tpu.wait_dma2 semaphore(%run_scoped3A : memref<!tpu.dma_semaphore, #tpu.memory_space<semaphore_mem>>) src(%dma_wait3A_1278 : memref<1024xi32, #tpu.memory_space<hbm>>) dst(%arg9 : memref<1024xi32, #tpu.memory_space<vmem>>)
          tpu.yield
        }) : () -> ()
        %gt3A = arith.constant 0 : i32
        %gt3A_1132 = arith.cmpi sgt, %scan3A_1027, %gt3A : i32
        %convert_element_type3A = arith.extui %gt3A_1132 : i1 to i32
        %cond3A = arith.constant 0 : i32
        %cond3A_1133 = arith.cmpi ne, %convert_element_type3A, %cond3A : i32
        scf.if %cond3A_1133 {
          %scan3A_1275 = arith.constant 0 : i32
          %scan3A_1276 = arith.constant 0 : i32
          %scan3A_1277 = arith.constant 16 : i32
          %scan3A_1278 = arith.addi %scan3A_1276, %scan3A_1277 : i32
          %scan3A_1279 = arith.constant 1 : i32
          scf.for %scan3A_1281 = %scan3A_1276 to %scan3A_1278 step %scan3A_1279  : i32 {
            %mul3A_1282 = arith.constant 128 : i32
            %mul3A_1283 = arith.muli %scan3A_1281, %mul3A_1282 : i32
            %multiple_of3A_1284 = tpu.assume_multiple %mul3A_1283, 128 : i32
            %dma_wait3A_1285 = arith.constant 0 : i32
            %dma_wait3A_1286 = arith.constant 0 : i32
            %dma_wait3A_1287 = arith.constant 0 : i32
            %dma_wait3A_1288 = tpu.memref_slice %arg11[%dma_wait3A_1285, %multiple_of3A_1284, %dma_wait3A_1287] : memref<2x2048x8xf32, #tpu.memory_space<vmem>> -> memref<1x128x8xf32, #tpu.memory_space<vmem>>
            %dma_wait3A_1289 = tpu.memref_squeeze %dma_wait3A_1288 : memref<1x128x8xf32, #tpu.memory_space<vmem>> -> memref<128x8xf32, #tpu.memory_space<vmem>>
            %dma_wait3A_1290 = arith.constant 0 : i32
            %dma_wait3A_1291 = tpu.memref_slice %arg10[%dma_wait3A_1286, %scan3A_1281, %dma_wait3A_1290] : memref<2x16x128xi32, #tpu.memory_space<vmem>> -> memref<1x1x128xi32, #tpu.memory_space<vmem>>
            %dma_wait3A_1292 = tpu.memref_squeeze %dma_wait3A_1291 : memref<1x1x128xi32, #tpu.memory_space<vmem>> -> memref<128xi32, #tpu.memory_space<vmem>>
            %dma_wait3A_1293 = arith.constant 0 : i32
            %dma_wait3A_1294 = arith.constant 0 : i32
            %dma_wait3A_1295 = tpu.memref_slice %arg6[%dma_wait3A_1293, %dma_wait3A_1294] : memref<131072x8xf32, #tpu.memory_space<vmem_shared>> -> memref<131072x8xf32, #tpu.memory_space<vmem_shared>>
            tpu.wait_indirect_dma semaphore(%arg14 : memref<!tpu.dma_semaphore, #tpu.memory_space<semaphore_mem>>) src(%dma_wait3A_1289 : memref<128x8xf32, #tpu.memory_space<vmem>>) dst(%dma_wait3A_1295 : memref<131072x8xf32, #tpu.memory_space<vmem_shared>>)
          }
          %scan3A_1280 = arith.constant 16 : i32
        } else {
        }
        %scan3A_1134 = arith.constant 0 : i32
        %scan3A_1135 = arith.constant 0 : i32
        %scan3A_1136 = arith.constant 8 : i32
        %scan3A_1137 = arith.addi %scan3A_1135, %scan3A_1136 : i32
        %scan3A_1138 = arith.constant 1 : i32
        scf.for %scan3A_1275 = %scan3A_1135 to %scan3A_1137 step %scan3A_1138  : i32 {
          %multiple_of3A_1276 = arith.constant 0 : i32
          %multiple_of3A_1277 = tpu.assume_multiple %multiple_of3A_1276, 16 : i32
          %mul3A_1278 = arith.constant 128 : i32
          %mul3A_1279 = arith.muli %scan3A_1275, %mul3A_1278 : i32
          %add3A_1280 = arith.constant 0 : i32
          %add3A_1281 = arith.addi %mul3A_1279, %add3A_1280 : i32
          %multiple_of3A_1282 = tpu.assume_multiple %add3A_1281, 16 : i32
          %get3A = arith.index_cast %multiple_of3A_1282 : i32 to index
          %get3A_1283 = tpu.vector_load %arg9[%get3A] {strides = array<i32>} : memref<1024xi32, #tpu.memory_space<vmem>>, vector<16xi32>,
          %add3A_1284 = arith.constant 0 : i32
          %add3A_1285 = vector.broadcast %add3A_1284 : i32 to vector<16xi32>
          %add3A_1286 = arith.addi %get3A_1283, %add3A_1285 : vector<16xi32>
          %shift_right_arithmetic3A_1287 = arith.constant 1 : i32
          %shift_right_arithmetic3A_1288 = vector.broadcast %shift_right_arithmetic3A_1287 : i32 to vector<16xi32>
          %shift_right_arithmetic3A_1289 = arith.shrsi %add3A_1286, %shift_right_arithmetic3A_1288 : vector<16xi32>
          %swap3A = arith.constant 0 : i32
          %swap3A_1290 = arith.index_cast %swap3A : i32 to index
          %swap3A_1291 = arith.index_cast %scan3A_1275 : i32 to index
          %swap3A_1292 = arith.index_cast %multiple_of3A_1277 : i32 to index
          %swap3A_1293 = tpu.vector_load %arg10[%swap3A_1290, %swap3A_1291, %swap3A_1292] {strides = array<i32>} : memref<2x16x128xi32, #tpu.memory_space<vmem>>, vector<16xi32>,
          tpu.vector_store %arg10[%swap3A_1290, %swap3A_1291, %swap3A_1292], %shift_right_arithmetic3A_1289 {strides = array<i32>} : memref<2x16x128xi32, #tpu.memory_space<vmem>>, vector<16xi32>,
          %add3A_1294 = arith.constant 1 : i32
          %add3A_1295 = vector.broadcast %add3A_1294 : i32 to vector<16xi32>
          %add3A_1296 = arith.addi %add3A_1286, %add3A_1295 : vector<16xi32>
          %shift_right_arithmetic3A_1297 = arith.constant 1 : i32
          %shift_right_arithmetic3A_1298 = vector.broadcast %shift_right_arithmetic3A_1297 : i32 to vector<16xi32>
          %shift_right_arithmetic3A_1299 = arith.shrsi %add3A_1296, %shift_right_arithmetic3A_1298 : vector<16xi32>
          %add3A_1300 = arith.constant 8 : i32
          %add3A_1301 = arith.addi %add3A_1300, %scan3A_1275 : i32
          %swap3A_1302 = arith.constant 0 : i32
          %swap3A_1303 = arith.index_cast %swap3A_1302 : i32 to index
          %swap3A_1304 = arith.index_cast %add3A_1301 : i32 to index
          %swap3A_1305 = arith.index_cast %multiple_of3A_1277 : i32 to index
          %swap3A_1306 = tpu.vector_load %arg10[%swap3A_1303, %swap3A_1304, %swap3A_1305] {strides = array<i32>} : memref<2x16x128xi32, #tpu.memory_space<vmem>>, vector<16xi32>,
          tpu.vector_store %arg10[%swap3A_1303, %swap3A_1304, %swap3A_1305], %shift_right_arithmetic3A_1299 {strides = array<i32>} : memref<2x16x128xi32, #tpu.memory_space<vmem>>, vector<16xi32>,
          %multiple_of3A_1307 = arith.constant 16 : i32
          %multiple_of3A_1308 = tpu.assume_multiple %multiple_of3A_1307, 16 : i32
          %mul3A_1309 = arith.constant 128 : i32
          %mul3A_1310 = arith.muli %scan3A_1275, %mul3A_1309 : i32
          %add3A_1311 = arith.constant 16 : i32
          %add3A_1312 = arith.addi %mul3A_1310, %add3A_1311 : i32
          %multiple_of3A_1313 = tpu.assume_multiple %add3A_1312, 16 : i32
          %get3A_1314 = arith.index_cast %multiple_of3A_1313 : i32 to index
          %get3A_1315 = tpu.vector_load %arg9[%get3A_1314] {strides = array<i32>} : memref<1024xi32, #tpu.memory_space<vmem>>, vector<16xi32>,
          %add3A_1316 = arith.constant 0 : i32
          %add3A_1317 = vector.broadcast %add3A_1316 : i32 to vector<16xi32>
          %add3A_1318 = arith.addi %get3A_1315, %add3A_1317 : vector<16xi32>
          %shift_right_arithmetic3A_1319 = arith.constant 1 : i32
          %shift_right_arithmetic3A_1320 = vector.broadcast %shift_right_arithmetic3A_1319 : i32 to vector<16xi32>
          %shift_right_arithmetic3A_1321 = arith.shrsi %add3A_1318, %shift_right_arithmetic3A_1320 : vector<16xi32>
          %swap3A_1322 = arith.constant 0 : i32
          %swap3A_1323 = arith.index_cast %swap3A_1322 : i32 to index
          %swap3A_1324 = arith.index_cast %scan3A_1275 : i32 to index
          %swap3A_1325 = arith.index_cast %multiple_of3A_1308 : i32 to index
          %swap3A_1326 = tpu.vector_load %arg10[%swap3A_1323, %swap3A_1324, %swap3A_1325] {strides = array<i32>} : memref<2x16x128xi32, #tpu.memory_space<vmem>>, vector<16xi32>,
          tpu.vector_store %arg10[%swap3A_1323, %swap3A_1324, %swap3A_1325], %shift_right_arithmetic3A_1321 {strides = array<i32>} : memref<2x16x128xi32, #tpu.memory_space<vmem>>, vector<16xi32>,
          %add3A_1327 = arith.constant 1 : i32
          %add3A_1328 = vector.broadcast %add3A_1327 : i32 to vector<16xi32>
          %add3A_1329 = arith.addi %add3A_1318, %add3A_1328 : vector<16xi32>
          %shift_right_arithmetic3A_1330 = arith.constant 1 : i32
          %shift_right_arithmetic3A_1331 = vector.broadcast %shift_right_arithmetic3A_1330 : i32 to vector<16xi32>
          %shift_right_arithmetic3A_1332 = arith.shrsi %add3A_1329, %shift_right_arithmetic3A_1331 : vector<16xi32>
          %add3A_1333 = arith.constant 8 : i32
          %add3A_1334 = arith.addi %add3A_1333, %scan3A_1275 : i32
          %swap3A_1335 = arith.constant 0 : i32
          %swap3A_1336 = arith.index_cast %swap3A_1335 : i32 to index
          %swap3A_1337 = arith.index_cast %add3A_1334 : i32 to index
          %swap3A_1338 = arith.index_cast %multiple_of3A_1308 : i32 to index
          %swap3A_1339 = tpu.vector_load %arg10[%swap3A_1336, %swap3A_1337, %swap3A_1338] {strides = array<i32>} : memref<2x16x128xi32, #tpu.memory_space<vmem>>, vector<16xi32>,
          tpu.vector_store %arg10[%swap3A_1336, %swap3A_1337, %swap3A_1338], %shift_right_arithmetic3A_1332 {strides = array<i32>} : memref<2x16x128xi32, #tpu.memory_space<vmem>>, vector<16xi32>,
          %multiple_of3A_1340 = arith.constant 32 : i32
          %multiple_of3A_1341 = tpu.assume_multiple %multiple_of3A_1340, 16 : i32
          %mul3A_1342 = arith.constant 128 : i32
          %mul3A_1343 = arith.muli %scan3A_1275, %mul3A_1342 : i32
          %add3A_1344 = arith.constant 32 : i32
          %add3A_1345 = arith.addi %mul3A_1343, %add3A_1344 : i32
          %multiple_of3A_1346 = tpu.assume_multiple %add3A_1345, 16 : i32
          %get3A_1347 = arith.index_cast %multiple_of3A_1346 : i32 to index
          %get3A_1348 = tpu.vector_load %arg9[%get3A_1347] {strides = array<i32>} : memref<1024xi32, #tpu.memory_space<vmem>>, vector<16xi32>,
          %add3A_1349 = arith.constant 0 : i32
          %add3A_1350 = vector.broadcast %add3A_1349 : i32 to vector<16xi32>
          %add3A_1351 = arith.addi %get3A_1348, %add3A_1350 : vector<16xi32>
          %shift_right_arithmetic3A_1352 = arith.constant 1 : i32
          %shift_right_arithmetic3A_1353 = vector.broadcast %shift_right_arithmetic3A_1352 : i32 to vector<16xi32>
          %shift_right_arithmetic3A_1354 = arith.shrsi %add3A_1351, %shift_right_arithmetic3A_1353 : vector<16xi32>
          %swap3A_1355 = arith.constant 0 : i32
          %swap3A_1356 = arith.index_cast %swap3A_1355 : i32 to index
          %swap3A_1357 = arith.index_cast %scan3A_1275 : i32 to index
          %swap3A_1358 = arith.index_cast %multiple_of3A_1341 : i32 to index
          %swap3A_1359 = tpu.vector_load %arg10[%swap3A_1356, %swap3A_1357, %swap3A_1358] {strides = array<i32>} : memref<2x16x128xi32, #tpu.memory_space<vmem>>, vector<16xi32>,
          tpu.vector_store %arg10[%swap3A_1356, %swap3A_1357, %swap3A_1358], %shift_right_arithmetic3A_1354 {strides = array<i32>} : memref<2x16x128xi32, #tpu.memory_space<vmem>>, vector<16xi32>,
          %add3A_1360 = arith.constant 1 : i32
          %add3A_1361 = vector.broadcast %add3A_1360 : i32 to vector<16xi32>
          %add3A_1362 = arith.addi %add3A_1351, %add3A_1361 : vector<16xi32>
          %shift_right_arithmetic3A_1363 = arith.constant 1 : i32
          %shift_right_arithmetic3A_1364 = vector.broadcast %shift_right_arithmetic3A_1363 : i32 to vector<16xi32>
          %shift_right_arithmetic3A_1365 = arith.shrsi %add3A_1362, %shift_right_arithmetic3A_1364 : vector<16xi32>
          %add3A_1366 = arith.constant 8 : i32
          %add3A_1367 = arith.addi %add3A_1366, %scan3A_1275 : i32
          %swap3A_1368 = arith.constant 0 : i32
          %swap3A_1369 = arith.index_cast %swap3A_1368 : i32 to index
          %swap3A_1370 = arith.index_cast %add3A_1367 : i32 to index
          %swap3A_1371 = arith.index_cast %multiple_of3A_1341 : i32 to index
          %swap3A_1372 = tpu.vector_load %arg10[%swap3A_1369, %swap3A_1370, %swap3A_1371] {strides = array<i32>} : memref<2x16x128xi32, #tpu.memory_space<vmem>>, vector<16xi32>,
          tpu.vector_store %arg10[%swap3A_1369, %swap3A_1370, %swap3A_1371], %shift_right_arithmetic3A_1365 {strides = array<i32>} : memref<2x16x128xi32, #tpu.memory_space<vmem>>, vector<16xi32>,
          %multiple_of3A_1373 = arith.constant 48 : i32
          %multiple_of3A_1374 = tpu.assume_multiple %multiple_of3A_1373, 16 : i32
          %mul3A_1375 = arith.constant 128 : i32
          %mul3A_1376 = arith.muli %scan3A_1275, %mul3A_1375 : i32
          %add3A_1377 = arith.constant 48 : i32
          %add3A_1378 = arith.addi %mul3A_1376, %add3A_1377 : i32
          %multiple_of3A_1379 = tpu.assume_multiple %add3A_1378, 16 : i32
          %get3A_1380 = arith.index_cast %multiple_of3A_1379 : i32 to index
          %get3A_1381 = tpu.vector_load %arg9[%get3A_1380] {strides = array<i32>} : memref<1024xi32, #tpu.memory_space<vmem>>, vector<16xi32>,
          %add3A_1382 = arith.constant 0 : i32
          %add3A_1383 = vector.broadcast %add3A_1382 : i32 to vector<16xi32>
          %add3A_1384 = arith.addi %get3A_1381, %add3A_1383 : vector<16xi32>
          %shift_right_arithmetic3A_1385 = arith.constant 1 : i32
          %shift_right_arithmetic3A_1386 = vector.broadcast %shift_right_arithmetic3A_1385 : i32 to vector<16xi32>
          %shift_right_arithmetic3A_1387 = arith.shrsi %add3A_1384, %shift_right_arithmetic3A_1386 : vector<16xi32>
          %swap3A_1388 = arith.constant 0 : i32
          %swap3A_1389 = arith.index_cast %swap3A_1388 : i32 to index
          %swap3A_1390 = arith.index_cast %scan3A_1275 : i32 to index
          %swap3A_1391 = arith.index_cast %multiple_of3A_1374 : i32 to index
          %swap3A_1392 = tpu.vector_load %arg10[%swap3A_1389, %swap3A_1390, %swap3A_1391] {strides = array<i32>} : memref<2x16x128xi32, #tpu.memory_space<vmem>>, vector<16xi32>,
          tpu.vector_store %arg10[%swap3A_1389, %swap3A_1390, %swap3A_1391], %shift_right_arithmetic3A_1387 {strides = array<i32>} : memref<2x16x128xi32, #tpu.memory_space<vmem>>, vector<16xi32>,
          %add3A_1393 = arith.constant 1 : i32
          %add3A_1394 = vector.broadcast %add3A_1393 : i32 to vector<16xi32>
          %add3A_1395 = arith.addi %add3A_1384, %add3A_1394 : vector<16xi32>
          %shift_right_arithmetic3A_1396 = arith.constant 1 : i32
          %shift_right_arithmetic3A_1397 = vector.broadcast %shift_right_arithmetic3A_1396 : i32 to vector<16xi32>
          %shift_right_arithmetic3A_1398 = arith.shrsi %add3A_1395, %shift_right_arithmetic3A_1397 : vector<16xi32>
          %add3A_1399 = arith.constant 8 : i32
          %add3A_1400 = arith.addi %add3A_1399, %scan3A_1275 : i32
          %swap3A_1401 = arith.constant 0 : i32
          %swap3A_1402 = arith.index_cast %swap3A_1401 : i32 to index
          %swap3A_1403 = arith.index_cast %add3A_1400 : i32 to index
          %swap3A_1404 = arith.index_cast %multiple_of3A_1374 : i32 to index
          %swap3A_1405 = tpu.vector_load %arg10[%swap3A_1402, %swap3A_1403, %swap3A_1404] {strides = array<i32>} : memref<2x16x128xi32, #tpu.memory_space<vmem>>, vector<16xi32>,
          tpu.vector_store %arg10[%swap3A_1402, %swap3A_1403, %swap3A_1404], %shift_right_arithmetic3A_1398 {strides = array<i32>} : memref<2x16x128xi32, #tpu.memory_space<vmem>>, vector<16xi32>,
          %multiple_of3A_1406 = arith.constant 64 : i32
          %multiple_of3A_1407 = tpu.assume_multiple %multiple_of3A_1406, 16 : i32
          %mul3A_1408 = arith.constant 128 : i32
          %mul3A_1409 = arith.muli %scan3A_1275, %mul3A_1408 : i32
          %add3A_1410 = arith.constant 64 : i32
          %add3A_1411 = arith.addi %mul3A_1409, %add3A_1410 : i32
          %multiple_of3A_1412 = tpu.assume_multiple %add3A_1411, 16 : i32
          %get3A_1413 = arith.index_cast %multiple_of3A_1412 : i32 to index
          %get3A_1414 = tpu.vector_load %arg9[%get3A_1413] {strides = array<i32>} : memref<1024xi32, #tpu.memory_space<vmem>>, vector<16xi32>,
          %add3A_1415 = arith.constant 0 : i32
          %add3A_1416 = vector.broadcast %add3A_1415 : i32 to vector<16xi32>
          %add3A_1417 = arith.addi %get3A_1414, %add3A_1416 : vector<16xi32>
          %shift_right_arithmetic3A_1418 = arith.constant 1 : i32
          %shift_right_arithmetic3A_1419 = vector.broadcast %shift_right_arithmetic3A_1418 : i32 to vector<16xi32>
          %shift_right_arithmetic3A_1420 = arith.shrsi %add3A_1417, %shift_right_arithmetic3A_1419 : vector<16xi32>
          %swap3A_1421 = arith.constant 0 : i32
          %swap3A_1422 = arith.index_cast %swap3A_1421 : i32 to index
          %swap3A_1423 = arith.index_cast %scan3A_1275 : i32 to index
          %swap3A_1424 = arith.index_cast %multiple_of3A_1407 : i32 to index
          %swap3A_1425 = tpu.vector_load %arg10[%swap3A_1422, %swap3A_1423, %swap3A_1424] {strides = array<i32>} : memref<2x16x128xi32, #tpu.memory_space<vmem>>, vector<16xi32>,
          tpu.vector_store %arg10[%swap3A_1422, %swap3A_1423, %swap3A_1424], %shift_right_arithmetic3A_1420 {strides = array<i32>} : memref<2x16x128xi32, #tpu.memory_space<vmem>>, vector<16xi32>,
          %add3A_1426 = arith.constant 1 : i32
          %add3A_1427 = vector.broadcast %add3A_1426 : i32 to vector<16xi32>
          %add3A_1428 = arith.addi %add3A_1417, %add3A_1427 : vector<16xi32>
          %shift_right_arithmetic3A_1429 = arith.constant 1 : i32
          %shift_right_arithmetic3A_1430 = vector.broadcast %shift_right_arithmetic3A_1429 : i32 to vector<16xi32>
          %shift_right_arithmetic3A_1431 = arith.shrsi %add3A_1428, %shift_right_arithmetic3A_1430 : vector<16xi32>
          %add3A_1432 = arith.constant 8 : i32
          %add3A_1433 = arith.addi %add3A_1432, %scan3A_1275 : i32
          %swap3A_1434 = arith.constant 0 : i32
          %swap3A_1435 = arith.index_cast %swap3A_1434 : i32 to index
          %swap3A_1436 = arith.index_cast %add3A_1433 : i32 to index
          %swap3A_1437 = arith.index_cast %multiple_of3A_1407 : i32 to index
          %swap3A_1438 = tpu.vector_load %arg10[%swap3A_1435, %swap3A_1436, %swap3A_1437] {strides = array<i32>} : memref<2x16x128xi32, #tpu.memory_space<vmem>>, vector<16xi32>,
          tpu.vector_store %arg10[%swap3A_1435, %swap3A_1436, %swap3A_1437], %shift_right_arithmetic3A_1431 {strides = array<i32>} : memref<2x16x128xi32, #tpu.memory_space<vmem>>, vector<16xi32>,
          %multiple_of3A_1439 = arith.constant 80 : i32
          %multiple_of3A_1440 = tpu.assume_multiple %multiple_of3A_1439, 16 : i32
          %mul3A_1441 = arith.constant 128 : i32
          %mul3A_1442 = arith.muli %scan3A_1275, %mul3A_1441 : i32
          %add3A_1443 = arith.constant 80 : i32
          %add3A_1444 = arith.addi %mul3A_1442, %add3A_1443 : i32
          %multiple_of3A_1445 = tpu.assume_multiple %add3A_1444, 16 : i32
          %get3A_1446 = arith.index_cast %multiple_of3A_1445 : i32 to index
          %get3A_1447 = tpu.vector_load %arg9[%get3A_1446] {strides = array<i32>} : memref<1024xi32, #tpu.memory_space<vmem>>, vector<16xi32>,
          %add3A_1448 = arith.constant 0 : i32
          %add3A_1449 = vector.broadcast %add3A_1448 : i32 to vector<16xi32>
          %add3A_1450 = arith.addi %get3A_1447, %add3A_1449 : vector<16xi32>
          %shift_right_arithmetic3A_1451 = arith.constant 1 : i32
          %shift_right_arithmetic3A_1452 = vector.broadcast %shift_right_arithmetic3A_1451 : i32 to vector<16xi32>
          %shift_right_arithmetic3A_1453 = arith.shrsi %add3A_1450, %shift_right_arithmetic3A_1452 : vector<16xi32>
          %swap3A_1454 = arith.constant 0 : i32
          %swap3A_1455 = arith.index_cast %swap3A_1454 : i32 to index
          %swap3A_1456 = arith.index_cast %scan3A_1275 : i32 to index
          %swap3A_1457 = arith.index_cast %multiple_of3A_1440 : i32 to index
          %swap3A_1458 = tpu.vector_load %arg10[%swap3A_1455, %swap3A_1456, %swap3A_1457] {strides = array<i32>} : memref<2x16x128xi32, #tpu.memory_space<vmem>>, vector<16xi32>,
          tpu.vector_store %arg10[%swap3A_1455, %swap3A_1456, %swap3A_1457], %shift_right_arithmetic3A_1453 {strides = array<i32>} : memref<2x16x128xi32, #tpu.memory_space<vmem>>, vector<16xi32>,
          %add3A_1459 = arith.constant 1 : i32
          %add3A_1460 = vector.broadcast %add3A_1459 : i32 to vector<16xi32>
          %add3A_1461 = arith.addi %add3A_1450, %add3A_1460 : vector<16xi32>
          %shift_right_arithmetic3A_1462 = arith.constant 1 : i32
          %shift_right_arithmetic3A_1463 = vector.broadcast %shift_right_arithmetic3A_1462 : i32 to vector<16xi32>
          %shift_right_arithmetic3A_1464 = arith.shrsi %add3A_1461, %shift_right_arithmetic3A_1463 : vector<16xi32>
          %add3A_1465 = arith.constant 8 : i32
          %add3A_1466 = arith.addi %add3A_1465, %scan3A_1275 : i32
          %swap3A_1467 = arith.constant 0 : i32
          %swap3A_1468 = arith.index_cast %swap3A_1467 : i32 to index
          %swap3A_1469 = arith.index_cast %add3A_1466 : i32 to index
          %swap3A_1470 = arith.index_cast %multiple_of3A_1440 : i32 to index
          %swap3A_1471 = tpu.vector_load %arg10[%swap3A_1468, %swap3A_1469, %swap3A_1470] {strides = array<i32>} : memref<2x16x128xi32, #tpu.memory_space<vmem>>, vector<16xi32>,
          tpu.vector_store %arg10[%swap3A_1468, %swap3A_1469, %swap3A_1470], %shift_right_arithmetic3A_1464 {strides = array<i32>} : memref<2x16x128xi32, #tpu.memory_space<vmem>>, vector<16xi32>,
          %multiple_of3A_1472 = arith.constant 96 : i32
          %multiple_of3A_1473 = tpu.assume_multiple %multiple_of3A_1472, 16 : i32
          %mul3A_1474 = arith.constant 128 : i32
          %mul3A_1475 = arith.muli %scan3A_1275, %mul3A_1474 : i32
          %add3A_1476 = arith.constant 96 : i32
          %add3A_1477 = arith.addi %mul3A_1475, %add3A_1476 : i32
          %multiple_of3A_1478 = tpu.assume_multiple %add3A_1477, 16 : i32
          %get3A_1479 = arith.index_cast %multiple_of3A_1478 : i32 to index
          %get3A_1480 = tpu.vector_load %arg9[%get3A_1479] {strides = array<i32>} : memref<1024xi32, #tpu.memory_space<vmem>>, vector<16xi32>,
          %add3A_1481 = arith.constant 0 : i32
          %add3A_1482 = vector.broadcast %add3A_1481 : i32 to vector<16xi32>
          %add3A_1483 = arith.addi %get3A_1480, %add3A_1482 : vector<16xi32>
          %shift_right_arithmetic3A_1484 = arith.constant 1 : i32
          %shift_right_arithmetic3A_1485 = vector.broadcast %shift_right_arithmetic3A_1484 : i32 to vector<16xi32>
          %shift_right_arithmetic3A_1486 = arith.shrsi %add3A_1483, %shift_right_arithmetic3A_1485 : vector<16xi32>
          %swap3A_1487 = arith.constant 0 : i32
          %swap3A_1488 = arith.index_cast %swap3A_1487 : i32 to index
          %swap3A_1489 = arith.index_cast %scan3A_1275 : i32 to index
          %swap3A_1490 = arith.index_cast %multiple_of3A_1473 : i32 to index
          %swap3A_1491 = tpu.vector_load %arg10[%swap3A_1488, %swap3A_1489, %swap3A_1490] {strides = array<i32>} : memref<2x16x128xi32, #tpu.memory_space<vmem>>, vector<16xi32>,
          tpu.vector_store %arg10[%swap3A_1488, %swap3A_1489, %swap3A_1490], %shift_right_arithmetic3A_1486 {strides = array<i32>} : memref<2x16x128xi32, #tpu.memory_space<vmem>>, vector<16xi32>,
          %add3A_1492 = arith.constant 1 : i32
          %add3A_1493 = vector.broadcast %add3A_1492 : i32 to vector<16xi32>
          %add3A_1494 = arith.addi %add3A_1483, %add3A_1493 : vector<16xi32>
          %shift_right_arithmetic3A_1495 = arith.constant 1 : i32
          %shift_right_arithmetic3A_1496 = vector.broadcast %shift_right_arithmetic3A_1495 : i32 to vector<16xi32>
          %shift_right_arithmetic3A_1497 = arith.shrsi %add3A_1494, %shift_right_arithmetic3A_1496 : vector<16xi32>
          %add3A_1498 = arith.constant 8 : i32
          %add3A_1499 = arith.addi %add3A_1498, %scan3A_1275 : i32
          %swap3A_1500 = arith.constant 0 : i32
          %swap3A_1501 = arith.index_cast %swap3A_1500 : i32 to index
          %swap3A_1502 = arith.index_cast %add3A_1499 : i32 to index
          %swap3A_1503 = arith.index_cast %multiple_of3A_1473 : i32 to index
          %swap3A_1504 = tpu.vector_load %arg10[%swap3A_1501, %swap3A_1502, %swap3A_1503] {strides = array<i32>} : memref<2x16x128xi32, #tpu.memory_space<vmem>>, vector<16xi32>,
          tpu.vector_store %arg10[%swap3A_1501, %swap3A_1502, %swap3A_1503], %shift_right_arithmetic3A_1497 {strides = array<i32>} : memref<2x16x128xi32, #tpu.memory_space<vmem>>, vector<16xi32>,
          %multiple_of3A_1505 = arith.constant 112 : i32
          %multiple_of3A_1506 = tpu.assume_multiple %multiple_of3A_1505, 16 : i32
          %mul3A_1507 = arith.constant 128 : i32
          %mul3A_1508 = arith.muli %scan3A_1275, %mul3A_1507 : i32
          %add3A_1509 = arith.constant 112 : i32
          %add3A_1510 = arith.addi %mul3A_1508, %add3A_1509 : i32
          %multiple_of3A_1511 = tpu.assume_multiple %add3A_1510, 16 : i32
          %get3A_1512 = arith.index_cast %multiple_of3A_1511 : i32 to index
          %get3A_1513 = tpu.vector_load %arg9[%get3A_1512] {strides = array<i32>} : memref<1024xi32, #tpu.memory_space<vmem>>, vector<16xi32>,
          %add3A_1514 = arith.constant 0 : i32
          %add3A_1515 = vector.broadcast %add3A_1514 : i32 to vector<16xi32>
          %add3A_1516 = arith.addi %get3A_1513, %add3A_1515 : vector<16xi32>
          %shift_right_arithmetic3A_1517 = arith.constant 1 : i32
          %shift_right_arithmetic3A_1518 = vector.broadcast %shift_right_arithmetic3A_1517 : i32 to vector<16xi32>
          %shift_right_arithmetic3A_1519 = arith.shrsi %add3A_1516, %shift_right_arithmetic3A_1518 : vector<16xi32>
          %swap3A_1520 = arith.constant 0 : i32
          %swap3A_1521 = arith.index_cast %swap3A_1520 : i32 to index
          %swap3A_1522 = arith.index_cast %scan3A_1275 : i32 to index
          %swap3A_1523 = arith.index_cast %multiple_of3A_1506 : i32 to index
          %swap3A_1524 = tpu.vector_load %arg10[%swap3A_1521, %swap3A_1522, %swap3A_1523] {strides = array<i32>} : memref<2x16x128xi32, #tpu.memory_space<vmem>>, vector<16xi32>,
          tpu.vector_store %arg10[%swap3A_1521, %swap3A_1522, %swap3A_1523], %shift_right_arithmetic3A_1519 {strides = array<i32>} : memref<2x16x128xi32, #tpu.memory_space<vmem>>, vector<16xi32>,
          %add3A_1525 = arith.constant 1 : i32
          %add3A_1526 = vector.broadcast %add3A_1525 : i32 to vector<16xi32>
          %add3A_1527 = arith.addi %add3A_1516, %add3A_1526 : vector<16xi32>
          %shift_right_arithmetic3A_1528 = arith.constant 1 : i32
          %shift_right_arithmetic3A_1529 = vector.broadcast %shift_right_arithmetic3A_1528 : i32 to vector<16xi32>
          %shift_right_arithmetic3A_1530 = arith.shrsi %add3A_1527, %shift_right_arithmetic3A_1529 : vector<16xi32>
          %add3A_1531 = arith.constant 8 : i32
          %add3A_1532 = arith.addi %add3A_1531, %scan3A_1275 : i32
          %swap3A_1533 = arith.constant 0 : i32
          %swap3A_1534 = arith.index_cast %swap3A_1533 : i32 to index
          %swap3A_1535 = arith.index_cast %add3A_1532 : i32 to index
          %swap3A_1536 = arith.index_cast %multiple_of3A_1506 : i32 to index
          %swap3A_1537 = tpu.vector_load %arg10[%swap3A_1534, %swap3A_1535, %swap3A_1536] {strides = array<i32>} : memref<2x16x128xi32, #tpu.memory_space<vmem>>, vector<16xi32>,
          tpu.vector_store %arg10[%swap3A_1534, %swap3A_1535, %swap3A_1536], %shift_right_arithmetic3A_1530 {strides = array<i32>} : memref<2x16x128xi32, #tpu.memory_space<vmem>>, vector<16xi32>,
        }
        %scan3A_1139 = arith.constant 8 : i32
        %add3A_1140 = arith.constant 0 : i32
        %add3A_1141 = arith.addi %add3A_892, %add3A_1140 : i32
        %dma_wait3A_1142 = arith.constant 0 : i32
        %dma_wait3A_1143 = arith.constant 0 : i32
        %dma_wait3A_1144 = tpu.memref_slice %arg7[%dma_wait3A_1142, %dma_wait3A_1143] : memref<4x1024xf32, #tpu.memory_space<vmem>> -> memref<1x1024xf32, #tpu.memory_space<vmem>>
        %dma_wait3A_1145 = tpu.memref_squeeze %dma_wait3A_1144 : memref<1x1024xf32, #tpu.memory_space<vmem>> -> memref<1024xf32, #tpu.memory_space<vmem>>
        %dma_wait3A_1146 = tpu.memref_slice %arg2[%add3A_1141, %multiple_of3A_1031] : memref<192x262144xf32, #tpu.memory_space<hbm>> -> memref<1x1024xf32, #tpu.memory_space<hbm>>
        %dma_wait3A_1147 = tpu.memref_squeeze %dma_wait3A_1146 : memref<1x1024xf32, #tpu.memory_space<hbm>> -> memref<1024xf32, #tpu.memory_space<hbm>>
        %dma_wait3A_1148 = arith.constant 0 : i32
        %dma_wait3A_1149 = tpu.memref_slice %arg7[%dma_wait3A_1142, %dma_wait3A_1148] : memref<4x1024xf32, #tpu.memory_space<vmem>> -> memref<1x1024xf32, #tpu.memory_space<vmem>>
        %dma_wait3A_1150 = tpu.memref_squeeze %dma_wait3A_1149 : memref<1x1024xf32, #tpu.memory_space<vmem>> -> memref<1024xf32, #tpu.memory_space<vmem>>
        %dma_wait3A_1151 = tpu.memref_slice %arg2[%add3A_1141, %multiple_of3A_1031] : memref<192x262144xf32, #tpu.memory_space<hbm>> -> memref<1x1024xf32, #tpu.memory_space<hbm>>
        %dma_wait3A_1152 = tpu.memref_squeeze %dma_wait3A_1151 : memref<1x1024xf32, #tpu.memory_space<hbm>> -> memref<1024xf32, #tpu.memory_space<hbm>>
        tpu.wait_dma2 semaphore(%arg15 : memref<!tpu.dma_semaphore, #tpu.memory_space<semaphore_mem>>) src(%dma_wait3A_1152 : memref<1024xf32, #tpu.memory_space<hbm>>) dst(%dma_wait3A_1150 : memref<1024xf32, #tpu.memory_space<vmem>>)
        %add3A_1153 = arith.constant 1 : i32
        %add3A_1154 = arith.addi %add3A_892, %add3A_1153 : i32
        %dma_wait3A_1155 = arith.constant 1 : i32
        %dma_wait3A_1156 = arith.constant 0 : i32
        %dma_wait3A_1157 = tpu.memref_slice %arg7[%dma_wait3A_1155, %dma_wait3A_1156] : memref<4x1024xf32, #tpu.memory_space<vmem>> -> memref<1x1024xf32, #tpu.memory_space<vmem>>
        %dma_wait3A_1158 = tpu.memref_squeeze %dma_wait3A_1157 : memref<1x1024xf32, #tpu.memory_space<vmem>> -> memref<1024xf32, #tpu.memory_space<vmem>>
        %dma_wait3A_1159 = tpu.memref_slice %arg2[%add3A_1154, %multiple_of3A_1031] : memref<192x262144xf32, #tpu.memory_space<hbm>> -> memref<1x1024xf32, #tpu.memory_space<hbm>>
        %dma_wait3A_1160 = tpu.memref_squeeze %dma_wait3A_1159 : memref<1x1024xf32, #tpu.memory_space<hbm>> -> memref<1024xf32, #tpu.memory_space<hbm>>
        %dma_wait3A_1161 = arith.constant 0 : i32
        %dma_wait3A_1162 = tpu.memref_slice %arg7[%dma_wait3A_1155, %dma_wait3A_1161] : memref<4x1024xf32, #tpu.memory_space<vmem>> -> memref<1x1024xf32, #tpu.memory_space<vmem>>
        %dma_wait3A_1163 = tpu.memref_squeeze %dma_wait3A_1162 : memref<1x1024xf32, #tpu.memory_space<vmem>> -> memref<1024xf32, #tpu.memory_space<vmem>>
        %dma_wait3A_1164 = tpu.memref_slice %arg2[%add3A_1154, %multiple_of3A_1031] : memref<192x262144xf32, #tpu.memory_space<hbm>> -> memref<1x1024xf32, #tpu.memory_space<hbm>>
        %dma_wait3A_1165 = tpu.memref_squeeze %dma_wait3A_1164 : memref<1x1024xf32, #tpu.memory_space<hbm>> -> memref<1024xf32, #tpu.memory_space<hbm>>
        tpu.wait_dma2 semaphore(%arg15 : memref<!tpu.dma_semaphore, #tpu.memory_space<semaphore_mem>>) src(%dma_wait3A_1165 : memref<1024xf32, #tpu.memory_space<hbm>>) dst(%dma_wait3A_1163 : memref<1024xf32, #tpu.memory_space<vmem>>)
        %add3A_1166 = arith.constant 2 : i32
        %add3A_1167 = arith.addi %add3A_892, %add3A_1166 : i32
        %dma_wait3A_1168 = arith.constant 2 : i32
        %dma_wait3A_1169 = arith.constant 0 : i32
        %dma_wait3A_1170 = tpu.memref_slice %arg7[%dma_wait3A_1168, %dma_wait3A_1169] : memref<4x1024xf32, #tpu.memory_space<vmem>> -> memref<1x1024xf32, #tpu.memory_space<vmem>>
        %dma_wait3A_1171 = tpu.memref_squeeze %dma_wait3A_1170 : memref<1x1024xf32, #tpu.memory_space<vmem>> -> memref<1024xf32, #tpu.memory_space<vmem>>
        %dma_wait3A_1172 = tpu.memref_slice %arg2[%add3A_1167, %multiple_of3A_1031] : memref<192x262144xf32, #tpu.memory_space<hbm>> -> memref<1x1024xf32, #tpu.memory_space<hbm>>
        %dma_wait3A_1173 = tpu.memref_squeeze %dma_wait3A_1172 : memref<1x1024xf32, #tpu.memory_space<hbm>> -> memref<1024xf32, #tpu.memory_space<hbm>>
        %dma_wait3A_1174 = arith.constant 0 : i32
        %dma_wait3A_1175 = tpu.memref_slice %arg7[%dma_wait3A_1168, %dma_wait3A_1174] : memref<4x1024xf32, #tpu.memory_space<vmem>> -> memref<1x1024xf32, #tpu.memory_space<vmem>>
        %dma_wait3A_1176 = tpu.memref_squeeze %dma_wait3A_1175 : memref<1x1024xf32, #tpu.memory_space<vmem>> -> memref<1024xf32, #tpu.memory_space<vmem>>
        %dma_wait3A_1177 = tpu.memref_slice %arg2[%add3A_1167, %multiple_of3A_1031] : memref<192x262144xf32, #tpu.memory_space<hbm>> -> memref<1x1024xf32, #tpu.memory_space<hbm>>
        %dma_wait3A_1178 = tpu.memref_squeeze %dma_wait3A_1177 : memref<1x1024xf32, #tpu.memory_space<hbm>> -> memref<1024xf32, #tpu.memory_space<hbm>>
        tpu.wait_dma2 semaphore(%arg15 : memref<!tpu.dma_semaphore, #tpu.memory_space<semaphore_mem>>) src(%dma_wait3A_1178 : memref<1024xf32, #tpu.memory_space<hbm>>) dst(%dma_wait3A_1176 : memref<1024xf32, #tpu.memory_space<vmem>>)
        %add3A_1179 = arith.constant 3 : i32
        %add3A_1180 = arith.addi %add3A_892, %add3A_1179 : i32
        %dma_wait3A_1181 = arith.constant 3 : i32
        %dma_wait3A_1182 = arith.constant 0 : i32
        %dma_wait3A_1183 = tpu.memref_slice %arg7[%dma_wait3A_1181, %dma_wait3A_1182] : memref<4x1024xf32, #tpu.memory_space<vmem>> -> memref<1x1024xf32, #tpu.memory_space<vmem>>
        %dma_wait3A_1184 = tpu.memref_squeeze %dma_wait3A_1183 : memref<1x1024xf32, #tpu.memory_space<vmem>> -> memref<1024xf32, #tpu.memory_space<vmem>>
        %dma_wait3A_1185 = tpu.memref_slice %arg2[%add3A_1180, %multiple_of3A_1031] : memref<192x262144xf32, #tpu.memory_space<hbm>> -> memref<1x1024xf32, #tpu.memory_space<hbm>>
        %dma_wait3A_1186 = tpu.memref_squeeze %dma_wait3A_1185 : memref<1x1024xf32, #tpu.memory_space<hbm>> -> memref<1024xf32, #tpu.memory_space<hbm>>
        %dma_wait3A_1187 = arith.constant 0 : i32
        %dma_wait3A_1188 = tpu.memref_slice %arg7[%dma_wait3A_1181, %dma_wait3A_1187] : memref<4x1024xf32, #tpu.memory_space<vmem>> -> memref<1x1024xf32, #tpu.memory_space<vmem>>
        %dma_wait3A_1189 = tpu.memref_squeeze %dma_wait3A_1188 : memref<1x1024xf32, #tpu.memory_space<vmem>> -> memref<1024xf32, #tpu.memory_space<vmem>>
        %dma_wait3A_1190 = tpu.memref_slice %arg2[%add3A_1180, %multiple_of3A_1031] : memref<192x262144xf32, #tpu.memory_space<hbm>> -> memref<1x1024xf32, #tpu.memory_space<hbm>>
        %dma_wait3A_1191 = tpu.memref_squeeze %dma_wait3A_1190 : memref<1x1024xf32, #tpu.memory_space<hbm>> -> memref<1024xf32, #tpu.memory_space<hbm>>
        tpu.wait_dma2 semaphore(%arg15 : memref<!tpu.dma_semaphore, #tpu.memory_space<semaphore_mem>>) src(%dma_wait3A_1191 : memref<1024xf32, #tpu.memory_space<hbm>>) dst(%dma_wait3A_1189 : memref<1024xf32, #tpu.memory_space<vmem>>)
        %dma_wait3A_1192 = arith.constant 0 : i32
        %dma_wait3A_1193 = arith.constant 0 : i32
        %dma_wait3A_1194 = arith.constant 0 : i32
        %dma_wait3A_1195 = tpu.memref_slice %arg8[%dma_wait3A_1193, %dma_wait3A_1194] : memref<4x1024xf32, #tpu.memory_space<vmem>> -> memref<1x1024xf32, #tpu.memory_space<vmem>>
        %dma_wait3A_1196 = tpu.memref_squeeze %dma_wait3A_1195 : memref<1x1024xf32, #tpu.memory_space<vmem>> -> memref<1024xf32, #tpu.memory_space<vmem>>
        %dma_wait3A_1197 = tpu.memref_slice %arg4[%dma_wait3A_1192, %multiple_of3A_1031] : memref<4x262144xf32, #tpu.memory_space<hbm>> -> memref<1x1024xf32, #tpu.memory_space<hbm>>
        %dma_wait3A_1198 = tpu.memref_squeeze %dma_wait3A_1197 : memref<1x1024xf32, #tpu.memory_space<hbm>> -> memref<1024xf32, #tpu.memory_space<hbm>>
        %dma_wait3A_1199 = arith.constant 0 : i32
        %dma_wait3A_1200 = tpu.memref_slice %arg8[%dma_wait3A_1193, %dma_wait3A_1199] : memref<4x1024xf32, #tpu.memory_space<vmem>> -> memref<1x1024xf32, #tpu.memory_space<vmem>>
        %dma_wait3A_1201 = tpu.memref_squeeze %dma_wait3A_1200 : memref<1x1024xf32, #tpu.memory_space<vmem>> -> memref<1024xf32, #tpu.memory_space<vmem>>
        %dma_wait3A_1202 = tpu.memref_slice %arg4[%dma_wait3A_1192, %multiple_of3A_1031] : memref<4x262144xf32, #tpu.memory_space<hbm>> -> memref<1x1024xf32, #tpu.memory_space<hbm>>
        %dma_wait3A_1203 = tpu.memref_squeeze %dma_wait3A_1202 : memref<1x1024xf32, #tpu.memory_space<hbm>> -> memref<1024xf32, #tpu.memory_space<hbm>>
        tpu.wait_dma2 semaphore(%arg15 : memref<!tpu.dma_semaphore, #tpu.memory_space<semaphore_mem>>) src(%dma_wait3A_1203 : memref<1024xf32, #tpu.memory_space<hbm>>) dst(%dma_wait3A_1201 : memref<1024xf32, #tpu.memory_space<vmem>>)
        %dma_wait3A_1204 = arith.constant 1 : i32
        %dma_wait3A_1205 = arith.constant 1 : i32
        %dma_wait3A_1206 = arith.constant 0 : i32
        %dma_wait3A_1207 = tpu.memref_slice %arg8[%dma_wait3A_1205, %dma_wait3A_1206] : memref<4x1024xf32, #tpu.memory_space<vmem>> -> memref<1x1024xf32, #tpu.memory_space<vmem>>
        %dma_wait3A_1208 = tpu.memref_squeeze %dma_wait3A_1207 : memref<1x1024xf32, #tpu.memory_space<vmem>> -> memref<1024xf32, #tpu.memory_space<vmem>>
        %dma_wait3A_1209 = tpu.memref_slice %arg4[%dma_wait3A_1204, %multiple_of3A_1031] : memref<4x262144xf32, #tpu.memory_space<hbm>> -> memref<1x1024xf32, #tpu.memory_space<hbm>>
        %dma_wait3A_1210 = tpu.memref_squeeze %dma_wait3A_1209 : memref<1x1024xf32, #tpu.memory_space<hbm>> -> memref<1024xf32, #tpu.memory_space<hbm>>
        %dma_wait3A_1211 = arith.constant 0 : i32
        %dma_wait3A_1212 = tpu.memref_slice %arg8[%dma_wait3A_1205, %dma_wait3A_1211] : memref<4x1024xf32, #tpu.memory_space<vmem>> -> memref<1x1024xf32, #tpu.memory_space<vmem>>
        %dma_wait3A_1213 = tpu.memref_squeeze %dma_wait3A_1212 : memref<1x1024xf32, #tpu.memory_space<vmem>> -> memref<1024xf32, #tpu.memory_space<vmem>>
        %dma_wait3A_1214 = tpu.memref_slice %arg4[%dma_wait3A_1204, %multiple_of3A_1031] : memref<4x262144xf32, #tpu.memory_space<hbm>> -> memref<1x1024xf32, #tpu.memory_space<hbm>>
        %dma_wait3A_1215 = tpu.memref_squeeze %dma_wait3A_1214 : memref<1x1024xf32, #tpu.memory_space<hbm>> -> memref<1024xf32, #tpu.memory_space<hbm>>
        tpu.wait_dma2 semaphore(%arg15 : memref<!tpu.dma_semaphore, #tpu.memory_space<semaphore_mem>>) src(%dma_wait3A_1215 : memref<1024xf32, #tpu.memory_space<hbm>>) dst(%dma_wait3A_1213 : memref<1024xf32, #tpu.memory_space<vmem>>)
        %dma_wait3A_1216 = arith.constant 2 : i32
        %dma_wait3A_1217 = arith.constant 2 : i32
        %dma_wait3A_1218 = arith.constant 0 : i32
        %dma_wait3A_1219 = tpu.memref_slice %arg8[%dma_wait3A_1217, %dma_wait3A_1218] : memref<4x1024xf32, #tpu.memory_space<vmem>> -> memref<1x1024xf32, #tpu.memory_space<vmem>>
        %dma_wait3A_1220 = tpu.memref_squeeze %dma_wait3A_1219 : memref<1x1024xf32, #tpu.memory_space<vmem>> -> memref<1024xf32, #tpu.memory_space<vmem>>
        %dma_wait3A_1221 = tpu.memref_slice %arg4[%dma_wait3A_1216, %multiple_of3A_1031] : memref<4x262144xf32, #tpu.memory_space<hbm>> -> memref<1x1024xf32, #tpu.memory_space<hbm>>
        %dma_wait3A_1222 = tpu.memref_squeeze %dma_wait3A_1221 : memref<1x1024xf32, #tpu.memory_space<hbm>> -> memref<1024xf32, #tpu.memory_space<hbm>>
        %dma_wait3A_1223 = arith.constant 0 : i32
        %dma_wait3A_1224 = tpu.memref_slice %arg8[%dma_wait3A_1217, %dma_wait3A_1223] : memref<4x1024xf32, #tpu.memory_space<vmem>> -> memref<1x1024xf32, #tpu.memory_space<vmem>>
        %dma_wait3A_1225 = tpu.memref_squeeze %dma_wait3A_1224 : memref<1x1024xf32, #tpu.memory_space<vmem>> -> memref<1024xf32, #tpu.memory_space<vmem>>
        %dma_wait3A_1226 = tpu.memref_slice %arg4[%dma_wait3A_1216, %multiple_of3A_1031] : memref<4x262144xf32, #tpu.memory_space<hbm>> -> memref<1x1024xf32, #tpu.memory_space<hbm>>
        %dma_wait3A_1227 = tpu.memref_squeeze %dma_wait3A_1226 : memref<1x1024xf32, #tpu.memory_space<hbm>> -> memref<1024xf32, #tpu.memory_space<hbm>>
        tpu.wait_dma2 semaphore(%arg15 : memref<!tpu.dma_semaphore, #tpu.memory_space<semaphore_mem>>) src(%dma_wait3A_1227 : memref<1024xf32, #tpu.memory_space<hbm>>) dst(%dma_wait3A_1225 : memref<1024xf32, #tpu.memory_space<vmem>>)
        %dma_wait3A_1228 = arith.constant 3 : i32
        %dma_wait3A_1229 = arith.constant 3 : i32
        %dma_wait3A_1230 = arith.constant 0 : i32
        %dma_wait3A_1231 = tpu.memref_slice %arg8[%dma_wait3A_1229, %dma_wait3A_1230] : memref<4x1024xf32, #tpu.memory_space<vmem>> -> memref<1x1024xf32, #tpu.memory_space<vmem>>
        %dma_wait3A_1232 = tpu.memref_squeeze %dma_wait3A_1231 : memref<1x1024xf32, #tpu.memory_space<vmem>> -> memref<1024xf32, #tpu.memory_space<vmem>>
        %dma_wait3A_1233 = tpu.memref_slice %arg4[%dma_wait3A_1228, %multiple_of3A_1031] : memref<4x262144xf32, #tpu.memory_space<hbm>> -> memref<1x1024xf32, #tpu.memory_space<hbm>>
        %dma_wait3A_1234 = tpu.memref_squeeze %dma_wait3A_1233 : memref<1x1024xf32, #tpu.memory_space<hbm>> -> memref<1024xf32, #tpu.memory_space<hbm>>
        %dma_wait3A_1235 = arith.constant 0 : i32
        %dma_wait3A_1236 = tpu.memref_slice %arg8[%dma_wait3A_1229, %dma_wait3A_1235] : memref<4x1024xf32, #tpu.memory_space<vmem>> -> memref<1x1024xf32, #tpu.memory_space<vmem>>
        %dma_wait3A_1237 = tpu.memref_squeeze %dma_wait3A_1236 : memref<1x1024xf32, #tpu.memory_space<vmem>> -> memref<1024xf32, #tpu.memory_space<vmem>>
        %dma_wait3A_1238 = tpu.memref_slice %arg4[%dma_wait3A_1228, %multiple_of3A_1031] : memref<4x262144xf32, #tpu.memory_space<hbm>> -> memref<1x1024xf32, #tpu.memory_space<hbm>>
        %dma_wait3A_1239 = tpu.memref_squeeze %dma_wait3A_1238 : memref<1x1024xf32, #tpu.memory_space<hbm>> -> memref<1024xf32, #tpu.memory_space<hbm>>
        tpu.wait_dma2 semaphore(%arg15 : memref<!tpu.dma_semaphore, #tpu.memory_space<semaphore_mem>>) src(%dma_wait3A_1239 : memref<1024xf32, #tpu.memory_space<hbm>>) dst(%dma_wait3A_1237 : memref<1024xf32, #tpu.memory_space<vmem>>)
        %scan3A_1240 = arith.constant 0 : i32
        %scan3A_1241 = arith.constant 0 : i32
        %scan3A_1242 = arith.constant 32 : i32
        %scan3A_1243 = arith.addi %scan3A_1241, %scan3A_1242 : i32
        %scan3A_1244 = arith.constant 1 : i32
        scf.for %scan3A_1275 = %scan3A_1241 to %scan3A_1243 step %scan3A_1244  : i32 {
          %mul3A_1276 = arith.constant 2 : i32
          %mul3A_1277 = arith.muli %scan3A_1275, %mul3A_1276 : i32
          %add3A_1278 = arith.constant 0 : i32
          %add3A_1279 = arith.addi %mul3A_1277, %add3A_1278 : i32
          %mul3A_1280 = arith.constant 16 : i32
          %mul3A_1281 = arith.muli %add3A_1279, %mul3A_1280 : i32
          %multiple_of3A_1282 = tpu.assume_multiple %mul3A_1281, 16 : i32
          %mul3A_1283 = arith.constant 16 : i32
          %mul3A_1284 = arith.muli %add3A_1279, %mul3A_1283 : i32
          %add3A_1285 = vector.broadcast %mul3A_1284 : i32 to vector<16xi32>
          %add3A_1286 = arith.addi %add3A_1285, %iota3A : vector<16xi32>
          %get3A = arith.index_cast %multiple_of3A_1282 : i32 to index
          %get3A_1287 = tpu.vector_load %arg9[%get3A] {strides = array<i32>} : memref<1024xi32, #tpu.memory_space<vmem>>, vector<16xi32>,
          %add3A_1288 = arith.constant 0 : i32
          %add3A_1289 = vector.broadcast %add3A_1288 : i32 to vector<16xi32>
          %add3A_1290 = arith.addi %get3A_1287, %add3A_1289 : vector<16xi32>
          %and3A_1291 = arith.constant 1 : i32
          %and3A_1292 = vector.broadcast %and3A_1291 : i32 to vector<16xi32>
          %and3A_1293 = arith.andi %add3A_1290, %and3A_1292 : vector<16xi32>
          %eq3A = arith.constant 0 : i32
          %eq3A_1294 = vector.broadcast %eq3A : i32 to vector<16xi32>
          %eq3A_1295 = arith.cmpi eq, %and3A_1293, %eq3A_1294 : vector<16xi32>
          %get3A_1296 = arith.constant 0 : i32
          %get3A_1297 = arith.index_cast %get3A_1296 : i32 to index
          %get3A_1298 = arith.index_cast %multiple_of3A_1282 : i32 to index
          %get3A_1299 = tpu.vector_load %arg8[%get3A_1297, %get3A_1298] {strides = array<i32>} : memref<4x1024xf32, #tpu.memory_space<vmem>>, vector<16xf32>,
          %get3A_1300 = arith.constant 1 : i32
          %get3A_1301 = arith.index_cast %get3A_1300 : i32 to index
          %get3A_1302 = arith.index_cast %multiple_of3A_1282 : i32 to index
          %get3A_1303 = tpu.vector_load %arg8[%get3A_1301, %get3A_1302] {strides = array<i32>} : memref<4x1024xf32, #tpu.memory_space<vmem>>, vector<16xf32>,
          %add3A_1304 = arith.constant 1024 : i32
          %add3A_1305 = vector.broadcast %add3A_1304 : i32 to vector<16xi32>
          %add3A_1306 = arith.addi %add3A_1305, %add3A_1286 : vector<16xi32>
          %get3A_1307 = arith.constant 0 : i32
          %get3A_1308 = arith.index_cast %get3A_1307 : i32 to index
          %get3A_1309 = arith.index_cast %multiple_of3A_1282 : i32 to index
          %get3A_1310 = tpu.vector_load %arg7[%get3A_1308, %get3A_1309] {strides = array<i32>} : memref<4x1024xf32, #tpu.memory_space<vmem>>, vector<16xf32>,
          %mul3A_1311 = arith.mulf %get3A_1310, %get3A_1299 : vector<16xf32>
          %mul3A_1312 = arith.mulf %get3A_1310, %get3A_1303 : vector<16xf32>
          %broadcast_in_dim3A_1313 = arith.constant 0 : i32
          %broadcast_in_dim3A_1314 = vector.broadcast %broadcast_in_dim3A_1313 : i32 to vector<16xi32>
          %jit3A_1315 = arith.constant 0.000000e+00 : f32
          %broadcast_in_dim3A_1316 = vector.broadcast %jit3A_1315 : f32 to vector<16xf32>
          %select_n3A_1317 = arith.select %eq3A_1295, %mul3A_1311, %broadcast_in_dim3A_1316 : vector<16xi1>, vector<16xf32>
          %scatter3A = arith.constant 0 : i32
          %scatter3A_1318 = arith.constant 0 : i32
          %scatter3A_1319 = arith.constant 0 : i32
          %scatter3A_1320 = tpu.memref_slice %arg11[%scatter3A, %scatter3A_1318, %scatter3A_1319] : memref<2x2048x8xf32, #tpu.memory_space<vmem>> -> memref<1x2048x8xf32, #tpu.memory_space<vmem>>
          %scatter3A_1321 = tpu.memref_squeeze %scatter3A_1320 : memref<1x2048x8xf32, #tpu.memory_space<vmem>> -> memref<2048x8xf32, #tpu.memory_space<vmem>>
          tpu.vector_store_idx %scatter3A_1321[%add3A_1286, %broadcast_in_dim3A_1314], %select_n3A_1317 : memref<2048x8xf32, #tpu.memory_space<vmem>>[vector<16xi32>, vector<16xi32>], vector<16xf32>,
          %add3A_1322 = arith.constant 4 : i32
          %add3A_1323 = vector.broadcast %add3A_1322 : i32 to vector<16xi32>
          %add3A_1324 = arith.addi %broadcast_in_dim3A_1314, %add3A_1323 : vector<16xi32>
          %select_n3A_1325 = arith.select %eq3A_1295, %mul3A_1312, %mul3A_1311 : vector<16xi1>, vector<16xf32>
          %scatter3A_1326 = arith.constant 0 : i32
          %scatter3A_1327 = arith.constant 0 : i32
          %scatter3A_1328 = arith.constant 0 : i32
          %scatter3A_1329 = tpu.memref_slice %arg11[%scatter3A_1326, %scatter3A_1327, %scatter3A_1328] : memref<2x2048x8xf32, #tpu.memory_space<vmem>> -> memref<1x2048x8xf32, #tpu.memory_space<vmem>>
          %scatter3A_1330 = tpu.memref_squeeze %scatter3A_1329 : memref<1x2048x8xf32, #tpu.memory_space<vmem>> -> memref<2048x8xf32, #tpu.memory_space<vmem>>
          tpu.vector_store_idx %scatter3A_1330[%add3A_1286, %add3A_1324], %select_n3A_1325 : memref<2048x8xf32, #tpu.memory_space<vmem>>[vector<16xi32>, vector<16xi32>], vector<16xf32>,
          %jit3A_1331 = arith.constant 0.000000e+00 : f32
          %broadcast_in_dim3A_1332 = vector.broadcast %jit3A_1331 : f32 to vector<16xf32>
          %select_n3A_1333 = arith.select %eq3A_1295, %broadcast_in_dim3A_1332, %mul3A_1312 : vector<16xi1>, vector<16xf32>
          %scatter3A_1334 = arith.constant 0 : i32
          %scatter3A_1335 = arith.constant 0 : i32
          %scatter3A_1336 = arith.constant 0 : i32
          %scatter3A_1337 = tpu.memref_slice %arg11[%scatter3A_1334, %scatter3A_1335, %scatter3A_1336] : memref<2x2048x8xf32, #tpu.memory_space<vmem>> -> memref<1x2048x8xf32, #tpu.memory_space<vmem>>
          %scatter3A_1338 = tpu.memref_squeeze %scatter3A_1337 : memref<1x2048x8xf32, #tpu.memory_space<vmem>> -> memref<2048x8xf32, #tpu.memory_space<vmem>>
          tpu.vector_store_idx %scatter3A_1338[%add3A_1306, %broadcast_in_dim3A_1314], %select_n3A_1333 : memref<2048x8xf32, #tpu.memory_space<vmem>>[vector<16xi32>, vector<16xi32>], vector<16xf32>,
          %get3A_1339 = arith.constant 1 : i32
          %get3A_1340 = arith.index_cast %get3A_1339 : i32 to index
          %get3A_1341 = arith.index_cast %multiple_of3A_1282 : i32 to index
          %get3A_1342 = tpu.vector_load %arg7[%get3A_1340, %get3A_1341] {strides = array<i32>} : memref<4x1024xf32, #tpu.memory_space<vmem>>, vector<16xf32>,
          %mul3A_1343 = arith.mulf %get3A_1342, %get3A_1299 : vector<16xf32>
          %mul3A_1344 = arith.mulf %get3A_1342, %get3A_1303 : vector<16xf32>
          %broadcast_in_dim3A_1345 = arith.constant 1 : i32
          %broadcast_in_dim3A_1346 = vector.broadcast %broadcast_in_dim3A_1345 : i32 to vector<16xi32>
          %jit3A_1347 = arith.constant 0.000000e+00 : f32
          %broadcast_in_dim3A_1348 = vector.broadcast %jit3A_1347 : f32 to vector<16xf32>
          %select_n3A_1349 = arith.select %eq3A_1295, %mul3A_1343, %broadcast_in_dim3A_1348 : vector<16xi1>, vector<16xf32>
          %scatter3A_1350 = arith.constant 0 : i32
          %scatter3A_1351 = arith.constant 0 : i32
          %scatter3A_1352 = arith.constant 0 : i32
          %scatter3A_1353 = tpu.memref_slice %arg11[%scatter3A_1350, %scatter3A_1351, %scatter3A_1352] : memref<2x2048x8xf32, #tpu.memory_space<vmem>> -> memref<1x2048x8xf32, #tpu.memory_space<vmem>>
          %scatter3A_1354 = tpu.memref_squeeze %scatter3A_1353 : memref<1x2048x8xf32, #tpu.memory_space<vmem>> -> memref<2048x8xf32, #tpu.memory_space<vmem>>
          tpu.vector_store_idx %scatter3A_1354[%add3A_1286, %broadcast_in_dim3A_1346], %select_n3A_1349 : memref<2048x8xf32, #tpu.memory_space<vmem>>[vector<16xi32>, vector<16xi32>], vector<16xf32>,
          %add3A_1355 = arith.constant 4 : i32
          %add3A_1356 = vector.broadcast %add3A_1355 : i32 to vector<16xi32>
          %add3A_1357 = arith.addi %broadcast_in_dim3A_1346, %add3A_1356 : vector<16xi32>
          %select_n3A_1358 = arith.select %eq3A_1295, %mul3A_1344, %mul3A_1343 : vector<16xi1>, vector<16xf32>
          %scatter3A_1359 = arith.constant 0 : i32
          %scatter3A_1360 = arith.constant 0 : i32
          %scatter3A_1361 = arith.constant 0 : i32
          %scatter3A_1362 = tpu.memref_slice %arg11[%scatter3A_1359, %scatter3A_1360, %scatter3A_1361] : memref<2x2048x8xf32, #tpu.memory_space<vmem>> -> memref<1x2048x8xf32, #tpu.memory_space<vmem>>
          %scatter3A_1363 = tpu.memref_squeeze %scatter3A_1362 : memref<1x2048x8xf32, #tpu.memory_space<vmem>> -> memref<2048x8xf32, #tpu.memory_space<vmem>>
          tpu.vector_store_idx %scatter3A_1363[%add3A_1286, %add3A_1357], %select_n3A_1358 : memref<2048x8xf32, #tpu.memory_space<vmem>>[vector<16xi32>, vector<16xi32>], vector<16xf32>,
          %jit3A_1364 = arith.constant 0.000000e+00 : f32
          %broadcast_in_dim3A_1365 = vector.broadcast %jit3A_1364 : f32 to vector<16xf32>
          %select_n3A_1366 = arith.select %eq3A_1295, %broadcast_in_dim3A_1365, %mul3A_1344 : vector<16xi1>, vector<16xf32>
          %scatter3A_1367 = arith.constant 0 : i32
          %scatter3A_1368 = arith.constant 0 : i32
          %scatter3A_1369 = arith.constant 0 : i32
          %scatter3A_1370 = tpu.memref_slice %arg11[%scatter3A_1367, %scatter3A_1368, %scatter3A_1369] : memref<2x2048x8xf32, #tpu.memory_space<vmem>> -> memref<1x2048x8xf32, #tpu.memory_space<vmem>>
          %scatter3A_1371 = tpu.memref_squeeze %scatter3A_1370 : memref<1x2048x8xf32, #tpu.memory_space<vmem>> -> memref<2048x8xf32, #tpu.memory_space<vmem>>
          tpu.vector_store_idx %scatter3A_1371[%add3A_1306, %broadcast_in_dim3A_1346], %select_n3A_1366 : memref<2048x8xf32, #tpu.memory_space<vmem>>[vector<16xi32>, vector<16xi32>], vector<16xf32>,
          %get3A_1372 = arith.constant 2 : i32
          %get3A_1373 = arith.index_cast %get3A_1372 : i32 to index
          %get3A_1374 = arith.index_cast %multiple_of3A_1282 : i32 to index
          %get3A_1375 = tpu.vector_load %arg7[%get3A_1373, %get3A_1374] {strides = array<i32>} : memref<4x1024xf32, #tpu.memory_space<vmem>>, vector<16xf32>,
          %mul3A_1376 = arith.mulf %get3A_1375, %get3A_1299 : vector<16xf32>
          %mul3A_1377 = arith.mulf %get3A_1375, %get3A_1303 : vector<16xf32>
          %broadcast_in_dim3A_1378 = arith.constant 2 : i32
          %broadcast_in_dim3A_1379 = vector.broadcast %broadcast_in_dim3A_1378 : i32 to vector<16xi32>
          %jit3A_1380 = arith.constant 0.000000e+00 : f32
          %broadcast_in_dim3A_1381 = vector.broadcast %jit3A_1380 : f32 to vector<16xf32>
          %select_n3A_1382 = arith.select %eq3A_1295, %mul3A_1376, %broadcast_in_dim3A_1381 : vector<16xi1>, vector<16xf32>
          %scatter3A_1383 = arith.constant 0 : i32
          %scatter3A_1384 = arith.constant 0 : i32
          %scatter3A_1385 = arith.constant 0 : i32
          %scatter3A_1386 = tpu.memref_slice %arg11[%scatter3A_1383, %scatter3A_1384, %scatter3A_1385] : memref<2x2048x8xf32, #tpu.memory_space<vmem>> -> memref<1x2048x8xf32, #tpu.memory_space<vmem>>
          %scatter3A_1387 = tpu.memref_squeeze %scatter3A_1386 : memref<1x2048x8xf32, #tpu.memory_space<vmem>> -> memref<2048x8xf32, #tpu.memory_space<vmem>>
          tpu.vector_store_idx %scatter3A_1387[%add3A_1286, %broadcast_in_dim3A_1379], %select_n3A_1382 : memref<2048x8xf32, #tpu.memory_space<vmem>>[vector<16xi32>, vector<16xi32>], vector<16xf32>,
          %add3A_1388 = arith.constant 4 : i32
          %add3A_1389 = vector.broadcast %add3A_1388 : i32 to vector<16xi32>
          %add3A_1390 = arith.addi %broadcast_in_dim3A_1379, %add3A_1389 : vector<16xi32>
          %select_n3A_1391 = arith.select %eq3A_1295, %mul3A_1377, %mul3A_1376 : vector<16xi1>, vector<16xf32>
          %scatter3A_1392 = arith.constant 0 : i32
          %scatter3A_1393 = arith.constant 0 : i32
          %scatter3A_1394 = arith.constant 0 : i32
          %scatter3A_1395 = tpu.memref_slice %arg11[%scatter3A_1392, %scatter3A_1393, %scatter3A_1394] : memref<2x2048x8xf32, #tpu.memory_space<vmem>> -> memref<1x2048x8xf32, #tpu.memory_space<vmem>>
          %scatter3A_1396 = tpu.memref_squeeze %scatter3A_1395 : memref<1x2048x8xf32, #tpu.memory_space<vmem>> -> memref<2048x8xf32, #tpu.memory_space<vmem>>
          tpu.vector_store_idx %scatter3A_1396[%add3A_1286, %add3A_1390], %select_n3A_1391 : memref<2048x8xf32, #tpu.memory_space<vmem>>[vector<16xi32>, vector<16xi32>], vector<16xf32>,
          %jit3A_1397 = arith.constant 0.000000e+00 : f32
          %broadcast_in_dim3A_1398 = vector.broadcast %jit3A_1397 : f32 to vector<16xf32>
          %select_n3A_1399 = arith.select %eq3A_1295, %broadcast_in_dim3A_1398, %mul3A_1377 : vector<16xi1>, vector<16xf32>
          %scatter3A_1400 = arith.constant 0 : i32
          %scatter3A_1401 = arith.constant 0 : i32
          %scatter3A_1402 = arith.constant 0 : i32
          %scatter3A_1403 = tpu.memref_slice %arg11[%scatter3A_1400, %scatter3A_1401, %scatter3A_1402] : memref<2x2048x8xf32, #tpu.memory_space<vmem>> -> memref<1x2048x8xf32, #tpu.memory_space<vmem>>
          %scatter3A_1404 = tpu.memref_squeeze %scatter3A_1403 : memref<1x2048x8xf32, #tpu.memory_space<vmem>> -> memref<2048x8xf32, #tpu.memory_space<vmem>>
          tpu.vector_store_idx %scatter3A_1404[%add3A_1306, %broadcast_in_dim3A_1379], %select_n3A_1399 : memref<2048x8xf32, #tpu.memory_space<vmem>>[vector<16xi32>, vector<16xi32>], vector<16xf32>,
          %get3A_1405 = arith.constant 3 : i32
          %get3A_1406 = arith.index_cast %get3A_1405 : i32 to index
          %get3A_1407 = arith.index_cast %multiple_of3A_1282 : i32 to index
          %get3A_1408 = tpu.vector_load %arg7[%get3A_1406, %get3A_1407] {strides = array<i32>} : memref<4x1024xf32, #tpu.memory_space<vmem>>, vector<16xf32>,
          %mul3A_1409 = arith.mulf %get3A_1408, %get3A_1299 : vector<16xf32>
          %mul3A_1410 = arith.mulf %get3A_1408, %get3A_1303 : vector<16xf32>
          %broadcast_in_dim3A_1411 = arith.constant 3 : i32
          %broadcast_in_dim3A_1412 = vector.broadcast %broadcast_in_dim3A_1411 : i32 to vector<16xi32>
          %jit3A_1413 = arith.constant 0.000000e+00 : f32
          %broadcast_in_dim3A_1414 = vector.broadcast %jit3A_1413 : f32 to vector<16xf32>
          %select_n3A_1415 = arith.select %eq3A_1295, %mul3A_1409, %broadcast_in_dim3A_1414 : vector<16xi1>, vector<16xf32>
          %scatter3A_1416 = arith.constant 0 : i32
          %scatter3A_1417 = arith.constant 0 : i32
          %scatter3A_1418 = arith.constant 0 : i32
          %scatter3A_1419 = tpu.memref_slice %arg11[%scatter3A_1416, %scatter3A_1417, %scatter3A_1418] : memref<2x2048x8xf32, #tpu.memory_space<vmem>> -> memref<1x2048x8xf32, #tpu.memory_space<vmem>>
          %scatter3A_1420 = tpu.memref_squeeze %scatter3A_1419 : memref<1x2048x8xf32, #tpu.memory_space<vmem>> -> memref<2048x8xf32, #tpu.memory_space<vmem>>
          tpu.vector_store_idx %scatter3A_1420[%add3A_1286, %broadcast_in_dim3A_1412], %select_n3A_1415 : memref<2048x8xf32, #tpu.memory_space<vmem>>[vector<16xi32>, vector<16xi32>], vector<16xf32>,
          %add3A_1421 = arith.constant 4 : i32
          %add3A_1422 = vector.broadcast %add3A_1421 : i32 to vector<16xi32>
          %add3A_1423 = arith.addi %broadcast_in_dim3A_1412, %add3A_1422 : vector<16xi32>
          %select_n3A_1424 = arith.select %eq3A_1295, %mul3A_1410, %mul3A_1409 : vector<16xi1>, vector<16xf32>
          %scatter3A_1425 = arith.constant 0 : i32
          %scatter3A_1426 = arith.constant 0 : i32
          %scatter3A_1427 = arith.constant 0 : i32
          %scatter3A_1428 = tpu.memref_slice %arg11[%scatter3A_1425, %scatter3A_1426, %scatter3A_1427] : memref<2x2048x8xf32, #tpu.memory_space<vmem>> -> memref<1x2048x8xf32, #tpu.memory_space<vmem>>
          %scatter3A_1429 = tpu.memref_squeeze %scatter3A_1428 : memref<1x2048x8xf32, #tpu.memory_space<vmem>> -> memref<2048x8xf32, #tpu.memory_space<vmem>>
          tpu.vector_store_idx %scatter3A_1429[%add3A_1286, %add3A_1423], %select_n3A_1424 : memref<2048x8xf32, #tpu.memory_space<vmem>>[vector<16xi32>, vector<16xi32>], vector<16xf32>,
          %jit3A_1430 = arith.constant 0.000000e+00 : f32
          %broadcast_in_dim3A_1431 = vector.broadcast %jit3A_1430 : f32 to vector<16xf32>
          %select_n3A_1432 = arith.select %eq3A_1295, %broadcast_in_dim3A_1431, %mul3A_1410 : vector<16xi1>, vector<16xf32>
          %scatter3A_1433 = arith.constant 0 : i32
          %scatter3A_1434 = arith.constant 0 : i32
          %scatter3A_1435 = arith.constant 0 : i32
          %scatter3A_1436 = tpu.memref_slice %arg11[%scatter3A_1433, %scatter3A_1434, %scatter3A_1435] : memref<2x2048x8xf32, #tpu.memory_space<vmem>> -> memref<1x2048x8xf32, #tpu.memory_space<vmem>>
          %scatter3A_1437 = tpu.memref_squeeze %scatter3A_1436 : memref<1x2048x8xf32, #tpu.memory_space<vmem>> -> memref<2048x8xf32, #tpu.memory_space<vmem>>
          tpu.vector_store_idx %scatter3A_1437[%add3A_1306, %broadcast_in_dim3A_1412], %select_n3A_1432 : memref<2048x8xf32, #tpu.memory_space<vmem>>[vector<16xi32>, vector<16xi32>], vector<16xf32>,
          %mul3A_1438 = arith.constant 2 : i32
          %mul3A_1439 = arith.muli %scan3A_1275, %mul3A_1438 : i32
          %add3A_1440 = arith.constant 1 : i32
          %add3A_1441 = arith.addi %mul3A_1439, %add3A_1440 : i32
          %mul3A_1442 = arith.constant 16 : i32
          %mul3A_1443 = arith.muli %add3A_1441, %mul3A_1442 : i32
          %multiple_of3A_1444 = tpu.assume_multiple %mul3A_1443, 16 : i32
          %mul3A_1445 = arith.constant 16 : i32
          %mul3A_1446 = arith.muli %add3A_1441, %mul3A_1445 : i32
          %add3A_1447 = vector.broadcast %mul3A_1446 : i32 to vector<16xi32>
          %add3A_1448 = arith.addi %add3A_1447, %iota3A : vector<16xi32>
          %get3A_1449 = arith.index_cast %multiple_of3A_1444 : i32 to index
          %get3A_1450 = tpu.vector_load %arg9[%get3A_1449] {strides = array<i32>} : memref<1024xi32, #tpu.memory_space<vmem>>, vector<16xi32>,
          %add3A_1451 = arith.constant 0 : i32
          %add3A_1452 = vector.broadcast %add3A_1451 : i32 to vector<16xi32>
          %add3A_1453 = arith.addi %get3A_1450, %add3A_1452 : vector<16xi32>
          %and3A_1454 = arith.constant 1 : i32
          %and3A_1455 = vector.broadcast %and3A_1454 : i32 to vector<16xi32>
          %and3A_1456 = arith.andi %add3A_1453, %and3A_1455 : vector<16xi32>
          %eq3A_1457 = arith.constant 0 : i32
          %eq3A_1458 = vector.broadcast %eq3A_1457 : i32 to vector<16xi32>
          %eq3A_1459 = arith.cmpi eq, %and3A_1456, %eq3A_1458 : vector<16xi32>
          %get3A_1460 = arith.constant 0 : i32
          %get3A_1461 = arith.index_cast %get3A_1460 : i32 to index
          %get3A_1462 = arith.index_cast %multiple_of3A_1444 : i32 to index
          %get3A_1463 = tpu.vector_load %arg8[%get3A_1461, %get3A_1462] {strides = array<i32>} : memref<4x1024xf32, #tpu.memory_space<vmem>>, vector<16xf32>,
          %get3A_1464 = arith.constant 1 : i32
          %get3A_1465 = arith.index_cast %get3A_1464 : i32 to index
          %get3A_1466 = arith.index_cast %multiple_of3A_1444 : i32 to index
          %get3A_1467 = tpu.vector_load %arg8[%get3A_1465, %get3A_1466] {strides = array<i32>} : memref<4x1024xf32, #tpu.memory_space<vmem>>, vector<16xf32>,
          %add3A_1468 = arith.constant 1024 : i32
          %add3A_1469 = vector.broadcast %add3A_1468 : i32 to vector<16xi32>
          %add3A_1470 = arith.addi %add3A_1469, %add3A_1448 : vector<16xi32>
          %get3A_1471 = arith.constant 0 : i32
          %get3A_1472 = arith.index_cast %get3A_1471 : i32 to index
          %get3A_1473 = arith.index_cast %multiple_of3A_1444 : i32 to index
          %get3A_1474 = tpu.vector_load %arg7[%get3A_1472, %get3A_1473] {strides = array<i32>} : memref<4x1024xf32, #tpu.memory_space<vmem>>, vector<16xf32>,
          %mul3A_1475 = arith.mulf %get3A_1474, %get3A_1463 : vector<16xf32>
          %mul3A_1476 = arith.mulf %get3A_1474, %get3A_1467 : vector<16xf32>
          %broadcast_in_dim3A_1477 = arith.constant 0 : i32
          %broadcast_in_dim3A_1478 = vector.broadcast %broadcast_in_dim3A_1477 : i32 to vector<16xi32>
          %jit3A_1479 = arith.constant 0.000000e+00 : f32
          %broadcast_in_dim3A_1480 = vector.broadcast %jit3A_1479 : f32 to vector<16xf32>
          %select_n3A_1481 = arith.select %eq3A_1459, %mul3A_1475, %broadcast_in_dim3A_1480 : vector<16xi1>, vector<16xf32>
          %scatter3A_1482 = arith.constant 0 : i32
          %scatter3A_1483 = arith.constant 0 : i32
          %scatter3A_1484 = arith.constant 0 : i32
          %scatter3A_1485 = tpu.memref_slice %arg11[%scatter3A_1482, %scatter3A_1483, %scatter3A_1484] : memref<2x2048x8xf32, #tpu.memory_space<vmem>> -> memref<1x2048x8xf32, #tpu.memory_space<vmem>>
          %scatter3A_1486 = tpu.memref_squeeze %scatter3A_1485 : memref<1x2048x8xf32, #tpu.memory_space<vmem>> -> memref<2048x8xf32, #tpu.memory_space<vmem>>
          tpu.vector_store_idx %scatter3A_1486[%add3A_1448, %broadcast_in_dim3A_1478], %select_n3A_1481 : memref<2048x8xf32, #tpu.memory_space<vmem>>[vector<16xi32>, vector<16xi32>], vector<16xf32>,
          %add3A_1487 = arith.constant 4 : i32
          %add3A_1488 = vector.broadcast %add3A_1487 : i32 to vector<16xi32>
          %add3A_1489 = arith.addi %broadcast_in_dim3A_1478, %add3A_1488 : vector<16xi32>
          %select_n3A_1490 = arith.select %eq3A_1459, %mul3A_1476, %mul3A_1475 : vector<16xi1>, vector<16xf32>
          %scatter3A_1491 = arith.constant 0 : i32
          %scatter3A_1492 = arith.constant 0 : i32
          %scatter3A_1493 = arith.constant 0 : i32
          %scatter3A_1494 = tpu.memref_slice %arg11[%scatter3A_1491, %scatter3A_1492, %scatter3A_1493] : memref<2x2048x8xf32, #tpu.memory_space<vmem>> -> memref<1x2048x8xf32, #tpu.memory_space<vmem>>
          %scatter3A_1495 = tpu.memref_squeeze %scatter3A_1494 : memref<1x2048x8xf32, #tpu.memory_space<vmem>> -> memref<2048x8xf32, #tpu.memory_space<vmem>>
          tpu.vector_store_idx %scatter3A_1495[%add3A_1448, %add3A_1489], %select_n3A_1490 : memref<2048x8xf32, #tpu.memory_space<vmem>>[vector<16xi32>, vector<16xi32>], vector<16xf32>,
          %jit3A_1496 = arith.constant 0.000000e+00 : f32
          %broadcast_in_dim3A_1497 = vector.broadcast %jit3A_1496 : f32 to vector<16xf32>
          %select_n3A_1498 = arith.select %eq3A_1459, %broadcast_in_dim3A_1497, %mul3A_1476 : vector<16xi1>, vector<16xf32>
          %scatter3A_1499 = arith.constant 0 : i32
          %scatter3A_1500 = arith.constant 0 : i32
          %scatter3A_1501 = arith.constant 0 : i32
          %scatter3A_1502 = tpu.memref_slice %arg11[%scatter3A_1499, %scatter3A_1500, %scatter3A_1501] : memref<2x2048x8xf32, #tpu.memory_space<vmem>> -> memref<1x2048x8xf32, #tpu.memory_space<vmem>>
          %scatter3A_1503 = tpu.memref_squeeze %scatter3A_1502 : memref<1x2048x8xf32, #tpu.memory_space<vmem>> -> memref<2048x8xf32, #tpu.memory_space<vmem>>
          tpu.vector_store_idx %scatter3A_1503[%add3A_1470, %broadcast_in_dim3A_1478], %select_n3A_1498 : memref<2048x8xf32, #tpu.memory_space<vmem>>[vector<16xi32>, vector<16xi32>], vector<16xf32>,
          %get3A_1504 = arith.constant 1 : i32
          %get3A_1505 = arith.index_cast %get3A_1504 : i32 to index
          %get3A_1506 = arith.index_cast %multiple_of3A_1444 : i32 to index
          %get3A_1507 = tpu.vector_load %arg7[%get3A_1505, %get3A_1506] {strides = array<i32>} : memref<4x1024xf32, #tpu.memory_space<vmem>>, vector<16xf32>,
          %mul3A_1508 = arith.mulf %get3A_1507, %get3A_1463 : vector<16xf32>
          %mul3A_1509 = arith.mulf %get3A_1507, %get3A_1467 : vector<16xf32>
          %broadcast_in_dim3A_1510 = arith.constant 1 : i32
          %broadcast_in_dim3A_1511 = vector.broadcast %broadcast_in_dim3A_1510 : i32 to vector<16xi32>
          %jit3A_1512 = arith.constant 0.000000e+00 : f32
          %broadcast_in_dim3A_1513 = vector.broadcast %jit3A_1512 : f32 to vector<16xf32>
          %select_n3A_1514 = arith.select %eq3A_1459, %mul3A_1508, %broadcast_in_dim3A_1513 : vector<16xi1>, vector<16xf32>
          %scatter3A_1515 = arith.constant 0 : i32
          %scatter3A_1516 = arith.constant 0 : i32
          %scatter3A_1517 = arith.constant 0 : i32
          %scatter3A_1518 = tpu.memref_slice %arg11[%scatter3A_1515, %scatter3A_1516, %scatter3A_1517] : memref<2x2048x8xf32, #tpu.memory_space<vmem>> -> memref<1x2048x8xf32, #tpu.memory_space<vmem>>
          %scatter3A_1519 = tpu.memref_squeeze %scatter3A_1518 : memref<1x2048x8xf32, #tpu.memory_space<vmem>> -> memref<2048x8xf32, #tpu.memory_space<vmem>>
          tpu.vector_store_idx %scatter3A_1519[%add3A_1448, %broadcast_in_dim3A_1511], %select_n3A_1514 : memref<2048x8xf32, #tpu.memory_space<vmem>>[vector<16xi32>, vector<16xi32>], vector<16xf32>,
          %add3A_1520 = arith.constant 4 : i32
          %add3A_1521 = vector.broadcast %add3A_1520 : i32 to vector<16xi32>
          %add3A_1522 = arith.addi %broadcast_in_dim3A_1511, %add3A_1521 : vector<16xi32>
          %select_n3A_1523 = arith.select %eq3A_1459, %mul3A_1509, %mul3A_1508 : vector<16xi1>, vector<16xf32>
          %scatter3A_1524 = arith.constant 0 : i32
          %scatter3A_1525 = arith.constant 0 : i32
          %scatter3A_1526 = arith.constant 0 : i32
          %scatter3A_1527 = tpu.memref_slice %arg11[%scatter3A_1524, %scatter3A_1525, %scatter3A_1526] : memref<2x2048x8xf32, #tpu.memory_space<vmem>> -> memref<1x2048x8xf32, #tpu.memory_space<vmem>>
          %scatter3A_1528 = tpu.memref_squeeze %scatter3A_1527 : memref<1x2048x8xf32, #tpu.memory_space<vmem>> -> memref<2048x8xf32, #tpu.memory_space<vmem>>
          tpu.vector_store_idx %scatter3A_1528[%add3A_1448, %add3A_1522], %select_n3A_1523 : memref<2048x8xf32, #tpu.memory_space<vmem>>[vector<16xi32>, vector<16xi32>], vector<16xf32>,
          %jit3A_1529 = arith.constant 0.000000e+00 : f32
          %broadcast_in_dim3A_1530 = vector.broadcast %jit3A_1529 : f32 to vector<16xf32>
          %select_n3A_1531 = arith.select %eq3A_1459, %broadcast_in_dim3A_1530, %mul3A_1509 : vector<16xi1>, vector<16xf32>
          %scatter3A_1532 = arith.constant 0 : i32
          %scatter3A_1533 = arith.constant 0 : i32
          %scatter3A_1534 = arith.constant 0 : i32
          %scatter3A_1535 = tpu.memref_slice %arg11[%scatter3A_1532, %scatter3A_1533, %scatter3A_1534] : memref<2x2048x8xf32, #tpu.memory_space<vmem>> -> memref<1x2048x8xf32, #tpu.memory_space<vmem>>
          %scatter3A_1536 = tpu.memref_squeeze %scatter3A_1535 : memref<1x2048x8xf32, #tpu.memory_space<vmem>> -> memref<2048x8xf32, #tpu.memory_space<vmem>>
          tpu.vector_store_idx %scatter3A_1536[%add3A_1470, %broadcast_in_dim3A_1511], %select_n3A_1531 : memref<2048x8xf32, #tpu.memory_space<vmem>>[vector<16xi32>, vector<16xi32>], vector<16xf32>,
          %get3A_1537 = arith.constant 2 : i32
          %get3A_1538 = arith.index_cast %get3A_1537 : i32 to index
          %get3A_1539 = arith.index_cast %multiple_of3A_1444 : i32 to index
          %get3A_1540 = tpu.vector_load %arg7[%get3A_1538, %get3A_1539] {strides = array<i32>} : memref<4x1024xf32, #tpu.memory_space<vmem>>, vector<16xf32>,
          %mul3A_1541 = arith.mulf %get3A_1540, %get3A_1463 : vector<16xf32>
          %mul3A_1542 = arith.mulf %get3A_1540, %get3A_1467 : vector<16xf32>
          %broadcast_in_dim3A_1543 = arith.constant 2 : i32
          %broadcast_in_dim3A_1544 = vector.broadcast %broadcast_in_dim3A_1543 : i32 to vector<16xi32>
          %jit3A_1545 = arith.constant 0.000000e+00 : f32
          %broadcast_in_dim3A_1546 = vector.broadcast %jit3A_1545 : f32 to vector<16xf32>
          %select_n3A_1547 = arith.select %eq3A_1459, %mul3A_1541, %broadcast_in_dim3A_1546 : vector<16xi1>, vector<16xf32>
          %scatter3A_1548 = arith.constant 0 : i32
          %scatter3A_1549 = arith.constant 0 : i32
          %scatter3A_1550 = arith.constant 0 : i32
          %scatter3A_1551 = tpu.memref_slice %arg11[%scatter3A_1548, %scatter3A_1549, %scatter3A_1550] : memref<2x2048x8xf32, #tpu.memory_space<vmem>> -> memref<1x2048x8xf32, #tpu.memory_space<vmem>>
          %scatter3A_1552 = tpu.memref_squeeze %scatter3A_1551 : memref<1x2048x8xf32, #tpu.memory_space<vmem>> -> memref<2048x8xf32, #tpu.memory_space<vmem>>
          tpu.vector_store_idx %scatter3A_1552[%add3A_1448, %broadcast_in_dim3A_1544], %select_n3A_1547 : memref<2048x8xf32, #tpu.memory_space<vmem>>[vector<16xi32>, vector<16xi32>], vector<16xf32>,
          %add3A_1553 = arith.constant 4 : i32
          %add3A_1554 = vector.broadcast %add3A_1553 : i32 to vector<16xi32>
          %add3A_1555 = arith.addi %broadcast_in_dim3A_1544, %add3A_1554 : vector<16xi32>
          %select_n3A_1556 = arith.select %eq3A_1459, %mul3A_1542, %mul3A_1541 : vector<16xi1>, vector<16xf32>
          %scatter3A_1557 = arith.constant 0 : i32
          %scatter3A_1558 = arith.constant 0 : i32
          %scatter3A_1559 = arith.constant 0 : i32
          %scatter3A_1560 = tpu.memref_slice %arg11[%scatter3A_1557, %scatter3A_1558, %scatter3A_1559] : memref<2x2048x8xf32, #tpu.memory_space<vmem>> -> memref<1x2048x8xf32, #tpu.memory_space<vmem>>
          %scatter3A_1561 = tpu.memref_squeeze %scatter3A_1560 : memref<1x2048x8xf32, #tpu.memory_space<vmem>> -> memref<2048x8xf32, #tpu.memory_space<vmem>>
          tpu.vector_store_idx %scatter3A_1561[%add3A_1448, %add3A_1555], %select_n3A_1556 : memref<2048x8xf32, #tpu.memory_space<vmem>>[vector<16xi32>, vector<16xi32>], vector<16xf32>,
          %jit3A_1562 = arith.constant 0.000000e+00 : f32
          %broadcast_in_dim3A_1563 = vector.broadcast %jit3A_1562 : f32 to vector<16xf32>
          %select_n3A_1564 = arith.select %eq3A_1459, %broadcast_in_dim3A_1563, %mul3A_1542 : vector<16xi1>, vector<16xf32>
          %scatter3A_1565 = arith.constant 0 : i32
          %scatter3A_1566 = arith.constant 0 : i32
          %scatter3A_1567 = arith.constant 0 : i32
          %scatter3A_1568 = tpu.memref_slice %arg11[%scatter3A_1565, %scatter3A_1566, %scatter3A_1567] : memref<2x2048x8xf32, #tpu.memory_space<vmem>> -> memref<1x2048x8xf32, #tpu.memory_space<vmem>>
          %scatter3A_1569 = tpu.memref_squeeze %scatter3A_1568 : memref<1x2048x8xf32, #tpu.memory_space<vmem>> -> memref<2048x8xf32, #tpu.memory_space<vmem>>
          tpu.vector_store_idx %scatter3A_1569[%add3A_1470, %broadcast_in_dim3A_1544], %select_n3A_1564 : memref<2048x8xf32, #tpu.memory_space<vmem>>[vector<16xi32>, vector<16xi32>], vector<16xf32>,
          %get3A_1570 = arith.constant 3 : i32
          %get3A_1571 = arith.index_cast %get3A_1570 : i32 to index
          %get3A_1572 = arith.index_cast %multiple_of3A_1444 : i32 to index
          %get3A_1573 = tpu.vector_load %arg7[%get3A_1571, %get3A_1572] {strides = array<i32>} : memref<4x1024xf32, #tpu.memory_space<vmem>>, vector<16xf32>,
          %mul3A_1574 = arith.mulf %get3A_1573, %get3A_1463 : vector<16xf32>
          %mul3A_1575 = arith.mulf %get3A_1573, %get3A_1467 : vector<16xf32>
          %broadcast_in_dim3A_1576 = arith.constant 3 : i32
          %broadcast_in_dim3A_1577 = vector.broadcast %broadcast_in_dim3A_1576 : i32 to vector<16xi32>
          %jit3A_1578 = arith.constant 0.000000e+00 : f32
          %broadcast_in_dim3A_1579 = vector.broadcast %jit3A_1578 : f32 to vector<16xf32>
          %select_n3A_1580 = arith.select %eq3A_1459, %mul3A_1574, %broadcast_in_dim3A_1579 : vector<16xi1>, vector<16xf32>
          %scatter3A_1581 = arith.constant 0 : i32
          %scatter3A_1582 = arith.constant 0 : i32
          %scatter3A_1583 = arith.constant 0 : i32
          %scatter3A_1584 = tpu.memref_slice %arg11[%scatter3A_1581, %scatter3A_1582, %scatter3A_1583] : memref<2x2048x8xf32, #tpu.memory_space<vmem>> -> memref<1x2048x8xf32, #tpu.memory_space<vmem>>
          %scatter3A_1585 = tpu.memref_squeeze %scatter3A_1584 : memref<1x2048x8xf32, #tpu.memory_space<vmem>> -> memref<2048x8xf32, #tpu.memory_space<vmem>>
          tpu.vector_store_idx %scatter3A_1585[%add3A_1448, %broadcast_in_dim3A_1577], %select_n3A_1580 : memref<2048x8xf32, #tpu.memory_space<vmem>>[vector<16xi32>, vector<16xi32>], vector<16xf32>,
          %add3A_1586 = arith.constant 4 : i32
          %add3A_1587 = vector.broadcast %add3A_1586 : i32 to vector<16xi32>
          %add3A_1588 = arith.addi %broadcast_in_dim3A_1577, %add3A_1587 : vector<16xi32>
          %select_n3A_1589 = arith.select %eq3A_1459, %mul3A_1575, %mul3A_1574 : vector<16xi1>, vector<16xf32>
          %scatter3A_1590 = arith.constant 0 : i32
          %scatter3A_1591 = arith.constant 0 : i32
          %scatter3A_1592 = arith.constant 0 : i32
          %scatter3A_1593 = tpu.memref_slice %arg11[%scatter3A_1590, %scatter3A_1591, %scatter3A_1592] : memref<2x2048x8xf32, #tpu.memory_space<vmem>> -> memref<1x2048x8xf32, #tpu.memory_space<vmem>>
          %scatter3A_1594 = tpu.memref_squeeze %scatter3A_1593 : memref<1x2048x8xf32, #tpu.memory_space<vmem>> -> memref<2048x8xf32, #tpu.memory_space<vmem>>
          tpu.vector_store_idx %scatter3A_1594[%add3A_1448, %add3A_1588], %select_n3A_1589 : memref<2048x8xf32, #tpu.memory_space<vmem>>[vector<16xi32>, vector<16xi32>], vector<16xf32>,
          %jit3A_1595 = arith.constant 0.000000e+00 : f32
          %broadcast_in_dim3A_1596 = vector.broadcast %jit3A_1595 : f32 to vector<16xf32>
          %select_n3A_1597 = arith.select %eq3A_1459, %broadcast_in_dim3A_1596, %mul3A_1575 : vector<16xi1>, vector<16xf32>
          %scatter3A_1598 = arith.constant 0 : i32
          %scatter3A_1599 = arith.constant 0 : i32
          %scatter3A_1600 = arith.constant 0 : i32
          %scatter3A_1601 = tpu.memref_slice %arg11[%scatter3A_1598, %scatter3A_1599, %scatter3A_1600] : memref<2x2048x8xf32, #tpu.memory_space<vmem>> -> memref<1x2048x8xf32, #tpu.memory_space<vmem>>
          %scatter3A_1602 = tpu.memref_squeeze %scatter3A_1601 : memref<1x2048x8xf32, #tpu.memory_space<vmem>> -> memref<2048x8xf32, #tpu.memory_space<vmem>>
          tpu.vector_store_idx %scatter3A_1602[%add3A_1470, %broadcast_in_dim3A_1577], %select_n3A_1597 : memref<2048x8xf32, #tpu.memory_space<vmem>>[vector<16xi32>, vector<16xi32>], vector<16xf32>,
        }
        %scan3A_1245 = arith.constant 32 : i32
        %scan3A_1246 = arith.constant 0 : i32
        %scan3A_1247 = arith.constant 0 : i32
        %scan3A_1248 = arith.constant 16 : i32
        %scan3A_1249 = arith.addi %scan3A_1247, %scan3A_1248 : i32
        %scan3A_1250 = arith.constant 1 : i32
        scf.for %scan3A_1275 = %scan3A_1247 to %scan3A_1249 step %scan3A_1250  : i32 {
          %mul3A_1276 = arith.constant 128 : i32
          %mul3A_1277 = arith.muli %scan3A_1275, %mul3A_1276 : i32
          %multiple_of3A_1278 = tpu.assume_multiple %mul3A_1277, 128 : i32
          %dma_start3A_1279 = arith.constant 0 : i32
          %dma_start3A_1280 = arith.constant 0 : i32
          %dma_start3A_1281 = arith.constant 0 : i32
          %dma_start3A_1282 = tpu.memref_slice %arg11[%dma_start3A_1279, %multiple_of3A_1278, %dma_start3A_1281] : memref<2x2048x8xf32, #tpu.memory_space<vmem>> -> memref<1x128x8xf32, #tpu.memory_space<vmem>>
          %dma_start3A_1283 = tpu.memref_squeeze %dma_start3A_1282 : memref<1x128x8xf32, #tpu.memory_space<vmem>> -> memref<128x8xf32, #tpu.memory_space<vmem>>
          %dma_start3A_1284 = arith.constant 0 : i32
          %dma_start3A_1285 = tpu.memref_slice %arg10[%dma_start3A_1280, %scan3A_1275, %dma_start3A_1284] : memref<2x16x128xi32, #tpu.memory_space<vmem>> -> memref<1x1x128xi32, #tpu.memory_space<vmem>>
          %dma_start3A_1286 = tpu.memref_squeeze %dma_start3A_1285 : memref<1x1x128xi32, #tpu.memory_space<vmem>> -> memref<128xi32, #tpu.memory_space<vmem>>
          %dma_start3A_1287 = arith.constant 0 : i32
          %dma_start3A_1288 = arith.constant 0 : i32
          %dma_start3A_1289 = tpu.memref_slice %arg6[%dma_start3A_1287, %dma_start3A_1288] : memref<131072x8xf32, #tpu.memory_space<vmem_shared>> -> memref<131072x8xf32, #tpu.memory_space<vmem_shared>>
          tpu.enqueue_indirect_dma source(%dma_start3A_1283 : memref<128x8xf32, #tpu.memory_space<vmem>>) target(%dma_start3A_1289 : memref<131072x8xf32, #tpu.memory_space<vmem_shared>>) offsets(%dma_start3A_1286 : memref<128xi32, #tpu.memory_space<vmem>>) semaphore(%arg14 : memref<!tpu.dma_semaphore, #tpu.memory_space<semaphore_mem>>) {add = true}
        }
        %scan3A_1251 = arith.constant 16 : i32
        %gt3A_1252 = arith.constant 0 : i32
        %gt3A_1253 = arith.cmpi sgt, %scan3A_1027, %gt3A_1252 : i32
        %convert_element_type3A_1254 = arith.extui %gt3A_1253 : i1 to i32
        %cond3A_1255 = arith.constant 0 : i32
        %cond3A_1256 = arith.cmpi ne, %convert_element_type3A_1254, %cond3A_1255 : i32
        scf.if %cond3A_1256 {
          %scan3A_1275 = arith.constant 0 : i32
          %scan3A_1276 = arith.constant 0 : i32
          %scan3A_1277 = arith.constant 16 : i32
          %scan3A_1278 = arith.addi %scan3A_1276, %scan3A_1277 : i32
          %scan3A_1279 = arith.constant 1 : i32
          scf.for %scan3A_1281 = %scan3A_1276 to %scan3A_1278 step %scan3A_1279  : i32 {
            %mul3A_1282 = arith.constant 128 : i32
            %mul3A_1283 = arith.muli %scan3A_1281, %mul3A_1282 : i32
            %multiple_of3A_1284 = tpu.assume_multiple %mul3A_1283, 128 : i32
            %dma_wait3A_1285 = arith.constant 1 : i32
            %dma_wait3A_1286 = arith.constant 1 : i32
            %dma_wait3A_1287 = arith.constant 0 : i32
            %dma_wait3A_1288 = tpu.memref_slice %arg11[%dma_wait3A_1285, %multiple_of3A_1284, %dma_wait3A_1287] : memref<2x2048x8xf32, #tpu.memory_space<vmem>> -> memref<1x128x8xf32, #tpu.memory_space<vmem>>
            %dma_wait3A_1289 = tpu.memref_squeeze %dma_wait3A_1288 : memref<1x128x8xf32, #tpu.memory_space<vmem>> -> memref<128x8xf32, #tpu.memory_space<vmem>>
            %dma_wait3A_1290 = arith.constant 0 : i32
            %dma_wait3A_1291 = tpu.memref_slice %arg10[%dma_wait3A_1286, %scan3A_1281, %dma_wait3A_1290] : memref<2x16x128xi32, #tpu.memory_space<vmem>> -> memref<1x1x128xi32, #tpu.memory_space<vmem>>
            %dma_wait3A_1292 = tpu.memref_squeeze %dma_wait3A_1291 : memref<1x1x128xi32, #tpu.memory_space<vmem>> -> memref<128xi32, #tpu.memory_space<vmem>>
            %dma_wait3A_1293 = arith.constant 0 : i32
            %dma_wait3A_1294 = arith.constant 0 : i32
            %dma_wait3A_1295 = tpu.memref_slice %arg6[%dma_wait3A_1293, %dma_wait3A_1294] : memref<131072x8xf32, #tpu.memory_space<vmem_shared>> -> memref<131072x8xf32, #tpu.memory_space<vmem_shared>>
            tpu.wait_indirect_dma semaphore(%arg14 : memref<!tpu.dma_semaphore, #tpu.memory_space<semaphore_mem>>) src(%dma_wait3A_1289 : memref<128x8xf32, #tpu.memory_space<vmem>>) dst(%dma_wait3A_1295 : memref<131072x8xf32, #tpu.memory_space<vmem_shared>>)
          }
          %scan3A_1280 = arith.constant 16 : i32
        } else {
        }
        %scan3A_1257 = arith.constant 0 : i32
        %scan3A_1258 = arith.constant 0 : i32
        %scan3A_1259 = arith.constant 8 : i32
        %scan3A_1260 = arith.addi %scan3A_1258, %scan3A_1259 : i32
        %scan3A_1261 = arith.constant 1 : i32
        scf.for %scan3A_1275 = %scan3A_1258 to %scan3A_1260 step %scan3A_1261  : i32 {
          %multiple_of3A_1276 = arith.constant 0 : i32
          %multiple_of3A_1277 = tpu.assume_multiple %multiple_of3A_1276, 16 : i32
          %mul3A_1278 = arith.constant 128 : i32
          %mul3A_1279 = arith.muli %scan3A_1275, %mul3A_1278 : i32
          %add3A_1280 = arith.constant 0 : i32
          %add3A_1281 = arith.addi %mul3A_1279, %add3A_1280 : i32
          %multiple_of3A_1282 = tpu.assume_multiple %add3A_1281, 16 : i32
          %get3A = arith.index_cast %multiple_of3A_1282 : i32 to index
          %get3A_1283 = tpu.vector_load %arg9[%get3A] {strides = array<i32>} : memref<1024xi32, #tpu.memory_space<vmem>>, vector<16xi32>,
          %add3A_1284 = arith.constant 512 : i32
          %add3A_1285 = vector.broadcast %add3A_1284 : i32 to vector<16xi32>
          %add3A_1286 = arith.addi %get3A_1283, %add3A_1285 : vector<16xi32>
          %shift_right_arithmetic3A_1287 = arith.constant 1 : i32
          %shift_right_arithmetic3A_1288 = vector.broadcast %shift_right_arithmetic3A_1287 : i32 to vector<16xi32>
          %shift_right_arithmetic3A_1289 = arith.shrsi %add3A_1286, %shift_right_arithmetic3A_1288 : vector<16xi32>
          %swap3A = arith.constant 1 : i32
          %swap3A_1290 = arith.index_cast %swap3A : i32 to index
          %swap3A_1291 = arith.index_cast %scan3A_1275 : i32 to index
          %swap3A_1292 = arith.index_cast %multiple_of3A_1277 : i32 to index
          %swap3A_1293 = tpu.vector_load %arg10[%swap3A_1290, %swap3A_1291, %swap3A_1292] {strides = array<i32>} : memref<2x16x128xi32, #tpu.memory_space<vmem>>, vector<16xi32>,
          tpu.vector_store %arg10[%swap3A_1290, %swap3A_1291, %swap3A_1292], %shift_right_arithmetic3A_1289 {strides = array<i32>} : memref<2x16x128xi32, #tpu.memory_space<vmem>>, vector<16xi32>,
          %add3A_1294 = arith.constant 1 : i32
          %add3A_1295 = vector.broadcast %add3A_1294 : i32 to vector<16xi32>
          %add3A_1296 = arith.addi %add3A_1286, %add3A_1295 : vector<16xi32>
          %shift_right_arithmetic3A_1297 = arith.constant 1 : i32
          %shift_right_arithmetic3A_1298 = vector.broadcast %shift_right_arithmetic3A_1297 : i32 to vector<16xi32>
          %shift_right_arithmetic3A_1299 = arith.shrsi %add3A_1296, %shift_right_arithmetic3A_1298 : vector<16xi32>
          %add3A_1300 = arith.constant 8 : i32
          %add3A_1301 = arith.addi %add3A_1300, %scan3A_1275 : i32
          %swap3A_1302 = arith.constant 1 : i32
          %swap3A_1303 = arith.index_cast %swap3A_1302 : i32 to index
          %swap3A_1304 = arith.index_cast %add3A_1301 : i32 to index
          %swap3A_1305 = arith.index_cast %multiple_of3A_1277 : i32 to index
          %swap3A_1306 = tpu.vector_load %arg10[%swap3A_1303, %swap3A_1304, %swap3A_1305] {strides = array<i32>} : memref<2x16x128xi32, #tpu.memory_space<vmem>>, vector<16xi32>,
          tpu.vector_store %arg10[%swap3A_1303, %swap3A_1304, %swap3A_1305], %shift_right_arithmetic3A_1299 {strides = array<i32>} : memref<2x16x128xi32, #tpu.memory_space<vmem>>, vector<16xi32>,
          %multiple_of3A_1307 = arith.constant 16 : i32
          %multiple_of3A_1308 = tpu.assume_multiple %multiple_of3A_1307, 16 : i32
          %mul3A_1309 = arith.constant 128 : i32
          %mul3A_1310 = arith.muli %scan3A_1275, %mul3A_1309 : i32
          %add3A_1311 = arith.constant 16 : i32
          %add3A_1312 = arith.addi %mul3A_1310, %add3A_1311 : i32
          %multiple_of3A_1313 = tpu.assume_multiple %add3A_1312, 16 : i32
          %get3A_1314 = arith.index_cast %multiple_of3A_1313 : i32 to index
          %get3A_1315 = tpu.vector_load %arg9[%get3A_1314] {strides = array<i32>} : memref<1024xi32, #tpu.memory_space<vmem>>, vector<16xi32>,
          %add3A_1316 = arith.constant 512 : i32
          %add3A_1317 = vector.broadcast %add3A_1316 : i32 to vector<16xi32>
          %add3A_1318 = arith.addi %get3A_1315, %add3A_1317 : vector<16xi32>
          %shift_right_arithmetic3A_1319 = arith.constant 1 : i32
          %shift_right_arithmetic3A_1320 = vector.broadcast %shift_right_arithmetic3A_1319 : i32 to vector<16xi32>
          %shift_right_arithmetic3A_1321 = arith.shrsi %add3A_1318, %shift_right_arithmetic3A_1320 : vector<16xi32>
          %swap3A_1322 = arith.constant 1 : i32
          %swap3A_1323 = arith.index_cast %swap3A_1322 : i32 to index
          %swap3A_1324 = arith.index_cast %scan3A_1275 : i32 to index
          %swap3A_1325 = arith.index_cast %multiple_of3A_1308 : i32 to index
          %swap3A_1326 = tpu.vector_load %arg10[%swap3A_1323, %swap3A_1324, %swap3A_1325] {strides = array<i32>} : memref<2x16x128xi32, #tpu.memory_space<vmem>>, vector<16xi32>,
          tpu.vector_store %arg10[%swap3A_1323, %swap3A_1324, %swap3A_1325], %shift_right_arithmetic3A_1321 {strides = array<i32>} : memref<2x16x128xi32, #tpu.memory_space<vmem>>, vector<16xi32>,
          %add3A_1327 = arith.constant 1 : i32
          %add3A_1328 = vector.broadcast %add3A_1327 : i32 to vector<16xi32>
          %add3A_1329 = arith.addi %add3A_1318, %add3A_1328 : vector<16xi32>
          %shift_right_arithmetic3A_1330 = arith.constant 1 : i32
          %shift_right_arithmetic3A_1331 = vector.broadcast %shift_right_arithmetic3A_1330 : i32 to vector<16xi32>
          %shift_right_arithmetic3A_1332 = arith.shrsi %add3A_1329, %shift_right_arithmetic3A_1331 : vector<16xi32>
          %add3A_1333 = arith.constant 8 : i32
          %add3A_1334 = arith.addi %add3A_1333, %scan3A_1275 : i32
          %swap3A_1335 = arith.constant 1 : i32
          %swap3A_1336 = arith.index_cast %swap3A_1335 : i32 to index
          %swap3A_1337 = arith.index_cast %add3A_1334 : i32 to index
          %swap3A_1338 = arith.index_cast %multiple_of3A_1308 : i32 to index
          %swap3A_1339 = tpu.vector_load %arg10[%swap3A_1336, %swap3A_1337, %swap3A_1338] {strides = array<i32>} : memref<2x16x128xi32, #tpu.memory_space<vmem>>, vector<16xi32>,
          tpu.vector_store %arg10[%swap3A_1336, %swap3A_1337, %swap3A_1338], %shift_right_arithmetic3A_1332 {strides = array<i32>} : memref<2x16x128xi32, #tpu.memory_space<vmem>>, vector<16xi32>,
          %multiple_of3A_1340 = arith.constant 32 : i32
          %multiple_of3A_1341 = tpu.assume_multiple %multiple_of3A_1340, 16 : i32
          %mul3A_1342 = arith.constant 128 : i32
          %mul3A_1343 = arith.muli %scan3A_1275, %mul3A_1342 : i32
          %add3A_1344 = arith.constant 32 : i32
          %add3A_1345 = arith.addi %mul3A_1343, %add3A_1344 : i32
          %multiple_of3A_1346 = tpu.assume_multiple %add3A_1345, 16 : i32
          %get3A_1347 = arith.index_cast %multiple_of3A_1346 : i32 to index
          %get3A_1348 = tpu.vector_load %arg9[%get3A_1347] {strides = array<i32>} : memref<1024xi32, #tpu.memory_space<vmem>>, vector<16xi32>,
          %add3A_1349 = arith.constant 512 : i32
          %add3A_1350 = vector.broadcast %add3A_1349 : i32 to vector<16xi32>
          %add3A_1351 = arith.addi %get3A_1348, %add3A_1350 : vector<16xi32>
          %shift_right_arithmetic3A_1352 = arith.constant 1 : i32
          %shift_right_arithmetic3A_1353 = vector.broadcast %shift_right_arithmetic3A_1352 : i32 to vector<16xi32>
          %shift_right_arithmetic3A_1354 = arith.shrsi %add3A_1351, %shift_right_arithmetic3A_1353 : vector<16xi32>
          %swap3A_1355 = arith.constant 1 : i32
          %swap3A_1356 = arith.index_cast %swap3A_1355 : i32 to index
          %swap3A_1357 = arith.index_cast %scan3A_1275 : i32 to index
          %swap3A_1358 = arith.index_cast %multiple_of3A_1341 : i32 to index
          %swap3A_1359 = tpu.vector_load %arg10[%swap3A_1356, %swap3A_1357, %swap3A_1358] {strides = array<i32>} : memref<2x16x128xi32, #tpu.memory_space<vmem>>, vector<16xi32>,
          tpu.vector_store %arg10[%swap3A_1356, %swap3A_1357, %swap3A_1358], %shift_right_arithmetic3A_1354 {strides = array<i32>} : memref<2x16x128xi32, #tpu.memory_space<vmem>>, vector<16xi32>,
          %add3A_1360 = arith.constant 1 : i32
          %add3A_1361 = vector.broadcast %add3A_1360 : i32 to vector<16xi32>
          %add3A_1362 = arith.addi %add3A_1351, %add3A_1361 : vector<16xi32>
          %shift_right_arithmetic3A_1363 = arith.constant 1 : i32
          %shift_right_arithmetic3A_1364 = vector.broadcast %shift_right_arithmetic3A_1363 : i32 to vector<16xi32>
          %shift_right_arithmetic3A_1365 = arith.shrsi %add3A_1362, %shift_right_arithmetic3A_1364 : vector<16xi32>
          %add3A_1366 = arith.constant 8 : i32
          %add3A_1367 = arith.addi %add3A_1366, %scan3A_1275 : i32
          %swap3A_1368 = arith.constant 1 : i32
          %swap3A_1369 = arith.index_cast %swap3A_1368 : i32 to index
          %swap3A_1370 = arith.index_cast %add3A_1367 : i32 to index
          %swap3A_1371 = arith.index_cast %multiple_of3A_1341 : i32 to index
          %swap3A_1372 = tpu.vector_load %arg10[%swap3A_1369, %swap3A_1370, %swap3A_1371] {strides = array<i32>} : memref<2x16x128xi32, #tpu.memory_space<vmem>>, vector<16xi32>,
          tpu.vector_store %arg10[%swap3A_1369, %swap3A_1370, %swap3A_1371], %shift_right_arithmetic3A_1365 {strides = array<i32>} : memref<2x16x128xi32, #tpu.memory_space<vmem>>, vector<16xi32>,
          %multiple_of3A_1373 = arith.constant 48 : i32
          %multiple_of3A_1374 = tpu.assume_multiple %multiple_of3A_1373, 16 : i32
          %mul3A_1375 = arith.constant 128 : i32
          %mul3A_1376 = arith.muli %scan3A_1275, %mul3A_1375 : i32
          %add3A_1377 = arith.constant 48 : i32
          %add3A_1378 = arith.addi %mul3A_1376, %add3A_1377 : i32
          %multiple_of3A_1379 = tpu.assume_multiple %add3A_1378, 16 : i32
          %get3A_1380 = arith.index_cast %multiple_of3A_1379 : i32 to index
          %get3A_1381 = tpu.vector_load %arg9[%get3A_1380] {strides = array<i32>} : memref<1024xi32, #tpu.memory_space<vmem>>, vector<16xi32>,
          %add3A_1382 = arith.constant 512 : i32
          %add3A_1383 = vector.broadcast %add3A_1382 : i32 to vector<16xi32>
          %add3A_1384 = arith.addi %get3A_1381, %add3A_1383 : vector<16xi32>
          %shift_right_arithmetic3A_1385 = arith.constant 1 : i32
          %shift_right_arithmetic3A_1386 = vector.broadcast %shift_right_arithmetic3A_1385 : i32 to vector<16xi32>
          %shift_right_arithmetic3A_1387 = arith.shrsi %add3A_1384, %shift_right_arithmetic3A_1386 : vector<16xi32>
          %swap3A_1388 = arith.constant 1 : i32
          %swap3A_1389 = arith.index_cast %swap3A_1388 : i32 to index
          %swap3A_1390 = arith.index_cast %scan3A_1275 : i32 to index
          %swap3A_1391 = arith.index_cast %multiple_of3A_1374 : i32 to index
          %swap3A_1392 = tpu.vector_load %arg10[%swap3A_1389, %swap3A_1390, %swap3A_1391] {strides = array<i32>} : memref<2x16x128xi32, #tpu.memory_space<vmem>>, vector<16xi32>,
          tpu.vector_store %arg10[%swap3A_1389, %swap3A_1390, %swap3A_1391], %shift_right_arithmetic3A_1387 {strides = array<i32>} : memref<2x16x128xi32, #tpu.memory_space<vmem>>, vector<16xi32>,
          %add3A_1393 = arith.constant 1 : i32
          %add3A_1394 = vector.broadcast %add3A_1393 : i32 to vector<16xi32>
          %add3A_1395 = arith.addi %add3A_1384, %add3A_1394 : vector<16xi32>
          %shift_right_arithmetic3A_1396 = arith.constant 1 : i32
          %shift_right_arithmetic3A_1397 = vector.broadcast %shift_right_arithmetic3A_1396 : i32 to vector<16xi32>
          %shift_right_arithmetic3A_1398 = arith.shrsi %add3A_1395, %shift_right_arithmetic3A_1397 : vector<16xi32>
          %add3A_1399 = arith.constant 8 : i32
          %add3A_1400 = arith.addi %add3A_1399, %scan3A_1275 : i32
          %swap3A_1401 = arith.constant 1 : i32
          %swap3A_1402 = arith.index_cast %swap3A_1401 : i32 to index
          %swap3A_1403 = arith.index_cast %add3A_1400 : i32 to index
          %swap3A_1404 = arith.index_cast %multiple_of3A_1374 : i32 to index
          %swap3A_1405 = tpu.vector_load %arg10[%swap3A_1402, %swap3A_1403, %swap3A_1404] {strides = array<i32>} : memref<2x16x128xi32, #tpu.memory_space<vmem>>, vector<16xi32>,
          tpu.vector_store %arg10[%swap3A_1402, %swap3A_1403, %swap3A_1404], %shift_right_arithmetic3A_1398 {strides = array<i32>} : memref<2x16x128xi32, #tpu.memory_space<vmem>>, vector<16xi32>,
          %multiple_of3A_1406 = arith.constant 64 : i32
          %multiple_of3A_1407 = tpu.assume_multiple %multiple_of3A_1406, 16 : i32
          %mul3A_1408 = arith.constant 128 : i32
          %mul3A_1409 = arith.muli %scan3A_1275, %mul3A_1408 : i32
          %add3A_1410 = arith.constant 64 : i32
          %add3A_1411 = arith.addi %mul3A_1409, %add3A_1410 : i32
          %multiple_of3A_1412 = tpu.assume_multiple %add3A_1411, 16 : i32
          %get3A_1413 = arith.index_cast %multiple_of3A_1412 : i32 to index
          %get3A_1414 = tpu.vector_load %arg9[%get3A_1413] {strides = array<i32>} : memref<1024xi32, #tpu.memory_space<vmem>>, vector<16xi32>,
          %add3A_1415 = arith.constant 512 : i32
          %add3A_1416 = vector.broadcast %add3A_1415 : i32 to vector<16xi32>
          %add3A_1417 = arith.addi %get3A_1414, %add3A_1416 : vector<16xi32>
          %shift_right_arithmetic3A_1418 = arith.constant 1 : i32
          %shift_right_arithmetic3A_1419 = vector.broadcast %shift_right_arithmetic3A_1418 : i32 to vector<16xi32>
          %shift_right_arithmetic3A_1420 = arith.shrsi %add3A_1417, %shift_right_arithmetic3A_1419 : vector<16xi32>
          %swap3A_1421 = arith.constant 1 : i32
          %swap3A_1422 = arith.index_cast %swap3A_1421 : i32 to index
          %swap3A_1423 = arith.index_cast %scan3A_1275 : i32 to index
          %swap3A_1424 = arith.index_cast %multiple_of3A_1407 : i32 to index
          %swap3A_1425 = tpu.vector_load %arg10[%swap3A_1422, %swap3A_1423, %swap3A_1424] {strides = array<i32>} : memref<2x16x128xi32, #tpu.memory_space<vmem>>, vector<16xi32>,
          tpu.vector_store %arg10[%swap3A_1422, %swap3A_1423, %swap3A_1424], %shift_right_arithmetic3A_1420 {strides = array<i32>} : memref<2x16x128xi32, #tpu.memory_space<vmem>>, vector<16xi32>,
          %add3A_1426 = arith.constant 1 : i32
          %add3A_1427 = vector.broadcast %add3A_1426 : i32 to vector<16xi32>
          %add3A_1428 = arith.addi %add3A_1417, %add3A_1427 : vector<16xi32>
          %shift_right_arithmetic3A_1429 = arith.constant 1 : i32
          %shift_right_arithmetic3A_1430 = vector.broadcast %shift_right_arithmetic3A_1429 : i32 to vector<16xi32>
          %shift_right_arithmetic3A_1431 = arith.shrsi %add3A_1428, %shift_right_arithmetic3A_1430 : vector<16xi32>
          %add3A_1432 = arith.constant 8 : i32
          %add3A_1433 = arith.addi %add3A_1432, %scan3A_1275 : i32
          %swap3A_1434 = arith.constant 1 : i32
          %swap3A_1435 = arith.index_cast %swap3A_1434 : i32 to index
          %swap3A_1436 = arith.index_cast %add3A_1433 : i32 to index
          %swap3A_1437 = arith.index_cast %multiple_of3A_1407 : i32 to index
          %swap3A_1438 = tpu.vector_load %arg10[%swap3A_1435, %swap3A_1436, %swap3A_1437] {strides = array<i32>} : memref<2x16x128xi32, #tpu.memory_space<vmem>>, vector<16xi32>,
          tpu.vector_store %arg10[%swap3A_1435, %swap3A_1436, %swap3A_1437], %shift_right_arithmetic3A_1431 {strides = array<i32>} : memref<2x16x128xi32, #tpu.memory_space<vmem>>, vector<16xi32>,
          %multiple_of3A_1439 = arith.constant 80 : i32
          %multiple_of3A_1440 = tpu.assume_multiple %multiple_of3A_1439, 16 : i32
          %mul3A_1441 = arith.constant 128 : i32
          %mul3A_1442 = arith.muli %scan3A_1275, %mul3A_1441 : i32
          %add3A_1443 = arith.constant 80 : i32
          %add3A_1444 = arith.addi %mul3A_1442, %add3A_1443 : i32
          %multiple_of3A_1445 = tpu.assume_multiple %add3A_1444, 16 : i32
          %get3A_1446 = arith.index_cast %multiple_of3A_1445 : i32 to index
          %get3A_1447 = tpu.vector_load %arg9[%get3A_1446] {strides = array<i32>} : memref<1024xi32, #tpu.memory_space<vmem>>, vector<16xi32>,
          %add3A_1448 = arith.constant 512 : i32
          %add3A_1449 = vector.broadcast %add3A_1448 : i32 to vector<16xi32>
          %add3A_1450 = arith.addi %get3A_1447, %add3A_1449 : vector<16xi32>
          %shift_right_arithmetic3A_1451 = arith.constant 1 : i32
          %shift_right_arithmetic3A_1452 = vector.broadcast %shift_right_arithmetic3A_1451 : i32 to vector<16xi32>
          %shift_right_arithmetic3A_1453 = arith.shrsi %add3A_1450, %shift_right_arithmetic3A_1452 : vector<16xi32>
          %swap3A_1454 = arith.constant 1 : i32
          %swap3A_1455 = arith.index_cast %swap3A_1454 : i32 to index
          %swap3A_1456 = arith.index_cast %scan3A_1275 : i32 to index
          %swap3A_1457 = arith.index_cast %multiple_of3A_1440 : i32 to index
          %swap3A_1458 = tpu.vector_load %arg10[%swap3A_1455, %swap3A_1456, %swap3A_1457] {strides = array<i32>} : memref<2x16x128xi32, #tpu.memory_space<vmem>>, vector<16xi32>,
          tpu.vector_store %arg10[%swap3A_1455, %swap3A_1456, %swap3A_1457], %shift_right_arithmetic3A_1453 {strides = array<i32>} : memref<2x16x128xi32, #tpu.memory_space<vmem>>, vector<16xi32>,
          %add3A_1459 = arith.constant 1 : i32
          %add3A_1460 = vector.broadcast %add3A_1459 : i32 to vector<16xi32>
          %add3A_1461 = arith.addi %add3A_1450, %add3A_1460 : vector<16xi32>
          %shift_right_arithmetic3A_1462 = arith.constant 1 : i32
          %shift_right_arithmetic3A_1463 = vector.broadcast %shift_right_arithmetic3A_1462 : i32 to vector<16xi32>
          %shift_right_arithmetic3A_1464 = arith.shrsi %add3A_1461, %shift_right_arithmetic3A_1463 : vector<16xi32>
          %add3A_1465 = arith.constant 8 : i32
          %add3A_1466 = arith.addi %add3A_1465, %scan3A_1275 : i32
          %swap3A_1467 = arith.constant 1 : i32
          %swap3A_1468 = arith.index_cast %swap3A_1467 : i32 to index
          %swap3A_1469 = arith.index_cast %add3A_1466 : i32 to index
          %swap3A_1470 = arith.index_cast %multiple_of3A_1440 : i32 to index
          %swap3A_1471 = tpu.vector_load %arg10[%swap3A_1468, %swap3A_1469, %swap3A_1470] {strides = array<i32>} : memref<2x16x128xi32, #tpu.memory_space<vmem>>, vector<16xi32>,
          tpu.vector_store %arg10[%swap3A_1468, %swap3A_1469, %swap3A_1470], %shift_right_arithmetic3A_1464 {strides = array<i32>} : memref<2x16x128xi32, #tpu.memory_space<vmem>>, vector<16xi32>,
          %multiple_of3A_1472 = arith.constant 96 : i32
          %multiple_of3A_1473 = tpu.assume_multiple %multiple_of3A_1472, 16 : i32
          %mul3A_1474 = arith.constant 128 : i32
          %mul3A_1475 = arith.muli %scan3A_1275, %mul3A_1474 : i32
          %add3A_1476 = arith.constant 96 : i32
          %add3A_1477 = arith.addi %mul3A_1475, %add3A_1476 : i32
          %multiple_of3A_1478 = tpu.assume_multiple %add3A_1477, 16 : i32
          %get3A_1479 = arith.index_cast %multiple_of3A_1478 : i32 to index
          %get3A_1480 = tpu.vector_load %arg9[%get3A_1479] {strides = array<i32>} : memref<1024xi32, #tpu.memory_space<vmem>>, vector<16xi32>,
          %add3A_1481 = arith.constant 512 : i32
          %add3A_1482 = vector.broadcast %add3A_1481 : i32 to vector<16xi32>
          %add3A_1483 = arith.addi %get3A_1480, %add3A_1482 : vector<16xi32>
          %shift_right_arithmetic3A_1484 = arith.constant 1 : i32
          %shift_right_arithmetic3A_1485 = vector.broadcast %shift_right_arithmetic3A_1484 : i32 to vector<16xi32>
          %shift_right_arithmetic3A_1486 = arith.shrsi %add3A_1483, %shift_right_arithmetic3A_1485 : vector<16xi32>
          %swap3A_1487 = arith.constant 1 : i32
          %swap3A_1488 = arith.index_cast %swap3A_1487 : i32 to index
          %swap3A_1489 = arith.index_cast %scan3A_1275 : i32 to index
          %swap3A_1490 = arith.index_cast %multiple_of3A_1473 : i32 to index
          %swap3A_1491 = tpu.vector_load %arg10[%swap3A_1488, %swap3A_1489, %swap3A_1490] {strides = array<i32>} : memref<2x16x128xi32, #tpu.memory_space<vmem>>, vector<16xi32>,
          tpu.vector_store %arg10[%swap3A_1488, %swap3A_1489, %swap3A_1490], %shift_right_arithmetic3A_1486 {strides = array<i32>} : memref<2x16x128xi32, #tpu.memory_space<vmem>>, vector<16xi32>,
          %add3A_1492 = arith.constant 1 : i32
          %add3A_1493 = vector.broadcast %add3A_1492 : i32 to vector<16xi32>
          %add3A_1494 = arith.addi %add3A_1483, %add3A_1493 : vector<16xi32>
          %shift_right_arithmetic3A_1495 = arith.constant 1 : i32
          %shift_right_arithmetic3A_1496 = vector.broadcast %shift_right_arithmetic3A_1495 : i32 to vector<16xi32>
          %shift_right_arithmetic3A_1497 = arith.shrsi %add3A_1494, %shift_right_arithmetic3A_1496 : vector<16xi32>
          %add3A_1498 = arith.constant 8 : i32
          %add3A_1499 = arith.addi %add3A_1498, %scan3A_1275 : i32
          %swap3A_1500 = arith.constant 1 : i32
          %swap3A_1501 = arith.index_cast %swap3A_1500 : i32 to index
          %swap3A_1502 = arith.index_cast %add3A_1499 : i32 to index
          %swap3A_1503 = arith.index_cast %multiple_of3A_1473 : i32 to index
          %swap3A_1504 = tpu.vector_load %arg10[%swap3A_1501, %swap3A_1502, %swap3A_1503] {strides = array<i32>} : memref<2x16x128xi32, #tpu.memory_space<vmem>>, vector<16xi32>,
          tpu.vector_store %arg10[%swap3A_1501, %swap3A_1502, %swap3A_1503], %shift_right_arithmetic3A_1497 {strides = array<i32>} : memref<2x16x128xi32, #tpu.memory_space<vmem>>, vector<16xi32>,
          %multiple_of3A_1505 = arith.constant 112 : i32
          %multiple_of3A_1506 = tpu.assume_multiple %multiple_of3A_1505, 16 : i32
          %mul3A_1507 = arith.constant 128 : i32
          %mul3A_1508 = arith.muli %scan3A_1275, %mul3A_1507 : i32
          %add3A_1509 = arith.constant 112 : i32
          %add3A_1510 = arith.addi %mul3A_1508, %add3A_1509 : i32
          %multiple_of3A_1511 = tpu.assume_multiple %add3A_1510, 16 : i32
          %get3A_1512 = arith.index_cast %multiple_of3A_1511 : i32 to index
          %get3A_1513 = tpu.vector_load %arg9[%get3A_1512] {strides = array<i32>} : memref<1024xi32, #tpu.memory_space<vmem>>, vector<16xi32>,
          %add3A_1514 = arith.constant 512 : i32
          %add3A_1515 = vector.broadcast %add3A_1514 : i32 to vector<16xi32>
          %add3A_1516 = arith.addi %get3A_1513, %add3A_1515 : vector<16xi32>
          %shift_right_arithmetic3A_1517 = arith.constant 1 : i32
          %shift_right_arithmetic3A_1518 = vector.broadcast %shift_right_arithmetic3A_1517 : i32 to vector<16xi32>
          %shift_right_arithmetic3A_1519 = arith.shrsi %add3A_1516, %shift_right_arithmetic3A_1518 : vector<16xi32>
          %swap3A_1520 = arith.constant 1 : i32
          %swap3A_1521 = arith.index_cast %swap3A_1520 : i32 to index
          %swap3A_1522 = arith.index_cast %scan3A_1275 : i32 to index
          %swap3A_1523 = arith.index_cast %multiple_of3A_1506 : i32 to index
          %swap3A_1524 = tpu.vector_load %arg10[%swap3A_1521, %swap3A_1522, %swap3A_1523] {strides = array<i32>} : memref<2x16x128xi32, #tpu.memory_space<vmem>>, vector<16xi32>,
          tpu.vector_store %arg10[%swap3A_1521, %swap3A_1522, %swap3A_1523], %shift_right_arithmetic3A_1519 {strides = array<i32>} : memref<2x16x128xi32, #tpu.memory_space<vmem>>, vector<16xi32>,
          %add3A_1525 = arith.constant 1 : i32
          %add3A_1526 = vector.broadcast %add3A_1525 : i32 to vector<16xi32>
          %add3A_1527 = arith.addi %add3A_1516, %add3A_1526 : vector<16xi32>
          %shift_right_arithmetic3A_1528 = arith.constant 1 : i32
          %shift_right_arithmetic3A_1529 = vector.broadcast %shift_right_arithmetic3A_1528 : i32 to vector<16xi32>
          %shift_right_arithmetic3A_1530 = arith.shrsi %add3A_1527, %shift_right_arithmetic3A_1529 : vector<16xi32>
          %add3A_1531 = arith.constant 8 : i32
          %add3A_1532 = arith.addi %add3A_1531, %scan3A_1275 : i32
          %swap3A_1533 = arith.constant 1 : i32
          %swap3A_1534 = arith.index_cast %swap3A_1533 : i32 to index
          %swap3A_1535 = arith.index_cast %add3A_1532 : i32 to index
          %swap3A_1536 = arith.index_cast %multiple_of3A_1506 : i32 to index
          %swap3A_1537 = tpu.vector_load %arg10[%swap3A_1534, %swap3A_1535, %swap3A_1536] {strides = array<i32>} : memref<2x16x128xi32, #tpu.memory_space<vmem>>, vector<16xi32>,
          tpu.vector_store %arg10[%swap3A_1534, %swap3A_1535, %swap3A_1536], %shift_right_arithmetic3A_1530 {strides = array<i32>} : memref<2x16x128xi32, #tpu.memory_space<vmem>>, vector<16xi32>,
        }
        %scan3A_1262 = arith.constant 8 : i32
        %scan3A_1263 = arith.constant 0 : i32
        %scan3A_1264 = arith.constant 0 : i32
        %scan3A_1265 = arith.constant 32 : i32
        %scan3A_1266 = arith.addi %scan3A_1264, %scan3A_1265 : i32
        %scan3A_1267 = arith.constant 1 : i32
        scf.for %scan3A_1275 = %scan3A_1264 to %scan3A_1266 step %scan3A_1267  : i32 {
          %mul3A_1276 = arith.constant 2 : i32
          %mul3A_1277 = arith.muli %scan3A_1275, %mul3A_1276 : i32
          %add3A_1278 = arith.constant 0 : i32
          %add3A_1279 = arith.addi %mul3A_1277, %add3A_1278 : i32
          %mul3A_1280 = arith.constant 16 : i32
          %mul3A_1281 = arith.muli %add3A_1279, %mul3A_1280 : i32
          %multiple_of3A_1282 = tpu.assume_multiple %mul3A_1281, 16 : i32
          %mul3A_1283 = arith.constant 16 : i32
          %mul3A_1284 = arith.muli %add3A_1279, %mul3A_1283 : i32
          %add3A_1285 = vector.broadcast %mul3A_1284 : i32 to vector<16xi32>
          %add3A_1286 = arith.addi %add3A_1285, %iota3A : vector<16xi32>
          %get3A = arith.index_cast %multiple_of3A_1282 : i32 to index
          %get3A_1287 = tpu.vector_load %arg9[%get3A] {strides = array<i32>} : memref<1024xi32, #tpu.memory_space<vmem>>, vector<16xi32>,
          %add3A_1288 = arith.constant 512 : i32
          %add3A_1289 = vector.broadcast %add3A_1288 : i32 to vector<16xi32>
          %add3A_1290 = arith.addi %get3A_1287, %add3A_1289 : vector<16xi32>
          %and3A_1291 = arith.constant 1 : i32
          %and3A_1292 = vector.broadcast %and3A_1291 : i32 to vector<16xi32>
          %and3A_1293 = arith.andi %add3A_1290, %and3A_1292 : vector<16xi32>
          %eq3A = arith.constant 0 : i32
          %eq3A_1294 = vector.broadcast %eq3A : i32 to vector<16xi32>
          %eq3A_1295 = arith.cmpi eq, %and3A_1293, %eq3A_1294 : vector<16xi32>
          %get3A_1296 = arith.constant 2 : i32
          %get3A_1297 = arith.index_cast %get3A_1296 : i32 to index
          %get3A_1298 = arith.index_cast %multiple_of3A_1282 : i32 to index
          %get3A_1299 = tpu.vector_load %arg8[%get3A_1297, %get3A_1298] {strides = array<i32>} : memref<4x1024xf32, #tpu.memory_space<vmem>>, vector<16xf32>,
          %get3A_1300 = arith.constant 3 : i32
          %get3A_1301 = arith.index_cast %get3A_1300 : i32 to index
          %get3A_1302 = arith.index_cast %multiple_of3A_1282 : i32 to index
          %get3A_1303 = tpu.vector_load %arg8[%get3A_1301, %get3A_1302] {strides = array<i32>} : memref<4x1024xf32, #tpu.memory_space<vmem>>, vector<16xf32>,
          %add3A_1304 = arith.constant 1024 : i32
          %add3A_1305 = vector.broadcast %add3A_1304 : i32 to vector<16xi32>
          %add3A_1306 = arith.addi %add3A_1305, %add3A_1286 : vector<16xi32>
          %get3A_1307 = arith.constant 0 : i32
          %get3A_1308 = arith.index_cast %get3A_1307 : i32 to index
          %get3A_1309 = arith.index_cast %multiple_of3A_1282 : i32 to index
          %get3A_1310 = tpu.vector_load %arg7[%get3A_1308, %get3A_1309] {strides = array<i32>} : memref<4x1024xf32, #tpu.memory_space<vmem>>, vector<16xf32>,
          %mul3A_1311 = arith.mulf %get3A_1310, %get3A_1299 : vector<16xf32>
          %mul3A_1312 = arith.mulf %get3A_1310, %get3A_1303 : vector<16xf32>
          %broadcast_in_dim3A_1313 = arith.constant 0 : i32
          %broadcast_in_dim3A_1314 = vector.broadcast %broadcast_in_dim3A_1313 : i32 to vector<16xi32>
          %jit3A_1315 = arith.constant 0.000000e+00 : f32
          %broadcast_in_dim3A_1316 = vector.broadcast %jit3A_1315 : f32 to vector<16xf32>
          %select_n3A_1317 = arith.select %eq3A_1295, %mul3A_1311, %broadcast_in_dim3A_1316 : vector<16xi1>, vector<16xf32>
          %scatter3A = arith.constant 1 : i32
          %scatter3A_1318 = arith.constant 0 : i32
          %scatter3A_1319 = arith.constant 0 : i32
          %scatter3A_1320 = tpu.memref_slice %arg11[%scatter3A, %scatter3A_1318, %scatter3A_1319] : memref<2x2048x8xf32, #tpu.memory_space<vmem>> -> memref<1x2048x8xf32, #tpu.memory_space<vmem>>
          %scatter3A_1321 = tpu.memref_squeeze %scatter3A_1320 : memref<1x2048x8xf32, #tpu.memory_space<vmem>> -> memref<2048x8xf32, #tpu.memory_space<vmem>>
          tpu.vector_store_idx %scatter3A_1321[%add3A_1286, %broadcast_in_dim3A_1314], %select_n3A_1317 : memref<2048x8xf32, #tpu.memory_space<vmem>>[vector<16xi32>, vector<16xi32>], vector<16xf32>,
          %add3A_1322 = arith.constant 4 : i32
          %add3A_1323 = vector.broadcast %add3A_1322 : i32 to vector<16xi32>
          %add3A_1324 = arith.addi %broadcast_in_dim3A_1314, %add3A_1323 : vector<16xi32>
          %select_n3A_1325 = arith.select %eq3A_1295, %mul3A_1312, %mul3A_1311 : vector<16xi1>, vector<16xf32>
          %scatter3A_1326 = arith.constant 1 : i32
          %scatter3A_1327 = arith.constant 0 : i32
          %scatter3A_1328 = arith.constant 0 : i32
          %scatter3A_1329 = tpu.memref_slice %arg11[%scatter3A_1326, %scatter3A_1327, %scatter3A_1328] : memref<2x2048x8xf32, #tpu.memory_space<vmem>> -> memref<1x2048x8xf32, #tpu.memory_space<vmem>>
          %scatter3A_1330 = tpu.memref_squeeze %scatter3A_1329 : memref<1x2048x8xf32, #tpu.memory_space<vmem>> -> memref<2048x8xf32, #tpu.memory_space<vmem>>
          tpu.vector_store_idx %scatter3A_1330[%add3A_1286, %add3A_1324], %select_n3A_1325 : memref<2048x8xf32, #tpu.memory_space<vmem>>[vector<16xi32>, vector<16xi32>], vector<16xf32>,
          %jit3A_1331 = arith.constant 0.000000e+00 : f32
          %broadcast_in_dim3A_1332 = vector.broadcast %jit3A_1331 : f32 to vector<16xf32>
          %select_n3A_1333 = arith.select %eq3A_1295, %broadcast_in_dim3A_1332, %mul3A_1312 : vector<16xi1>, vector<16xf32>
          %scatter3A_1334 = arith.constant 1 : i32
          %scatter3A_1335 = arith.constant 0 : i32
          %scatter3A_1336 = arith.constant 0 : i32
          %scatter3A_1337 = tpu.memref_slice %arg11[%scatter3A_1334, %scatter3A_1335, %scatter3A_1336] : memref<2x2048x8xf32, #tpu.memory_space<vmem>> -> memref<1x2048x8xf32, #tpu.memory_space<vmem>>
          %scatter3A_1338 = tpu.memref_squeeze %scatter3A_1337 : memref<1x2048x8xf32, #tpu.memory_space<vmem>> -> memref<2048x8xf32, #tpu.memory_space<vmem>>
          tpu.vector_store_idx %scatter3A_1338[%add3A_1306, %broadcast_in_dim3A_1314], %select_n3A_1333 : memref<2048x8xf32, #tpu.memory_space<vmem>>[vector<16xi32>, vector<16xi32>], vector<16xf32>,
          %get3A_1339 = arith.constant 1 : i32
          %get3A_1340 = arith.index_cast %get3A_1339 : i32 to index
          %get3A_1341 = arith.index_cast %multiple_of3A_1282 : i32 to index
          %get3A_1342 = tpu.vector_load %arg7[%get3A_1340, %get3A_1341] {strides = array<i32>} : memref<4x1024xf32, #tpu.memory_space<vmem>>, vector<16xf32>,
          %mul3A_1343 = arith.mulf %get3A_1342, %get3A_1299 : vector<16xf32>
          %mul3A_1344 = arith.mulf %get3A_1342, %get3A_1303 : vector<16xf32>
          %broadcast_in_dim3A_1345 = arith.constant 1 : i32
          %broadcast_in_dim3A_1346 = vector.broadcast %broadcast_in_dim3A_1345 : i32 to vector<16xi32>
          %jit3A_1347 = arith.constant 0.000000e+00 : f32
          %broadcast_in_dim3A_1348 = vector.broadcast %jit3A_1347 : f32 to vector<16xf32>
          %select_n3A_1349 = arith.select %eq3A_1295, %mul3A_1343, %broadcast_in_dim3A_1348 : vector<16xi1>, vector<16xf32>
          %scatter3A_1350 = arith.constant 1 : i32
          %scatter3A_1351 = arith.constant 0 : i32
          %scatter3A_1352 = arith.constant 0 : i32
          %scatter3A_1353 = tpu.memref_slice %arg11[%scatter3A_1350, %scatter3A_1351, %scatter3A_1352] : memref<2x2048x8xf32, #tpu.memory_space<vmem>> -> memref<1x2048x8xf32, #tpu.memory_space<vmem>>
          %scatter3A_1354 = tpu.memref_squeeze %scatter3A_1353 : memref<1x2048x8xf32, #tpu.memory_space<vmem>> -> memref<2048x8xf32, #tpu.memory_space<vmem>>
          tpu.vector_store_idx %scatter3A_1354[%add3A_1286, %broadcast_in_dim3A_1346], %select_n3A_1349 : memref<2048x8xf32, #tpu.memory_space<vmem>>[vector<16xi32>, vector<16xi32>], vector<16xf32>,
          %add3A_1355 = arith.constant 4 : i32
          %add3A_1356 = vector.broadcast %add3A_1355 : i32 to vector<16xi32>
          %add3A_1357 = arith.addi %broadcast_in_dim3A_1346, %add3A_1356 : vector<16xi32>
          %select_n3A_1358 = arith.select %eq3A_1295, %mul3A_1344, %mul3A_1343 : vector<16xi1>, vector<16xf32>
          %scatter3A_1359 = arith.constant 1 : i32
          %scatter3A_1360 = arith.constant 0 : i32
          %scatter3A_1361 = arith.constant 0 : i32
          %scatter3A_1362 = tpu.memref_slice %arg11[%scatter3A_1359, %scatter3A_1360, %scatter3A_1361] : memref<2x2048x8xf32, #tpu.memory_space<vmem>> -> memref<1x2048x8xf32, #tpu.memory_space<vmem>>
          %scatter3A_1363 = tpu.memref_squeeze %scatter3A_1362 : memref<1x2048x8xf32, #tpu.memory_space<vmem>> -> memref<2048x8xf32, #tpu.memory_space<vmem>>
          tpu.vector_store_idx %scatter3A_1363[%add3A_1286, %add3A_1357], %select_n3A_1358 : memref<2048x8xf32, #tpu.memory_space<vmem>>[vector<16xi32>, vector<16xi32>], vector<16xf32>,
          %jit3A_1364 = arith.constant 0.000000e+00 : f32
          %broadcast_in_dim3A_1365 = vector.broadcast %jit3A_1364 : f32 to vector<16xf32>
          %select_n3A_1366 = arith.select %eq3A_1295, %broadcast_in_dim3A_1365, %mul3A_1344 : vector<16xi1>, vector<16xf32>
          %scatter3A_1367 = arith.constant 1 : i32
          %scatter3A_1368 = arith.constant 0 : i32
          %scatter3A_1369 = arith.constant 0 : i32
          %scatter3A_1370 = tpu.memref_slice %arg11[%scatter3A_1367, %scatter3A_1368, %scatter3A_1369] : memref<2x2048x8xf32, #tpu.memory_space<vmem>> -> memref<1x2048x8xf32, #tpu.memory_space<vmem>>
          %scatter3A_1371 = tpu.memref_squeeze %scatter3A_1370 : memref<1x2048x8xf32, #tpu.memory_space<vmem>> -> memref<2048x8xf32, #tpu.memory_space<vmem>>
          tpu.vector_store_idx %scatter3A_1371[%add3A_1306, %broadcast_in_dim3A_1346], %select_n3A_1366 : memref<2048x8xf32, #tpu.memory_space<vmem>>[vector<16xi32>, vector<16xi32>], vector<16xf32>,
          %get3A_1372 = arith.constant 2 : i32
          %get3A_1373 = arith.index_cast %get3A_1372 : i32 to index
          %get3A_1374 = arith.index_cast %multiple_of3A_1282 : i32 to index
          %get3A_1375 = tpu.vector_load %arg7[%get3A_1373, %get3A_1374] {strides = array<i32>} : memref<4x1024xf32, #tpu.memory_space<vmem>>, vector<16xf32>,
          %mul3A_1376 = arith.mulf %get3A_1375, %get3A_1299 : vector<16xf32>
          %mul3A_1377 = arith.mulf %get3A_1375, %get3A_1303 : vector<16xf32>
          %broadcast_in_dim3A_1378 = arith.constant 2 : i32
          %broadcast_in_dim3A_1379 = vector.broadcast %broadcast_in_dim3A_1378 : i32 to vector<16xi32>
          %jit3A_1380 = arith.constant 0.000000e+00 : f32
          %broadcast_in_dim3A_1381 = vector.broadcast %jit3A_1380 : f32 to vector<16xf32>
          %select_n3A_1382 = arith.select %eq3A_1295, %mul3A_1376, %broadcast_in_dim3A_1381 : vector<16xi1>, vector<16xf32>
          %scatter3A_1383 = arith.constant 1 : i32
          %scatter3A_1384 = arith.constant 0 : i32
          %scatter3A_1385 = arith.constant 0 : i32
          %scatter3A_1386 = tpu.memref_slice %arg11[%scatter3A_1383, %scatter3A_1384, %scatter3A_1385] : memref<2x2048x8xf32, #tpu.memory_space<vmem>> -> memref<1x2048x8xf32, #tpu.memory_space<vmem>>
          %scatter3A_1387 = tpu.memref_squeeze %scatter3A_1386 : memref<1x2048x8xf32, #tpu.memory_space<vmem>> -> memref<2048x8xf32, #tpu.memory_space<vmem>>
          tpu.vector_store_idx %scatter3A_1387[%add3A_1286, %broadcast_in_dim3A_1379], %select_n3A_1382 : memref<2048x8xf32, #tpu.memory_space<vmem>>[vector<16xi32>, vector<16xi32>], vector<16xf32>,
          %add3A_1388 = arith.constant 4 : i32
          %add3A_1389 = vector.broadcast %add3A_1388 : i32 to vector<16xi32>
          %add3A_1390 = arith.addi %broadcast_in_dim3A_1379, %add3A_1389 : vector<16xi32>
          %select_n3A_1391 = arith.select %eq3A_1295, %mul3A_1377, %mul3A_1376 : vector<16xi1>, vector<16xf32>
          %scatter3A_1392 = arith.constant 1 : i32
          %scatter3A_1393 = arith.constant 0 : i32
          %scatter3A_1394 = arith.constant 0 : i32
          %scatter3A_1395 = tpu.memref_slice %arg11[%scatter3A_1392, %scatter3A_1393, %scatter3A_1394] : memref<2x2048x8xf32, #tpu.memory_space<vmem>> -> memref<1x2048x8xf32, #tpu.memory_space<vmem>>
          %scatter3A_1396 = tpu.memref_squeeze %scatter3A_1395 : memref<1x2048x8xf32, #tpu.memory_space<vmem>> -> memref<2048x8xf32, #tpu.memory_space<vmem>>
          tpu.vector_store_idx %scatter3A_1396[%add3A_1286, %add3A_1390], %select_n3A_1391 : memref<2048x8xf32, #tpu.memory_space<vmem>>[vector<16xi32>, vector<16xi32>], vector<16xf32>,
          %jit3A_1397 = arith.constant 0.000000e+00 : f32
          %broadcast_in_dim3A_1398 = vector.broadcast %jit3A_1397 : f32 to vector<16xf32>
          %select_n3A_1399 = arith.select %eq3A_1295, %broadcast_in_dim3A_1398, %mul3A_1377 : vector<16xi1>, vector<16xf32>
          %scatter3A_1400 = arith.constant 1 : i32
          %scatter3A_1401 = arith.constant 0 : i32
          %scatter3A_1402 = arith.constant 0 : i32
          %scatter3A_1403 = tpu.memref_slice %arg11[%scatter3A_1400, %scatter3A_1401, %scatter3A_1402] : memref<2x2048x8xf32, #tpu.memory_space<vmem>> -> memref<1x2048x8xf32, #tpu.memory_space<vmem>>
          %scatter3A_1404 = tpu.memref_squeeze %scatter3A_1403 : memref<1x2048x8xf32, #tpu.memory_space<vmem>> -> memref<2048x8xf32, #tpu.memory_space<vmem>>
          tpu.vector_store_idx %scatter3A_1404[%add3A_1306, %broadcast_in_dim3A_1379], %select_n3A_1399 : memref<2048x8xf32, #tpu.memory_space<vmem>>[vector<16xi32>, vector<16xi32>], vector<16xf32>,
          %get3A_1405 = arith.constant 3 : i32
          %get3A_1406 = arith.index_cast %get3A_1405 : i32 to index
          %get3A_1407 = arith.index_cast %multiple_of3A_1282 : i32 to index
          %get3A_1408 = tpu.vector_load %arg7[%get3A_1406, %get3A_1407] {strides = array<i32>} : memref<4x1024xf32, #tpu.memory_space<vmem>>, vector<16xf32>,
          %mul3A_1409 = arith.mulf %get3A_1408, %get3A_1299 : vector<16xf32>
          %mul3A_1410 = arith.mulf %get3A_1408, %get3A_1303 : vector<16xf32>
          %broadcast_in_dim3A_1411 = arith.constant 3 : i32
          %broadcast_in_dim3A_1412 = vector.broadcast %broadcast_in_dim3A_1411 : i32 to vector<16xi32>
          %jit3A_1413 = arith.constant 0.000000e+00 : f32
          %broadcast_in_dim3A_1414 = vector.broadcast %jit3A_1413 : f32 to vector<16xf32>
          %select_n3A_1415 = arith.select %eq3A_1295, %mul3A_1409, %broadcast_in_dim3A_1414 : vector<16xi1>, vector<16xf32>
          %scatter3A_1416 = arith.constant 1 : i32
          %scatter3A_1417 = arith.constant 0 : i32
          %scatter3A_1418 = arith.constant 0 : i32
          %scatter3A_1419 = tpu.memref_slice %arg11[%scatter3A_1416, %scatter3A_1417, %scatter3A_1418] : memref<2x2048x8xf32, #tpu.memory_space<vmem>> -> memref<1x2048x8xf32, #tpu.memory_space<vmem>>
          %scatter3A_1420 = tpu.memref_squeeze %scatter3A_1419 : memref<1x2048x8xf32, #tpu.memory_space<vmem>> -> memref<2048x8xf32, #tpu.memory_space<vmem>>
          tpu.vector_store_idx %scatter3A_1420[%add3A_1286, %broadcast_in_dim3A_1412], %select_n3A_1415 : memref<2048x8xf32, #tpu.memory_space<vmem>>[vector<16xi32>, vector<16xi32>], vector<16xf32>,
          %add3A_1421 = arith.constant 4 : i32
          %add3A_1422 = vector.broadcast %add3A_1421 : i32 to vector<16xi32>
          %add3A_1423 = arith.addi %broadcast_in_dim3A_1412, %add3A_1422 : vector<16xi32>
          %select_n3A_1424 = arith.select %eq3A_1295, %mul3A_1410, %mul3A_1409 : vector<16xi1>, vector<16xf32>
          %scatter3A_1425 = arith.constant 1 : i32
          %scatter3A_1426 = arith.constant 0 : i32
          %scatter3A_1427 = arith.constant 0 : i32
          %scatter3A_1428 = tpu.memref_slice %arg11[%scatter3A_1425, %scatter3A_1426, %scatter3A_1427] : memref<2x2048x8xf32, #tpu.memory_space<vmem>> -> memref<1x2048x8xf32, #tpu.memory_space<vmem>>
          %scatter3A_1429 = tpu.memref_squeeze %scatter3A_1428 : memref<1x2048x8xf32, #tpu.memory_space<vmem>> -> memref<2048x8xf32, #tpu.memory_space<vmem>>
          tpu.vector_store_idx %scatter3A_1429[%add3A_1286, %add3A_1423], %select_n3A_1424 : memref<2048x8xf32, #tpu.memory_space<vmem>>[vector<16xi32>, vector<16xi32>], vector<16xf32>,
          %jit3A_1430 = arith.constant 0.000000e+00 : f32
          %broadcast_in_dim3A_1431 = vector.broadcast %jit3A_1430 : f32 to vector<16xf32>
          %select_n3A_1432 = arith.select %eq3A_1295, %broadcast_in_dim3A_1431, %mul3A_1410 : vector<16xi1>, vector<16xf32>
          %scatter3A_1433 = arith.constant 1 : i32
          %scatter3A_1434 = arith.constant 0 : i32
          %scatter3A_1435 = arith.constant 0 : i32
          %scatter3A_1436 = tpu.memref_slice %arg11[%scatter3A_1433, %scatter3A_1434, %scatter3A_1435] : memref<2x2048x8xf32, #tpu.memory_space<vmem>> -> memref<1x2048x8xf32, #tpu.memory_space<vmem>>
          %scatter3A_1437 = tpu.memref_squeeze %scatter3A_1436 : memref<1x2048x8xf32, #tpu.memory_space<vmem>> -> memref<2048x8xf32, #tpu.memory_space<vmem>>
          tpu.vector_store_idx %scatter3A_1437[%add3A_1306, %broadcast_in_dim3A_1412], %select_n3A_1432 : memref<2048x8xf32, #tpu.memory_space<vmem>>[vector<16xi32>, vector<16xi32>], vector<16xf32>,
          %mul3A_1438 = arith.constant 2 : i32
          %mul3A_1439 = arith.muli %scan3A_1275, %mul3A_1438 : i32
          %add3A_1440 = arith.constant 1 : i32
          %add3A_1441 = arith.addi %mul3A_1439, %add3A_1440 : i32
          %mul3A_1442 = arith.constant 16 : i32
          %mul3A_1443 = arith.muli %add3A_1441, %mul3A_1442 : i32
          %multiple_of3A_1444 = tpu.assume_multiple %mul3A_1443, 16 : i32
          %mul3A_1445 = arith.constant 16 : i32
          %mul3A_1446 = arith.muli %add3A_1441, %mul3A_1445 : i32
          %add3A_1447 = vector.broadcast %mul3A_1446 : i32 to vector<16xi32>
          %add3A_1448 = arith.addi %add3A_1447, %iota3A : vector<16xi32>
          %get3A_1449 = arith.index_cast %multiple_of3A_1444 : i32 to index
          %get3A_1450 = tpu.vector_load %arg9[%get3A_1449] {strides = array<i32>} : memref<1024xi32, #tpu.memory_space<vmem>>, vector<16xi32>,
          %add3A_1451 = arith.constant 512 : i32
          %add3A_1452 = vector.broadcast %add3A_1451 : i32 to vector<16xi32>
          %add3A_1453 = arith.addi %get3A_1450, %add3A_1452 : vector<16xi32>
          %and3A_1454 = arith.constant 1 : i32
          %and3A_1455 = vector.broadcast %and3A_1454 : i32 to vector<16xi32>
          %and3A_1456 = arith.andi %add3A_1453, %and3A_1455 : vector<16xi32>
          %eq3A_1457 = arith.constant 0 : i32
          %eq3A_1458 = vector.broadcast %eq3A_1457 : i32 to vector<16xi32>
          %eq3A_1459 = arith.cmpi eq, %and3A_1456, %eq3A_1458 : vector<16xi32>
          %get3A_1460 = arith.constant 2 : i32
          %get3A_1461 = arith.index_cast %get3A_1460 : i32 to index
          %get3A_1462 = arith.index_cast %multiple_of3A_1444 : i32 to index
          %get3A_1463 = tpu.vector_load %arg8[%get3A_1461, %get3A_1462] {strides = array<i32>} : memref<4x1024xf32, #tpu.memory_space<vmem>>, vector<16xf32>,
          %get3A_1464 = arith.constant 3 : i32
          %get3A_1465 = arith.index_cast %get3A_1464 : i32 to index
          %get3A_1466 = arith.index_cast %multiple_of3A_1444 : i32 to index
          %get3A_1467 = tpu.vector_load %arg8[%get3A_1465, %get3A_1466] {strides = array<i32>} : memref<4x1024xf32, #tpu.memory_space<vmem>>, vector<16xf32>,
          %add3A_1468 = arith.constant 1024 : i32
          %add3A_1469 = vector.broadcast %add3A_1468 : i32 to vector<16xi32>
          %add3A_1470 = arith.addi %add3A_1469, %add3A_1448 : vector<16xi32>
          %get3A_1471 = arith.constant 0 : i32
          %get3A_1472 = arith.index_cast %get3A_1471 : i32 to index
          %get3A_1473 = arith.index_cast %multiple_of3A_1444 : i32 to index
          %get3A_1474 = tpu.vector_load %arg7[%get3A_1472, %get3A_1473] {strides = array<i32>} : memref<4x1024xf32, #tpu.memory_space<vmem>>, vector<16xf32>,
          %mul3A_1475 = arith.mulf %get3A_1474, %get3A_1463 : vector<16xf32>
          %mul3A_1476 = arith.mulf %get3A_1474, %get3A_1467 : vector<16xf32>
          %broadcast_in_dim3A_1477 = arith.constant 0 : i32
          %broadcast_in_dim3A_1478 = vector.broadcast %broadcast_in_dim3A_1477 : i32 to vector<16xi32>
          %jit3A_1479 = arith.constant 0.000000e+00 : f32
          %broadcast_in_dim3A_1480 = vector.broadcast %jit3A_1479 : f32 to vector<16xf32>
          %select_n3A_1481 = arith.select %eq3A_1459, %mul3A_1475, %broadcast_in_dim3A_1480 : vector<16xi1>, vector<16xf32>
          %scatter3A_1482 = arith.constant 1 : i32
          %scatter3A_1483 = arith.constant 0 : i32
          %scatter3A_1484 = arith.constant 0 : i32
          %scatter3A_1485 = tpu.memref_slice %arg11[%scatter3A_1482, %scatter3A_1483, %scatter3A_1484] : memref<2x2048x8xf32, #tpu.memory_space<vmem>> -> memref<1x2048x8xf32, #tpu.memory_space<vmem>>
          %scatter3A_1486 = tpu.memref_squeeze %scatter3A_1485 : memref<1x2048x8xf32, #tpu.memory_space<vmem>> -> memref<2048x8xf32, #tpu.memory_space<vmem>>
          tpu.vector_store_idx %scatter3A_1486[%add3A_1448, %broadcast_in_dim3A_1478], %select_n3A_1481 : memref<2048x8xf32, #tpu.memory_space<vmem>>[vector<16xi32>, vector<16xi32>], vector<16xf32>,
          %add3A_1487 = arith.constant 4 : i32
          %add3A_1488 = vector.broadcast %add3A_1487 : i32 to vector<16xi32>
          %add3A_1489 = arith.addi %broadcast_in_dim3A_1478, %add3A_1488 : vector<16xi32>
          %select_n3A_1490 = arith.select %eq3A_1459, %mul3A_1476, %mul3A_1475 : vector<16xi1>, vector<16xf32>
          %scatter3A_1491 = arith.constant 1 : i32
          %scatter3A_1492 = arith.constant 0 : i32
          %scatter3A_1493 = arith.constant 0 : i32
          %scatter3A_1494 = tpu.memref_slice %arg11[%scatter3A_1491, %scatter3A_1492, %scatter3A_1493] : memref<2x2048x8xf32, #tpu.memory_space<vmem>> -> memref<1x2048x8xf32, #tpu.memory_space<vmem>>
          %scatter3A_1495 = tpu.memref_squeeze %scatter3A_1494 : memref<1x2048x8xf32, #tpu.memory_space<vmem>> -> memref<2048x8xf32, #tpu.memory_space<vmem>>
          tpu.vector_store_idx %scatter3A_1495[%add3A_1448, %add3A_1489], %select_n3A_1490 : memref<2048x8xf32, #tpu.memory_space<vmem>>[vector<16xi32>, vector<16xi32>], vector<16xf32>,
          %jit3A_1496 = arith.constant 0.000000e+00 : f32
          %broadcast_in_dim3A_1497 = vector.broadcast %jit3A_1496 : f32 to vector<16xf32>
          %select_n3A_1498 = arith.select %eq3A_1459, %broadcast_in_dim3A_1497, %mul3A_1476 : vector<16xi1>, vector<16xf32>
          %scatter3A_1499 = arith.constant 1 : i32
          %scatter3A_1500 = arith.constant 0 : i32
          %scatter3A_1501 = arith.constant 0 : i32
          %scatter3A_1502 = tpu.memref_slice %arg11[%scatter3A_1499, %scatter3A_1500, %scatter3A_1501] : memref<2x2048x8xf32, #tpu.memory_space<vmem>> -> memref<1x2048x8xf32, #tpu.memory_space<vmem>>
          %scatter3A_1503 = tpu.memref_squeeze %scatter3A_1502 : memref<1x2048x8xf32, #tpu.memory_space<vmem>> -> memref<2048x8xf32, #tpu.memory_space<vmem>>
          tpu.vector_store_idx %scatter3A_1503[%add3A_1470, %broadcast_in_dim3A_1478], %select_n3A_1498 : memref<2048x8xf32, #tpu.memory_space<vmem>>[vector<16xi32>, vector<16xi32>], vector<16xf32>,
          %get3A_1504 = arith.constant 1 : i32
          %get3A_1505 = arith.index_cast %get3A_1504 : i32 to index
          %get3A_1506 = arith.index_cast %multiple_of3A_1444 : i32 to index
          %get3A_1507 = tpu.vector_load %arg7[%get3A_1505, %get3A_1506] {strides = array<i32>} : memref<4x1024xf32, #tpu.memory_space<vmem>>, vector<16xf32>,
          %mul3A_1508 = arith.mulf %get3A_1507, %get3A_1463 : vector<16xf32>
          %mul3A_1509 = arith.mulf %get3A_1507, %get3A_1467 : vector<16xf32>
          %broadcast_in_dim3A_1510 = arith.constant 1 : i32
          %broadcast_in_dim3A_1511 = vector.broadcast %broadcast_in_dim3A_1510 : i32 to vector<16xi32>
          %jit3A_1512 = arith.constant 0.000000e+00 : f32
          %broadcast_in_dim3A_1513 = vector.broadcast %jit3A_1512 : f32 to vector<16xf32>
          %select_n3A_1514 = arith.select %eq3A_1459, %mul3A_1508, %broadcast_in_dim3A_1513 : vector<16xi1>, vector<16xf32>
          %scatter3A_1515 = arith.constant 1 : i32
          %scatter3A_1516 = arith.constant 0 : i32
          %scatter3A_1517 = arith.constant 0 : i32
          %scatter3A_1518 = tpu.memref_slice %arg11[%scatter3A_1515, %scatter3A_1516, %scatter3A_1517] : memref<2x2048x8xf32, #tpu.memory_space<vmem>> -> memref<1x2048x8xf32, #tpu.memory_space<vmem>>
          %scatter3A_1519 = tpu.memref_squeeze %scatter3A_1518 : memref<1x2048x8xf32, #tpu.memory_space<vmem>> -> memref<2048x8xf32, #tpu.memory_space<vmem>>
          tpu.vector_store_idx %scatter3A_1519[%add3A_1448, %broadcast_in_dim3A_1511], %select_n3A_1514 : memref<2048x8xf32, #tpu.memory_space<vmem>>[vector<16xi32>, vector<16xi32>], vector<16xf32>,
          %add3A_1520 = arith.constant 4 : i32
          %add3A_1521 = vector.broadcast %add3A_1520 : i32 to vector<16xi32>
          %add3A_1522 = arith.addi %broadcast_in_dim3A_1511, %add3A_1521 : vector<16xi32>
          %select_n3A_1523 = arith.select %eq3A_1459, %mul3A_1509, %mul3A_1508 : vector<16xi1>, vector<16xf32>
          %scatter3A_1524 = arith.constant 1 : i32
          %scatter3A_1525 = arith.constant 0 : i32
          %scatter3A_1526 = arith.constant 0 : i32
          %scatter3A_1527 = tpu.memref_slice %arg11[%scatter3A_1524, %scatter3A_1525, %scatter3A_1526] : memref<2x2048x8xf32, #tpu.memory_space<vmem>> -> memref<1x2048x8xf32, #tpu.memory_space<vmem>>
          %scatter3A_1528 = tpu.memref_squeeze %scatter3A_1527 : memref<1x2048x8xf32, #tpu.memory_space<vmem>> -> memref<2048x8xf32, #tpu.memory_space<vmem>>
          tpu.vector_store_idx %scatter3A_1528[%add3A_1448, %add3A_1522], %select_n3A_1523 : memref<2048x8xf32, #tpu.memory_space<vmem>>[vector<16xi32>, vector<16xi32>], vector<16xf32>,
          %jit3A_1529 = arith.constant 0.000000e+00 : f32
          %broadcast_in_dim3A_1530 = vector.broadcast %jit3A_1529 : f32 to vector<16xf32>
          %select_n3A_1531 = arith.select %eq3A_1459, %broadcast_in_dim3A_1530, %mul3A_1509 : vector<16xi1>, vector<16xf32>
          %scatter3A_1532 = arith.constant 1 : i32
          %scatter3A_1533 = arith.constant 0 : i32
          %scatter3A_1534 = arith.constant 0 : i32
          %scatter3A_1535 = tpu.memref_slice %arg11[%scatter3A_1532, %scatter3A_1533, %scatter3A_1534] : memref<2x2048x8xf32, #tpu.memory_space<vmem>> -> memref<1x2048x8xf32, #tpu.memory_space<vmem>>
          %scatter3A_1536 = tpu.memref_squeeze %scatter3A_1535 : memref<1x2048x8xf32, #tpu.memory_space<vmem>> -> memref<2048x8xf32, #tpu.memory_space<vmem>>
          tpu.vector_store_idx %scatter3A_1536[%add3A_1470, %broadcast_in_dim3A_1511], %select_n3A_1531 : memref<2048x8xf32, #tpu.memory_space<vmem>>[vector<16xi32>, vector<16xi32>], vector<16xf32>,
          %get3A_1537 = arith.constant 2 : i32
          %get3A_1538 = arith.index_cast %get3A_1537 : i32 to index
          %get3A_1539 = arith.index_cast %multiple_of3A_1444 : i32 to index
          %get3A_1540 = tpu.vector_load %arg7[%get3A_1538, %get3A_1539] {strides = array<i32>} : memref<4x1024xf32, #tpu.memory_space<vmem>>, vector<16xf32>,
          %mul3A_1541 = arith.mulf %get3A_1540, %get3A_1463 : vector<16xf32>
          %mul3A_1542 = arith.mulf %get3A_1540, %get3A_1467 : vector<16xf32>
          %broadcast_in_dim3A_1543 = arith.constant 2 : i32
          %broadcast_in_dim3A_1544 = vector.broadcast %broadcast_in_dim3A_1543 : i32 to vector<16xi32>
          %jit3A_1545 = arith.constant 0.000000e+00 : f32
          %broadcast_in_dim3A_1546 = vector.broadcast %jit3A_1545 : f32 to vector<16xf32>
          %select_n3A_1547 = arith.select %eq3A_1459, %mul3A_1541, %broadcast_in_dim3A_1546 : vector<16xi1>, vector<16xf32>
          %scatter3A_1548 = arith.constant 1 : i32
          %scatter3A_1549 = arith.constant 0 : i32
          %scatter3A_1550 = arith.constant 0 : i32
          %scatter3A_1551 = tpu.memref_slice %arg11[%scatter3A_1548, %scatter3A_1549, %scatter3A_1550] : memref<2x2048x8xf32, #tpu.memory_space<vmem>> -> memref<1x2048x8xf32, #tpu.memory_space<vmem>>
          %scatter3A_1552 = tpu.memref_squeeze %scatter3A_1551 : memref<1x2048x8xf32, #tpu.memory_space<vmem>> -> memref<2048x8xf32, #tpu.memory_space<vmem>>
          tpu.vector_store_idx %scatter3A_1552[%add3A_1448, %broadcast_in_dim3A_1544], %select_n3A_1547 : memref<2048x8xf32, #tpu.memory_space<vmem>>[vector<16xi32>, vector<16xi32>], vector<16xf32>,
          %add3A_1553 = arith.constant 4 : i32
          %add3A_1554 = vector.broadcast %add3A_1553 : i32 to vector<16xi32>
          %add3A_1555 = arith.addi %broadcast_in_dim3A_1544, %add3A_1554 : vector<16xi32>
          %select_n3A_1556 = arith.select %eq3A_1459, %mul3A_1542, %mul3A_1541 : vector<16xi1>, vector<16xf32>
          %scatter3A_1557 = arith.constant 1 : i32
          %scatter3A_1558 = arith.constant 0 : i32
          %scatter3A_1559 = arith.constant 0 : i32
          %scatter3A_1560 = tpu.memref_slice %arg11[%scatter3A_1557, %scatter3A_1558, %scatter3A_1559] : memref<2x2048x8xf32, #tpu.memory_space<vmem>> -> memref<1x2048x8xf32, #tpu.memory_space<vmem>>
          %scatter3A_1561 = tpu.memref_squeeze %scatter3A_1560 : memref<1x2048x8xf32, #tpu.memory_space<vmem>> -> memref<2048x8xf32, #tpu.memory_space<vmem>>
          tpu.vector_store_idx %scatter3A_1561[%add3A_1448, %add3A_1555], %select_n3A_1556 : memref<2048x8xf32, #tpu.memory_space<vmem>>[vector<16xi32>, vector<16xi32>], vector<16xf32>,
          %jit3A_1562 = arith.constant 0.000000e+00 : f32
          %broadcast_in_dim3A_1563 = vector.broadcast %jit3A_1562 : f32 to vector<16xf32>
          %select_n3A_1564 = arith.select %eq3A_1459, %broadcast_in_dim3A_1563, %mul3A_1542 : vector<16xi1>, vector<16xf32>
          %scatter3A_1565 = arith.constant 1 : i32
          %scatter3A_1566 = arith.constant 0 : i32
          %scatter3A_1567 = arith.constant 0 : i32
          %scatter3A_1568 = tpu.memref_slice %arg11[%scatter3A_1565, %scatter3A_1566, %scatter3A_1567] : memref<2x2048x8xf32, #tpu.memory_space<vmem>> -> memref<1x2048x8xf32, #tpu.memory_space<vmem>>
          %scatter3A_1569 = tpu.memref_squeeze %scatter3A_1568 : memref<1x2048x8xf32, #tpu.memory_space<vmem>> -> memref<2048x8xf32, #tpu.memory_space<vmem>>
          tpu.vector_store_idx %scatter3A_1569[%add3A_1470, %broadcast_in_dim3A_1544], %select_n3A_1564 : memref<2048x8xf32, #tpu.memory_space<vmem>>[vector<16xi32>, vector<16xi32>], vector<16xf32>,
          %get3A_1570 = arith.constant 3 : i32
          %get3A_1571 = arith.index_cast %get3A_1570 : i32 to index
          %get3A_1572 = arith.index_cast %multiple_of3A_1444 : i32 to index
          %get3A_1573 = tpu.vector_load %arg7[%get3A_1571, %get3A_1572] {strides = array<i32>} : memref<4x1024xf32, #tpu.memory_space<vmem>>, vector<16xf32>,
          %mul3A_1574 = arith.mulf %get3A_1573, %get3A_1463 : vector<16xf32>
          %mul3A_1575 = arith.mulf %get3A_1573, %get3A_1467 : vector<16xf32>
          %broadcast_in_dim3A_1576 = arith.constant 3 : i32
          %broadcast_in_dim3A_1577 = vector.broadcast %broadcast_in_dim3A_1576 : i32 to vector<16xi32>
          %jit3A_1578 = arith.constant 0.000000e+00 : f32
          %broadcast_in_dim3A_1579 = vector.broadcast %jit3A_1578 : f32 to vector<16xf32>
          %select_n3A_1580 = arith.select %eq3A_1459, %mul3A_1574, %broadcast_in_dim3A_1579 : vector<16xi1>, vector<16xf32>
          %scatter3A_1581 = arith.constant 1 : i32
          %scatter3A_1582 = arith.constant 0 : i32
          %scatter3A_1583 = arith.constant 0 : i32
          %scatter3A_1584 = tpu.memref_slice %arg11[%scatter3A_1581, %scatter3A_1582, %scatter3A_1583] : memref<2x2048x8xf32, #tpu.memory_space<vmem>> -> memref<1x2048x8xf32, #tpu.memory_space<vmem>>
          %scatter3A_1585 = tpu.memref_squeeze %scatter3A_1584 : memref<1x2048x8xf32, #tpu.memory_space<vmem>> -> memref<2048x8xf32, #tpu.memory_space<vmem>>
          tpu.vector_store_idx %scatter3A_1585[%add3A_1448, %broadcast_in_dim3A_1577], %select_n3A_1580 : memref<2048x8xf32, #tpu.memory_space<vmem>>[vector<16xi32>, vector<16xi32>], vector<16xf32>,
          %add3A_1586 = arith.constant 4 : i32
          %add3A_1587 = vector.broadcast %add3A_1586 : i32 to vector<16xi32>
          %add3A_1588 = arith.addi %broadcast_in_dim3A_1577, %add3A_1587 : vector<16xi32>
          %select_n3A_1589 = arith.select %eq3A_1459, %mul3A_1575, %mul3A_1574 : vector<16xi1>, vector<16xf32>
          %scatter3A_1590 = arith.constant 1 : i32
          %scatter3A_1591 = arith.constant 0 : i32
          %scatter3A_1592 = arith.constant 0 : i32
          %scatter3A_1593 = tpu.memref_slice %arg11[%scatter3A_1590, %scatter3A_1591, %scatter3A_1592] : memref<2x2048x8xf32, #tpu.memory_space<vmem>> -> memref<1x2048x8xf32, #tpu.memory_space<vmem>>
          %scatter3A_1594 = tpu.memref_squeeze %scatter3A_1593 : memref<1x2048x8xf32, #tpu.memory_space<vmem>> -> memref<2048x8xf32, #tpu.memory_space<vmem>>
          tpu.vector_store_idx %scatter3A_1594[%add3A_1448, %add3A_1588], %select_n3A_1589 : memref<2048x8xf32, #tpu.memory_space<vmem>>[vector<16xi32>, vector<16xi32>], vector<16xf32>,
          %jit3A_1595 = arith.constant 0.000000e+00 : f32
          %broadcast_in_dim3A_1596 = vector.broadcast %jit3A_1595 : f32 to vector<16xf32>
          %select_n3A_1597 = arith.select %eq3A_1459, %broadcast_in_dim3A_1596, %mul3A_1575 : vector<16xi1>, vector<16xf32>
          %scatter3A_1598 = arith.constant 1 : i32
          %scatter3A_1599 = arith.constant 0 : i32
          %scatter3A_1600 = arith.constant 0 : i32
          %scatter3A_1601 = tpu.memref_slice %arg11[%scatter3A_1598, %scatter3A_1599, %scatter3A_1600] : memref<2x2048x8xf32, #tpu.memory_space<vmem>> -> memref<1x2048x8xf32, #tpu.memory_space<vmem>>
          %scatter3A_1602 = tpu.memref_squeeze %scatter3A_1601 : memref<1x2048x8xf32, #tpu.memory_space<vmem>> -> memref<2048x8xf32, #tpu.memory_space<vmem>>
          tpu.vector_store_idx %scatter3A_1602[%add3A_1470, %broadcast_in_dim3A_1577], %select_n3A_1597 : memref<2048x8xf32, #tpu.memory_space<vmem>>[vector<16xi32>, vector<16xi32>], vector<16xf32>,
        }
        %scan3A_1268 = arith.constant 32 : i32
        %scan3A_1269 = arith.constant 0 : i32
        %scan3A_1270 = arith.constant 0 : i32
        %scan3A_1271 = arith.constant 16 : i32
        %scan3A_1272 = arith.addi %scan3A_1270, %scan3A_1271 : i32
        %scan3A_1273 = arith.constant 1 : i32
        scf.for %scan3A_1275 = %scan3A_1270 to %scan3A_1272 step %scan3A_1273  : i32 {
          %mul3A_1276 = arith.constant 128 : i32
          %mul3A_1277 = arith.muli %scan3A_1275, %mul3A_1276 : i32
          %multiple_of3A_1278 = tpu.assume_multiple %mul3A_1277, 128 : i32
          %dma_start3A_1279 = arith.constant 1 : i32
          %dma_start3A_1280 = arith.constant 1 : i32
          %dma_start3A_1281 = arith.constant 0 : i32
          %dma_start3A_1282 = tpu.memref_slice %arg11[%dma_start3A_1279, %multiple_of3A_1278, %dma_start3A_1281] : memref<2x2048x8xf32, #tpu.memory_space<vmem>> -> memref<1x128x8xf32, #tpu.memory_space<vmem>>
          %dma_start3A_1283 = tpu.memref_squeeze %dma_start3A_1282 : memref<1x128x8xf32, #tpu.memory_space<vmem>> -> memref<128x8xf32, #tpu.memory_space<vmem>>
          %dma_start3A_1284 = arith.constant 0 : i32
          %dma_start3A_1285 = tpu.memref_slice %arg10[%dma_start3A_1280, %scan3A_1275, %dma_start3A_1284] : memref<2x16x128xi32, #tpu.memory_space<vmem>> -> memref<1x1x128xi32, #tpu.memory_space<vmem>>
          %dma_start3A_1286 = tpu.memref_squeeze %dma_start3A_1285 : memref<1x1x128xi32, #tpu.memory_space<vmem>> -> memref<128xi32, #tpu.memory_space<vmem>>
          %dma_start3A_1287 = arith.constant 0 : i32
          %dma_start3A_1288 = arith.constant 0 : i32
          %dma_start3A_1289 = tpu.memref_slice %arg6[%dma_start3A_1287, %dma_start3A_1288] : memref<131072x8xf32, #tpu.memory_space<vmem_shared>> -> memref<131072x8xf32, #tpu.memory_space<vmem_shared>>
          tpu.enqueue_indirect_dma source(%dma_start3A_1283 : memref<128x8xf32, #tpu.memory_space<vmem>>) target(%dma_start3A_1289 : memref<131072x8xf32, #tpu.memory_space<vmem_shared>>) offsets(%dma_start3A_1286 : memref<128xi32, #tpu.memory_space<vmem>>) semaphore(%arg14 : memref<!tpu.dma_semaphore, #tpu.memory_space<semaphore_mem>>) {add = true}
        }
        %scan3A_1274 = arith.constant 16 : i32
      }
      %scan3A_898 = arith.constant 16 : i32
      %scan3A_899 = arith.constant 0 : i32
      %scan3A_900 = arith.constant 0 : i32
      %scan3A_901 = arith.constant 16 : i32
      %scan3A_902 = arith.addi %scan3A_900, %scan3A_901 : i32
      %scan3A_903 = arith.constant 1 : i32
      scf.for %scan3A_1027 = %scan3A_900 to %scan3A_902 step %scan3A_903  : i32 {
        %mul3A_1028 = arith.constant 128 : i32
        %mul3A_1029 = arith.muli %scan3A_1027, %mul3A_1028 : i32
        %multiple_of3A_1030 = tpu.assume_multiple %mul3A_1029, 128 : i32
        %dma_wait3A_1031 = arith.constant 0 : i32
        %dma_wait3A_1032 = arith.constant 0 : i32
        %dma_wait3A_1033 = arith.constant 0 : i32
        %dma_wait3A_1034 = tpu.memref_slice %arg11[%dma_wait3A_1031, %multiple_of3A_1030, %dma_wait3A_1033] : memref<2x2048x8xf32, #tpu.memory_space<vmem>> -> memref<1x128x8xf32, #tpu.memory_space<vmem>>
        %dma_wait3A_1035 = tpu.memref_squeeze %dma_wait3A_1034 : memref<1x128x8xf32, #tpu.memory_space<vmem>> -> memref<128x8xf32, #tpu.memory_space<vmem>>
        %dma_wait3A_1036 = arith.constant 0 : i32
        %dma_wait3A_1037 = tpu.memref_slice %arg10[%dma_wait3A_1032, %scan3A_1027, %dma_wait3A_1036] : memref<2x16x128xi32, #tpu.memory_space<vmem>> -> memref<1x1x128xi32, #tpu.memory_space<vmem>>
        %dma_wait3A_1038 = tpu.memref_squeeze %dma_wait3A_1037 : memref<1x1x128xi32, #tpu.memory_space<vmem>> -> memref<128xi32, #tpu.memory_space<vmem>>
        %dma_wait3A_1039 = arith.constant 0 : i32
        %dma_wait3A_1040 = arith.constant 0 : i32
        %dma_wait3A_1041 = tpu.memref_slice %arg6[%dma_wait3A_1039, %dma_wait3A_1040] : memref<131072x8xf32, #tpu.memory_space<vmem_shared>> -> memref<131072x8xf32, #tpu.memory_space<vmem_shared>>
        tpu.wait_indirect_dma semaphore(%arg14 : memref<!tpu.dma_semaphore, #tpu.memory_space<semaphore_mem>>) src(%dma_wait3A_1035 : memref<128x8xf32, #tpu.memory_space<vmem>>) dst(%dma_wait3A_1041 : memref<131072x8xf32, #tpu.memory_space<vmem_shared>>)
      }
      %scan3A_904 = arith.constant 16 : i32
      %scan3A_905 = arith.constant 0 : i32
      %scan3A_906 = arith.constant 0 : i32
      %scan3A_907 = arith.constant 16 : i32
      %scan3A_908 = arith.addi %scan3A_906, %scan3A_907 : i32
      %scan3A_909 = arith.constant 1 : i32
      scf.for %scan3A_1027 = %scan3A_906 to %scan3A_908 step %scan3A_909  : i32 {
        %mul3A_1028 = arith.constant 128 : i32
        %mul3A_1029 = arith.muli %scan3A_1027, %mul3A_1028 : i32
        %multiple_of3A_1030 = tpu.assume_multiple %mul3A_1029, 128 : i32
        %dma_wait3A_1031 = arith.constant 1 : i32
        %dma_wait3A_1032 = arith.constant 1 : i32
        %dma_wait3A_1033 = arith.constant 0 : i32
        %dma_wait3A_1034 = tpu.memref_slice %arg11[%dma_wait3A_1031, %multiple_of3A_1030, %dma_wait3A_1033] : memref<2x2048x8xf32, #tpu.memory_space<vmem>> -> memref<1x128x8xf32, #tpu.memory_space<vmem>>
        %dma_wait3A_1035 = tpu.memref_squeeze %dma_wait3A_1034 : memref<1x128x8xf32, #tpu.memory_space<vmem>> -> memref<128x8xf32, #tpu.memory_space<vmem>>
        %dma_wait3A_1036 = arith.constant 0 : i32
        %dma_wait3A_1037 = tpu.memref_slice %arg10[%dma_wait3A_1032, %scan3A_1027, %dma_wait3A_1036] : memref<2x16x128xi32, #tpu.memory_space<vmem>> -> memref<1x1x128xi32, #tpu.memory_space<vmem>>
        %dma_wait3A_1038 = tpu.memref_squeeze %dma_wait3A_1037 : memref<1x1x128xi32, #tpu.memory_space<vmem>> -> memref<128xi32, #tpu.memory_space<vmem>>
        %dma_wait3A_1039 = arith.constant 0 : i32
        %dma_wait3A_1040 = arith.constant 0 : i32
        %dma_wait3A_1041 = tpu.memref_slice %arg6[%dma_wait3A_1039, %dma_wait3A_1040] : memref<131072x8xf32, #tpu.memory_space<vmem_shared>> -> memref<131072x8xf32, #tpu.memory_space<vmem_shared>>
        tpu.wait_indirect_dma semaphore(%arg14 : memref<!tpu.dma_semaphore, #tpu.memory_space<semaphore_mem>>) src(%dma_wait3A_1035 : memref<128x8xf32, #tpu.memory_space<vmem>>) dst(%dma_wait3A_1041 : memref<131072x8xf32, #tpu.memory_space<vmem_shared>>)
      }
      %scan3A_910 = arith.constant 16 : i32
      %barrier3A_911 = arith.constant 0 : index
      tpu.barrier barrier_id(%barrier3A_911)
      %jit3A_912 = arith.constant 2 : i32
      %div3A_913 = arith.divsi %mul3A_14, %jit3A_912 : i32
      %sign3A_914 = arith.constant 0 : i32
      %sign3A_915 = arith.cmpi sgt, %mul3A_14, %sign3A_914 : i32
      %sign3A_916 = arith.extui %sign3A_915 : i1 to i32
      %sign3A_917 = arith.constant 0 : i32
      %sign3A_918 = arith.cmpi slt, %mul3A_14, %sign3A_917 : i32
      %sign3A_919 = arith.extui %sign3A_918 : i1 to i32
      %sign3A_920 = arith.subi %sign3A_916, %sign3A_919 : i32
      %sign3A_921 = arith.constant 0 : i32
      %sign3A_922 = arith.cmpi sgt, %jit3A_912, %sign3A_921 : i32
      %sign3A_923 = arith.extui %sign3A_922 : i1 to i32
      %sign3A_924 = arith.constant 0 : i32
      %sign3A_925 = arith.cmpi slt, %jit3A_912, %sign3A_924 : i32
      %sign3A_926 = arith.extui %sign3A_925 : i1 to i32
      %sign3A_927 = arith.subi %sign3A_923, %sign3A_926 : i32
      %ne3A_928 = arith.cmpi ne, %sign3A_920, %sign3A_927 : i32
      %rem3A_929 = arith.remsi %mul3A_14, %jit3A_912 : i32
      %ne3A_930 = arith.constant 0 : i32
      %ne3A_931 = arith.cmpi ne, %rem3A_929, %ne3A_930 : i32
      %and3A_932 = arith.andi %ne3A_928, %ne3A_931 : i1
      %sub3A_933 = arith.constant 1 : i32
      %sub3A_934 = arith.subi %div3A_913, %sub3A_933 : i32
      %select_n3A_935 = arith.select %and3A_932, %sub3A_934, %div3A_913 : i32
      %add3A_936 = arith.constant 0 : i32
      %add3A_937 = arith.addi %select_n3A_935, %add3A_936 : i32
      %multiple_of3A_938 = tpu.assume_multiple %add3A_937, 512 : i32
      %dma_start3A = arith.constant 0 : i32
      %dma_start3A_939 = arith.constant 0 : i32
      %dma_start3A_940 = arith.constant 0 : i32
      %dma_start3A_941 = tpu.memref_slice %arg11[%dma_start3A, %dma_start3A_939, %dma_start3A_940] : memref<2x2048x8xf32, #tpu.memory_space<vmem>> -> memref<1x512x8xf32, #tpu.memory_space<vmem>>
      %dma_start3A_942 = tpu.memref_squeeze %dma_start3A_941 : memref<1x512x8xf32, #tpu.memory_space<vmem>> -> memref<512x8xf32, #tpu.memory_space<vmem>>
      %dma_start3A_943 = arith.constant 0 : i32
      %dma_start3A_944 = tpu.memref_slice %arg6[%multiple_of3A_938, %dma_start3A_943] : memref<131072x8xf32, #tpu.memory_space<vmem_shared>> -> memref<512x8xf32, #tpu.memory_space<vmem_shared>>
      %dma_start3A_945 = arith.constant 0 : i32
      %dma_start3A_946 = arith.constant 0 : i32
      %dma_start3A_947 = tpu.memref_slice %arg11[%dma_start3A, %dma_start3A_945, %dma_start3A_946] : memref<2x2048x8xf32, #tpu.memory_space<vmem>> -> memref<1x512x8xf32, #tpu.memory_space<vmem>>
      %dma_start3A_948 = tpu.memref_squeeze %dma_start3A_947 : memref<1x512x8xf32, #tpu.memory_space<vmem>> -> memref<512x8xf32, #tpu.memory_space<vmem>>
      %dma_start3A_949 = arith.constant 0 : i32
      %dma_start3A_950 = tpu.memref_slice %arg6[%multiple_of3A_938, %dma_start3A_949] : memref<131072x8xf32, #tpu.memory_space<vmem_shared>> -> memref<512x8xf32, #tpu.memory_space<vmem_shared>>
      tpu.enqueue_dma source(%dma_start3A_950 : memref<512x8xf32, #tpu.memory_space<vmem_shared>>) target(%dma_start3A_948 : memref<512x8xf32, #tpu.memory_space<vmem>>) target_semaphore(%arg15 : memref<!tpu.dma_semaphore, #tpu.memory_space<semaphore_mem>>)
      %scan3A_951 = arith.constant 0 : i32
      %scan3A_952 = arith.constant 0 : i32
      %scan3A_953 = arith.constant 16 : i32
      %scan3A_954 = arith.addi %scan3A_952, %scan3A_953 : i32
      %scan3A_955 = arith.constant 1 : i32
      scf.for %scan3A_1027 = %scan3A_952 to %scan3A_954 step %scan3A_955  : i32 {
        %jit3A_1028 = arith.constant 2 : i32
        %div3A_1029 = arith.divsi %mul3A_14, %jit3A_1028 : i32
        %sign3A_1030 = arith.constant 0 : i32
        %sign3A_1031 = arith.cmpi sgt, %mul3A_14, %sign3A_1030 : i32
        %sign3A_1032 = arith.extui %sign3A_1031 : i1 to i32
        %sign3A_1033 = arith.constant 0 : i32
        %sign3A_1034 = arith.cmpi slt, %mul3A_14, %sign3A_1033 : i32
        %sign3A_1035 = arith.extui %sign3A_1034 : i1 to i32
        %sign3A_1036 = arith.subi %sign3A_1032, %sign3A_1035 : i32
        %sign3A_1037 = arith.constant 0 : i32
        %sign3A_1038 = arith.cmpi sgt, %jit3A_1028, %sign3A_1037 : i32
        %sign3A_1039 = arith.extui %sign3A_1038 : i1 to i32
        %sign3A_1040 = arith.constant 0 : i32
        %sign3A_1041 = arith.cmpi slt, %jit3A_1028, %sign3A_1040 : i32
        %sign3A_1042 = arith.extui %sign3A_1041 : i1 to i32
        %sign3A_1043 = arith.subi %sign3A_1039, %sign3A_1042 : i32
        %ne3A_1044 = arith.cmpi ne, %sign3A_1036, %sign3A_1043 : i32
        %rem3A_1045 = arith.remsi %mul3A_14, %jit3A_1028 : i32
        %ne3A_1046 = arith.constant 0 : i32
        %ne3A_1047 = arith.cmpi ne, %rem3A_1045, %ne3A_1046 : i32
        %and3A_1048 = arith.andi %ne3A_1044, %ne3A_1047 : i1
        %sub3A_1049 = arith.constant 1 : i32
        %sub3A_1050 = arith.subi %div3A_1029, %sub3A_1049 : i32
        %select_n3A_1051 = arith.select %and3A_1048, %sub3A_1050, %div3A_1029 : i32
        %mul3A_1052 = arith.constant 512 : i32
        %mul3A_1053 = arith.muli %scan3A_1027, %mul3A_1052 : i32
        %add3A_1054 = arith.addi %select_n3A_1051, %mul3A_1053 : i32
        %multiple_of3A_1055 = tpu.assume_multiple %add3A_1054, 512 : i32
        %and3A_1056 = arith.constant 1 : i32
        %and3A_1057 = arith.andi %scan3A_1027, %and3A_1056 : i32
        %dma_wait3A_1058 = arith.constant 0 : i32
        %dma_wait3A_1059 = arith.constant 0 : i32
        %dma_wait3A_1060 = tpu.memref_slice %arg11[%and3A_1057, %dma_wait3A_1058, %dma_wait3A_1059] : memref<2x2048x8xf32, #tpu.memory_space<vmem>> -> memref<1x512x8xf32, #tpu.memory_space<vmem>>
        %dma_wait3A_1061 = tpu.memref_squeeze %dma_wait3A_1060 : memref<1x512x8xf32, #tpu.memory_space<vmem>> -> memref<512x8xf32, #tpu.memory_space<vmem>>
        %dma_wait3A_1062 = arith.constant 0 : i32
        %dma_wait3A_1063 = tpu.memref_slice %arg6[%multiple_of3A_1055, %dma_wait3A_1062] : memref<131072x8xf32, #tpu.memory_space<vmem_shared>> -> memref<512x8xf32, #tpu.memory_space<vmem_shared>>
        %dma_wait3A_1064 = arith.constant 0 : i32
        %dma_wait3A_1065 = arith.constant 0 : i32
        %dma_wait3A_1066 = tpu.memref_slice %arg11[%and3A_1057, %dma_wait3A_1064, %dma_wait3A_1065] : memref<2x2048x8xf32, #tpu.memory_space<vmem>> -> memref<1x512x8xf32, #tpu.memory_space<vmem>>
        %dma_wait3A_1067 = tpu.memref_squeeze %dma_wait3A_1066 : memref<1x512x8xf32, #tpu.memory_space<vmem>> -> memref<512x8xf32, #tpu.memory_space<vmem>>
        %dma_wait3A_1068 = arith.constant 0 : i32
        %dma_wait3A_1069 = tpu.memref_slice %arg6[%multiple_of3A_1055, %dma_wait3A_1068] : memref<131072x8xf32, #tpu.memory_space<vmem_shared>> -> memref<512x8xf32, #tpu.memory_space<vmem_shared>>
        tpu.wait_dma2 semaphore(%arg15 : memref<!tpu.dma_semaphore, #tpu.memory_space<semaphore_mem>>) src(%dma_wait3A_1069 : memref<512x8xf32, #tpu.memory_space<vmem_shared>>) dst(%dma_wait3A_1067 : memref<512x8xf32, #tpu.memory_space<vmem>>)
        %lt3A = arith.constant 15 : i32
        %lt3A_1070 = arith.cmpi slt, %scan3A_1027, %lt3A : i32
        %convert_element_type3A = arith.extui %lt3A_1070 : i1 to i32
        %cond3A = arith.constant 0 : i32
        %cond3A_1071 = arith.cmpi ne, %convert_element_type3A, %cond3A : i32
        scf.if %cond3A_1071 {
          %add3A_1221 = arith.constant 1 : i32
          %add3A_1222 = arith.addi %scan3A_1027, %add3A_1221 : i32
          %jit3A_1223 = arith.constant 2 : i32
          %div3A_1224 = arith.divsi %mul3A_14, %jit3A_1223 : i32
          %sign3A_1225 = arith.constant 0 : i32
          %sign3A_1226 = arith.cmpi sgt, %mul3A_14, %sign3A_1225 : i32
          %sign3A_1227 = arith.extui %sign3A_1226 : i1 to i32
          %sign3A_1228 = arith.constant 0 : i32
          %sign3A_1229 = arith.cmpi slt, %mul3A_14, %sign3A_1228 : i32
          %sign3A_1230 = arith.extui %sign3A_1229 : i1 to i32
          %sign3A_1231 = arith.subi %sign3A_1227, %sign3A_1230 : i32
          %sign3A_1232 = arith.constant 0 : i32
          %sign3A_1233 = arith.cmpi sgt, %jit3A_1223, %sign3A_1232 : i32
          %sign3A_1234 = arith.extui %sign3A_1233 : i1 to i32
          %sign3A_1235 = arith.constant 0 : i32
          %sign3A_1236 = arith.cmpi slt, %jit3A_1223, %sign3A_1235 : i32
          %sign3A_1237 = arith.extui %sign3A_1236 : i1 to i32
          %sign3A_1238 = arith.subi %sign3A_1234, %sign3A_1237 : i32
          %ne3A_1239 = arith.cmpi ne, %sign3A_1231, %sign3A_1238 : i32
          %rem3A_1240 = arith.remsi %mul3A_14, %jit3A_1223 : i32
          %ne3A_1241 = arith.constant 0 : i32
          %ne3A_1242 = arith.cmpi ne, %rem3A_1240, %ne3A_1241 : i32
          %and3A_1243 = arith.andi %ne3A_1239, %ne3A_1242 : i1
          %sub3A_1244 = arith.constant 1 : i32
          %sub3A_1245 = arith.subi %div3A_1224, %sub3A_1244 : i32
          %select_n3A_1246 = arith.select %and3A_1243, %sub3A_1245, %div3A_1224 : i32
          %mul3A_1247 = arith.constant 512 : i32
          %mul3A_1248 = arith.muli %add3A_1222, %mul3A_1247 : i32
          %add3A_1249 = arith.addi %select_n3A_1246, %mul3A_1248 : i32
          %multiple_of3A_1250 = tpu.assume_multiple %add3A_1249, 512 : i32
          %and3A_1251 = arith.constant 1 : i32
          %and3A_1252 = arith.andi %add3A_1222, %and3A_1251 : i32
          %dma_start3A_1253 = arith.constant 0 : i32
          %dma_start3A_1254 = arith.constant 0 : i32
          %dma_start3A_1255 = tpu.memref_slice %arg11[%and3A_1252, %dma_start3A_1253, %dma_start3A_1254] : memref<2x2048x8xf32, #tpu.memory_space<vmem>> -> memref<1x512x8xf32, #tpu.memory_space<vmem>>
          %dma_start3A_1256 = tpu.memref_squeeze %dma_start3A_1255 : memref<1x512x8xf32, #tpu.memory_space<vmem>> -> memref<512x8xf32, #tpu.memory_space<vmem>>
          %dma_start3A_1257 = arith.constant 0 : i32
          %dma_start3A_1258 = tpu.memref_slice %arg6[%multiple_of3A_1250, %dma_start3A_1257] : memref<131072x8xf32, #tpu.memory_space<vmem_shared>> -> memref<512x8xf32, #tpu.memory_space<vmem_shared>>
          %dma_start3A_1259 = arith.constant 0 : i32
          %dma_start3A_1260 = arith.constant 0 : i32
          %dma_start3A_1261 = tpu.memref_slice %arg11[%and3A_1252, %dma_start3A_1259, %dma_start3A_1260] : memref<2x2048x8xf32, #tpu.memory_space<vmem>> -> memref<1x512x8xf32, #tpu.memory_space<vmem>>
          %dma_start3A_1262 = tpu.memref_squeeze %dma_start3A_1261 : memref<1x512x8xf32, #tpu.memory_space<vmem>> -> memref<512x8xf32, #tpu.memory_space<vmem>>
          %dma_start3A_1263 = arith.constant 0 : i32
          %dma_start3A_1264 = tpu.memref_slice %arg6[%multiple_of3A_1250, %dma_start3A_1263] : memref<131072x8xf32, #tpu.memory_space<vmem_shared>> -> memref<512x8xf32, #tpu.memory_space<vmem_shared>>
          tpu.enqueue_dma source(%dma_start3A_1264 : memref<512x8xf32, #tpu.memory_space<vmem_shared>>) target(%dma_start3A_1262 : memref<512x8xf32, #tpu.memory_space<vmem>>) target_semaphore(%arg15 : memref<!tpu.dma_semaphore, #tpu.memory_space<semaphore_mem>>)
        } else {
        }
        %jit3A_1072 = arith.constant 2 : i32
        %div3A_1073 = arith.divsi %mul3A_14, %jit3A_1072 : i32
        %sign3A_1074 = arith.constant 0 : i32
        %sign3A_1075 = arith.cmpi sgt, %mul3A_14, %sign3A_1074 : i32
        %sign3A_1076 = arith.extui %sign3A_1075 : i1 to i32
        %sign3A_1077 = arith.constant 0 : i32
        %sign3A_1078 = arith.cmpi slt, %mul3A_14, %sign3A_1077 : i32
        %sign3A_1079 = arith.extui %sign3A_1078 : i1 to i32
        %sign3A_1080 = arith.subi %sign3A_1076, %sign3A_1079 : i32
        %sign3A_1081 = arith.constant 0 : i32
        %sign3A_1082 = arith.cmpi sgt, %jit3A_1072, %sign3A_1081 : i32
        %sign3A_1083 = arith.extui %sign3A_1082 : i1 to i32
        %sign3A_1084 = arith.constant 0 : i32
        %sign3A_1085 = arith.cmpi slt, %jit3A_1072, %sign3A_1084 : i32
        %sign3A_1086 = arith.extui %sign3A_1085 : i1 to i32
        %sign3A_1087 = arith.subi %sign3A_1083, %sign3A_1086 : i32
        %ne3A_1088 = arith.cmpi ne, %sign3A_1080, %sign3A_1087 : i32
        %rem3A_1089 = arith.remsi %mul3A_14, %jit3A_1072 : i32
        %ne3A_1090 = arith.constant 0 : i32
        %ne3A_1091 = arith.cmpi ne, %rem3A_1089, %ne3A_1090 : i32
        %and3A_1092 = arith.andi %ne3A_1088, %ne3A_1091 : i1
        %sub3A_1093 = arith.constant 1 : i32
        %sub3A_1094 = arith.subi %div3A_1073, %sub3A_1093 : i32
        %select_n3A_1095 = arith.select %and3A_1092, %sub3A_1094, %div3A_1073 : i32
        %mul3A_1096 = arith.constant 512 : i32
        %mul3A_1097 = arith.muli %scan3A_1027, %mul3A_1096 : i32
        %add3A_1098 = arith.addi %select_n3A_1095, %mul3A_1097 : i32
        %add3A_1099 = arith.constant 0 : i32
        %add3A_1100 = arith.addi %add3A_1098, %add3A_1099 : i32
        %multiple_of3A_1101 = tpu.assume_multiple %add3A_1100, 256 : i32
        %dma_start3A_1102 = arith.constant 0 : i32
        %dma_start3A_1103 = tpu.memref_slice %arg6[%multiple_of3A_1101, %dma_start3A_1102] : memref<131072x8xf32, #tpu.memory_space<vmem_shared>> -> memref<256x8xf32, #tpu.memory_space<vmem_shared>>
        %dma_start3A_1104 = arith.constant 0 : i32
        %dma_start3A_1105 = tpu.memref_slice %arg6[%multiple_of3A_1101, %dma_start3A_1104] : memref<131072x8xf32, #tpu.memory_space<vmem_shared>> -> memref<256x8xf32, #tpu.memory_space<vmem_shared>>
        tpu.enqueue_dma source(%arg13 : memref<256x8xf32, #tpu.memory_space<vmem>>) target(%dma_start3A_1105 : memref<256x8xf32, #tpu.memory_space<vmem_shared>>) target_semaphore(%arg16 : memref<!tpu.dma_semaphore, #tpu.memory_space<semaphore_mem>>)
        %jit3A_1106 = arith.constant 2 : i32
        %div3A_1107 = arith.divsi %mul3A_14, %jit3A_1106 : i32
        %sign3A_1108 = arith.constant 0 : i32
        %sign3A_1109 = arith.cmpi sgt, %mul3A_14, %sign3A_1108 : i32
        %sign3A_1110 = arith.extui %sign3A_1109 : i1 to i32
        %sign3A_1111 = arith.constant 0 : i32
        %sign3A_1112 = arith.cmpi slt, %mul3A_14, %sign3A_1111 : i32
        %sign3A_1113 = arith.extui %sign3A_1112 : i1 to i32
        %sign3A_1114 = arith.subi %sign3A_1110, %sign3A_1113 : i32
        %sign3A_1115 = arith.constant 0 : i32
        %sign3A_1116 = arith.cmpi sgt, %jit3A_1106, %sign3A_1115 : i32
        %sign3A_1117 = arith.extui %sign3A_1116 : i1 to i32
        %sign3A_1118 = arith.constant 0 : i32
        %sign3A_1119 = arith.cmpi slt, %jit3A_1106, %sign3A_1118 : i32
        %sign3A_1120 = arith.extui %sign3A_1119 : i1 to i32
        %sign3A_1121 = arith.subi %sign3A_1117, %sign3A_1120 : i32
        %ne3A_1122 = arith.cmpi ne, %sign3A_1114, %sign3A_1121 : i32
        %rem3A_1123 = arith.remsi %mul3A_14, %jit3A_1106 : i32
        %ne3A_1124 = arith.constant 0 : i32
        %ne3A_1125 = arith.cmpi ne, %rem3A_1123, %ne3A_1124 : i32
        %and3A_1126 = arith.andi %ne3A_1122, %ne3A_1125 : i1
        %sub3A_1127 = arith.constant 1 : i32
        %sub3A_1128 = arith.subi %div3A_1107, %sub3A_1127 : i32
        %select_n3A_1129 = arith.select %and3A_1126, %sub3A_1128, %div3A_1107 : i32
        %mul3A_1130 = arith.constant 512 : i32
        %mul3A_1131 = arith.muli %scan3A_1027, %mul3A_1130 : i32
        %add3A_1132 = arith.addi %select_n3A_1129, %mul3A_1131 : i32
        %add3A_1133 = arith.constant 256 : i32
        %add3A_1134 = arith.addi %add3A_1132, %add3A_1133 : i32
        %multiple_of3A_1135 = tpu.assume_multiple %add3A_1134, 256 : i32
        %dma_start3A_1136 = arith.constant 0 : i32
        %dma_start3A_1137 = tpu.memref_slice %arg6[%multiple_of3A_1135, %dma_start3A_1136] : memref<131072x8xf32, #tpu.memory_space<vmem_shared>> -> memref<256x8xf32, #tpu.memory_space<vmem_shared>>
        %dma_start3A_1138 = arith.constant 0 : i32
        %dma_start3A_1139 = tpu.memref_slice %arg6[%multiple_of3A_1135, %dma_start3A_1138] : memref<131072x8xf32, #tpu.memory_space<vmem_shared>> -> memref<256x8xf32, #tpu.memory_space<vmem_shared>>
        tpu.enqueue_dma source(%arg13 : memref<256x8xf32, #tpu.memory_space<vmem>>) target(%dma_start3A_1139 : memref<256x8xf32, #tpu.memory_space<vmem_shared>>) target_semaphore(%arg16 : memref<!tpu.dma_semaphore, #tpu.memory_space<semaphore_mem>>)
        %gt3A = arith.constant 0 : i32
        %gt3A_1140 = arith.cmpi sgt, %scan3A_1027, %gt3A : i32
        %convert_element_type3A_1141 = arith.extui %gt3A_1140 : i1 to i32
        %cond3A_1142 = arith.constant 0 : i32
        %cond3A_1143 = arith.cmpi ne, %convert_element_type3A_1141, %cond3A_1142 : i32
        scf.if %cond3A_1143 {
          %sub3A_1221 = arith.constant 1 : i32
          %sub3A_1222 = arith.subi %scan3A_1027, %sub3A_1221 : i32
          %mul3A_1223 = arith.constant 1024 : i32
          %mul3A_1224 = arith.muli %sub3A_1222, %mul3A_1223 : i32
          %add3A_1225 = arith.addi %mul3A_14, %mul3A_1224 : i32
          %multiple_of3A_1226 = tpu.assume_multiple %add3A_1225, 1024 : i32
          %add3A_1227 = arith.constant 0 : i32
          %add3A_1228 = arith.addi %add3A_892, %add3A_1227 : i32
          %dma_wait3A_1229 = arith.constant 0 : i32
          %dma_wait3A_1230 = arith.constant 0 : i32
          %dma_wait3A_1231 = tpu.memref_slice %arg12[%dma_wait3A_1229, %dma_wait3A_1230] : memref<4x1024xf32, #tpu.memory_space<vmem>> -> memref<1x1024xf32, #tpu.memory_space<vmem>>
          %dma_wait3A_1232 = tpu.memref_squeeze %dma_wait3A_1231 : memref<1x1024xf32, #tpu.memory_space<vmem>> -> memref<1024xf32, #tpu.memory_space<vmem>>
          %dma_wait3A_1233 = tpu.memref_slice %arg5[%add3A_1228, %multiple_of3A_1226] : memref<192x262144xf32, #tpu.memory_space<hbm>> -> memref<1x1024xf32, #tpu.memory_space<hbm>>
          %dma_wait3A_1234 = tpu.memref_squeeze %dma_wait3A_1233 : memref<1x1024xf32, #tpu.memory_space<hbm>> -> memref<1024xf32, #tpu.memory_space<hbm>>
          %dma_wait3A_1235 = tpu.memref_slice %arg5[%add3A_1228, %multiple_of3A_1226] : memref<192x262144xf32, #tpu.memory_space<hbm>> -> memref<1x1024xf32, #tpu.memory_space<hbm>>
          %dma_wait3A_1236 = tpu.memref_squeeze %dma_wait3A_1235 : memref<1x1024xf32, #tpu.memory_space<hbm>> -> memref<1024xf32, #tpu.memory_space<hbm>>
          %dma_wait3A_1237 = arith.constant 0 : i32
          %dma_wait3A_1238 = tpu.memref_slice %arg12[%dma_wait3A_1229, %dma_wait3A_1237] : memref<4x1024xf32, #tpu.memory_space<vmem>> -> memref<1x1024xf32, #tpu.memory_space<vmem>>
          %dma_wait3A_1239 = tpu.memref_squeeze %dma_wait3A_1238 : memref<1x1024xf32, #tpu.memory_space<vmem>> -> memref<1024xf32, #tpu.memory_space<vmem>>
          tpu.wait_dma2 semaphore(%arg17 : memref<!tpu.dma_semaphore, #tpu.memory_space<semaphore_mem>>) src(%dma_wait3A_1239 : memref<1024xf32, #tpu.memory_space<vmem>>) dst(%dma_wait3A_1236 : memref<1024xf32, #tpu.memory_space<hbm>>)
          %sub3A_1240 = arith.constant 1 : i32
          %sub3A_1241 = arith.subi %scan3A_1027, %sub3A_1240 : i32
          %mul3A_1242 = arith.constant 1024 : i32
          %mul3A_1243 = arith.muli %sub3A_1241, %mul3A_1242 : i32
          %add3A_1244 = arith.addi %mul3A_14, %mul3A_1243 : i32
          %multiple_of3A_1245 = tpu.assume_multiple %add3A_1244, 1024 : i32
          %add3A_1246 = arith.constant 1 : i32
          %add3A_1247 = arith.addi %add3A_892, %add3A_1246 : i32
          %dma_wait3A_1248 = arith.constant 1 : i32
          %dma_wait3A_1249 = arith.constant 0 : i32
          %dma_wait3A_1250 = tpu.memref_slice %arg12[%dma_wait3A_1248, %dma_wait3A_1249] : memref<4x1024xf32, #tpu.memory_space<vmem>> -> memref<1x1024xf32, #tpu.memory_space<vmem>>
          %dma_wait3A_1251 = tpu.memref_squeeze %dma_wait3A_1250 : memref<1x1024xf32, #tpu.memory_space<vmem>> -> memref<1024xf32, #tpu.memory_space<vmem>>
          %dma_wait3A_1252 = tpu.memref_slice %arg5[%add3A_1247, %multiple_of3A_1245] : memref<192x262144xf32, #tpu.memory_space<hbm>> -> memref<1x1024xf32, #tpu.memory_space<hbm>>
          %dma_wait3A_1253 = tpu.memref_squeeze %dma_wait3A_1252 : memref<1x1024xf32, #tpu.memory_space<hbm>> -> memref<1024xf32, #tpu.memory_space<hbm>>
          %dma_wait3A_1254 = tpu.memref_slice %arg5[%add3A_1247, %multiple_of3A_1245] : memref<192x262144xf32, #tpu.memory_space<hbm>> -> memref<1x1024xf32, #tpu.memory_space<hbm>>
          %dma_wait3A_1255 = tpu.memref_squeeze %dma_wait3A_1254 : memref<1x1024xf32, #tpu.memory_space<hbm>> -> memref<1024xf32, #tpu.memory_space<hbm>>
          %dma_wait3A_1256 = arith.constant 0 : i32
          %dma_wait3A_1257 = tpu.memref_slice %arg12[%dma_wait3A_1248, %dma_wait3A_1256] : memref<4x1024xf32, #tpu.memory_space<vmem>> -> memref<1x1024xf32, #tpu.memory_space<vmem>>
          %dma_wait3A_1258 = tpu.memref_squeeze %dma_wait3A_1257 : memref<1x1024xf32, #tpu.memory_space<vmem>> -> memref<1024xf32, #tpu.memory_space<vmem>>
          tpu.wait_dma2 semaphore(%arg17 : memref<!tpu.dma_semaphore, #tpu.memory_space<semaphore_mem>>) src(%dma_wait3A_1258 : memref<1024xf32, #tpu.memory_space<vmem>>) dst(%dma_wait3A_1255 : memref<1024xf32, #tpu.memory_space<hbm>>)
          %sub3A_1259 = arith.constant 1 : i32
          %sub3A_1260 = arith.subi %scan3A_1027, %sub3A_1259 : i32
          %mul3A_1261 = arith.constant 1024 : i32
          %mul3A_1262 = arith.muli %sub3A_1260, %mul3A_1261 : i32
          %add3A_1263 = arith.addi %mul3A_14, %mul3A_1262 : i32
          %multiple_of3A_1264 = tpu.assume_multiple %add3A_1263, 1024 : i32
          %add3A_1265 = arith.constant 2 : i32
          %add3A_1266 = arith.addi %add3A_892, %add3A_1265 : i32
          %dma_wait3A_1267 = arith.constant 2 : i32
          %dma_wait3A_1268 = arith.constant 0 : i32
          %dma_wait3A_1269 = tpu.memref_slice %arg12[%dma_wait3A_1267, %dma_wait3A_1268] : memref<4x1024xf32, #tpu.memory_space<vmem>> -> memref<1x1024xf32, #tpu.memory_space<vmem>>
          %dma_wait3A_1270 = tpu.memref_squeeze %dma_wait3A_1269 : memref<1x1024xf32, #tpu.memory_space<vmem>> -> memref<1024xf32, #tpu.memory_space<vmem>>
          %dma_wait3A_1271 = tpu.memref_slice %arg5[%add3A_1266, %multiple_of3A_1264] : memref<192x262144xf32, #tpu.memory_space<hbm>> -> memref<1x1024xf32, #tpu.memory_space<hbm>>
          %dma_wait3A_1272 = tpu.memref_squeeze %dma_wait3A_1271 : memref<1x1024xf32, #tpu.memory_space<hbm>> -> memref<1024xf32, #tpu.memory_space<hbm>>
          %dma_wait3A_1273 = tpu.memref_slice %arg5[%add3A_1266, %multiple_of3A_1264] : memref<192x262144xf32, #tpu.memory_space<hbm>> -> memref<1x1024xf32, #tpu.memory_space<hbm>>
          %dma_wait3A_1274 = tpu.memref_squeeze %dma_wait3A_1273 : memref<1x1024xf32, #tpu.memory_space<hbm>> -> memref<1024xf32, #tpu.memory_space<hbm>>
          %dma_wait3A_1275 = arith.constant 0 : i32
          %dma_wait3A_1276 = tpu.memref_slice %arg12[%dma_wait3A_1267, %dma_wait3A_1275] : memref<4x1024xf32, #tpu.memory_space<vmem>> -> memref<1x1024xf32, #tpu.memory_space<vmem>>
          %dma_wait3A_1277 = tpu.memref_squeeze %dma_wait3A_1276 : memref<1x1024xf32, #tpu.memory_space<vmem>> -> memref<1024xf32, #tpu.memory_space<vmem>>
          tpu.wait_dma2 semaphore(%arg17 : memref<!tpu.dma_semaphore, #tpu.memory_space<semaphore_mem>>) src(%dma_wait3A_1277 : memref<1024xf32, #tpu.memory_space<vmem>>) dst(%dma_wait3A_1274 : memref<1024xf32, #tpu.memory_space<hbm>>)
          %sub3A_1278 = arith.constant 1 : i32
          %sub3A_1279 = arith.subi %scan3A_1027, %sub3A_1278 : i32
          %mul3A_1280 = arith.constant 1024 : i32
          %mul3A_1281 = arith.muli %sub3A_1279, %mul3A_1280 : i32
          %add3A_1282 = arith.addi %mul3A_14, %mul3A_1281 : i32
          %multiple_of3A_1283 = tpu.assume_multiple %add3A_1282, 1024 : i32
          %add3A_1284 = arith.constant 3 : i32
          %add3A_1285 = arith.addi %add3A_892, %add3A_1284 : i32
          %dma_wait3A_1286 = arith.constant 3 : i32
          %dma_wait3A_1287 = arith.constant 0 : i32
          %dma_wait3A_1288 = tpu.memref_slice %arg12[%dma_wait3A_1286, %dma_wait3A_1287] : memref<4x1024xf32, #tpu.memory_space<vmem>> -> memref<1x1024xf32, #tpu.memory_space<vmem>>
          %dma_wait3A_1289 = tpu.memref_squeeze %dma_wait3A_1288 : memref<1x1024xf32, #tpu.memory_space<vmem>> -> memref<1024xf32, #tpu.memory_space<vmem>>
          %dma_wait3A_1290 = tpu.memref_slice %arg5[%add3A_1285, %multiple_of3A_1283] : memref<192x262144xf32, #tpu.memory_space<hbm>> -> memref<1x1024xf32, #tpu.memory_space<hbm>>
          %dma_wait3A_1291 = tpu.memref_squeeze %dma_wait3A_1290 : memref<1x1024xf32, #tpu.memory_space<hbm>> -> memref<1024xf32, #tpu.memory_space<hbm>>
          %dma_wait3A_1292 = tpu.memref_slice %arg5[%add3A_1285, %multiple_of3A_1283] : memref<192x262144xf32, #tpu.memory_space<hbm>> -> memref<1x1024xf32, #tpu.memory_space<hbm>>
          %dma_wait3A_1293 = tpu.memref_squeeze %dma_wait3A_1292 : memref<1x1024xf32, #tpu.memory_space<hbm>> -> memref<1024xf32, #tpu.memory_space<hbm>>
          %dma_wait3A_1294 = arith.constant 0 : i32
          %dma_wait3A_1295 = tpu.memref_slice %arg12[%dma_wait3A_1286, %dma_wait3A_1294] : memref<4x1024xf32, #tpu.memory_space<vmem>> -> memref<1x1024xf32, #tpu.memory_space<vmem>>
          %dma_wait3A_1296 = tpu.memref_squeeze %dma_wait3A_1295 : memref<1x1024xf32, #tpu.memory_space<vmem>> -> memref<1024xf32, #tpu.memory_space<vmem>>
          tpu.wait_dma2 semaphore(%arg17 : memref<!tpu.dma_semaphore, #tpu.memory_space<semaphore_mem>>) src(%dma_wait3A_1296 : memref<1024xf32, #tpu.memory_space<vmem>>) dst(%dma_wait3A_1293 : memref<1024xf32, #tpu.memory_space<hbm>>)
        } else {
        }
        %and3A_1144 = arith.constant 1 : i32
        %and3A_1145 = arith.andi %scan3A_1027, %and3A_1144 : i32
        %broadcast_in_dim3A_1146 = vector.broadcast %and3A_1145 : i32 to vector<16xi32>
        %scan3A_1147 = arith.constant 0 : i32
        %scan3A_1148 = arith.constant 0 : i32
        %scan3A_1149 = arith.constant 32 : i32
        %scan3A_1150 = arith.addi %scan3A_1148, %scan3A_1149 : i32
        %scan3A_1151 = arith.constant 1 : i32
        scf.for %scan3A_1221 = %scan3A_1148 to %scan3A_1150 step %scan3A_1151  : i32 {
          %mul3A_1222 = arith.constant 2 : i32
          %mul3A_1223 = arith.muli %scan3A_1221, %mul3A_1222 : i32
          %add3A_1224 = arith.constant 0 : i32
          %add3A_1225 = arith.addi %mul3A_1223, %add3A_1224 : i32
          %mul3A_1226 = arith.constant 16 : i32
          %mul3A_1227 = arith.muli %add3A_1225, %mul3A_1226 : i32
          %add3A_1228 = vector.broadcast %mul3A_1227 : i32 to vector<16xi32>
          %add3A_1229 = arith.addi %add3A_1228, %iota3A : vector<16xi32>
          %shift_right_arithmetic3A_1230 = arith.constant 1 : i32
          %shift_right_arithmetic3A_1231 = vector.broadcast %shift_right_arithmetic3A_1230 : i32 to vector<16xi32>
          %shift_right_arithmetic3A_1232 = arith.shrsi %add3A_1229, %shift_right_arithmetic3A_1231 : vector<16xi32>
          %and3A_1233 = arith.constant 1 : i32
          %and3A_1234 = vector.broadcast %and3A_1233 : i32 to vector<16xi32>
          %and3A_1235 = arith.andi %add3A_1229, %and3A_1234 : vector<16xi32>
          %shift_left3A = arith.constant 2 : i32
          %shift_left3A_1236 = vector.broadcast %shift_left3A : i32 to vector<16xi32>
          %shift_left3A_1237 = arith.shli %and3A_1235, %shift_left3A_1236 : vector<16xi32>
          %add3A_1238 = arith.constant 0 : i32
          %add3A_1239 = vector.broadcast %add3A_1238 : i32 to vector<16xi32>
          %add3A_1240 = arith.addi %shift_left3A_1237, %add3A_1239 : vector<16xi32>
          %gather3A = tpu.vector_load_idx %arg11[%broadcast_in_dim3A_1146, %shift_right_arithmetic3A_1232, %add3A_1240] : memref<2x2048x8xf32, #tpu.memory_space<vmem>>[vector<16xi32>, vector<16xi32>, vector<16xi32>], vector<16xf32>,
          %mul3A_1241 = arith.constant 16 : i32
          %mul3A_1242 = arith.muli %add3A_1225, %mul3A_1241 : i32
          %multiple_of3A_1243 = tpu.assume_multiple %mul3A_1242, 16 : i32
          %swap3A = arith.constant 0 : i32
          %swap3A_1244 = arith.index_cast %swap3A : i32 to index
          %swap3A_1245 = arith.index_cast %multiple_of3A_1243 : i32 to index
          %swap3A_1246 = tpu.vector_load %arg12[%swap3A_1244, %swap3A_1245] {strides = array<i32>} : memref<4x1024xf32, #tpu.memory_space<vmem>>, vector<16xf32>,
          tpu.vector_store %arg12[%swap3A_1244, %swap3A_1245], %gather3A {strides = array<i32>} : memref<4x1024xf32, #tpu.memory_space<vmem>>, vector<16xf32>,
          %add3A_1247 = arith.constant 1 : i32
          %add3A_1248 = vector.broadcast %add3A_1247 : i32 to vector<16xi32>
          %add3A_1249 = arith.addi %shift_left3A_1237, %add3A_1248 : vector<16xi32>
          %gather3A_1250 = tpu.vector_load_idx %arg11[%broadcast_in_dim3A_1146, %shift_right_arithmetic3A_1232, %add3A_1249] : memref<2x2048x8xf32, #tpu.memory_space<vmem>>[vector<16xi32>, vector<16xi32>, vector<16xi32>], vector<16xf32>,
          %mul3A_1251 = arith.constant 16 : i32
          %mul3A_1252 = arith.muli %add3A_1225, %mul3A_1251 : i32
          %multiple_of3A_1253 = tpu.assume_multiple %mul3A_1252, 16 : i32
          %swap3A_1254 = arith.constant 1 : i32
          %swap3A_1255 = arith.index_cast %swap3A_1254 : i32 to index
          %swap3A_1256 = arith.index_cast %multiple_of3A_1253 : i32 to index
          %swap3A_1257 = tpu.vector_load %arg12[%swap3A_1255, %swap3A_1256] {strides = array<i32>} : memref<4x1024xf32, #tpu.memory_space<vmem>>, vector<16xf32>,
          tpu.vector_store %arg12[%swap3A_1255, %swap3A_1256], %gather3A_1250 {strides = array<i32>} : memref<4x1024xf32, #tpu.memory_space<vmem>>, vector<16xf32>,
          %add3A_1258 = arith.constant 2 : i32
          %add3A_1259 = vector.broadcast %add3A_1258 : i32 to vector<16xi32>
          %add3A_1260 = arith.addi %shift_left3A_1237, %add3A_1259 : vector<16xi32>
          %gather3A_1261 = tpu.vector_load_idx %arg11[%broadcast_in_dim3A_1146, %shift_right_arithmetic3A_1232, %add3A_1260] : memref<2x2048x8xf32, #tpu.memory_space<vmem>>[vector<16xi32>, vector<16xi32>, vector<16xi32>], vector<16xf32>,
          %mul3A_1262 = arith.constant 16 : i32
          %mul3A_1263 = arith.muli %add3A_1225, %mul3A_1262 : i32
          %multiple_of3A_1264 = tpu.assume_multiple %mul3A_1263, 16 : i32
          %swap3A_1265 = arith.constant 2 : i32
          %swap3A_1266 = arith.index_cast %swap3A_1265 : i32 to index
          %swap3A_1267 = arith.index_cast %multiple_of3A_1264 : i32 to index
          %swap3A_1268 = tpu.vector_load %arg12[%swap3A_1266, %swap3A_1267] {strides = array<i32>} : memref<4x1024xf32, #tpu.memory_space<vmem>>, vector<16xf32>,
          tpu.vector_store %arg12[%swap3A_1266, %swap3A_1267], %gather3A_1261 {strides = array<i32>} : memref<4x1024xf32, #tpu.memory_space<vmem>>, vector<16xf32>,
          %add3A_1269 = arith.constant 3 : i32
          %add3A_1270 = vector.broadcast %add3A_1269 : i32 to vector<16xi32>
          %add3A_1271 = arith.addi %shift_left3A_1237, %add3A_1270 : vector<16xi32>
          %gather3A_1272 = tpu.vector_load_idx %arg11[%broadcast_in_dim3A_1146, %shift_right_arithmetic3A_1232, %add3A_1271] : memref<2x2048x8xf32, #tpu.memory_space<vmem>>[vector<16xi32>, vector<16xi32>, vector<16xi32>], vector<16xf32>,
          %mul3A_1273 = arith.constant 16 : i32
          %mul3A_1274 = arith.muli %add3A_1225, %mul3A_1273 : i32
          %multiple_of3A_1275 = tpu.assume_multiple %mul3A_1274, 16 : i32
          %swap3A_1276 = arith.constant 3 : i32
          %swap3A_1277 = arith.index_cast %swap3A_1276 : i32 to index
          %swap3A_1278 = arith.index_cast %multiple_of3A_1275 : i32 to index
          %swap3A_1279 = tpu.vector_load %arg12[%swap3A_1277, %swap3A_1278] {strides = array<i32>} : memref<4x1024xf32, #tpu.memory_space<vmem>>, vector<16xf32>,
          tpu.vector_store %arg12[%swap3A_1277, %swap3A_1278], %gather3A_1272 {strides = array<i32>} : memref<4x1024xf32, #tpu.memory_space<vmem>>, vector<16xf32>,
          %mul3A_1280 = arith.constant 2 : i32
          %mul3A_1281 = arith.muli %scan3A_1221, %mul3A_1280 : i32
          %add3A_1282 = arith.constant 1 : i32
          %add3A_1283 = arith.addi %mul3A_1281, %add3A_1282 : i32
          %mul3A_1284 = arith.constant 16 : i32
          %mul3A_1285 = arith.muli %add3A_1283, %mul3A_1284 : i32
          %add3A_1286 = vector.broadcast %mul3A_1285 : i32 to vector<16xi32>
          %add3A_1287 = arith.addi %add3A_1286, %iota3A : vector<16xi32>
          %shift_right_arithmetic3A_1288 = arith.constant 1 : i32
          %shift_right_arithmetic3A_1289 = vector.broadcast %shift_right_arithmetic3A_1288 : i32 to vector<16xi32>
          %shift_right_arithmetic3A_1290 = arith.shrsi %add3A_1287, %shift_right_arithmetic3A_1289 : vector<16xi32>
          %and3A_1291 = arith.constant 1 : i32
          %and3A_1292 = vector.broadcast %and3A_1291 : i32 to vector<16xi32>
          %and3A_1293 = arith.andi %add3A_1287, %and3A_1292 : vector<16xi32>
          %shift_left3A_1294 = arith.constant 2 : i32
          %shift_left3A_1295 = vector.broadcast %shift_left3A_1294 : i32 to vector<16xi32>
          %shift_left3A_1296 = arith.shli %and3A_1293, %shift_left3A_1295 : vector<16xi32>
          %add3A_1297 = arith.constant 0 : i32
          %add3A_1298 = vector.broadcast %add3A_1297 : i32 to vector<16xi32>
          %add3A_1299 = arith.addi %shift_left3A_1296, %add3A_1298 : vector<16xi32>
          %gather3A_1300 = tpu.vector_load_idx %arg11[%broadcast_in_dim3A_1146, %shift_right_arithmetic3A_1290, %add3A_1299] : memref<2x2048x8xf32, #tpu.memory_space<vmem>>[vector<16xi32>, vector<16xi32>, vector<16xi32>], vector<16xf32>,
          %mul3A_1301 = arith.constant 16 : i32
          %mul3A_1302 = arith.muli %add3A_1283, %mul3A_1301 : i32
          %multiple_of3A_1303 = tpu.assume_multiple %mul3A_1302, 16 : i32
          %swap3A_1304 = arith.constant 0 : i32
          %swap3A_1305 = arith.index_cast %swap3A_1304 : i32 to index
          %swap3A_1306 = arith.index_cast %multiple_of3A_1303 : i32 to index
          %swap3A_1307 = tpu.vector_load %arg12[%swap3A_1305, %swap3A_1306] {strides = array<i32>} : memref<4x1024xf32, #tpu.memory_space<vmem>>, vector<16xf32>,
          tpu.vector_store %arg12[%swap3A_1305, %swap3A_1306], %gather3A_1300 {strides = array<i32>} : memref<4x1024xf32, #tpu.memory_space<vmem>>, vector<16xf32>,
          %add3A_1308 = arith.constant 1 : i32
          %add3A_1309 = vector.broadcast %add3A_1308 : i32 to vector<16xi32>
          %add3A_1310 = arith.addi %shift_left3A_1296, %add3A_1309 : vector<16xi32>
          %gather3A_1311 = tpu.vector_load_idx %arg11[%broadcast_in_dim3A_1146, %shift_right_arithmetic3A_1290, %add3A_1310] : memref<2x2048x8xf32, #tpu.memory_space<vmem>>[vector<16xi32>, vector<16xi32>, vector<16xi32>], vector<16xf32>,
          %mul3A_1312 = arith.constant 16 : i32
          %mul3A_1313 = arith.muli %add3A_1283, %mul3A_1312 : i32
          %multiple_of3A_1314 = tpu.assume_multiple %mul3A_1313, 16 : i32
          %swap3A_1315 = arith.constant 1 : i32
          %swap3A_1316 = arith.index_cast %swap3A_1315 : i32 to index
          %swap3A_1317 = arith.index_cast %multiple_of3A_1314 : i32 to index
          %swap3A_1318 = tpu.vector_load %arg12[%swap3A_1316, %swap3A_1317] {strides = array<i32>} : memref<4x1024xf32, #tpu.memory_space<vmem>>, vector<16xf32>,
          tpu.vector_store %arg12[%swap3A_1316, %swap3A_1317], %gather3A_1311 {strides = array<i32>} : memref<4x1024xf32, #tpu.memory_space<vmem>>, vector<16xf32>,
          %add3A_1319 = arith.constant 2 : i32
          %add3A_1320 = vector.broadcast %add3A_1319 : i32 to vector<16xi32>
          %add3A_1321 = arith.addi %shift_left3A_1296, %add3A_1320 : vector<16xi32>
          %gather3A_1322 = tpu.vector_load_idx %arg11[%broadcast_in_dim3A_1146, %shift_right_arithmetic3A_1290, %add3A_1321] : memref<2x2048x8xf32, #tpu.memory_space<vmem>>[vector<16xi32>, vector<16xi32>, vector<16xi32>], vector<16xf32>,
          %mul3A_1323 = arith.constant 16 : i32
          %mul3A_1324 = arith.muli %add3A_1283, %mul3A_1323 : i32
          %multiple_of3A_1325 = tpu.assume_multiple %mul3A_1324, 16 : i32
          %swap3A_1326 = arith.constant 2 : i32
          %swap3A_1327 = arith.index_cast %swap3A_1326 : i32 to index
          %swap3A_1328 = arith.index_cast %multiple_of3A_1325 : i32 to index
          %swap3A_1329 = tpu.vector_load %arg12[%swap3A_1327, %swap3A_1328] {strides = array<i32>} : memref<4x1024xf32, #tpu.memory_space<vmem>>, vector<16xf32>,
          tpu.vector_store %arg12[%swap3A_1327, %swap3A_1328], %gather3A_1322 {strides = array<i32>} : memref<4x1024xf32, #tpu.memory_space<vmem>>, vector<16xf32>,
          %add3A_1330 = arith.constant 3 : i32
          %add3A_1331 = vector.broadcast %add3A_1330 : i32 to vector<16xi32>
          %add3A_1332 = arith.addi %shift_left3A_1296, %add3A_1331 : vector<16xi32>
          %gather3A_1333 = tpu.vector_load_idx %arg11[%broadcast_in_dim3A_1146, %shift_right_arithmetic3A_1290, %add3A_1332] : memref<2x2048x8xf32, #tpu.memory_space<vmem>>[vector<16xi32>, vector<16xi32>, vector<16xi32>], vector<16xf32>,
          %mul3A_1334 = arith.constant 16 : i32
          %mul3A_1335 = arith.muli %add3A_1283, %mul3A_1334 : i32
          %multiple_of3A_1336 = tpu.assume_multiple %mul3A_1335, 16 : i32
          %swap3A_1337 = arith.constant 3 : i32
          %swap3A_1338 = arith.index_cast %swap3A_1337 : i32 to index
          %swap3A_1339 = arith.index_cast %multiple_of3A_1336 : i32 to index
          %swap3A_1340 = tpu.vector_load %arg12[%swap3A_1338, %swap3A_1339] {strides = array<i32>} : memref<4x1024xf32, #tpu.memory_space<vmem>>, vector<16xf32>,
          tpu.vector_store %arg12[%swap3A_1338, %swap3A_1339], %gather3A_1333 {strides = array<i32>} : memref<4x1024xf32, #tpu.memory_space<vmem>>, vector<16xf32>,
        }
        %scan3A_1152 = arith.constant 32 : i32
        %mul3A_1153 = arith.constant 1024 : i32
        %mul3A_1154 = arith.muli %scan3A_1027, %mul3A_1153 : i32
        %add3A_1155 = arith.addi %mul3A_14, %mul3A_1154 : i32
        %multiple_of3A_1156 = tpu.assume_multiple %add3A_1155, 1024 : i32
        %add3A_1157 = arith.constant 0 : i32
        %add3A_1158 = arith.addi %add3A_892, %add3A_1157 : i32
        %dma_start3A_1159 = arith.constant 0 : i32
        %dma_start3A_1160 = arith.constant 0 : i32
        %dma_start3A_1161 = tpu.memref_slice %arg12[%dma_start3A_1159, %dma_start3A_1160] : memref<4x1024xf32, #tpu.memory_space<vmem>> -> memref<1x1024xf32, #tpu.memory_space<vmem>>
        %dma_start3A_1162 = tpu.memref_squeeze %dma_start3A_1161 : memref<1x1024xf32, #tpu.memory_space<vmem>> -> memref<1024xf32, #tpu.memory_space<vmem>>
        %dma_start3A_1163 = tpu.memref_slice %arg5[%add3A_1158, %multiple_of3A_1156] : memref<192x262144xf32, #tpu.memory_space<hbm>> -> memref<1x1024xf32, #tpu.memory_space<hbm>>
        %dma_start3A_1164 = tpu.memref_squeeze %dma_start3A_1163 : memref<1x1024xf32, #tpu.memory_space<hbm>> -> memref<1024xf32, #tpu.memory_space<hbm>>
        %dma_start3A_1165 = tpu.memref_slice %arg5[%add3A_1158, %multiple_of3A_1156] : memref<192x262144xf32, #tpu.memory_space<hbm>> -> memref<1x1024xf32, #tpu.memory_space<hbm>>
        %dma_start3A_1166 = tpu.memref_squeeze %dma_start3A_1165 : memref<1x1024xf32, #tpu.memory_space<hbm>> -> memref<1024xf32, #tpu.memory_space<hbm>>
        %dma_start3A_1167 = arith.constant 0 : i32
        %dma_start3A_1168 = tpu.memref_slice %arg12[%dma_start3A_1159, %dma_start3A_1167] : memref<4x1024xf32, #tpu.memory_space<vmem>> -> memref<1x1024xf32, #tpu.memory_space<vmem>>
        %dma_start3A_1169 = tpu.memref_squeeze %dma_start3A_1168 : memref<1x1024xf32, #tpu.memory_space<vmem>> -> memref<1024xf32, #tpu.memory_space<vmem>>
        tpu.enqueue_dma source(%dma_start3A_1169 : memref<1024xf32, #tpu.memory_space<vmem>>) target(%dma_start3A_1166 : memref<1024xf32, #tpu.memory_space<hbm>>) target_semaphore(%arg17 : memref<!tpu.dma_semaphore, #tpu.memory_space<semaphore_mem>>)
        %mul3A_1170 = arith.constant 1024 : i32
        %mul3A_1171 = arith.muli %scan3A_1027, %mul3A_1170 : i32
        %add3A_1172 = arith.addi %mul3A_14, %mul3A_1171 : i32
        %multiple_of3A_1173 = tpu.assume_multiple %add3A_1172, 1024 : i32
        %add3A_1174 = arith.constant 1 : i32
        %add3A_1175 = arith.addi %add3A_892, %add3A_1174 : i32
        %dma_start3A_1176 = arith.constant 1 : i32
        %dma_start3A_1177 = arith.constant 0 : i32
        %dma_start3A_1178 = tpu.memref_slice %arg12[%dma_start3A_1176, %dma_start3A_1177] : memref<4x1024xf32, #tpu.memory_space<vmem>> -> memref<1x1024xf32, #tpu.memory_space<vmem>>
        %dma_start3A_1179 = tpu.memref_squeeze %dma_start3A_1178 : memref<1x1024xf32, #tpu.memory_space<vmem>> -> memref<1024xf32, #tpu.memory_space<vmem>>
        %dma_start3A_1180 = tpu.memref_slice %arg5[%add3A_1175, %multiple_of3A_1173] : memref<192x262144xf32, #tpu.memory_space<hbm>> -> memref<1x1024xf32, #tpu.memory_space<hbm>>
        %dma_start3A_1181 = tpu.memref_squeeze %dma_start3A_1180 : memref<1x1024xf32, #tpu.memory_space<hbm>> -> memref<1024xf32, #tpu.memory_space<hbm>>
        %dma_start3A_1182 = tpu.memref_slice %arg5[%add3A_1175, %multiple_of3A_1173] : memref<192x262144xf32, #tpu.memory_space<hbm>> -> memref<1x1024xf32, #tpu.memory_space<hbm>>
        %dma_start3A_1183 = tpu.memref_squeeze %dma_start3A_1182 : memref<1x1024xf32, #tpu.memory_space<hbm>> -> memref<1024xf32, #tpu.memory_space<hbm>>
        %dma_start3A_1184 = arith.constant 0 : i32
        %dma_start3A_1185 = tpu.memref_slice %arg12[%dma_start3A_1176, %dma_start3A_1184] : memref<4x1024xf32, #tpu.memory_space<vmem>> -> memref<1x1024xf32, #tpu.memory_space<vmem>>
        %dma_start3A_1186 = tpu.memref_squeeze %dma_start3A_1185 : memref<1x1024xf32, #tpu.memory_space<vmem>> -> memref<1024xf32, #tpu.memory_space<vmem>>
        tpu.enqueue_dma source(%dma_start3A_1186 : memref<1024xf32, #tpu.memory_space<vmem>>) target(%dma_start3A_1183 : memref<1024xf32, #tpu.memory_space<hbm>>) target_semaphore(%arg17 : memref<!tpu.dma_semaphore, #tpu.memory_space<semaphore_mem>>)
        %mul3A_1187 = arith.constant 1024 : i32
        %mul3A_1188 = arith.muli %scan3A_1027, %mul3A_1187 : i32
        %add3A_1189 = arith.addi %mul3A_14, %mul3A_1188 : i32
        %multiple_of3A_1190 = tpu.assume_multiple %add3A_1189, 1024 : i32
        %add3A_1191 = arith.constant 2 : i32
        %add3A_1192 = arith.addi %add3A_892, %add3A_1191 : i32
        %dma_start3A_1193 = arith.constant 2 : i32
        %dma_start3A_1194 = arith.constant 0 : i32
        %dma_start3A_1195 = tpu.memref_slice %arg12[%dma_start3A_1193, %dma_start3A_1194] : memref<4x1024xf32, #tpu.memory_space<vmem>> -> memref<1x1024xf32, #tpu.memory_space<vmem>>
        %dma_start3A_1196 = tpu.memref_squeeze %dma_start3A_1195 : memref<1x1024xf32, #tpu.memory_space<vmem>> -> memref<1024xf32, #tpu.memory_space<vmem>>
        %dma_start3A_1197 = tpu.memref_slice %arg5[%add3A_1192, %multiple_of3A_1190] : memref<192x262144xf32, #tpu.memory_space<hbm>> -> memref<1x1024xf32, #tpu.memory_space<hbm>>
        %dma_start3A_1198 = tpu.memref_squeeze %dma_start3A_1197 : memref<1x1024xf32, #tpu.memory_space<hbm>> -> memref<1024xf32, #tpu.memory_space<hbm>>
        %dma_start3A_1199 = tpu.memref_slice %arg5[%add3A_1192, %multiple_of3A_1190] : memref<192x262144xf32, #tpu.memory_space<hbm>> -> memref<1x1024xf32, #tpu.memory_space<hbm>>
        %dma_start3A_1200 = tpu.memref_squeeze %dma_start3A_1199 : memref<1x1024xf32, #tpu.memory_space<hbm>> -> memref<1024xf32, #tpu.memory_space<hbm>>
        %dma_start3A_1201 = arith.constant 0 : i32
        %dma_start3A_1202 = tpu.memref_slice %arg12[%dma_start3A_1193, %dma_start3A_1201] : memref<4x1024xf32, #tpu.memory_space<vmem>> -> memref<1x1024xf32, #tpu.memory_space<vmem>>
        %dma_start3A_1203 = tpu.memref_squeeze %dma_start3A_1202 : memref<1x1024xf32, #tpu.memory_space<vmem>> -> memref<1024xf32, #tpu.memory_space<vmem>>
        tpu.enqueue_dma source(%dma_start3A_1203 : memref<1024xf32, #tpu.memory_space<vmem>>) target(%dma_start3A_1200 : memref<1024xf32, #tpu.memory_space<hbm>>) target_semaphore(%arg17 : memref<!tpu.dma_semaphore, #tpu.memory_space<semaphore_mem>>)
        %mul3A_1204 = arith.constant 1024 : i32
        %mul3A_1205 = arith.muli %scan3A_1027, %mul3A_1204 : i32
        %add3A_1206 = arith.addi %mul3A_14, %mul3A_1205 : i32
        %multiple_of3A_1207 = tpu.assume_multiple %add3A_1206, 1024 : i32
        %add3A_1208 = arith.constant 3 : i32
        %add3A_1209 = arith.addi %add3A_892, %add3A_1208 : i32
        %dma_start3A_1210 = arith.constant 3 : i32
        %dma_start3A_1211 = arith.constant 0 : i32
        %dma_start3A_1212 = tpu.memref_slice %arg12[%dma_start3A_1210, %dma_start3A_1211] : memref<4x1024xf32, #tpu.memory_space<vmem>> -> memref<1x1024xf32, #tpu.memory_space<vmem>>
        %dma_start3A_1213 = tpu.memref_squeeze %dma_start3A_1212 : memref<1x1024xf32, #tpu.memory_space<vmem>> -> memref<1024xf32, #tpu.memory_space<vmem>>
        %dma_start3A_1214 = tpu.memref_slice %arg5[%add3A_1209, %multiple_of3A_1207] : memref<192x262144xf32, #tpu.memory_space<hbm>> -> memref<1x1024xf32, #tpu.memory_space<hbm>>
        %dma_start3A_1215 = tpu.memref_squeeze %dma_start3A_1214 : memref<1x1024xf32, #tpu.memory_space<hbm>> -> memref<1024xf32, #tpu.memory_space<hbm>>
        %dma_start3A_1216 = tpu.memref_slice %arg5[%add3A_1209, %multiple_of3A_1207] : memref<192x262144xf32, #tpu.memory_space<hbm>> -> memref<1x1024xf32, #tpu.memory_space<hbm>>
        %dma_start3A_1217 = tpu.memref_squeeze %dma_start3A_1216 : memref<1x1024xf32, #tpu.memory_space<hbm>> -> memref<1024xf32, #tpu.memory_space<hbm>>
        %dma_start3A_1218 = arith.constant 0 : i32
        %dma_start3A_1219 = tpu.memref_slice %arg12[%dma_start3A_1210, %dma_start3A_1218] : memref<4x1024xf32, #tpu.memory_space<vmem>> -> memref<1x1024xf32, #tpu.memory_space<vmem>>
        %dma_start3A_1220 = tpu.memref_squeeze %dma_start3A_1219 : memref<1x1024xf32, #tpu.memory_space<vmem>> -> memref<1024xf32, #tpu.memory_space<vmem>>
        tpu.enqueue_dma source(%dma_start3A_1220 : memref<1024xf32, #tpu.memory_space<vmem>>) target(%dma_start3A_1217 : memref<1024xf32, #tpu.memory_space<hbm>>) target_semaphore(%arg17 : memref<!tpu.dma_semaphore, #tpu.memory_space<semaphore_mem>>)
      }
      %scan3A_956 = arith.constant 16 : i32
      %add3A_957 = arith.constant 15360 : i32
      %add3A_958 = arith.addi %mul3A_14, %add3A_957 : i32
      %multiple_of3A_959 = tpu.assume_multiple %add3A_958, 1024 : i32
      %add3A_960 = arith.constant 0 : i32
      %add3A_961 = arith.addi %add3A_892, %add3A_960 : i32
      %dma_wait3A = arith.constant 0 : i32
      %dma_wait3A_962 = arith.constant 0 : i32
      %dma_wait3A_963 = tpu.memref_slice %arg12[%dma_wait3A, %dma_wait3A_962] : memref<4x1024xf32, #tpu.memory_space<vmem>> -> memref<1x1024xf32, #tpu.memory_space<vmem>>
      %dma_wait3A_964 = tpu.memref_squeeze %dma_wait3A_963 : memref<1x1024xf32, #tpu.memory_space<vmem>> -> memref<1024xf32, #tpu.memory_space<vmem>>
      %dma_wait3A_965 = tpu.memref_slice %arg5[%add3A_961, %multiple_of3A_959] : memref<192x262144xf32, #tpu.memory_space<hbm>> -> memref<1x1024xf32, #tpu.memory_space<hbm>>
      %dma_wait3A_966 = tpu.memref_squeeze %dma_wait3A_965 : memref<1x1024xf32, #tpu.memory_space<hbm>> -> memref<1024xf32, #tpu.memory_space<hbm>>
      %dma_wait3A_967 = tpu.memref_slice %arg5[%add3A_961, %multiple_of3A_959] : memref<192x262144xf32, #tpu.memory_space<hbm>> -> memref<1x1024xf32, #tpu.memory_space<hbm>>
      %dma_wait3A_968 = tpu.memref_squeeze %dma_wait3A_967 : memref<1x1024xf32, #tpu.memory_space<hbm>> -> memref<1024xf32, #tpu.memory_space<hbm>>
      %dma_wait3A_969 = arith.constant 0 : i32
      %dma_wait3A_970 = tpu.memref_slice %arg12[%dma_wait3A, %dma_wait3A_969] : memref<4x1024xf32, #tpu.memory_space<vmem>> -> memref<1x1024xf32, #tpu.memory_space<vmem>>
      %dma_wait3A_971 = tpu.memref_squeeze %dma_wait3A_970 : memref<1x1024xf32, #tpu.memory_space<vmem>> -> memref<1024xf32, #tpu.memory_space<vmem>>
      tpu.wait_dma2 semaphore(%arg17 : memref<!tpu.dma_semaphore, #tpu.memory_space<semaphore_mem>>) src(%dma_wait3A_971 : memref<1024xf32, #tpu.memory_space<vmem>>) dst(%dma_wait3A_968 : memref<1024xf32, #tpu.memory_space<hbm>>)
      %add3A_972 = arith.constant 15360 : i32
      %add3A_973 = arith.addi %mul3A_14, %add3A_972 : i32
      %multiple_of3A_974 = tpu.assume_multiple %add3A_973, 1024 : i32
      %add3A_975 = arith.constant 1 : i32
      %add3A_976 = arith.addi %add3A_892, %add3A_975 : i32
      %dma_wait3A_977 = arith.constant 1 : i32
      %dma_wait3A_978 = arith.constant 0 : i32
      %dma_wait3A_979 = tpu.memref_slice %arg12[%dma_wait3A_977, %dma_wait3A_978] : memref<4x1024xf32, #tpu.memory_space<vmem>> -> memref<1x1024xf32, #tpu.memory_space<vmem>>
      %dma_wait3A_980 = tpu.memref_squeeze %dma_wait3A_979 : memref<1x1024xf32, #tpu.memory_space<vmem>> -> memref<1024xf32, #tpu.memory_space<vmem>>
      %dma_wait3A_981 = tpu.memref_slice %arg5[%add3A_976, %multiple_of3A_974] : memref<192x262144xf32, #tpu.memory_space<hbm>> -> memref<1x1024xf32, #tpu.memory_space<hbm>>
      %dma_wait3A_982 = tpu.memref_squeeze %dma_wait3A_981 : memref<1x1024xf32, #tpu.memory_space<hbm>> -> memref<1024xf32, #tpu.memory_space<hbm>>
      %dma_wait3A_983 = tpu.memref_slice %arg5[%add3A_976, %multiple_of3A_974] : memref<192x262144xf32, #tpu.memory_space<hbm>> -> memref<1x1024xf32, #tpu.memory_space<hbm>>
      %dma_wait3A_984 = tpu.memref_squeeze %dma_wait3A_983 : memref<1x1024xf32, #tpu.memory_space<hbm>> -> memref<1024xf32, #tpu.memory_space<hbm>>
      %dma_wait3A_985 = arith.constant 0 : i32
      %dma_wait3A_986 = tpu.memref_slice %arg12[%dma_wait3A_977, %dma_wait3A_985] : memref<4x1024xf32, #tpu.memory_space<vmem>> -> memref<1x1024xf32, #tpu.memory_space<vmem>>
      %dma_wait3A_987 = tpu.memref_squeeze %dma_wait3A_986 : memref<1x1024xf32, #tpu.memory_space<vmem>> -> memref<1024xf32, #tpu.memory_space<vmem>>
      tpu.wait_dma2 semaphore(%arg17 : memref<!tpu.dma_semaphore, #tpu.memory_space<semaphore_mem>>) src(%dma_wait3A_987 : memref<1024xf32, #tpu.memory_space<vmem>>) dst(%dma_wait3A_984 : memref<1024xf32, #tpu.memory_space<hbm>>)
      %add3A_988 = arith.constant 15360 : i32
      %add3A_989 = arith.addi %mul3A_14, %add3A_988 : i32
      %multiple_of3A_990 = tpu.assume_multiple %add3A_989, 1024 : i32
      %add3A_991 = arith.constant 2 : i32
      %add3A_992 = arith.addi %add3A_892, %add3A_991 : i32
      %dma_wait3A_993 = arith.constant 2 : i32
      %dma_wait3A_994 = arith.constant 0 : i32
      %dma_wait3A_995 = tpu.memref_slice %arg12[%dma_wait3A_993, %dma_wait3A_994] : memref<4x1024xf32, #tpu.memory_space<vmem>> -> memref<1x1024xf32, #tpu.memory_space<vmem>>
      %dma_wait3A_996 = tpu.memref_squeeze %dma_wait3A_995 : memref<1x1024xf32, #tpu.memory_space<vmem>> -> memref<1024xf32, #tpu.memory_space<vmem>>
      %dma_wait3A_997 = tpu.memref_slice %arg5[%add3A_992, %multiple_of3A_990] : memref<192x262144xf32, #tpu.memory_space<hbm>> -> memref<1x1024xf32, #tpu.memory_space<hbm>>
      %dma_wait3A_998 = tpu.memref_squeeze %dma_wait3A_997 : memref<1x1024xf32, #tpu.memory_space<hbm>> -> memref<1024xf32, #tpu.memory_space<hbm>>
      %dma_wait3A_999 = tpu.memref_slice %arg5[%add3A_992, %multiple_of3A_990] : memref<192x262144xf32, #tpu.memory_space<hbm>> -> memref<1x1024xf32, #tpu.memory_space<hbm>>
      %dma_wait3A_1000 = tpu.memref_squeeze %dma_wait3A_999 : memref<1x1024xf32, #tpu.memory_space<hbm>> -> memref<1024xf32, #tpu.memory_space<hbm>>
      %dma_wait3A_1001 = arith.constant 0 : i32
      %dma_wait3A_1002 = tpu.memref_slice %arg12[%dma_wait3A_993, %dma_wait3A_1001] : memref<4x1024xf32, #tpu.memory_space<vmem>> -> memref<1x1024xf32, #tpu.memory_space<vmem>>
      %dma_wait3A_1003 = tpu.memref_squeeze %dma_wait3A_1002 : memref<1x1024xf32, #tpu.memory_space<vmem>> -> memref<1024xf32, #tpu.memory_space<vmem>>
      tpu.wait_dma2 semaphore(%arg17 : memref<!tpu.dma_semaphore, #tpu.memory_space<semaphore_mem>>) src(%dma_wait3A_1003 : memref<1024xf32, #tpu.memory_space<vmem>>) dst(%dma_wait3A_1000 : memref<1024xf32, #tpu.memory_space<hbm>>)
      %add3A_1004 = arith.constant 15360 : i32
      %add3A_1005 = arith.addi %mul3A_14, %add3A_1004 : i32
      %multiple_of3A_1006 = tpu.assume_multiple %add3A_1005, 1024 : i32
      %add3A_1007 = arith.constant 3 : i32
      %add3A_1008 = arith.addi %add3A_892, %add3A_1007 : i32
      %dma_wait3A_1009 = arith.constant 3 : i32
      %dma_wait3A_1010 = arith.constant 0 : i32
      %dma_wait3A_1011 = tpu.memref_slice %arg12[%dma_wait3A_1009, %dma_wait3A_1010] : memref<4x1024xf32, #tpu.memory_space<vmem>> -> memref<1x1024xf32, #tpu.memory_space<vmem>>
      %dma_wait3A_1012 = tpu.memref_squeeze %dma_wait3A_1011 : memref<1x1024xf32, #tpu.memory_space<vmem>> -> memref<1024xf32, #tpu.memory_space<vmem>>
      %dma_wait3A_1013 = tpu.memref_slice %arg5[%add3A_1008, %multiple_of3A_1006] : memref<192x262144xf32, #tpu.memory_space<hbm>> -> memref<1x1024xf32, #tpu.memory_space<hbm>>
      %dma_wait3A_1014 = tpu.memref_squeeze %dma_wait3A_1013 : memref<1x1024xf32, #tpu.memory_space<hbm>> -> memref<1024xf32, #tpu.memory_space<hbm>>
      %dma_wait3A_1015 = tpu.memref_slice %arg5[%add3A_1008, %multiple_of3A_1006] : memref<192x262144xf32, #tpu.memory_space<hbm>> -> memref<1x1024xf32, #tpu.memory_space<hbm>>
      %dma_wait3A_1016 = tpu.memref_squeeze %dma_wait3A_1015 : memref<1x1024xf32, #tpu.memory_space<hbm>> -> memref<1024xf32, #tpu.memory_space<hbm>>
      %dma_wait3A_1017 = arith.constant 0 : i32
      %dma_wait3A_1018 = tpu.memref_slice %arg12[%dma_wait3A_1009, %dma_wait3A_1017] : memref<4x1024xf32, #tpu.memory_space<vmem>> -> memref<1x1024xf32, #tpu.memory_space<vmem>>
      %dma_wait3A_1019 = tpu.memref_squeeze %dma_wait3A_1018 : memref<1x1024xf32, #tpu.memory_space<vmem>> -> memref<1024xf32, #tpu.memory_space<vmem>>
      tpu.wait_dma2 semaphore(%arg17 : memref<!tpu.dma_semaphore, #tpu.memory_space<semaphore_mem>>) src(%dma_wait3A_1019 : memref<1024xf32, #tpu.memory_space<vmem>>) dst(%dma_wait3A_1016 : memref<1024xf32, #tpu.memory_space<hbm>>)
      %scan3A_1020 = arith.constant 0 : i32
      %scan3A_1021 = arith.constant 0 : i32
      %scan3A_1022 = arith.constant 16 : i32
      %scan3A_1023 = arith.addi %scan3A_1021, %scan3A_1022 : i32
      %scan3A_1024 = arith.constant 1 : i32
      scf.for %scan3A_1027 = %scan3A_1021 to %scan3A_1023 step %scan3A_1024  : i32 {
        %jit3A_1028 = arith.constant 2 : i32
        %div3A_1029 = arith.divsi %mul3A_14, %jit3A_1028 : i32
        %sign3A_1030 = arith.constant 0 : i32
        %sign3A_1031 = arith.cmpi sgt, %mul3A_14, %sign3A_1030 : i32
        %sign3A_1032 = arith.extui %sign3A_1031 : i1 to i32
        %sign3A_1033 = arith.constant 0 : i32
        %sign3A_1034 = arith.cmpi slt, %mul3A_14, %sign3A_1033 : i32
        %sign3A_1035 = arith.extui %sign3A_1034 : i1 to i32
        %sign3A_1036 = arith.subi %sign3A_1032, %sign3A_1035 : i32
        %sign3A_1037 = arith.constant 0 : i32
        %sign3A_1038 = arith.cmpi sgt, %jit3A_1028, %sign3A_1037 : i32
        %sign3A_1039 = arith.extui %sign3A_1038 : i1 to i32
        %sign3A_1040 = arith.constant 0 : i32
        %sign3A_1041 = arith.cmpi slt, %jit3A_1028, %sign3A_1040 : i32
        %sign3A_1042 = arith.extui %sign3A_1041 : i1 to i32
        %sign3A_1043 = arith.subi %sign3A_1039, %sign3A_1042 : i32
        %ne3A_1044 = arith.cmpi ne, %sign3A_1036, %sign3A_1043 : i32
        %rem3A_1045 = arith.remsi %mul3A_14, %jit3A_1028 : i32
        %ne3A_1046 = arith.constant 0 : i32
        %ne3A_1047 = arith.cmpi ne, %rem3A_1045, %ne3A_1046 : i32
        %and3A_1048 = arith.andi %ne3A_1044, %ne3A_1047 : i1
        %sub3A_1049 = arith.constant 1 : i32
        %sub3A_1050 = arith.subi %div3A_1029, %sub3A_1049 : i32
        %select_n3A_1051 = arith.select %and3A_1048, %sub3A_1050, %div3A_1029 : i32
        %mul3A_1052 = arith.constant 512 : i32
        %mul3A_1053 = arith.muli %scan3A_1027, %mul3A_1052 : i32
        %add3A_1054 = arith.addi %select_n3A_1051, %mul3A_1053 : i32
        %add3A_1055 = arith.constant 0 : i32
        %add3A_1056 = arith.addi %add3A_1054, %add3A_1055 : i32
        %multiple_of3A_1057 = tpu.assume_multiple %add3A_1056, 256 : i32
        %dma_wait3A_1058 = arith.constant 0 : i32
        %dma_wait3A_1059 = tpu.memref_slice %arg6[%multiple_of3A_1057, %dma_wait3A_1058] : memref<131072x8xf32, #tpu.memory_space<vmem_shared>> -> memref<256x8xf32, #tpu.memory_space<vmem_shared>>
        %dma_wait3A_1060 = arith.constant 0 : i32
        %dma_wait3A_1061 = tpu.memref_slice %arg6[%multiple_of3A_1057, %dma_wait3A_1060] : memref<131072x8xf32, #tpu.memory_space<vmem_shared>> -> memref<256x8xf32, #tpu.memory_space<vmem_shared>>
        tpu.wait_dma2 semaphore(%arg16 : memref<!tpu.dma_semaphore, #tpu.memory_space<semaphore_mem>>) src(%arg13 : memref<256x8xf32, #tpu.memory_space<vmem>>) dst(%dma_wait3A_1061 : memref<256x8xf32, #tpu.memory_space<vmem_shared>>)
        %jit3A_1062 = arith.constant 2 : i32
        %div3A_1063 = arith.divsi %mul3A_14, %jit3A_1062 : i32
        %sign3A_1064 = arith.constant 0 : i32
        %sign3A_1065 = arith.cmpi sgt, %mul3A_14, %sign3A_1064 : i32
        %sign3A_1066 = arith.extui %sign3A_1065 : i1 to i32
        %sign3A_1067 = arith.constant 0 : i32
        %sign3A_1068 = arith.cmpi slt, %mul3A_14, %sign3A_1067 : i32
        %sign3A_1069 = arith.extui %sign3A_1068 : i1 to i32
        %sign3A_1070 = arith.subi %sign3A_1066, %sign3A_1069 : i32
        %sign3A_1071 = arith.constant 0 : i32
        %sign3A_1072 = arith.cmpi sgt, %jit3A_1062, %sign3A_1071 : i32
        %sign3A_1073 = arith.extui %sign3A_1072 : i1 to i32
        %sign3A_1074 = arith.constant 0 : i32
        %sign3A_1075 = arith.cmpi slt, %jit3A_1062, %sign3A_1074 : i32
        %sign3A_1076 = arith.extui %sign3A_1075 : i1 to i32
        %sign3A_1077 = arith.subi %sign3A_1073, %sign3A_1076 : i32
        %ne3A_1078 = arith.cmpi ne, %sign3A_1070, %sign3A_1077 : i32
        %rem3A_1079 = arith.remsi %mul3A_14, %jit3A_1062 : i32
        %ne3A_1080 = arith.constant 0 : i32
        %ne3A_1081 = arith.cmpi ne, %rem3A_1079, %ne3A_1080 : i32
        %and3A_1082 = arith.andi %ne3A_1078, %ne3A_1081 : i1
        %sub3A_1083 = arith.constant 1 : i32
        %sub3A_1084 = arith.subi %div3A_1063, %sub3A_1083 : i32
        %select_n3A_1085 = arith.select %and3A_1082, %sub3A_1084, %div3A_1063 : i32
        %mul3A_1086 = arith.constant 512 : i32
        %mul3A_1087 = arith.muli %scan3A_1027, %mul3A_1086 : i32
        %add3A_1088 = arith.addi %select_n3A_1085, %mul3A_1087 : i32
        %add3A_1089 = arith.constant 256 : i32
        %add3A_1090 = arith.addi %add3A_1088, %add3A_1089 : i32
        %multiple_of3A_1091 = tpu.assume_multiple %add3A_1090, 256 : i32
        %dma_wait3A_1092 = arith.constant 0 : i32
        %dma_wait3A_1093 = tpu.memref_slice %arg6[%multiple_of3A_1091, %dma_wait3A_1092] : memref<131072x8xf32, #tpu.memory_space<vmem_shared>> -> memref<256x8xf32, #tpu.memory_space<vmem_shared>>
        %dma_wait3A_1094 = arith.constant 0 : i32
        %dma_wait3A_1095 = tpu.memref_slice %arg6[%multiple_of3A_1091, %dma_wait3A_1094] : memref<131072x8xf32, #tpu.memory_space<vmem_shared>> -> memref<256x8xf32, #tpu.memory_space<vmem_shared>>
        tpu.wait_dma2 semaphore(%arg16 : memref<!tpu.dma_semaphore, #tpu.memory_space<semaphore_mem>>) src(%arg13 : memref<256x8xf32, #tpu.memory_space<vmem>>) dst(%dma_wait3A_1095 : memref<256x8xf32, #tpu.memory_space<vmem_shared>>)
      }
      %scan3A_1025 = arith.constant 16 : i32
      %barrier3A_1026 = arith.constant 0 : index
      tpu.barrier barrier_id(%barrier3A_1026)
    }
    %scan3A_886 = arith.constant 24 : i32
    return
  }
}

module attributes {stable_mosaic.version = 14 : i64} {
  func.func @_corner_kernel(%arg0: memref<512x512xf32, #tpu.memory_space<vmem>>, %arg1: memref<512x512xf32, #tpu.memory_space<vmem>>, %arg2: memref<512x512xi32, #tpu.memory_space<vmem>>, %arg3: memref<4x512x512xf32, #tpu.memory_space<vmem>>) attributes {dimension_semantics = [], scalar_prefetch = 0 : i64, scratch_operands = 0 : i64, tpu.core_type = #tpu.core_type<tc>} {
    %get3A = arith.constant 0 : index
    %get3A_0 = arith.constant 0 : index
    %get3A_1 = vector.load %arg0[%get3A, %get3A_0] : memref<512x512xf32, #tpu.memory_space<vmem>>, vector<512x512xf32>
    %get3A_2 = arith.constant 0 : index
    %get3A_3 = arith.constant 0 : index
    %get3A_4 = vector.load %arg1[%get3A_2, %get3A_3] : memref<512x512xf32, #tpu.memory_space<vmem>>, vector<512x512xf32>
    %floor3A = math.floor %get3A_1 : vector<512x512xf32>
    %floor3A_5 = math.floor %get3A_4 : vector<512x512xf32>
    %convert_element_type3A = arith.fptosi %floor3A : vector<512x512xf32> to vector<512x512xi32>
    %jit3A = arith.constant 0 : i32
    %jit3A_6 = arith.constant 510 : i32
    %max3A = vector.broadcast %jit3A : i32 to vector<512x512xi32>
    %max3A_7 = arith.maxsi %max3A, %convert_element_type3A : vector<512x512xi32>
    %min3A = vector.broadcast %jit3A_6 : i32 to vector<512x512xi32>
    %min3A_8 = arith.minsi %min3A, %max3A_7 : vector<512x512xi32>
    %convert_element_type3A_9 = arith.fptosi %floor3A_5 : vector<512x512xf32> to vector<512x512xi32>
    %jit3A_10 = arith.constant 0 : i32
    %jit3A_11 = arith.constant 510 : i32
    %max3A_12 = vector.broadcast %jit3A_10 : i32 to vector<512x512xi32>
    %max3A_13 = arith.maxsi %max3A_12, %convert_element_type3A_9 : vector<512x512xi32>
    %min3A_14 = vector.broadcast %jit3A_11 : i32 to vector<512x512xi32>
    %min3A_15 = arith.minsi %min3A_14, %max3A_13 : vector<512x512xi32>
    %convert_element_type3A_16 = arith.sitofp %min3A_8 : vector<512x512xi32> to vector<512x512xf32>
    %sub3A = arith.subf %get3A_1, %convert_element_type3A_16 : vector<512x512xf32>
    %convert_element_type3A_17 = arith.sitofp %min3A_15 : vector<512x512xi32> to vector<512x512xf32>
    %sub3A_18 = arith.subf %get3A_4, %convert_element_type3A_17 : vector<512x512xf32>
    %mul3A = arith.constant 512 : i32
    %mul3A_19 = vector.broadcast %mul3A : i32 to vector<512x512xi32>
    %mul3A_20 = arith.muli %min3A_15, %mul3A_19 : vector<512x512xi32>
    %add3A = arith.addi %mul3A_20, %min3A_8 : vector<512x512xi32>
    %swap3A = arith.constant 0 : index
    %swap3A_21 = arith.constant 0 : index
    %swap3A_22 = vector.load %arg2[%swap3A, %swap3A_21] : memref<512x512xi32, #tpu.memory_space<vmem>>, vector<512x512xi32>
    tpu.vector_store %arg2[%swap3A, %swap3A_21], %add3A {strides = array<i32>} : memref<512x512xi32, #tpu.memory_space<vmem>>, vector<512x512xi32>,
    %sub3A_23 = arith.constant 1.000000e+00 : f32
    %sub3A_24 = vector.broadcast %sub3A_23 : f32 to vector<512x512xf32>
    %sub3A_25 = arith.subf %sub3A_24, %sub3A : vector<512x512xf32>
    %sub3A_26 = arith.constant 1.000000e+00 : f32
    %sub3A_27 = vector.broadcast %sub3A_26 : f32 to vector<512x512xf32>
    %sub3A_28 = arith.subf %sub3A_27, %sub3A_18 : vector<512x512xf32>
    %mul3A_29 = arith.mulf %sub3A_25, %sub3A_28 : vector<512x512xf32>
    %swap3A_30 = arith.constant 0 : index
    %swap3A_31 = arith.constant 0 : index
    %swap3A_32 = arith.constant 0 : index
    %swap3A_33 = vector.load %arg3[%swap3A_30, %swap3A_31, %swap3A_32] : memref<4x512x512xf32, #tpu.memory_space<vmem>>, vector<1x512x512xf32>
    %swap3A_34 = vector.shape_cast %swap3A_33 : vector<1x512x512xf32> to vector<512x512xf32>
    %swap3A_35 = vector.shape_cast %mul3A_29 : vector<512x512xf32> to vector<1x512x512xf32>
    tpu.vector_store %arg3[%swap3A_30, %swap3A_31, %swap3A_32], %swap3A_35 {strides = array<i32>} : memref<4x512x512xf32, #tpu.memory_space<vmem>>, vector<1x512x512xf32>,
    %sub3A_36 = arith.constant 1.000000e+00 : f32
    %sub3A_37 = vector.broadcast %sub3A_36 : f32 to vector<512x512xf32>
    %sub3A_38 = arith.subf %sub3A_37, %sub3A_18 : vector<512x512xf32>
    %mul3A_39 = arith.mulf %sub3A, %sub3A_38 : vector<512x512xf32>
    %swap3A_40 = arith.constant 1 : index
    %swap3A_41 = arith.constant 0 : index
    %swap3A_42 = arith.constant 0 : index
    %swap3A_43 = vector.load %arg3[%swap3A_40, %swap3A_41, %swap3A_42] : memref<4x512x512xf32, #tpu.memory_space<vmem>>, vector<1x512x512xf32>
    %swap3A_44 = vector.shape_cast %swap3A_43 : vector<1x512x512xf32> to vector<512x512xf32>
    %swap3A_45 = vector.shape_cast %mul3A_39 : vector<512x512xf32> to vector<1x512x512xf32>
    tpu.vector_store %arg3[%swap3A_40, %swap3A_41, %swap3A_42], %swap3A_45 {strides = array<i32>} : memref<4x512x512xf32, #tpu.memory_space<vmem>>, vector<1x512x512xf32>,
    %sub3A_46 = arith.constant 1.000000e+00 : f32
    %sub3A_47 = vector.broadcast %sub3A_46 : f32 to vector<512x512xf32>
    %sub3A_48 = arith.subf %sub3A_47, %sub3A : vector<512x512xf32>
    %mul3A_49 = arith.mulf %sub3A_48, %sub3A_18 : vector<512x512xf32>
    %swap3A_50 = arith.constant 2 : index
    %swap3A_51 = arith.constant 0 : index
    %swap3A_52 = arith.constant 0 : index
    %swap3A_53 = vector.load %arg3[%swap3A_50, %swap3A_51, %swap3A_52] : memref<4x512x512xf32, #tpu.memory_space<vmem>>, vector<1x512x512xf32>
    %swap3A_54 = vector.shape_cast %swap3A_53 : vector<1x512x512xf32> to vector<512x512xf32>
    %swap3A_55 = vector.shape_cast %mul3A_49 : vector<512x512xf32> to vector<1x512x512xf32>
    tpu.vector_store %arg3[%swap3A_50, %swap3A_51, %swap3A_52], %swap3A_55 {strides = array<i32>} : memref<4x512x512xf32, #tpu.memory_space<vmem>>, vector<1x512x512xf32>,
    %mul3A_56 = arith.mulf %sub3A, %sub3A_18 : vector<512x512xf32>
    %swap3A_57 = arith.constant 3 : index
    %swap3A_58 = arith.constant 0 : index
    %swap3A_59 = arith.constant 0 : index
    %swap3A_60 = vector.load %arg3[%swap3A_57, %swap3A_58, %swap3A_59] : memref<4x512x512xf32, #tpu.memory_space<vmem>>, vector<1x512x512xf32>
    %swap3A_61 = vector.shape_cast %swap3A_60 : vector<1x512x512xf32> to vector<512x512xf32>
    %swap3A_62 = vector.shape_cast %mul3A_56 : vector<512x512xf32> to vector<1x512x512xf32>
    tpu.vector_store %arg3[%swap3A_57, %swap3A_58, %swap3A_59], %swap3A_62 {strides = array<i32>} : memref<4x512x512xf32, #tpu.memory_space<vmem>>, vector<1x512x512xf32>,
    return
  }
}

</mosaic_0001>

<sc_bundles>
// kernel: kernel.4.cloned.1.call-start
scs
__scs_entry_jumppad:
0x0: {  	(pc) =	sbr.rel $0x88, $3  }
0x1: {  	(tag) =	ssettag $0x0;
	lr =	simm.s32 $0x1  }
0x2: {  	[smem:$0x3F9F] =	sst lr;
	_ =	strace $0xD0000000  }
0x3: {  	_ = 	snop  }
0x4: {  	_ = 	snop  }
0x5: {  	_ = 	snop  }
0x6: {  	_ = 	snop  }
0x7: {  	_ = 	snop  }
__scs_overlays_trampoline_lowered:
0x8: {  	[smem:$0x3FAE] =	sst s0  }
0x9: {  	[smem:$0x3FAF] =	sst s1  }
0xa: {  	[smem:$0x3FB0] =	sst s2  }
0xb: {  	[smem:$0x3FB1] =	sst s3  }
0xc: {  	[smem:$0x3FB2] =	sst s4  }
0xd: {  	[smem:$0x3FB3] =	sst s5  }
0xe: {  	[smem:$0x3FB4] =	sst s6  }
0xf: {  	[smem:$0x3FB5] =	sst s7  }
0x10: {  	[smem:$0x3FB6] =	sst s8  }
0x11: {  	[smem:$0x3FB7] =	sst s9;
	s0 =	simm.s32 @!p0 $0x0  }
0x12: {  	s1 =	sld [smem:$0x3F9D];
	s0 =	simm.s32 @p0 $0x1  }
0x13: {  	[smem:$0x3FB8] =	sst s0;
	s0 =	simm.s32 @!p1 $0x0  }
0x14: {  	s2 =	sld [smem:$0x3F9C];
	s0 =	simm.s32 @p1 $0x1  }
0x15: {  	[smem:$0x3FB9] =	sst s0;
	s0 =	simm.s32 @!p2 $0x0  }
0x16: {  	s3 =	sld [smem:$0x3FDB];
	s0 =	simm.s32 @p2 $0x1  }
0x17: {  	s4 =	simm.s32 $0x1BF5;
	[smem:$0x3FBB] =	sst s0  }
0x18: {  	s0 =	sld [smem:$0x3F9E];
	_ =	swait.ge [sflag:s4], $0x0  }
0x19: {  	s7 =	sld [smem:$0x3F9F]  }
0x1a: {  	s8 =	sadd.s32 $0xFFFFE003, lr  }
0x1b: {  	s9 =	sadd.s32 $0xFFFFFEF7, lr;
	s5 =	simm.s32 $0xFFFFFFFF;
	p2 =	slt.u32 s8, $0xFFFFF086  }
0x1c: {  	p1 =	slt.u32 s9, $0xF7A;
	s5 =	simm.s32 @!p2 $0x0  }
0x1d: {  	s5 =	simm.s32 @p1 $0x1;
	p0 =	seq.s32 s7, s2  }
0x1e: {  	s7 =	smul.u32 @!p0 $0xF7A, s2;
	p2 =	seq.s32 @!p0 s5, $0x0  }
0x1f: {  	s9 =	smul.u32 $0xF7A, s1;
	s8 =	simm.s32 @!p0 $0x1BF5;
	p2 =	por !p2, p0  }
0x20: {  	[sflag:s8] =	ssyncset.s32 @!p0 $0xFFFFF086;
	s6 =	sadd.s32 @!p0 s3, s7;
	s7 =	simm.s32 @!p0 $0x108  }
0x21: {  	s3 =	sadd.s32 s3, s9;
	s6 =	sadd.s32 @!p0 $0x88, s6;
	s7 =	simm.s32 @p2 $0x1082  }
0x22: {  	[simem:s7], [sflag:s8] =	dma.local @!p0 [hbm:s6], $0xF7A  }
0x23: {  	s9 =	sor.u32 $0xD0000000, s2;
	s6 =	simm.s32 $0x108;
	_ =	swait.ge @!p0 [sflag:s8], $0x0  }
0x24: {  	s3 =	sadd.s32 $0x88, s3;
	s6 =	simm.s32 @!p1 $0x1082;
	[sflag:s4] =	ssyncset.s32 $0xFFFFF086  }
0x25: {  	[simem:s6], [sflag:s4] =	dma.local [hbm:s3], $0xF7A  }
0x26: {  	[smem:$0x3F9F] =	sst s1;
	(tag) =	ssettag s2;
	_ =	strace s9  }
0x27: {  	s1 =	sld [smem:$0x3FAF]  }
0x28: {  	s2 =	sld [smem:$0x3FB0]  }
0x29: {  	s4 =	sld [smem:$0x3FB2]  }
0x2a: {  	p0 =	seq.s32 s5, $0x0;
	s5 =	sld [smem:$0x3FB3]  }
0x2b: {  	s6 =	sld [smem:$0x3FB4]  }
0x2c: {  	s7 =	sld [smem:$0x3FB5]  }
0x2d: {  	s3 =	simm.s32 $0x108;
	s8 =	sld [smem:$0x3FB6]  }
0x2e: {  	s3 =	simm.s32 @!p0 $0x1082;
	s9 =	sld [smem:$0x3FB7]  }
0x2f: {  	lr =	sadd.s32 s0, s3;
	s0 =	sld [smem:$0x3FAE]  }
0x30: {  	s3 =	sld [smem:$0x3FB1]  }
0x31: {  	[smem:$0x3FBA] =	sst s10  }
0x32: {  	s10 =	sld [smem:$0x3FB8];
	_ =	sdelay $0x3  }
0x33: {  	p0 =	seq.s32 s10, $0x1;
	s10 =	sld [smem:$0x3FBA];
	_ =	sdelay $0x3  }
0x34: {  	[smem:$0x3FBA] =	sst s10  }
0x35: {  	s10 =	sld [smem:$0x3FB9];
	_ =	sdelay $0x3  }
0x36: {  	p1 =	seq.s32 s10, $0x1;
	s10 =	sld [smem:$0x3FBA];
	_ =	sdelay $0x3  }
0x37: {  	[smem:$0x3FBA] =	sst s10  }
0x38: {  	s10 =	sld [smem:$0x3FBB]  }
0x39: {  	_ = 	snop;
	(pc) =	sbr.ind lr, $3  }
0x3a: {  	_ = 	snop  }
0x3b: {  	_ = 	snop  }
0x3c: {  	p2 =	seq.s32 s10, $0x1;
	s10 =	sld [smem:$0x3FBA]  }
0x3d: {  	_ =	shalt  }
0x3e: {  	_ =	shalt  }
0x3f: {  	_ =	shalt  }
0x40: {  	_ =	shalt  }
0x41: {  	_ =	shalt  }
0x42: {  	_ =	shalt  }
0x43: {  	_ =	shalt  }
0x44: {  	_ =	shalt  }
0x45: {  	_ =	shalt  }
0x46: {  	_ =	shalt  }
0x47: {  	_ =	shalt  }
0x48: {  	_ =	shalt  }
0x49: {  	_ =	shalt  }
0x4a: {  	_ =	shalt  }
0x4b: {  	_ =	shalt  }
0x4c: {  	_ =	shalt  }
0x4d: {  	_ =	shalt  }
0x4e: {  	_ =	shalt  }
0x4f: {  	_ =	shalt  }
0x50: {  	_ =	shalt  }
0x51: {  	_ =	shalt  }
0x52: {  	_ =	shalt  }
0x53: {  	_ =	shalt  }
0x54: {  	_ =	shalt  }
0x55: {  	_ =	shalt  }
0x56: {  	_ =	shalt  }
0x57: {  	_ =	shalt  }
0x58: {  	_ =	shalt  }
0x59: {  	_ =	shalt  }
0x5a: {  	_ =	shalt  }
0x5b: {  	_ =	shalt  }
0x5c: {  	_ =	shalt  }
0x5d: {  	_ =	shalt  }
0x5e: {  	_ =	shalt  }
0x5f: {  	_ =	shalt  }
0x60: {  	_ =	shalt  }
0x61: {  	_ =	shalt  }
0x62: {  	_ =	shalt  }
0x63: {  	_ =	shalt  }
0x64: {  	_ =	shalt  }
0x65: {  	_ =	shalt  }
0x66: {  	_ =	shalt  }
0x67: {  	_ =	shalt  }
0x68: {  	_ =	shalt  }
0x69: {  	_ =	shalt  }
0x6a: {  	_ =	shalt  }
0x6b: {  	_ =	shalt  }
0x6c: {  	_ =	shalt  }
0x6d: {  	_ =	shalt  }
0x6e: {  	_ =	shalt  }
0x6f: {  	_ =	shalt  }
0x70: {  	_ =	shalt  }
0x71: {  	_ =	shalt  }
0x72: {  	_ =	shalt  }
0x73: {  	_ =	shalt  }
0x74: {  	_ =	shalt  }
0x75: {  	_ =	shalt  }
0x76: {  	_ =	shalt  }
0x77: {  	_ =	shalt  }
0x78: {  	_ =	shalt  }
0x79: {  	_ =	shalt  }
0x7a: {  	_ =	shalt  }
0x7b: {  	_ =	shalt  }
0x7c: {  	_ =	shalt  }
0x7d: {  	_ =	shalt  }
0x7e: {  	_ =	shalt  }
0x7f: {  	_ =	shalt  }
0x80: {  	_ =	shalt  }
0x81: {  	_ =	shalt  }
0x82: {  	_ =	shalt  }
0x83: {  	_ =	shalt  }
0x84: {  	_ =	shalt  }
0x85: {  	_ =	shalt  }
0x86: {  	_ =	shalt  }
0x87: {  	_ =	shalt  }
.Lfunc_end0:
.L_simem_size_0:
called_computation.1_lowered:
.L_overlay_start_0:
0x88: {  	s2 =	sld [smem:$0x3FD9]  }
0x89: {  	s3 =	sld [smem:$0x3FFE];
	_ =	sdelay $0x1  }
0x8a: {  	s1 =	srdreg.scid  }
0x8b: {  	s0 =	sand.u32 $0x1, s1  }
0x8c: {  	s17 =	sshll.u32 s0, $0xA;
	s2 =	sadd.s32 s3, s2  }
0x8d: {  	s2 =	sadd.s32 s2, s17  }
0x8e: {  	[smem:$0x3FC6] =	sst s2  }
0x8f: {  	_ = 	snop  }
0x90: {  	s2 =	sld [smem:$0x3FD0];
	(tm) =	ssettm $0x1  }
0x91: {  	s18 =	sld [smem:$0x3FFB];
	_ =	sdelay $0x3  }
0x92: {  	_ =	strace s18  }
0x93: {  	s3 =	sld [smem:$0x3FFC];
	_ =	sdelay $0x3  }
0x94: {  	_ =	strace s3  }
0x95: {  	s3 =	sld [smem:$0x3FFD];
	_ =	sdelay $0x3  }
0x96: {  	_ =	strace s3  }
0x97: {  	_ =	strace $0x8FFFFFFF  }
0x98: {  	s19 =	sld [smem:$0x3FDB];
	_ =	sdelay $0x1  }
0x99: {  	s4 =	simm.s32 $_scs_section_size  }
0x9a: {  	s5 =	simm.s32 $_size__tile_overlayer_lowered;
	s6 =	simm.s32 $_tile_overlayer_lowered  }
0x9b: {  	s22 =	simm.s32 $0x1BFF;
	s21 =	sshll.u32 s6, $0x1;
	s3 =	sadd.s32 s4, s19  }
0x9c: {  	s7 =	simm.s32 $0x0;
	s20 =	sshll.u32 s5, $0x1;
	s5 =	sadd.s32 s21, s3  }
0x9d: {  	[timem:s7], [sflag:s22] =	dma.local [hbm:s5], s20  }
0x9e: {  	_ =	swait.ge [sflag:s22], s20  }
0x9f: {  	s4 =	ssub.s32 $0x0, s20;
	[sflag:s22] =	ssyncset.done $0x0  }
0xa0: {  	[sflag:s22] =	ssyncadd.s32 s4;
	_ =	sdelay $0x1  }
0xa1: {  	s23 =	simm.s32 $0x1B8B  }
0xa2: {  	_ =	swait.ge [sflag:s23], $0x1  }
0xa3: {  	[sflag:s23] =	ssyncset.done $0x0  }
0xa4: {  	s25 =	simm.s32 $0x1B8E;
	s24 =	sld [smem:$0x3FFE];
	[sflag:s23] =	ssyncadd.s32 $0xFFFFFFFF  }
0xa5: {  	s26 =	simm.s32 $execute0_lowered;
	[smem:$0x3FD2] =	sst s25  }
0xa6: {  	s5 =	sshll.u32 s26, $0x1;
	_ =	strace $0x80000049;
	[dreg:$0x1] =	wrdreg $0xFFFFFFFF  }
0xa7: {  	s28 =	simm.s32 $_size_execute0_lowered;
	s3 =	sadd.s32 s3, s5;
	[dreg:$0x0] =	wrdreg $0x0  }
0xa8: {  	s5 =	sshll.u32 s28, $0x1;
	[dreg:$0x2] =	wrdreg s3  }
0xa9: {  	[dreg:$0x3] =	wrdreg s5  }
0xaa: {  	[dreg:$0x4] =	wrdreg $0xC0  }
0xab: {  	_ =	task [dreg:s7], $0x5FFFF  }
0xac: {  	[dreg:$0x1] =	wrdreg $0xFFFFFFFF  }
0xad: {  	[dreg:$0x0] =	wrdreg $0x60  }
0xae: {  	[dreg:$0x2] =	wrdreg s2  }
0xaf: {  	[dreg:$0x3] =	wrdreg s24  }
0xb0: {  	[dreg:$0x4] =	wrdreg $0x0  }
0xb1: {  	[dreg:$0x5] =	wrdreg $0x9  }
0xb2: {  	_ =	task.clear_ibuf [dreg:s7], $0x6FFFF;
	_ =	strace $0x90000049  }
0xb3: {  	s29 =	simm.s32 $0x9;
	_ =	strace $0x8000004B  }
0xb4: {  	_ =	swait.ge [sflag:s29], $0x1  }
0xb5: {  	[sflag:s29] =	ssyncadd.s32 $0xFFFFFFFF  }
0xb6: {  	_ =	strace $0x9000004B  }
0xb7: {  	_ =	sfence  }
0xb8: {  	s30 =	sld [smem:$0x0];
	_ =	sdelay $0x2  }
0xb9: {  	s31 =	sshll.u32 s1, $0xD;
	s1 =	sshrl.u32 s1, $0x2  }
0xba: {  	s3 =	sand.u32 $0x4000, s31;
	s1 =	sadd.s32 s1, s30  }
0xbb: {  	s0 =	sor.u32 s3, s0;
	s1 =	sshll.u32 s1, $0x11  }
0xbc: {  	s0 =	sor.u32 s1, s0  }
0xbd: {  	s0 =	sadd.s32 $0x8F2B, s0  }
0xbe: {  	[sflag:s0] =	ssyncadd.remote.s32 $0x1  }
0xbf: {  	_ =	sfence.sel $0xFFFF  }
0xc0: {  	[dreg:$0x0] =	wrdreg $0xFFFFFFFF;
	(pc) =	sbr.abs _section_cstart, $3  }
0xc1: {  	[dreg:$0x1] =	wrdreg $0xFFFFFFFF  }
0xc2: {  	_ =	task.clear_ibuf [dreg:s7], $0x2FFFF;
	_ =	strace $0x9FFFFFFF  }
0xc3: {  	(tm) =	ssettm $0x7FFFFFFF  }
tec
execute0_lowered:
.L_overlay_start_1:
0x0: {  	(tag) =	ssettag $0x1  }
0x1: {  	s7 =	rddreg [dreg:$0x0]  }
0x2: {  	s0 =	rddreg [dreg:$0x1]  }
0x3: {  	s2 =	rddreg [dreg:$0x2];
	s3 =	simm.s32 $0x0  }
0x4: {  	[smem:$0x7FF] =	sst s3;
	s4 =	sadd.s32 $0x1000, s0  }
0x5: {  	s5 =	sadd.s32 $0x9000, s0;
	_ =	strace $0x8000004A;
	[dreg:$0x4] =	wrdreg s4  }
0x6: {  	s14 =	sadd.s32 $0x11000, s0;
	[dreg:$0x5] =	wrdreg s5  }
0x7: {  	s15 =	sadd.s32 $0x19000, s0;
	[dreg:$0x10] =	wrdreg s14  }
0x8: {  	s8 =	stileid.u32;
	s11 =	sadd.s32 $0x29000, s0;
	[dreg:$0x11] =	wrdreg s15  }
0x9: {  	s6 =	sshll.u32 s8, $0x10;
	s19 =	sshll.u32 s8, $0xD;
	[dreg:$0x6] =	wrdreg s11  }
0xa: {  	s18 =	sadd.s32 s6, s2;
	[dreg:$0x8] =	wrdreg s19  }
0xb: {  	s30 =	sadd.s32 $0x800, s18;
	[dreg:$0x7] =	wrdreg s18  }
0xc: {  	s31 =	sadd.s32 $0x1000, s18;
	[dreg:$0x9] =	wrdreg s30  }
0xd: {  	s6 =	sadd.s32 $0x1800, s18;
	[dreg:$0xa] =	wrdreg s31  }
0xe: {  	s9 =	sshll.u32 s8, $0xE;
	s8 =	sadd.s32 $0x2000, s18;
	[dreg:$0xb] =	wrdreg s6  }
0xf: {  	s1 =	srdreg.scid;
	s10 =	sadd.s32 $0x2800, s18;
	[dreg:$0xc] =	wrdreg s8  }
0x10: {  	s1 =	sand.u32 $0x1, s1;
	s12 =	sadd.s32 $0x3000, s18;
	[dreg:$0xd] =	wrdreg s10  }
0x11: {  	s17 =	smul.u32 $0x1800000, s1;
	s13 =	sadd.s32 $0x3800, s18;
	[dreg:$0xe] =	wrdreg s12  }
0x12: {  	[dreg:$0xf] =	wrdreg s13  }
0x13: {  	s24 =	sadd.s32 $0x4000, s18;
	[dreg:$0x13] =	wrdreg s17  }
0x14: {  	s25 =	sadd.s32 $0x4800, s18;
	[dreg:$0x14] =	wrdreg s24  }
0x15: {  	s26 =	ssub.s32 $0x2, s1;
	s1 =	sadd.s32 $0x7000, s18;
	[dreg:$0x15] =	wrdreg s25  }
0x16: {  	s5 =	sadd.s32 $0x8000, s18;
	[dreg:$0x1a] =	wrdreg s1  }
0x17: {  	s14 =	sadd.s32 $0xB000, s18;
	[dreg:$0x1c] =	wrdreg s5  }
0x18: {  	s29 =	sshrl.u32 s26, $0x1;
	s15 =	sadd.s32 $0xB800, s18;
	[smem:$0x7F4] =	sst s14  }
0x19: {  	s4 =	ssub.s32 s26, s29;
	s26 =	sadd.s32 $0x5000, s18;
	[smem:$0x7F5] =	sst s15  }
0x1a: {  	s29 =	sadd.s32 $0x5800, s18;
	[dreg:$0x16] =	wrdreg s26  }
0x1b: {  	s30 =	sadd.s32 $0x6000, s18;
	[dreg:$0x17] =	wrdreg s29  }
0x1c: {  	s31 =	sadd.s32 $0x6800, s18;
	[dreg:$0x18] =	wrdreg s30  }
0x1d: {  	s28 =	simm.s32 $0x80;
	s6 =	sadd.s32 $0x8800, s18;
	[dreg:$0x19] =	wrdreg s31  }
0x1e: {  	s20 =	sadd.s32 $0x21000, s0;
	s8 =	sadd.s32 $0x9000, s18;
	[dreg:$0x1d] =	wrdreg s6  }
0x1f: {  	s21 =	sadd.s32 $0x31000, s0;
	s10 =	sadd.s32 $0x9800, s18;
	[dreg:$0x1e] =	wrdreg s8  }
0x20: {  	s22 =	sadd.s32 $0x39000, s0;
	s12 =	sadd.s32 $0xA000, s18;
	[dreg:$0x1f] =	wrdreg s10  }
0x21: {  	s23 =	sadd.s32 $0x41000, s0;
	s13 =	sadd.s32 $0xA800, s18;
	[smem:$0x7F2] =	sst s12  }
0x22: {  	s17 =	sadd.s32 $0xC800, s18;
	s24 =	sadd.s32 $0xD000, s18;
	[smem:$0x7F3] =	sst s13  }
0x23: {  	s25 =	sadd.s32 $0xD800, s18;
	s14 =	sadd.s32 $0x10000, s7;
	[smem:$0x7F7] =	sst s17  }
0x24: {  	s15 =	sadd.s32 $0x18000, s7;
	s1 =	simm.s32 $0x2;
	[smem:$0x7F8] =	sst s24  }
0x25: {  	s5 =	simm.s32 $0x0;
	s16 =	smax.u32 s4, $0x1;
	[smem:$0x7F9] =	sst s25  }
0x26: {  	s4 =	sadd.s32 $0x7800, s18;
	s26 =	sadd.s32 $0xE000, s18;
	[dreg:$0x12] =	wrdreg s16  }
0x27: {  	s29 =	sadd.s32 $0xE800, s18;
	s30 =	sadd.s32 $0xF000, s18;
	[dreg:$0x1b] =	wrdreg s4  }
0x28: {  	s31 =	sadd.s32 $0xF800, s18;
	s13 =	sadd.s32 $0x8000, s7;
	[smem:$0x7FA] =	sst s26  }
0x29: {  	v0 =	vlaneseq.u32;
	s17 =	simm.s32 $0x5;
	s24 =	simm.s32 $0x13400;
	[smem:$0x7FB] =	sst s29  }
0x2a: {  	v4 =	vimm.f32 $0.0e+00;
	v1 =	vmul.u32 $0x8, v0;
	s12 =	simm.s32 $0x1;
	s25 =	simm.s32 $0x4;
	[smem:$0x7FC] =	sst s30  }
0x2b: {  	v2 =	vshrl.u32 v0, $0x3;
	v3 =	vand.u32 $0x7, v0;
	v5 =	vand.u32 $0x3, v0;
	s16 =	sadd.s32 $0xC000, s18;
	[smem:$0x7FD] =	sst s31;
	s26 =	simm.s32 $0x17400  }
0x2c: {  	v2 =	vmul.u32 $0x8, v2;
	v5 =	vor.u32 $0x4, v5;
	v6 =	vor.u32 $0x2000, v1;
	s4 =	simm.s32 $0x3;
	[smem:$0x7F6] =	sst s16;
	s16 =	simm.s32 $0x1C400  }
.LBB2_1:
0x2d: {  	v7 =	vmov s3  }
0x2e: {  	v7 =	vshll.u32 v7, $0x3  }
0x2f: {  	v7 =	vor.u32 v2, v7  }
0x30: {  	[smem:$0x7F1] =	sst s5;
	s0 =	simm.s32 $0x2;
	v7 =	vor.u32 v3, v7  }
.LBB2_2:
0x31: {  	p0 =	sne.s32 s0, $0xFE  }
.Ltmp0:
0x32: {  	_ = 	snop;
	(pc) =	sbr.rel @p0 .LBB2_2-.Ltmp0, $4  }
0x33: {  	v8 =	vmov s0  }
0x34: {  	v8 =	vshll.u32 v8, $0x3  }
0x35: {  	v8 =	vor.u32 v2, v8  }
0x36: {  	s0 =	sadd.s32 $0x2, s0;
	[tilespmem:v7+s16+$0x0] =	vst.idx.msk $0xffff, v4;
	v7 =	vor.u32 v3, v8  }
0x37: {  	_ =	sdelay $0x3  }
0x38: {  	[tilespmem:v7+s16+$0x0] =	vst.idx.msk $0xffff, v4  }
0x39: {  	[spmem:s18] =	stream.linear.scatter [tilespmem:s16], [sflag:$0x5], $0x800, $0x38;
	[tilespmem:$0x1CC00] =	vst v63  }
0x3a: {  	_ =	swait.ge [sflag:s17], $0x800  }
0x3b: {  	[sflag:s17] =	ssyncset.done $0x0  }
0x3c: {  	s0 =	rddreg [dreg:$0x9];
	[sflag:s17] =	ssyncadd.s32 $0xFFFFF800  }
0x3d: {  	[spmem:s0] =	stream.linear.scatter [tilespmem:s16], [sflag:$0x5], $0x800, $0x38;
	[tilespmem:$0x1CC00] =	vst v63  }
0x3e: {  	_ =	swait.ge [sflag:s17], $0x800  }
0x3f: {  	[sflag:s17] =	ssyncset.done $0x0  }
0x40: {  	s8 =	rddreg [dreg:$0xa];
	[sflag:s17] =	ssyncadd.s32 $0xFFFFF800  }
0x41: {  	[spmem:s8] =	stream.linear.scatter [tilespmem:s16], [sflag:$0x5], $0x800, $0x38;
	[tilespmem:$0x1CC00] =	vst v63  }
0x42: {  	_ =	swait.ge [sflag:s17], $0x800  }
0x43: {  	[sflag:s17] =	ssyncset.done $0x0  }
0x44: {  	s10 =	rddreg [dreg:$0xb];
	[sflag:s17] =	ssyncadd.s32 $0xFFFFF800  }
0x45: {  	[spmem:s10] =	stream.linear.scatter [tilespmem:s16], [sflag:$0x5], $0x800, $0x38;
	[tilespmem:$0x1CC00] =	vst v63  }
0x46: {  	_ =	swait.ge [sflag:s17], $0x800  }
0x47: {  	[sflag:s17] =	ssyncset.done $0x0  }
0x48: {  	s11 =	rddreg [dreg:$0xc];
	[sflag:s17] =	ssyncadd.s32 $0xFFFFF800  }
0x49: {  	[spmem:s11] =	stream.linear.scatter [tilespmem:s16], [sflag:$0x5], $0x800, $0x38;
	[tilespmem:$0x1CC00] =	vst v63  }
0x4a: {  	_ =	swait.ge [sflag:s17], $0x800  }
0x4b: {  	[sflag:s17] =	ssyncset.done $0x0  }
0x4c: {  	s18 =	rddreg [dreg:$0xd];
	[sflag:s17] =	ssyncadd.s32 $0xFFFFF800  }
0x4d: {  	[spmem:s18] =	stream.linear.scatter [tilespmem:s16], [sflag:$0x5], $0x800, $0x38;
	[tilespmem:$0x1CC00] =	vst v63  }
0x4e: {  	_ =	swait.ge [sflag:s17], $0x800  }
0x4f: {  	[sflag:s17] =	ssyncset.done $0x0  }
0x50: {  	s19 =	rddreg [dreg:$0xe];
	[sflag:s17] =	ssyncadd.s32 $0xFFFFF800  }
0x51: {  	[spmem:s19] =	stream.linear.scatter [tilespmem:s16], [sflag:$0x5], $0x800, $0x38;
	[tilespmem:$0x1CC00] =	vst v63  }
0x52: {  	_ =	swait.ge [sflag:s17], $0x800  }
0x53: {  	[sflag:s17] =	ssyncset.done $0x0  }
0x54: {  	s29 =	rddreg [dreg:$0xf];
	[sflag:s17] =	ssyncadd.s32 $0xFFFFF800  }
0x55: {  	[spmem:s29] =	stream.linear.scatter [tilespmem:s16], [sflag:$0x5], $0x800, $0x38;
	[tilespmem:$0x1CC00] =	vst v63  }
0x56: {  	_ =	swait.ge [sflag:s17], $0x800  }
0x57: {  	[sflag:s17] =	ssyncset.done $0x0  }
0x58: {  	s30 =	rddreg [dreg:$0x14];
	[sflag:s17] =	ssyncadd.s32 $0xFFFFF800  }
0x59: {  	[spmem:s30] =	stream.linear.scatter [tilespmem:s16], [sflag:$0x5], $0x800, $0x38;
	[tilespmem:$0x1CC00] =	vst v63  }
0x5a: {  	_ =	swait.ge [sflag:s17], $0x800  }
0x5b: {  	[sflag:s17] =	ssyncset.done $0x0  }
0x5c: {  	s31 =	rddreg [dreg:$0x15];
	[sflag:s17] =	ssyncadd.s32 $0xFFFFF800  }
0x5d: {  	[spmem:s31] =	stream.linear.scatter [tilespmem:s16], [sflag:$0x5], $0x800, $0x38;
	[tilespmem:$0x1CC00] =	vst v63  }
0x5e: {  	_ =	swait.ge [sflag:s17], $0x800  }
0x5f: {  	[sflag:s17] =	ssyncset.done $0x0  }
0x60: {  	s5 =	rddreg [dreg:$0x16];
	[sflag:s17] =	ssyncadd.s32 $0xFFFFF800  }
0x61: {  	[spmem:s5] =	stream.linear.scatter [tilespmem:s16], [sflag:$0x5], $0x800, $0x38;
	[tilespmem:$0x1CC00] =	vst v63  }
0x62: {  	_ =	swait.ge [sflag:s17], $0x800  }
0x63: {  	[sflag:s17] =	ssyncset.done $0x0  }
0x64: {  	s6 =	rddreg [dreg:$0x17];
	[sflag:s17] =	ssyncadd.s32 $0xFFFFF800  }
0x65: {  	[spmem:s6] =	stream.linear.scatter [tilespmem:s16], [sflag:$0x5], $0x800, $0x38;
	[tilespmem:$0x1CC00] =	vst v63  }
0x66: {  	_ =	swait.ge [sflag:s17], $0x800  }
0x67: {  	[sflag:s17] =	ssyncset.done $0x0  }
0x68: {  	s7 =	rddreg [dreg:$0x18];
	[sflag:s17] =	ssyncadd.s32 $0xFFFFF800  }
0x69: {  	[spmem:s7] =	stream.linear.scatter [tilespmem:s16], [sflag:$0x5], $0x800, $0x38;
	[tilespmem:$0x1CC00] =	vst v63  }
0x6a: {  	_ =	swait.ge [sflag:s17], $0x800  }
0x6b: {  	[sflag:s17] =	ssyncset.done $0x0  }
0x6c: {  	s8 =	rddreg [dreg:$0x19];
	[sflag:s17] =	ssyncadd.s32 $0xFFFFF800  }
0x6d: {  	[spmem:s8] =	stream.linear.scatter [tilespmem:s16], [sflag:$0x5], $0x800, $0x38;
	[tilespmem:$0x1CC00] =	vst v63  }
0x6e: {  	_ =	swait.ge [sflag:s17], $0x800  }
0x6f: {  	[sflag:s17] =	ssyncset.done $0x0  }
0x70: {  	s10 =	rddreg [dreg:$0x1a];
	[sflag:s17] =	ssyncadd.s32 $0xFFFFF800  }
0x71: {  	[spmem:s10] =	stream.linear.scatter [tilespmem:s16], [sflag:$0x5], $0x800, $0x38;
	[tilespmem:$0x1CC00] =	vst v63  }
0x72: {  	_ =	swait.ge [sflag:s17], $0x800  }
0x73: {  	[sflag:s17] =	ssyncset.done $0x0  }
0x74: {  	s11 =	rddreg [dreg:$0x1b];
	[sflag:s17] =	ssyncadd.s32 $0xFFFFF800  }
0x75: {  	[spmem:s11] =	stream.linear.scatter [tilespmem:s16], [sflag:$0x5], $0x800, $0x38;
	[tilespmem:$0x1CC00] =	vst v63  }
0x76: {  	_ =	swait.ge [sflag:s17], $0x800  }
0x77: {  	[sflag:s17] =	ssyncset.done $0x0  }
0x78: {  	s18 =	rddreg [dreg:$0x1c];
	[sflag:s17] =	ssyncadd.s32 $0xFFFFF800  }
0x79: {  	[spmem:s18] =	stream.linear.scatter [tilespmem:s16], [sflag:$0x5], $0x800, $0x38;
	[tilespmem:$0x1CC00] =	vst v63  }
0x7a: {  	_ =	swait.ge [sflag:s17], $0x800  }
0x7b: {  	[sflag:s17] =	ssyncset.done $0x0  }
0x7c: {  	s19 =	rddreg [dreg:$0x1d];
	[sflag:s17] =	ssyncadd.s32 $0xFFFFF800  }
0x7d: {  	[spmem:s19] =	stream.linear.scatter [tilespmem:s16], [sflag:$0x5], $0x800, $0x38;
	[tilespmem:$0x1CC00] =	vst v63  }
0x7e: {  	_ =	swait.ge [sflag:s17], $0x800  }
0x7f: {  	[sflag:s17] =	ssyncset.done $0x0  }
0x80: {  	s29 =	rddreg [dreg:$0x1e];
	[sflag:s17] =	ssyncadd.s32 $0xFFFFF800  }
0x81: {  	[spmem:s29] =	stream.linear.scatter [tilespmem:s16], [sflag:$0x5], $0x800, $0x38;
	[tilespmem:$0x1CC00] =	vst v63  }
0x82: {  	_ =	swait.ge [sflag:s17], $0x800  }
0x83: {  	[sflag:s17] =	ssyncset.done $0x0  }
0x84: {  	s30 =	rddreg [dreg:$0x1f];
	[sflag:s17] =	ssyncadd.s32 $0xFFFFF800  }
0x85: {  	[spmem:s30] =	stream.linear.scatter [tilespmem:s16], [sflag:$0x5], $0x800, $0x38;
	[tilespmem:$0x1CC00] =	vst v63  }
0x86: {  	_ =	swait.ge [sflag:s17], $0x800  }
0x87: {  	s31 =	sld [smem:$0x7F2]  }
0x88: {  	[sflag:s17] =	ssyncset.done $0x0  }
0x89: {  	[sflag:s17] =	ssyncadd.s32 $0xFFFFF800  }
0x8a: {  	[spmem:s31] =	stream.linear.scatter [tilespmem:s16], [sflag:$0x5], $0x800, $0x38;
	[tilespmem:$0x1CC00] =	vst v63  }
0x8b: {  	_ =	swait.ge [sflag:s17], $0x800  }
0x8c: {  	s5 =	sld [smem:$0x7F3]  }
0x8d: {  	[sflag:s17] =	ssyncset.done $0x0  }
0x8e: {  	[sflag:s17] =	ssyncadd.s32 $0xFFFFF800  }
0x8f: {  	[spmem:s5] =	stream.linear.scatter [tilespmem:s16], [sflag:$0x5], $0x800, $0x38;
	[tilespmem:$0x1CC00] =	vst v63  }
0x90: {  	_ =	swait.ge [sflag:s17], $0x800  }
0x91: {  	s6 =	sld [smem:$0x7F4]  }
0x92: {  	[sflag:s17] =	ssyncset.done $0x0  }
0x93: {  	[sflag:s17] =	ssyncadd.s32 $0xFFFFF800  }
0x94: {  	[spmem:s6] =	stream.linear.scatter [tilespmem:s16], [sflag:$0x5], $0x800, $0x38;
	[tilespmem:$0x1CC00] =	vst v63  }
0x95: {  	_ =	swait.ge [sflag:s17], $0x800  }
0x96: {  	s7 =	sld [smem:$0x7F5]  }
0x97: {  	[sflag:s17] =	ssyncset.done $0x0  }
0x98: {  	[sflag:s17] =	ssyncadd.s32 $0xFFFFF800  }
0x99: {  	[spmem:s7] =	stream.linear.scatter [tilespmem:s16], [sflag:$0x5], $0x800, $0x38;
	[tilespmem:$0x1CC00] =	vst v63  }
0x9a: {  	_ =	swait.ge [sflag:s17], $0x800  }
0x9b: {  	s8 =	sld [smem:$0x7F6]  }
0x9c: {  	[sflag:s17] =	ssyncset.done $0x0  }
0x9d: {  	[sflag:s17] =	ssyncadd.s32 $0xFFFFF800  }
0x9e: {  	[spmem:s8] =	stream.linear.scatter [tilespmem:s16], [sflag:$0x5], $0x800, $0x38;
	[tilespmem:$0x1CC00] =	vst v63  }
0x9f: {  	_ =	swait.ge [sflag:s17], $0x800  }
0xa0: {  	s10 =	sld [smem:$0x7F7]  }
0xa1: {  	[sflag:s17] =	ssyncset.done $0x0  }
0xa2: {  	[sflag:s17] =	ssyncadd.s32 $0xFFFFF800  }
0xa3: {  	[spmem:s10] =	stream.linear.scatter [tilespmem:s16], [sflag:$0x5], $0x800, $0x38;
	[tilespmem:$0x1CC00] =	vst v63  }
0xa4: {  	_ =	swait.ge [sflag:s17], $0x800  }
0xa5: {  	s11 =	sld [smem:$0x7F8]  }
0xa6: {  	[sflag:s17] =	ssyncset.done $0x0  }
0xa7: {  	[sflag:s17] =	ssyncadd.s32 $0xFFFFF800  }
0xa8: {  	[spmem:s11] =	stream.linear.scatter [tilespmem:s16], [sflag:$0x5], $0x800, $0x38;
	[tilespmem:$0x1CC00] =	vst v63  }
0xa9: {  	_ =	swait.ge [sflag:s17], $0x800  }
0xaa: {  	s18 =	sld [smem:$0x7F9]  }
0xab: {  	[sflag:s17] =	ssyncset.done $0x0  }
0xac: {  	[sflag:s17] =	ssyncadd.s32 $0xFFFFF800  }
0xad: {  	[spmem:s18] =	stream.linear.scatter [tilespmem:s16], [sflag:$0x5], $0x800, $0x38;
	[tilespmem:$0x1CC00] =	vst v63  }
0xae: {  	_ =	swait.ge [sflag:s17], $0x800  }
0xaf: {  	s19 =	sld [smem:$0x7FA]  }
0xb0: {  	[sflag:s17] =	ssyncset.done $0x0  }
0xb1: {  	[sflag:s17] =	ssyncadd.s32 $0xFFFFF800  }
0xb2: {  	[spmem:s19] =	stream.linear.scatter [tilespmem:s16], [sflag:$0x5], $0x800, $0x38;
	[tilespmem:$0x1CC00] =	vst v63  }
0xb3: {  	_ =	swait.ge [sflag:s17], $0x800  }
0xb4: {  	s29 =	sld [smem:$0x7FB]  }
0xb5: {  	[sflag:s17] =	ssyncset.done $0x0  }
0xb6: {  	[sflag:s17] =	ssyncadd.s32 $0xFFFFF800  }
0xb7: {  	[spmem:s29] =	stream.linear.scatter [tilespmem:s16], [sflag:$0x5], $0x800, $0x38;
	[tilespmem:$0x1CC00] =	vst v63  }
0xb8: {  	_ =	swait.ge [sflag:s17], $0x800  }
0xb9: {  	s30 =	sld [smem:$0x7FC]  }
0xba: {  	[sflag:s17] =	ssyncset.done $0x0  }
0xbb: {  	[sflag:s17] =	ssyncadd.s32 $0xFFFFF800  }
0xbc: {  	[spmem:s30] =	stream.linear.scatter [tilespmem:s16], [sflag:$0x5], $0x800, $0x38;
	[tilespmem:$0x1CC00] =	vst v63  }
0xbd: {  	_ =	swait.ge [sflag:s17], $0x800  }
0xbe: {  	s5 =	sld [smem:$0x7FD]  }
0xbf: {  	[sflag:s17] =	ssyncset.done $0x0  }
0xc0: {  	s31 =	simm.s32 $0x400;
	[sflag:s17] =	ssyncadd.s32 $0xFFFFF800  }
0xc1: {  	v7 =	vmov s31;
	[spmem:s5] =	stream.linear.scatter [tilespmem:s16], [sflag:$0x5], $0x800, $0x38;
	[tilespmem:$0x1CC00] =	vst v63  }
0xc2: {  	v7 =	vshll.u32 v7, $0x3;
	_ =	swait.ge [sflag:s17], $0x800  }
0xc3: {  	v7 =	vor.u32 v2, v7;
	[sflag:s17] =	ssyncset.done $0x0  }
0xc4: {  	s0 =	simm.s32 $0x402;
	v7 =	vor.u32 v5, v7;
	[sflag:s17] =	ssyncadd.s32 $0xFFFFF800  }
.LBB2_4:
0xc5: {  	p0 =	sne.s32 s0, $0x7FE  }
.Ltmp1:
0xc6: {  	_ = 	snop;
	(pc) =	sbr.rel @p0 .LBB2_4-.Ltmp1, $4  }
0xc7: {  	v8 =	vmov s0  }
0xc8: {  	v8 =	vshll.u32 v8, $0x3  }
0xc9: {  	[tilespmem:v7+s24+$0x0] =	vst.idx.msk $0xffff, v4;
	v8 =	vor.u32 v2, v8  }
0xca: {  	s0 =	sadd.s32 $0x2, s0;
	[tilespmem:v7+s26+$0x0] =	vst.idx.msk $0xffff, v4;
	v7 =	vor.u32 v5, v8  }
0xcb: {  	_ =	sdelay $0x3  }
0xcc: {  	[tilespmem:v7+s24+$0x0] =	vst.idx.msk $0xffff, v4  }
0xcd: {  	[tilespmem:v7+s26+$0x0] =	vst.idx.msk $0xffff, v4  }
0xce: {  	s0 =	simm.s32 $0x0;
	[bflag:$0x0] =	sbarrier.arrive $0xFFFF  }
.LBB2_6:
0xcf: {  	s31 =	sshll.u32 s0, $0x14;
	s5 =	rddreg [dreg:$0x13]  }
0xd0: {  	[smem:$0x7F0] =	sst s0;
	s8 =	simm.s32 $0x0;
	s11 =	sadd.s32 s5, s31  }
.LBB2_7:
0xd1: {  	s0 =	sshll.u32 s8, $0xA  }
0xd2: {  	s0 =	sadd.s32 s9, s0  }
0xd3: {  	s5 =	sadd.s32 s11, s0  }
0xd4: {  	s6 =	rddreg [dreg:$0x0];
	s5 =	sshrl.u32 s5, $0x3  }
0xd5: {  	s7 =	simm.s32 $0x10000;
	s6 =	sadd.s32 s6, s5  }
0xd6: {  	[tilespmem:s7], [sflag:$0x2] =	stream.linear.gather [hbm4b:s6+s3], $0x400, $0x38;
	[tilespmem:$0x1CC00] =	vst v63  }
0xd7: {  	s10 =	simm.s32 $0x10400;
	s7 =	sadd.s32 s5, s13  }
0xd8: {  	[tilespmem:s10], [sflag:$0x2] =	stream.linear.gather [hbm4b:s7+s3], $0x400, $0x38;
	[tilespmem:$0x1CC00] =	vst v63  }
0xd9: {  	s19 =	simm.s32 $0x10800;
	s29 =	simm.s32 $0x10C00;
	s18 =	sadd.s32 s5, s14  }
0xda: {  	[tilespmem:s19], [sflag:$0x2] =	stream.linear.gather [hbm4b:s18+s3], $0x400, $0x38;
	[tilespmem:$0x1CC00] =	vst v63  }
0xdb: {  	s30 =	rddreg [dreg:$0x5];
	s0 =	sshrl.u32 s0, $0x3;
	s5 =	sadd.s32 s5, s15  }
0xdc: {  	[tilespmem:s29], [sflag:$0x2] =	stream.linear.gather [hbm4b:s5+s3], $0x400, $0x38;
	[tilespmem:$0x1CC00] =	vst v63  }
0xdd: {  	s31 =	simm.s32 $0x11000;
	s6 =	rddreg [dreg:$0x10];
	s5 =	sadd.s32 s30, s0  }
0xde: {  	[tilespmem:s31], [sflag:$0x2] =	stream.linear.gather [hbm4b:s5+s3], $0x400, $0x38;
	[tilespmem:$0x1CC00] =	vst v63  }
0xdf: {  	s7 =	simm.s32 $0x11400;
	s10 =	rddreg [dreg:$0x11];
	s5 =	sadd.s32 s0, s6  }
0xe0: {  	[tilespmem:s7], [sflag:$0x2] =	stream.linear.gather [hbm4b:s5+s3], $0x400, $0x38;
	[tilespmem:$0x1CC00] =	vst v63  }
0xe1: {  	s18 =	simm.s32 $0x11800;
	s5 =	sadd.s32 s0, s10  }
0xe2: {  	[tilespmem:s18], [sflag:$0x2] =	stream.linear.gather [hbm4b:s5+s3], $0x400, $0x38;
	[tilespmem:$0x1CC00] =	vst v63  }
0xe3: {  	s19 =	sadd.s32 s0, s20;
	s29 =	simm.s32 $0x11C00;
	s30 =	rddreg [dreg:$0x4]  }
0xe4: {  	[tilespmem:s29], [sflag:$0x2] =	stream.linear.gather [hbm4b:s19+s3], $0x400, $0x38;
	[tilespmem:$0x1CC00] =	vst v63  }
0xe5: {  	s31 =	simm.s32 $0x12000;
	s0 =	sadd.s32 s30, s0  }
0xe6: {  	[tilespmem:s31], [sflag:$0x5] =	stream.linear.gather [hbm4b:s0+s3], $0x400, $0x38;
	[tilespmem:$0x1CC00] =	vst v63  }
0xe7: {  	_ =	swait.ge [sflag:s17], $0x400  }
0xe8: {  	p0 =	seq.s32 s8, $0x0;
	[sflag:s17] =	ssyncset.done $0x0  }
0xe9: {  	s0 =	simm.s32 @!p0 $0x1;
	[sflag:s17] =	ssyncadd.s32 $0xFFFFFC00  }
0xea: {  	_ =	swait.ge @!p0 [sflag:s0], $0x400  }
0xeb: {  	[sflag:s0] =	ssyncset.done @!p0 $0x0  }
0xec: {  	[sflag:s0] =	ssyncadd.s32 @!p0 $0xFFFFFC00  }
0xed: {  	_ =	swait.ge @!p0 [sflag:s0], $0x400  }
0xee: {  	[sflag:s0] =	ssyncset.done @!p0 $0x0  }
0xef: {  	[sflag:s0] =	ssyncadd.s32 @!p0 $0xFFFFFC00  }
0xf0: {  	_ =	swait.ge @!p0 [sflag:s0], $0x400  }
0xf1: {  	[sflag:s0] =	ssyncset.done @!p0 $0x0  }
0xf2: {  	[sflag:s0] =	ssyncadd.s32 @!p0 $0xFFFFFC00  }
0xf3: {  	_ =	swait.ge @!p0 [sflag:s0], $0x400  }
0xf4: {  	[sflag:s0] =	ssyncset.done @!p0 $0x0  }
0xf5: {  	[sflag:s0] =	ssyncadd.s32 @!p0 $0xFFFFFC00  }
0xf6: {  	_ =	swait.ge @!p0 [sflag:s0], $0x400  }
0xf7: {  	[sflag:s0] =	ssyncset.done @!p0 $0x0  }
0xf8: {  	[sflag:s0] =	ssyncadd.s32 @!p0 $0xFFFFFC00  }
0xf9: {  	_ =	swait.ge @!p0 [sflag:s0], $0x400  }
0xfa: {  	[sflag:s0] =	ssyncset.done @!p0 $0x0  }
0xfb: {  	[sflag:s0] =	ssyncadd.s32 @!p0 $0xFFFFFC00  }
0xfc: {  	_ =	swait.ge @!p0 [sflag:s0], $0x400  }
0xfd: {  	[sflag:s0] =	ssyncset.done @!p0 $0x0  }
0xfe: {  	[sflag:s0] =	ssyncadd.s32 @!p0 $0xFFFFFC00  }
0xff: {  	_ =	swait.ge @!p0 [sflag:s0], $0x400  }
0x100: {  	[sflag:s0] =	ssyncset.done @!p0 $0x0  }
0x101: {  	[sflag:s0] =	ssyncadd.s32 @!p0 $0xFFFFFC00  }
0x102: {  	_ =	swait.ge @!p0 [sflag:s0], $0x400  }
0x103: {  	[sflag:s0] =	ssyncset.done @!p0 $0x0  }
0x104: {  	[sflag:s0] =	ssyncadd.s32 @!p0 $0xFFFFFC00  }
0x105: {  	_ =	swait.ge @!p0 [sflag:s0], $0x400  }
0x106: {  	[sflag:s0] =	ssyncset.done @!p0 $0x0  }
0x107: {  	[sflag:s0] =	ssyncadd.s32 @!p0 $0xFFFFFC00  }
0x108: {  	_ =	swait.ge @!p0 [sflag:s0], $0x400  }
0x109: {  	[sflag:s0] =	ssyncset.done @!p0 $0x0  }
0x10a: {  	[sflag:s0] =	ssyncadd.s32 @!p0 $0xFFFFFC00  }
0x10b: {  	_ =	swait.ge @!p0 [sflag:s0], $0x400  }
0x10c: {  	[sflag:s0] =	ssyncset.done @!p0 $0x0  }
0x10d: {  	[sflag:s0] =	ssyncadd.s32 @!p0 $0xFFFFFC00  }
0x10e: {  	_ =	swait.ge @!p0 [sflag:s0], $0x400  }
0x10f: {  	[sflag:s0] =	ssyncset.done @!p0 $0x0  }
0x110: {  	[sflag:s0] =	ssyncadd.s32 @!p0 $0xFFFFFC00  }
0x111: {  	_ =	swait.ge @!p0 [sflag:s0], $0x400  }
0x112: {  	[sflag:s0] =	ssyncset.done @!p0 $0x0  }
0x113: {  	[sflag:s0] =	ssyncadd.s32 @!p0 $0xFFFFFC00  }
0x114: {  	_ =	swait.ge @!p0 [sflag:s0], $0x400  }
0x115: {  	[sflag:s0] =	ssyncset.done @!p0 $0x0  }
0x116: {  	[sflag:s0] =	ssyncadd.s32 @!p0 $0xFFFFFC00  }
0x117: {  	_ =	swait.ge @!p0 [sflag:s0], $0x400  }
0x118: {  	[sflag:s0] =	ssyncset.done @!p0 $0x0  }
0x119: {  	[sflag:s0] =	ssyncadd.s32 @!p0 $0xFFFFFC00;
	s0 =	simm.s32 $0x0  }
0x11a: {  	v7 =	vld [tilespmem:s0+$0x12070]  }
0x11b: {  	v8 =	vld [tilespmem:s0+$0x12000];
	_ =	sdelay $0x1  }
0x11c: {  	v9 =	vld [tilespmem:s0+$0x12010]  }
0x11d: {  	v10 =	vld [tilespmem:s0+$0x12020]  }
0x11e: {  	v11 =	vld [tilespmem:s0+$0x12030];
	v13 =	vshra.s32 v7, $0x1  }
0x11f: {  	v12 =	vld [tilespmem:s0+$0x12040];
	v7 =	vadd.s32 $0x1, v7;
	v63 =	vshra.s32 v8, $0x1;
	[tilespmem:s0+$0x12470] =	vst v13  }
0x120: {  	v14 =	vld [tilespmem:s0+$0x12050];
	v13 =	vadd.s32 $0x1, v8;
	v7 =	vshra.s32 v7, $0x1;
	[tilespmem:s0+$0x12400] =	vst v63  }
0x121: {  	v15 =	vld [tilespmem:s0+$0x12060];
	v16 =	vadd.s32 $0x1, v9;
	v13 =	vshra.s32 v13, $0x1;
	[tilespmem:s0+$0x12870] =	vst v7  }
0x122: {  	v7 =	vshra.s32 v16, $0x1;
	[tilespmem:s0+$0x12800] =	vst v13;
	v13 =	vadd.s32 $0x1, v10  }
0x123: {  	[tilespmem:s0+$0x12810] =	vst v7;
	v7 =	vshra.s32 v13, $0x1;
	v13 =	vadd.s32 $0x1, v11  }
0x124: {  	[tilespmem:s0+$0x12820] =	vst v7;
	v7 =	vshra.s32 v13, $0x1;
	v13 =	vadd.s32 $0x1, v12  }
0x125: {  	[tilespmem:s0+$0x12830] =	vst v7;
	v7 =	vshra.s32 v13, $0x1;
	v13 =	vadd.s32 $0x1, v14  }
0x126: {  	v8 =	vshra.s32 v10, $0x1;
	[tilespmem:s0+$0x12840] =	vst v7;
	v7 =	vshra.s32 v13, $0x1;
	v13 =	vadd.s32 $0x1, v15  }
0x127: {  	v10 =	vshra.s32 v12, $0x1;
	v12 =	vshra.s32 v14, $0x1;
	[tilespmem:s0+$0x12850] =	vst v7;
	v13 =	vshra.s32 v13, $0x1  }
0x128: {  	s6 =	simm.s32 $0x400;
	s5 =	simm.s32 $0x80;
	v7 =	vshra.s32 v9, $0x1;
	v9 =	vshra.s32 v11, $0x1;
	v11 =	vshra.s32 v15, $0x1;
	[tilespmem:s0+$0x12860] =	vst v13  }
.LBB2_8:
0x129: {  	p1 =	sne.s32 s6, $0xE00;
	v13 =	vld [tilespmem:s5+$0x12070];
	[tilespmem:s0+$0x12410] =	vst v7  }
0x12a: {  	v7 =	vld [tilespmem:s5+$0x12000];
	[tilespmem:s0+$0x12420] =	vst v8  }
0x12b: {  	v8 =	vld [tilespmem:s5+$0x12010];
	[tilespmem:s0+$0x12430] =	vst v9  }
0x12c: {  	v9 =	vld [tilespmem:s5+$0x12020];
	[tilespmem:s0+$0x12440] =	vst v10  }
0x12d: {  	v10 =	vld [tilespmem:s5+$0x12030];
	[tilespmem:s0+$0x12450] =	vst v12  }
0x12e: {  	v12 =	vld [tilespmem:s5+$0x12040];
	v14 =	vshra.s32 v13, $0x1;
	v13 =	vadd.s32 $0x1, v13;
	[tilespmem:s0+$0x12460] =	vst v11;
	s0 =	smov.u32 s5  }
0x12f: {  	v15 =	vshra.s32 v7, $0x1;
	v7 =	vadd.s32 $0x1, v7;
	v11 =	vld [tilespmem:s0+$0x12050];
	[tilespmem:s0+$0x12470] =	vst v14;
	v13 =	vshra.s32 v13, $0x1  }
0x130: {  	v14 =	vshra.s32 v7, $0x1;
	v7 =	vshra.s32 v8, $0x1;
	v8 =	vadd.s32 $0x1, v8;
	v16 =	vld [tilespmem:s0+$0x12060];
	[tilespmem:s0+$0x12870] =	vst v13  }
0x131: {  	[tilespmem:s0+$0x12800] =	vst v14;
	v13 =	vshra.s32 v8, $0x1;
	v8 =	vshra.s32 v9, $0x1;
	v9 =	vadd.s32 $0x1, v9  }
0x132: {  	[tilespmem:s0+$0x12810] =	vst v13;
	v13 =	vshra.s32 v9, $0x1;
	v9 =	vshra.s32 v10, $0x1;
	v10 =	vadd.s32 $0x1, v10  }
0x133: {  	[tilespmem:s0+$0x12820] =	vst v13;
	v13 =	vshra.s32 v10, $0x1;
	v10 =	vshra.s32 v12, $0x1;
	v12 =	vadd.s32 $0x1, v12  }
.Ltmp2:
0x134: {  	[tilespmem:s0+$0x12830] =	vst v13;
	v13 =	vshra.s32 v12, $0x1;
	v12 =	vshra.s32 v11, $0x1;
	v11 =	vadd.s32 $0x1, v11;
	(pc) =	sbr.rel @p1 .LBB2_8-.Ltmp2, $4  }
0x135: {  	[tilespmem:s0+$0x12840] =	vst v13;
	v13 =	vshra.s32 v11, $0x1;
	v11 =	vshra.s32 v16, $0x1;
	v14 =	vadd.s32 $0x1, v16  }
0x136: {  	[tilespmem:s0+$0x12850] =	vst v13;
	v13 =	vshra.s32 v14, $0x1  }
0x137: {  	[tilespmem:s0+$0x12860] =	vst v13  }
0x138: {  	s5 =	sshra.s32 s6, $0x2;
	s6 =	sadd.s32 $0x200, s6;
	[tilespmem:s0+$0x12400] =	vst v15  }
0x139: {  	v13 =	vld [tilespmem:s5+$0x12070];
	[tilespmem:s0+$0x12410] =	vst v7  }
0x13a: {  	v7 =	vld [tilespmem:s5+$0x12000];
	[tilespmem:s0+$0x12420] =	vst v8  }
0x13b: {  	v8 =	vld [tilespmem:s5+$0x12010];
	[tilespmem:s0+$0x12430] =	vst v9  }
0x13c: {  	v9 =	vld [tilespmem:s5+$0x12020];
	[tilespmem:s0+$0x12440] =	vst v10  }
0x13d: {  	v10 =	vld [tilespmem:s5+$0x12030];
	[tilespmem:s0+$0x12450] =	vst v12  }
0x13e: {  	v12 =	vld [tilespmem:s5+$0x12040];
	[tilespmem:s0+$0x12460] =	vst v11;
	v30 =	vshra.s32 v13, $0x1;
	v13 =	vadd.s32 $0x1, v13  }
0x13f: {  	[tilespmem:s5+$0x12470] =	vst v30;
	v13 =	vshra.s32 v13, $0x1  }
0x140: {  	v31 =	vadd.s32 $0x1, v7;
	v7 =	vshra.s32 v7, $0x1;
	[tilespmem:s5+$0x12870] =	vst v13  }
0x141: {  	v11 =	vshra.s32 v31, $0x1;
	[tilespmem:s5+$0x12400] =	vst v7  }
0x142: {  	v16 =	vadd.s32 $0x1, v8;
	v8 =	vshra.s32 v8, $0x1;
	[tilespmem:s5+$0x12800] =	vst v11  }
0x143: {  	v32 =	vshra.s32 v16, $0x1;
	[tilespmem:s5+$0x12410] =	vst v8  }
0x144: {  	v33 =	vadd.s32 $0x1, v9;
	v7 =	vshra.s32 v9, $0x1;
	[tilespmem:s5+$0x12810] =	vst v32  }
0x145: {  	v14 =	vld [tilespmem:s5+$0x12050];
	v34 =	vshra.s32 v33, $0x1;
	[tilespmem:s5+$0x12420] =	vst v7  }
0x146: {  	v15 =	vld [tilespmem:s5+$0x12060];
	v35 =	vadd.s32 $0x1, v10;
	v8 =	vshra.s32 v10, $0x1;
	[tilespmem:s5+$0x12820] =	vst v34  }
0x147: {  	v36 =	vshra.s32 v35, $0x1;
	[tilespmem:s5+$0x12430] =	vst v8  }
0x148: {  	v37 =	vadd.s32 $0x1, v12;
	v7 =	vshra.s32 v12, $0x1;
	[tilespmem:s5+$0x12830] =	vst v36  }
0x149: {  	v38 =	vshra.s32 v37, $0x1;
	[tilespmem:s5+$0x12440] =	vst v7  }
0x14a: {  	v8 =	vshra.s32 v14, $0x1;
	[tilespmem:s5+$0x12840] =	vst v38  }
0x14b: {  	v39 =	vadd.s32 $0x1, v14;
	v7 =	vshra.s32 v15, $0x1;
	[tilespmem:s5+$0x12450] =	vst v8  }
0x14c: {  	v41 =	vadd.s32 $0x1, v15;
	v40 =	vshra.s32 v39, $0x1;
	[tilespmem:s5+$0x12460] =	vst v7  }
0x14d: {  	v42 =	vshra.s32 v41, $0x1;
	[tilespmem:s5+$0x12850] =	vst v40  }
0x14e: {  	[tilespmem:s5+$0x12860] =	vst v42  }
0x14f: {  	_ =	swait.ge [sflag:s1], $0x400  }
0x150: {  	[sflag:s1] =	ssyncset.done $0x0  }
0x151: {  	[sflag:s1] =	ssyncadd.s32 $0xFFFFFC00  }
0x152: {  	_ =	swait.ge [sflag:s1], $0x400  }
0x153: {  	[sflag:s1] =	ssyncset.done $0x0  }
0x154: {  	[sflag:s1] =	ssyncadd.s32 $0xFFFFFC00  }
0x155: {  	_ =	swait.ge [sflag:s1], $0x400  }
0x156: {  	[sflag:s1] =	ssyncset.done $0x0  }
0x157: {  	[sflag:s1] =	ssyncadd.s32 $0xFFFFFC00  }
0x158: {  	_ =	swait.ge [sflag:s1], $0x400  }
0x159: {  	[sflag:s1] =	ssyncset.done $0x0  }
0x15a: {  	[sflag:s1] =	ssyncadd.s32 $0xFFFFFC00  }
0x15b: {  	_ =	swait.ge [sflag:s1], $0x400  }
0x15c: {  	[sflag:s1] =	ssyncset.done $0x0  }
0x15d: {  	[sflag:s1] =	ssyncadd.s32 $0xFFFFFC00  }
0x15e: {  	_ =	swait.ge [sflag:s1], $0x400  }
0x15f: {  	[sflag:s1] =	ssyncset.done $0x0  }
0x160: {  	[sflag:s1] =	ssyncadd.s32 $0xFFFFFC00  }
0x161: {  	_ =	swait.ge [sflag:s1], $0x400  }
0x162: {  	[sflag:s1] =	ssyncset.done $0x0  }
0x163: {  	[sflag:s1] =	ssyncadd.s32 $0xFFFFFC00  }
0x164: {  	_ =	swait.ge [sflag:s1], $0x400  }
0x165: {  	[sflag:s1] =	ssyncset.done $0x0  }
0x166: {  	s30 =	simm.s32 $0x12010;
	[sflag:s1] =	ssyncadd.s32 $0xFFFFFC00  }
0x167: {  	s31 =	simm.s32 $0x11410;
	v7 =	vld [tilespmem:s30+$0xFFFFFFF0]  }
0x168: {  	s29 =	simm.s32 $0x10800;
	v8 =	vld [tilespmem:s31+$0xFFFFFBF0]  }
0x169: {  	s0 =	simm.s32 $0x0;
	v43 =	vld [tilespmem:s29+$0xFFFFF800]  }
0x16a: {  	v44 =	vmov s0;
	v45 =	vld [tilespmem:s31+$0xFFFFFFF0]  }
0x16b: {  	v10 =	vshll.u32 v44, $0x3  }
0x16c: {  	v46 =	vor.u32 v1, v10  }
0x16d: {  	v47 =	vor.u32 $0x4, v46  }
0x16e: {  	v10 =	vor.u32 v6, v10;
	v7 =	vand.u32 $0x1, v7;
	v48 =	vmul.f32 v43, v8  }
0x16f: {  	vm0 =	veq.s32 v7, $0x0;
	v7 =	vmul.f32 v43, v45  }
0x170: {  	v49 =	vnsel vm0, $0x0, v48  }
0x171: {  	[tilespmem:v46+s24+$0x0] =	vst.idx.msk $0xffff, v49;
	v50 =	vsel vm0, v7, v48  }
0x172: {  	v7 =	vsel vm0, $0x0, v7;
	[tilespmem:v47+s24+$0x0] =	vst.idx.msk $0xffff, v50  }
0x173: {  	[tilespmem:v10+s24+$0x0] =	vst.idx.msk $0xffff, v7  }
0x174: {  	v7 =	vld [tilespmem:s29+$0xFFFFFC00];
	_ =	sdelay $0x2  }
0x175: {  	v51 =	vor.u32 $0x1, v46  }
0x176: {  	v52 =	vor.u32 $0x5, v46  }
0x177: {  	v54 =	vor.u32 $0x1, v10;
	v53 =	vmul.f32 v7, v8  }
0x178: {  	v7 =	vmul.f32 v7, v45  }
0x179: {  	v55 =	vnsel vm0, $0x0, v53  }
0x17a: {  	v14 =	vsel vm0, v7, v53;
	[tilespmem:v51+s24+$0x0] =	vst.idx.msk $0xffff, v55  }
0x17b: {  	v7 =	vsel vm0, $0x0, v7;
	[tilespmem:v52+s24+$0x0] =	vst.idx.msk $0xffff, v14  }
0x17c: {  	[tilespmem:v54+s24+$0x0] =	vst.idx.msk $0xffff, v7  }
0x17d: {  	v7 =	vld [tilespmem:s29+$0x0];
	_ =	sdelay $0x2  }
0x17e: {  	v56 =	vor.u32 $0x2, v46  }
0x17f: {  	v57 =	vor.u32 $0x6, v46  }
0x180: {  	v59 =	vor.u32 $0x2, v10;
	v58 =	vmul.f32 v7, v8  }
0x181: {  	v7 =	vmul.f32 v7, v45  }
0x182: {  	v60 =	vnsel vm0, $0x0, v58  }
0x183: {  	v61 =	vsel vm0, v7, v58;
	[tilespmem:v56+s24+$0x0] =	vst.idx.msk $0xffff, v60  }
0x184: {  	v7 =	vsel vm0, $0x0, v7;
	[tilespmem:v57+s24+$0x0] =	vst.idx.msk $0xffff, v61  }
0x185: {  	[tilespmem:v59+s24+$0x0] =	vst.idx.msk $0xffff, v7  }
0x186: {  	v7 =	vld [tilespmem:s29+$0x400];
	_ =	sdelay $0x2  }
0x187: {  	v62 =	vor.u32 $0x3, v46  }
0x188: {  	v12 =	vor.u32 $0x7, v46  }
0x189: {  	v10 =	vor.u32 $0x3, v10;
	v8 =	vmul.f32 v7, v8  }
0x18a: {  	v7 =	vmul.f32 v7, v45  }
0x18b: {  	v63 =	vnsel vm0, $0x0, v8  }
0x18c: {  	v8 =	vsel vm0, v7, v8;
	[tilespmem:v62+s24+$0x0] =	vst.idx.msk $0xffff, v63  }
0x18d: {  	s6 =	simm.s32 $0x20;
	v7 =	vsel vm0, $0x0, v7;
	[tilespmem:v12+s24+$0x0] =	vst.idx.msk $0xffff, v8  }
0x18e: {  	s10 =	simm.s32 $0x10800;
	s7 =	simm.s32 $0x12010;
	s5 =	simm.s32 $0x11410;
	[tilespmem:v10+s24+$0x0] =	vst.idx.msk $0xffff, v7  }
.LBB2_10:
0x18f: {  	v7 =	vld [tilespmem:s29+$0xFFFFF810];
	s10 =	sadd.s32 $0x20, s10;
	s30 =	sadd.s32 $0x20, s30;
	s31 =	sadd.s32 $0x20, s31  }
0x190: {  	p1 =	sne.s32 s6, $0x3E0;
	s18 =	smov.u32 s6;
	s6 =	sadd.s32 $0x20, s6;
	v8 =	vld [tilespmem:s5+$0xFFFFFC00]  }
0x191: {  	s19 =	sadd.s32 $0x10, s0;
	s0 =	smov.u32 s18;
	v9 =	vld [tilespmem:s7+$0x0];
	s7 =	smov.u32 s30  }
0x192: {  	v10 =	vmov s19;
	v11 =	vld [tilespmem:s5+$0x0];
	s5 =	smov.u32 s31  }
0x193: {  	v10 =	vshll.u32 v10, $0x3  }
0x194: {  	v12 =	vor.u32 v1, v10  }
0x195: {  	v13 =	vor.u32 $0x4, v12  }
0x196: {  	v10 =	vor.u32 v6, v10;
	v14 =	vmul.f32 v7, v8;
	v9 =	vand.u32 $0x1, v9  }
0x197: {  	vm0 =	veq.s32 v9, $0x0;
	v7 =	vmul.f32 v7, v11  }
0x198: {  	v9 =	vnsel vm0, $0x0, v14  }
0x199: {  	[tilespmem:v12+s24+$0x0] =	vst.idx.msk $0xffff, v9;
	v9 =	vsel vm0, v7, v14  }
0x19a: {  	v7 =	vsel vm0, $0x0, v7;
	[tilespmem:v13+s24+$0x0] =	vst.idx.msk $0xffff, v9  }
0x19b: {  	[tilespmem:v10+s24+$0x0] =	vst.idx.msk $0xffff, v7  }
0x19c: {  	v7 =	vld [tilespmem:s29+$0xFFFFFC10];
	_ =	sdelay $0x2  }
0x19d: {  	v9 =	vor.u32 $0x1, v12  }
0x19e: {  	v13 =	vor.u32 $0x5, v12  }
0x19f: {  	v15 =	vor.u32 $0x1, v10;
	v14 =	vmul.f32 v7, v8;
	v7 =	vmul.f32 v7, v11;
	_ =	sdelay $0x1  }
0x1a0: {  	v16 =	vnsel vm0, $0x0, v14;
	v14 =	vsel vm0, v7, v14;
	v7 =	vsel vm0, $0x0, v7  }
0x1a1: {  	[tilespmem:v9+s24+$0x0] =	vst.idx.msk $0xffff, v16  }
0x1a2: {  	[tilespmem:v13+s24+$0x0] =	vst.idx.msk $0xffff, v14  }
0x1a3: {  	[tilespmem:v15+s24+$0x0] =	vst.idx.msk $0xffff, v7  }
0x1a4: {  	v7 =	vld [tilespmem:s29+$0x10];
	_ =	sdelay $0x2  }
0x1a5: {  	v9 =	vor.u32 $0x2, v12  }
0x1a6: {  	v13 =	vor.u32 $0x6, v12  }
0x1a7: {  	v15 =	vor.u32 $0x2, v10;
	v14 =	vmul.f32 v7, v8;
	v7 =	vmul.f32 v7, v11;
	_ =	sdelay $0x1  }
0x1a8: {  	v16 =	vnsel vm0, $0x0, v14;
	v14 =	vsel vm0, v7, v14;
	v7 =	vsel vm0, $0x0, v7  }
0x1a9: {  	[tilespmem:v9+s24+$0x0] =	vst.idx.msk $0xffff, v16  }
0x1aa: {  	[tilespmem:v13+s24+$0x0] =	vst.idx.msk $0xffff, v14  }
0x1ab: {  	[tilespmem:v15+s24+$0x0] =	vst.idx.msk $0xffff, v7  }
0x1ac: {  	v7 =	vld [tilespmem:s29+$0x410];
	s29 =	smov.u32 s10;
	_ =	sdelay $0x2  }
0x1ad: {  	v9 =	vor.u32 $0x3, v12  }
0x1ae: {  	v12 =	vor.u32 $0x7, v12  }
0x1af: {  	v10 =	vor.u32 $0x3, v10;
	v8 =	vmul.f32 v7, v8;
	v7 =	vmul.f32 v7, v11;
	_ =	sdelay $0x1  }
0x1b0: {  	v11 =	vnsel vm0, $0x0, v8;
	v8 =	vsel vm0, v7, v8;
	v7 =	vsel vm0, $0x0, v7  }
0x1b1: {  	[tilespmem:v9+s24+$0x0] =	vst.idx.msk $0xffff, v11  }
0x1b2: {  	[tilespmem:v12+s24+$0x0] =	vst.idx.msk $0xffff, v8  }
0x1b3: {  	[tilespmem:v10+s24+$0x0] =	vst.idx.msk $0xffff, v7  }
0x1b4: {  	v7 =	vld [tilespmem:s30+$0xFFFFFFF0]  }
0x1b5: {  	v8 =	vld [tilespmem:s31+$0xFFFFFBF0]  }
0x1b6: {  	v9 =	vld [tilespmem:s10+$0xFFFFF800]  }
0x1b7: {  	v10 =	vmov s0;
	v11 =	vld [tilespmem:s31+$0xFFFFFFF0]  }
0x1b8: {  	v10 =	vshll.u32 v10, $0x3  }
0x1b9: {  	v12 =	vor.u32 v1, v10;
	v7 =	vand.u32 $0x1, v7  }
0x1ba: {  	v13 =	vor.u32 $0x4, v12  }
0x1bb: {  	v10 =	vor.u32 v6, v10;
	v14 =	vmul.f32 v9, v8  }
0x1bc: {  	vm0 =	veq.s32 v7, $0x0;
	v7 =	vmul.f32 v9, v11  }
0x1bd: {  	v9 =	vnsel vm0, $0x0, v14  }
0x1be: {  	[tilespmem:v12+s24+$0x0] =	vst.idx.msk $0xffff, v9;
	v9 =	vsel vm0, v7, v14  }
0x1bf: {  	v7 =	vsel vm0, $0x0, v7;
	[tilespmem:v13+s24+$0x0] =	vst.idx.msk $0xffff, v9  }
0x1c0: {  	[tilespmem:v10+s24+$0x0] =	vst.idx.msk $0xffff, v7  }
0x1c1: {  	v7 =	vld [tilespmem:s10+$0xFFFFFC00];
	_ =	sdelay $0x2  }
0x1c2: {  	v9 =	vor.u32 $0x1, v12  }
0x1c3: {  	v13 =	vor.u32 $0x5, v12  }
0x1c4: {  	v15 =	vor.u32 $0x1, v10;
	v14 =	vmul.f32 v7, v8;
	v7 =	vmul.f32 v7, v11;
	_ =	sdelay $0x1  }
0x1c5: {  	v16 =	vnsel vm0, $0x0, v14;
	v14 =	vsel vm0, v7, v14;
	v7 =	vsel vm0, $0x0, v7  }
0x1c6: {  	[tilespmem:v9+s24+$0x0] =	vst.idx.msk $0xffff, v16  }
0x1c7: {  	[tilespmem:v13+s24+$0x0] =	vst.idx.msk $0xffff, v14  }
0x1c8: {  	[tilespmem:v15+s24+$0x0] =	vst.idx.msk $0xffff, v7  }
0x1c9: {  	v7 =	vld [tilespmem:s10+$0x0];
	_ =	sdelay $0x2  }
0x1ca: {  	v9 =	vor.u32 $0x2, v12  }
0x1cb: {  	v13 =	vor.u32 $0x6, v12  }
0x1cc: {  	v15 =	vor.u32 $0x2, v10;
	v14 =	vmul.f32 v7, v8  }
0x1cd: {  	v7 =	vmul.f32 v7, v11  }
0x1ce: {  	v16 =	vnsel vm0, $0x0, v14  }
0x1cf: {  	[tilespmem:v9+s24+$0x0] =	vst.idx.msk $0xffff, v16;
	v9 =	vsel vm0, v7, v14  }
0x1d0: {  	v7 =	vsel vm0, $0x0, v7;
	[tilespmem:v13+s24+$0x0] =	vst.idx.msk $0xffff, v9  }
0x1d1: {  	[tilespmem:v15+s24+$0x0] =	vst.idx.msk $0xffff, v7  }
0x1d2: {  	v7 =	vld [tilespmem:s10+$0x400];
	_ =	sdelay $0x2  }
0x1d3: {  	v9 =	vor.u32 $0x3, v12  }
0x1d4: {  	v12 =	vor.u32 $0x7, v12  }
0x1d5: {  	v10 =	vor.u32 $0x3, v10;
	v8 =	vmul.f32 v7, v8;
	v7 =	vmul.f32 v7, v11  }
.Ltmp3:
0x1d6: {  	(pc) =	sbr.rel @p1 .LBB2_10-.Ltmp3, $4  }
0x1d7: {  	v11 =	vnsel vm0, $0x0, v8;
	v8 =	vsel vm0, v7, v8;
	v7 =	vsel vm0, $0x0, v7  }
0x1d8: {  	[tilespmem:v9+s24+$0x0] =	vst.idx.msk $0xffff, v11  }
0x1d9: {  	[tilespmem:v12+s24+$0x0] =	vst.idx.msk $0xffff, v8  }
0x1da: {  	[tilespmem:v10+s24+$0x0] =	vst.idx.msk $0xffff, v7  }
0x1db: {  	v7 =	vld [tilespmem:s29+$0xFFFFF810]  }
0x1dc: {  	v8 =	vld [tilespmem:s5+$0xFFFFFC00]  }
0x1dd: {  	s0 =	sadd.s32 $0x10, s0;
	v9 =	vld [tilespmem:s7+$0x0]  }
0x1de: {  	v11 =	vld [tilespmem:s5+$0x0];
	v10 =	vmov s0  }
0x1df: {  	v10 =	vshll.u32 v10, $0x3  }
0x1e0: {  	v12 =	vor.u32 v1, v10  }
0x1e1: {  	v13 =	vor.u32 $0x4, v12  }
0x1e2: {  	v10 =	vor.u32 v6, v10;
	v9 =	vand.u32 $0x1, v9;
	v14 =	vmul.f32 v7, v8  }
0x1e3: {  	v7 =	vmul.f32 v7, v11;
	vm0 =	veq.s32 v9, $0x0  }
0x1e4: {  	v9 =	vnsel vm0, $0x0, v14  }
0x1e5: {  	[tilespmem:v12+s24+$0x0] =	vst.idx.msk $0xffff, v9;
	v9 =	vsel vm0, v7, v14  }
0x1e6: {  	v7 =	vsel vm0, $0x0, v7;
	[tilespmem:v13+s24+$0x0] =	vst.idx.msk $0xffff, v9  }
0x1e7: {  	[tilespmem:v10+s24+$0x0] =	vst.idx.msk $0xffff, v7  }
0x1e8: {  	v7 =	vld [tilespmem:s29+$0xFFFFFC10];
	_ =	sdelay $0x2  }
0x1e9: {  	v9 =	vor.u32 $0x1, v12  }
0x1ea: {  	v13 =	vor.u32 $0x5, v12  }
0x1eb: {  	v15 =	vor.u32 $0x1, v10;
	v14 =	vmul.f32 v7, v8  }
0x1ec: {  	v7 =	vmul.f32 v7, v11  }
0x1ed: {  	v16 =	vnsel vm0, $0x0, v14  }
0x1ee: {  	v14 =	vsel vm0, v7, v14;
	[tilespmem:v9+s24+$0x0] =	vst.idx.msk $0xffff, v16  }
0x1ef: {  	v7 =	vsel vm0, $0x0, v7;
	[tilespmem:v13+s24+$0x0] =	vst.idx.msk $0xffff, v14  }
0x1f0: {  	[tilespmem:v15+s24+$0x0] =	vst.idx.msk $0xffff, v7  }
0x1f1: {  	v7 =	vld [tilespmem:s29+$0x10];
	_ =	sdelay $0x2  }
0x1f2: {  	v9 =	vor.u32 $0x2, v12  }
0x1f3: {  	v13 =	vor.u32 $0x6, v12  }
0x1f4: {  	v15 =	vor.u32 $0x2, v10;
	v14 =	vmul.f32 v7, v8  }
0x1f5: {  	v7 =	vmul.f32 v7, v11  }
0x1f6: {  	v61 =	vnsel vm0, $0x0, v14  }
0x1f7: {  	v14 =	vsel vm0, v7, v14;
	[tilespmem:v9+s24+$0x0] =	vst.idx.msk $0xffff, v61  }
0x1f8: {  	v7 =	vsel vm0, $0x0, v7;
	[tilespmem:v13+s24+$0x0] =	vst.idx.msk $0xffff, v14  }
0x1f9: {  	[tilespmem:v15+s24+$0x0] =	vst.idx.msk $0xffff, v7  }
0x1fa: {  	v7 =	vld [tilespmem:s29+$0x410];
	_ =	sdelay $0x2  }
0x1fb: {  	v9 =	vor.u32 $0x3, v12  }
0x1fc: {  	v12 =	vor.u32 $0x7, v12  }
0x1fd: {  	v10 =	vor.u32 $0x3, v10;
	v8 =	vmul.f32 v7, v8  }
0x1fe: {  	v7 =	vmul.f32 v7, v11  }
0x1ff: {  	v11 =	vnsel vm0, $0x0, v8  }
0x200: {  	v8 =	vsel vm0, v7, v8;
	[tilespmem:v9+s24+$0x0] =	vst.idx.msk $0xffff, v11  }
0x201: {  	v7 =	vsel vm0, $0x0, v7;
	[tilespmem:v12+s24+$0x0] =	vst.idx.msk $0xffff, v8  }
0x202: {  	s6 =	simm.s32 $0x12400;
	[tilespmem:v10+s24+$0x0] =	vst.idx.msk $0xffff, v7  }
0x203: {  	[spmem:s2] =	stream.indirect.scatter.add.f32 [tilespmem:s24], [sflag:$0x1], $0x8, s6, s28, $0xb8;
	[tilespmem:$0x1CC00] =	vst v63  }
0x204: {  	s7 =	simm.s32 $0x12480;
	s10 =	simm.s32 $0x13800  }
0x205: {  	[spmem:s2] =	stream.indirect.scatter.add.f32 [tilespmem:s10], [sflag:$0x1], $0x8, s7, s28, $0xb8;
	[tilespmem:$0x1CC00] =	vst v63  }
0x206: {  	s18 =	simm.s32 $0x12500;
	s19 =	simm.s32 $0x13C00  }
0x207: {  	[spmem:s2] =	stream.indirect.scatter.add.f32 [tilespmem:s19], [sflag:$0x1], $0x8, s18, s28, $0xb8;
	[tilespmem:$0x1CC00] =	vst v63  }
0x208: {  	s30 =	simm.s32 $0x12580;
	s31 =	simm.s32 $0x14000  }
0x209: {  	[spmem:s2] =	stream.indirect.scatter.add.f32 [tilespmem:s31], [sflag:$0x1], $0x8, s30, s28, $0xb8;
	[tilespmem:$0x1CC00] =	vst v63  }
0x20a: {  	s5 =	simm.s32 $0x12600;
	s6 =	simm.s32 $0x14400  }
0x20b: {  	[spmem:s2] =	stream.indirect.scatter.add.f32 [tilespmem:s6], [sflag:$0x1], $0x8, s5, s28, $0xb8;
	[tilespmem:$0x1CC00] =	vst v63  }
0x20c: {  	s7 =	simm.s32 $0x12680;
	s10 =	simm.s32 $0x14800  }
0x20d: {  	[spmem:s2] =	stream.indirect.scatter.add.f32 [tilespmem:s10], [sflag:$0x1], $0x8, s7, s28, $0xb8;
	[tilespmem:$0x1CC00] =	vst v63  }
0x20e: {  	s18 =	simm.s32 $0x12700;
	s19 =	simm.s32 $0x14C00  }
0x20f: {  	[spmem:s2] =	stream.indirect.scatter.add.f32 [tilespmem:s19], [sflag:$0x1], $0x8, s18, s28, $0xb8;
	[tilespmem:$0x1CC00] =	vst v63  }
0x210: {  	s30 =	simm.s32 $0x12780;
	s31 =	simm.s32 $0x15000  }
0x211: {  	[spmem:s2] =	stream.indirect.scatter.add.f32 [tilespmem:s31], [sflag:$0x1], $0x8, s30, s28, $0xb8;
	[tilespmem:$0x1CC00] =	vst v63  }
0x212: {  	s5 =	simm.s32 $0x12800;
	s6 =	simm.s32 $0x15400  }
0x213: {  	[spmem:s2] =	stream.indirect.scatter.add.f32 [tilespmem:s6], [sflag:$0x1], $0x8, s5, s28, $0xb8;
	[tilespmem:$0x1CC00] =	vst v63  }
0x214: {  	s7 =	simm.s32 $0x12880;
	s10 =	simm.s32 $0x15800  }
0x215: {  	[spmem:s2] =	stream.indirect.scatter.add.f32 [tilespmem:s10], [sflag:$0x1], $0x8, s7, s28, $0xb8;
	[tilespmem:$0x1CC00] =	vst v63  }
0x216: {  	s18 =	simm.s32 $0x12900;
	s19 =	simm.s32 $0x15C00  }
0x217: {  	[spmem:s2] =	stream.indirect.scatter.add.f32 [tilespmem:s19], [sflag:$0x1], $0x8, s18, s28, $0xb8;
	[tilespmem:$0x1CC00] =	vst v63  }
0x218: {  	s30 =	simm.s32 $0x12980;
	s31 =	simm.s32 $0x16000  }
0x219: {  	[spmem:s2] =	stream.indirect.scatter.add.f32 [tilespmem:s31], [sflag:$0x1], $0x8, s30, s28, $0xb8;
	[tilespmem:$0x1CC00] =	vst v63  }
0x21a: {  	s5 =	simm.s32 $0x12A00;
	s6 =	simm.s32 $0x16400  }
0x21b: {  	[spmem:s2] =	stream.indirect.scatter.add.f32 [tilespmem:s6], [sflag:$0x1], $0x8, s5, s28, $0xb8;
	[tilespmem:$0x1CC00] =	vst v63  }
0x21c: {  	s7 =	simm.s32 $0x12A80;
	s10 =	simm.s32 $0x16800  }
0x21d: {  	[spmem:s2] =	stream.indirect.scatter.add.f32 [tilespmem:s10], [sflag:$0x1], $0x8, s7, s28, $0xb8;
	[tilespmem:$0x1CC00] =	vst v63  }
0x21e: {  	s18 =	simm.s32 $0x12B00;
	s19 =	simm.s32 $0x16C00  }
0x21f: {  	[spmem:s2] =	stream.indirect.scatter.add.f32 [tilespmem:s19], [sflag:$0x1], $0x8, s18, s28, $0xb8;
	[tilespmem:$0x1CC00] =	vst v63  }
0x220: {  	s0 =	simm.s32 @!p0 $0x1;
	s30 =	simm.s32 $0x12B80;
	s31 =	simm.s32 $0x17000  }
0x221: {  	[spmem:s2] =	stream.indirect.scatter.add.f32 [tilespmem:s31], [sflag:$0x1], $0x8, s30, s28, $0xb8;
	[tilespmem:$0x1CC00] =	vst v63  }
0x222: {  	_ =	swait.ge @!p0 [sflag:s0], $0x400  }
0x223: {  	[sflag:s0] =	ssyncset.done @!p0 $0x0  }
0x224: {  	[sflag:s0] =	ssyncadd.s32 @!p0 $0xFFFFFC00  }
0x225: {  	_ =	swait.ge @!p0 [sflag:s0], $0x400  }
0x226: {  	[sflag:s0] =	ssyncset.done @!p0 $0x0  }
0x227: {  	[sflag:s0] =	ssyncadd.s32 @!p0 $0xFFFFFC00  }
0x228: {  	_ =	swait.ge @!p0 [sflag:s0], $0x400  }
0x229: {  	[sflag:s0] =	ssyncset.done @!p0 $0x0  }
0x22a: {  	[sflag:s0] =	ssyncadd.s32 @!p0 $0xFFFFFC00  }
0x22b: {  	_ =	swait.ge @!p0 [sflag:s0], $0x400  }
0x22c: {  	[sflag:s0] =	ssyncset.done @!p0 $0x0  }
0x22d: {  	[sflag:s0] =	ssyncadd.s32 @!p0 $0xFFFFFC00  }
0x22e: {  	_ =	swait.ge @!p0 [sflag:s0], $0x400  }
0x22f: {  	[sflag:s0] =	ssyncset.done @!p0 $0x0  }
0x230: {  	[sflag:s0] =	ssyncadd.s32 @!p0 $0xFFFFFC00  }
0x231: {  	_ =	swait.ge @!p0 [sflag:s0], $0x400  }
0x232: {  	[sflag:s0] =	ssyncset.done @!p0 $0x0  }
0x233: {  	[sflag:s0] =	ssyncadd.s32 @!p0 $0xFFFFFC00  }
0x234: {  	_ =	swait.ge @!p0 [sflag:s0], $0x400  }
0x235: {  	[sflag:s0] =	ssyncset.done @!p0 $0x0  }
0x236: {  	[sflag:s0] =	ssyncadd.s32 @!p0 $0xFFFFFC00  }
0x237: {  	_ =	swait.ge @!p0 [sflag:s0], $0x400  }
0x238: {  	[sflag:s0] =	ssyncset.done @!p0 $0x0  }
0x239: {  	[sflag:s0] =	ssyncadd.s32 @!p0 $0xFFFFFC00  }
0x23a: {  	_ =	swait.ge @!p0 [sflag:s0], $0x400  }
0x23b: {  	[sflag:s0] =	ssyncset.done @!p0 $0x0  }
0x23c: {  	[sflag:s0] =	ssyncadd.s32 @!p0 $0xFFFFFC00  }
0x23d: {  	_ =	swait.ge @!p0 [sflag:s0], $0x400  }
0x23e: {  	[sflag:s0] =	ssyncset.done @!p0 $0x0  }
0x23f: {  	[sflag:s0] =	ssyncadd.s32 @!p0 $0xFFFFFC00  }
0x240: {  	_ =	swait.ge @!p0 [sflag:s0], $0x400  }
0x241: {  	[sflag:s0] =	ssyncset.done @!p0 $0x0  }
0x242: {  	[sflag:s0] =	ssyncadd.s32 @!p0 $0xFFFFFC00  }
0x243: {  	_ =	swait.ge @!p0 [sflag:s0], $0x400  }
0x244: {  	[sflag:s0] =	ssyncset.done @!p0 $0x0  }
0x245: {  	[sflag:s0] =	ssyncadd.s32 @!p0 $0xFFFFFC00  }
0x246: {  	_ =	swait.ge @!p0 [sflag:s0], $0x400  }
0x247: {  	[sflag:s0] =	ssyncset.done @!p0 $0x0  }
0x248: {  	[sflag:s0] =	ssyncadd.s32 @!p0 $0xFFFFFC00  }
0x249: {  	_ =	swait.ge @!p0 [sflag:s0], $0x400  }
0x24a: {  	[sflag:s0] =	ssyncset.done @!p0 $0x0  }
0x24b: {  	[sflag:s0] =	ssyncadd.s32 @!p0 $0xFFFFFC00  }
0x24c: {  	_ =	swait.ge @!p0 [sflag:s0], $0x400  }
0x24d: {  	[sflag:s0] =	ssyncset.done @!p0 $0x0  }
0x24e: {  	[sflag:s0] =	ssyncadd.s32 @!p0 $0xFFFFFC00  }
0x24f: {  	_ =	swait.ge @!p0 [sflag:s0], $0x400  }
0x250: {  	[sflag:s0] =	ssyncset.done @!p0 $0x0  }
0x251: {  	[sflag:s0] =	ssyncadd.s32 @!p0 $0xFFFFFC00;
	s0 =	simm.s32 $0x0  }
0x252: {  	v7 =	vld [tilespmem:s0+$0x12070]  }
0x253: {  	v8 =	vld [tilespmem:s0+$0x12000]  }
0x254: {  	v9 =	vld [tilespmem:s0+$0x12010]  }
0x255: {  	v12 =	vld [tilespmem:s0+$0x12040]  }
0x256: {  	v13 =	vld [tilespmem:s0+$0x12050]  }
0x257: {  	v11 =	vld [tilespmem:s0+$0x12030]  }
0x258: {  	v62 =	vld [tilespmem:s0+$0x12060];
	v14 =	vadd.s32 $0x200, v7;
	v7 =	vadd.s32 $0x201, v7  }
0x259: {  	v10 =	vld [tilespmem:s0+$0x12020];
	v15 =	vadd.s32 $0x200, v8;
	v8 =	vadd.s32 $0x201, v8;
	v7 =	vshra.s32 v7, $0x1  }
0x25a: {  	v17 =	vadd.s32 $0x200, v9;
	v9 =	vadd.s32 $0x201, v9;
	v15 =	vshra.s32 v15, $0x1;
	[tilespmem:s0+$0x13070] =	vst v7  }
0x25b: {  	v63 =	vadd.s32 $0x201, v12;
	v18 =	vadd.s32 $0x201, v13;
	[tilespmem:s0+$0x12C00] =	vst v15;
	v7 =	vshra.s32 v8, $0x1  }
0x25c: {  	v15 =	vadd.s32 $0x200, v11;
	v11 =	vadd.s32 $0x201, v11;
	[tilespmem:s0+$0x13000] =	vst v7;
	v7 =	vshra.s32 v17, $0x1  }
0x25d: {  	v19 =	vadd.s32 $0x200, v62;
	v16 =	vadd.s32 $0x201, v62;
	v11 =	vshra.s32 v11, $0x1;
	[tilespmem:s0+$0x12C10] =	vst v7  }
0x25e: {  	v8 =	vadd.s32 $0x200, v10;
	v10 =	vadd.s32 $0x201, v10;
	v7 =	vshra.s32 v9, $0x1;
	[tilespmem:s0+$0x13030] =	vst v11  }
0x25f: {  	v9 =	vadd.s32 $0x200, v12;
	v11 =	vshra.s32 v19, $0x1;
	[tilespmem:s0+$0x13010] =	vst v7;
	v7 =	vshra.s32 v8, $0x1  }
0x260: {  	v8 =	vadd.s32 $0x200, v13;
	v12 =	vshra.s32 v9, $0x1;
	[tilespmem:s0+$0x12C20] =	vst v7;
	v7 =	vshra.s32 v10, $0x1  }
0x261: {  	v13 =	vshra.s32 v63, $0x1;
	v9 =	vshra.s32 v16, $0x1;
	[tilespmem:s0+$0x13020] =	vst v7;
	v7 =	vshra.s32 v15, $0x1  }
0x262: {  	s29 =	simm.s32 $0x0;
	s5 =	simm.s32 $0x80;
	s6 =	simm.s32 $0x400;
	v10 =	vshra.s32 v8, $0x1;
	v8 =	vshra.s32 v18, $0x1;
	[tilespmem:s0+$0x12C30] =	vst v7;
	v7 =	vshra.s32 v14, $0x1  }
.LBB2_12:
0x263: {  	p0 =	sne.s32 s6, $0xE00;
	v14 =	vld [tilespmem:s5+$0x12070];
	[tilespmem:s0+$0x12C40] =	vst v12  }
0x264: {  	v12 =	vld [tilespmem:s5+$0x12000];
	[tilespmem:s0+$0x13040] =	vst v13  }
0x265: {  	v13 =	vld [tilespmem:s5+$0x12010];
	[tilespmem:s0+$0x12C50] =	vst v10  }
0x266: {  	v10 =	vld [tilespmem:s5+$0x12020];
	[tilespmem:s0+$0x13050] =	vst v8  }
0x267: {  	v8 =	vld [tilespmem:s5+$0x12030];
	[tilespmem:s0+$0x12C60] =	vst v11  }
0x268: {  	v11 =	vld [tilespmem:s5+$0x12040];
	v15 =	vadd.s32 $0x200, v14;
	v14 =	vadd.s32 $0x201, v14;
	[tilespmem:s0+$0x13060] =	vst v9  }
0x269: {  	v9 =	vadd.s32 $0x200, v12;
	v12 =	vadd.s32 $0x201, v12;
	v16 =	vld [tilespmem:s5+$0x12050];
	v14 =	vshra.s32 v14, $0x1;
	[tilespmem:s0+$0x12C70] =	vst v7;
	s0 =	smov.u32 s5  }
0x26a: {  	v7 =	vshra.s32 v9, $0x1;
	v9 =	vadd.s32 $0x200, v13;
	v13 =	vadd.s32 $0x201, v13;
	v17 =	vld [tilespmem:s0+$0x12060];
	[tilespmem:s0+$0x13070] =	vst v14  }
0x26b: {  	[tilespmem:s0+$0x12C00] =	vst v7;
	v7 =	vshra.s32 v12, $0x1;
	v12 =	vadd.s32 $0x200, v10;
	v10 =	vadd.s32 $0x201, v10  }
0x26c: {  	[tilespmem:s0+$0x13000] =	vst v7;
	v7 =	vshra.s32 v9, $0x1;
	v9 =	vadd.s32 $0x200, v8;
	v8 =	vadd.s32 $0x201, v8  }
0x26d: {  	[tilespmem:s0+$0x12C10] =	vst v7;
	v7 =	vshra.s32 v13, $0x1;
	v13 =	vadd.s32 $0x200, v11;
	v11 =	vadd.s32 $0x201, v11  }
.Ltmp4:
0x26e: {  	[tilespmem:s0+$0x13010] =	vst v7;
	v7 =	vshra.s32 v12, $0x1;
	v14 =	vadd.s32 $0x200, v16;
	v16 =	vadd.s32 $0x201, v16;
	(pc) =	sbr.rel @p0 .LBB2_12-.Ltmp4, $4  }
0x26f: {  	[tilespmem:s0+$0x12C20] =	vst v7;
	v7 =	vshra.s32 v10, $0x1;
	v18 =	vadd.s32 $0x200, v17;
	v17 =	vadd.s32 $0x201, v17  }
0x270: {  	v12 =	vshra.s32 v13, $0x1;
	[tilespmem:s0+$0x13020] =	vst v7;
	v7 =	vshra.s32 v9, $0x1;
	v9 =	vshra.s32 v8, $0x1  }
0x271: {  	v13 =	vshra.s32 v11, $0x1;
	v10 =	vshra.s32 v14, $0x1;
	v8 =	vshra.s32 v16, $0x1;
	[tilespmem:s0+$0x12C30] =	vst v7  }
0x272: {  	s5 =	sshra.s32 s6, $0x2;
	s6 =	sadd.s32 $0x200, s6;
	v11 =	vshra.s32 v18, $0x1;
	v7 =	vshra.s32 v15, $0x1;
	[tilespmem:s0+$0x13030] =	vst v9;
	v9 =	vshra.s32 v17, $0x1  }
0x273: {  	v14 =	vld [tilespmem:s5+$0x12070];
	[tilespmem:s0+$0x12C40] =	vst v12  }
0x274: {  	v12 =	vld [tilespmem:s5+$0x12000];
	[tilespmem:s0+$0x13040] =	vst v13  }
0x275: {  	v13 =	vld [tilespmem:s5+$0x12010];
	[tilespmem:s0+$0x12C50] =	vst v10  }
0x276: {  	v10 =	vld [tilespmem:s5+$0x12020];
	[tilespmem:s0+$0x13050] =	vst v8  }
0x277: {  	v8 =	vld [tilespmem:s5+$0x12030];
	[tilespmem:s0+$0x12C60] =	vst v11  }
0x278: {  	v11 =	vld [tilespmem:s5+$0x12040];
	[tilespmem:s0+$0x13060] =	vst v9;
	v15 =	vadd.s32 $0x201, v14  }
0x279: {  	v9 =	vld [tilespmem:s5+$0x12050];
	[tilespmem:s0+$0x12C70] =	vst v7;
	v7 =	vadd.s32 $0x200, v12;
	v15 =	vshra.s32 v15, $0x1  }
0x27a: {  	v12 =	vadd.s32 $0x201, v12;
	v7 =	vshra.s32 v7, $0x1;
	[tilespmem:s5+$0x13070] =	vst v15  }
0x27b: {  	v37 =	vadd.s32 $0x200, v13;
	[tilespmem:s5+$0x12C00] =	vst v7;
	v7 =	vshra.s32 v12, $0x1  }
0x27c: {  	v38 =	vadd.s32 $0x201, v13;
	[tilespmem:s5+$0x13000] =	vst v7;
	v7 =	vshra.s32 v37, $0x1  }
0x27d: {  	v40 =	vadd.s32 $0x200, v8;
	v8 =	vadd.s32 $0x201, v8;
	[tilespmem:s5+$0x12C10] =	vst v7;
	v7 =	vshra.s32 v38, $0x1  }
0x27e: {  	v39 =	vadd.s32 $0x200, v10;
	v8 =	vshra.s32 v8, $0x1;
	[tilespmem:s5+$0x13010] =	vst v7  }
0x27f: {  	v10 =	vadd.s32 $0x201, v10;
	v7 =	vshra.s32 v39, $0x1;
	[tilespmem:s5+$0x13030] =	vst v8  }
0x280: {  	v16 =	vld [tilespmem:s5+$0x12060];
	v41 =	vadd.s32 $0x200, v11;
	[tilespmem:s5+$0x12C20] =	vst v7;
	v7 =	vshra.s32 v10, $0x1  }
0x281: {  	v8 =	vadd.s32 $0x200, v9;
	v10 =	vshra.s32 v41, $0x1;
	[tilespmem:s5+$0x13020] =	vst v7  }
0x282: {  	v8 =	vshra.s32 v8, $0x1;
	[tilespmem:s5+$0x12C40] =	vst v10  }
0x283: {  	v9 =	vadd.s32 $0x201, v9;
	v7 =	vshra.s32 v40, $0x1;
	[tilespmem:s5+$0x12C50] =	vst v8  }
0x284: {  	v9 =	vshra.s32 v9, $0x1;
	[tilespmem:s5+$0x12C30] =	vst v7;
	v7 =	vadd.s32 $0x201, v11  }
0x285: {  	v8 =	vadd.s32 $0x201, v16;
	[tilespmem:s5+$0x13050] =	vst v9;
	v7 =	vshra.s32 v7, $0x1  }
0x286: {  	v8 =	vshra.s32 v8, $0x1;
	[tilespmem:s5+$0x13040] =	vst v7;
	v7 =	vadd.s32 $0x200, v16  }
0x287: {  	v42 =	vadd.s32 $0x200, v14;
	[tilespmem:s5+$0x13060] =	vst v8;
	v7 =	vshra.s32 v7, $0x1  }
0x288: {  	[tilespmem:s5+$0x12C60] =	vst v7;
	v7 =	vshra.s32 v42, $0x1  }
0x289: {  	s31 =	simm.s32 $0x12010;
	[tilespmem:s5+$0x12C70] =	vst v7  }
0x28a: {  	s0 =	simm.s32 $0x11C10;
	v7 =	vld [tilespmem:s31+$0xFFFFFFF0]  }
0x28b: {  	s30 =	simm.s32 $0x10800;
	v8 =	vld [tilespmem:s0+$0xFFFFFBF0]  }
0x28c: {  	v43 =	vld [tilespmem:s30+$0xFFFFF800]  }
0x28d: {  	v44 =	vmov s29;
	v45 =	vld [tilespmem:s0+$0xFFFFFFF0]  }
0x28e: {  	v10 =	vshll.u32 v44, $0x3  }
0x28f: {  	v46 =	vor.u32 v1, v10  }
0x290: {  	v47 =	vor.u32 $0x4, v46  }
0x291: {  	v10 =	vor.u32 v6, v10;
	v7 =	vand.u32 $0x1, v7;
	v48 =	vmul.f32 v43, v8  }
0x292: {  	vm0 =	veq.s32 v7, $0x0;
	v7 =	vmul.f32 v43, v45  }
0x293: {  	v49 =	vnsel vm0, $0x0, v48  }
0x294: {  	[tilespmem:v46+s26+$0x0] =	vst.idx.msk $0xffff, v49;
	v50 =	vsel vm0, v7, v48  }
0x295: {  	v7 =	vsel vm0, $0x0, v7;
	[tilespmem:v47+s26+$0x0] =	vst.idx.msk $0xffff, v50  }
0x296: {  	[tilespmem:v10+s26+$0x0] =	vst.idx.msk $0xffff, v7  }
0x297: {  	v7 =	vld [tilespmem:s30+$0xFFFFFC00];
	_ =	sdelay $0x2  }
0x298: {  	v51 =	vor.u32 $0x1, v46  }
0x299: {  	v52 =	vor.u32 $0x5, v46  }
0x29a: {  	v54 =	vor.u32 $0x1, v10;
	v53 =	vmul.f32 v7, v8  }
0x29b: {  	v7 =	vmul.f32 v7, v45  }
0x29c: {  	v55 =	vnsel vm0, $0x0, v53  }
0x29d: {  	v14 =	vsel vm0, v7, v53;
	[tilespmem:v51+s26+$0x0] =	vst.idx.msk $0xffff, v55  }
0x29e: {  	v7 =	vsel vm0, $0x0, v7;
	[tilespmem:v52+s26+$0x0] =	vst.idx.msk $0xffff, v14  }
0x29f: {  	[tilespmem:v54+s26+$0x0] =	vst.idx.msk $0xffff, v7  }
0x2a0: {  	v7 =	vld [tilespmem:s30+$0x0];
	_ =	sdelay $0x2  }
0x2a1: {  	v56 =	vor.u32 $0x2, v46  }
0x2a2: {  	v57 =	vor.u32 $0x6, v46  }
0x2a3: {  	v59 =	vor.u32 $0x2, v10;
	v58 =	vmul.f32 v7, v8  }
0x2a4: {  	v7 =	vmul.f32 v7, v45  }
0x2a5: {  	v60 =	vnsel vm0, $0x0, v58  }
0x2a6: {  	v61 =	vsel vm0, v7, v58;
	[tilespmem:v56+s26+$0x0] =	vst.idx.msk $0xffff, v60  }
0x2a7: {  	v7 =	vsel vm0, $0x0, v7;
	[tilespmem:v57+s26+$0x0] =	vst.idx.msk $0xffff, v61  }
0x2a8: {  	[tilespmem:v59+s26+$0x0] =	vst.idx.msk $0xffff, v7  }
0x2a9: {  	v7 =	vld [tilespmem:s30+$0x400];
	_ =	sdelay $0x2  }
0x2aa: {  	v62 =	vor.u32 $0x3, v46  }
0x2ab: {  	v12 =	vor.u32 $0x7, v46  }
0x2ac: {  	v10 =	vor.u32 $0x3, v10;
	v8 =	vmul.f32 v7, v8  }
0x2ad: {  	v7 =	vmul.f32 v7, v45  }
0x2ae: {  	v63 =	vnsel vm0, $0x0, v8  }
0x2af: {  	v8 =	vsel vm0, v7, v8;
	[tilespmem:v62+s26+$0x0] =	vst.idx.msk $0xffff, v63  }
0x2b0: {  	s6 =	simm.s32 $0x20;
	v7 =	vsel vm0, $0x0, v7;
	[tilespmem:v12+s26+$0x0] =	vst.idx.msk $0xffff, v8  }
0x2b1: {  	s7 =	simm.s32 $0x10800;
	s10 =	simm.s32 $0x12010;
	s5 =	simm.s32 $0x11C10;
	[tilespmem:v10+s26+$0x0] =	vst.idx.msk $0xffff, v7  }
.LBB2_14:
0x2b2: {  	v7 =	vld [tilespmem:s30+$0xFFFFF810];
	s31 =	sadd.s32 $0x20, s31;
	s0 =	sadd.s32 $0x20, s0;
	s7 =	sadd.s32 $0x20, s7  }
0x2b3: {  	p0 =	sne.s32 s6, $0x3E0;
	s18 =	smov.u32 s6;
	s6 =	sadd.s32 $0x20, s6;
	v8 =	vld [tilespmem:s5+$0xFFFFFC00]  }
0x2b4: {  	s19 =	sadd.s32 $0x10, s29;
	s29 =	smov.u32 s18;
	v9 =	vld [tilespmem:s10+$0x0];
	s10 =	smov.u32 s31  }
0x2b5: {  	v10 =	vmov s19;
	v11 =	vld [tilespmem:s5+$0x0];
	s5 =	smov.u32 s0  }
0x2b6: {  	v10 =	vshll.u32 v10, $0x3  }
0x2b7: {  	v12 =	vor.u32 v1, v10  }
0x2b8: {  	v13 =	vor.u32 $0x4, v12  }
0x2b9: {  	v10 =	vor.u32 v6, v10;
	v14 =	vmul.f32 v7, v8;
	v9 =	vand.u32 $0x1, v9  }
0x2ba: {  	vm0 =	veq.s32 v9, $0x0;
	v7 =	vmul.f32 v7, v11  }
0x2bb: {  	v9 =	vnsel vm0, $0x0, v14  }
0x2bc: {  	[tilespmem:v12+s26+$0x0] =	vst.idx.msk $0xffff, v9;
	v9 =	vsel vm0, v7, v14  }
0x2bd: {  	v7 =	vsel vm0, $0x0, v7;
	[tilespmem:v13+s26+$0x0] =	vst.idx.msk $0xffff, v9  }
0x2be: {  	[tilespmem:v10+s26+$0x0] =	vst.idx.msk $0xffff, v7  }
0x2bf: {  	v7 =	vld [tilespmem:s30+$0xFFFFFC10];
	_ =	sdelay $0x2  }
0x2c0: {  	v9 =	vor.u32 $0x1, v12  }
0x2c1: {  	v13 =	vor.u32 $0x5, v12  }
0x2c2: {  	v15 =	vor.u32 $0x1, v10;
	v14 =	vmul.f32 v7, v8;
	v7 =	vmul.f32 v7, v11;
	_ =	sdelay $0x1  }
0x2c3: {  	v16 =	vnsel vm0, $0x0, v14;
	v14 =	vsel vm0, v7, v14;
	v7 =	vsel vm0, $0x0, v7  }
0x2c4: {  	[tilespmem:v9+s26+$0x0] =	vst.idx.msk $0xffff, v16  }
0x2c5: {  	[tilespmem:v13+s26+$0x0] =	vst.idx.msk $0xffff, v14  }
0x2c6: {  	[tilespmem:v15+s26+$0x0] =	vst.idx.msk $0xffff, v7  }
0x2c7: {  	v7 =	vld [tilespmem:s30+$0x10];
	_ =	sdelay $0x2  }
0x2c8: {  	v9 =	vor.u32 $0x2, v12  }
0x2c9: {  	v13 =	vor.u32 $0x6, v12  }
0x2ca: {  	v15 =	vor.u32 $0x2, v10;
	v14 =	vmul.f32 v7, v8;
	v7 =	vmul.f32 v7, v11;
	_ =	sdelay $0x1  }
0x2cb: {  	v16 =	vnsel vm0, $0x0, v14;
	v14 =	vsel vm0, v7, v14;
	v7 =	vsel vm0, $0x0, v7  }
0x2cc: {  	[tilespmem:v9+s26+$0x0] =	vst.idx.msk $0xffff, v16  }
0x2cd: {  	[tilespmem:v13+s26+$0x0] =	vst.idx.msk $0xffff, v14  }
0x2ce: {  	[tilespmem:v15+s26+$0x0] =	vst.idx.msk $0xffff, v7  }
0x2cf: {  	v7 =	vld [tilespmem:s30+$0x410];
	s30 =	smov.u32 s7;
	_ =	sdelay $0x2  }
0x2d0: {  	v9 =	vor.u32 $0x3, v12  }
0x2d1: {  	v12 =	vor.u32 $0x7, v12  }
0x2d2: {  	v10 =	vor.u32 $0x3, v10;
	v8 =	vmul.f32 v7, v8;
	v7 =	vmul.f32 v7, v11;
	_ =	sdelay $0x1  }
0x2d3: {  	v11 =	vnsel vm0, $0x0, v8;
	v8 =	vsel vm0, v7, v8;
	v7 =	vsel vm0, $0x0, v7  }
0x2d4: {  	[tilespmem:v9+s26+$0x0] =	vst.idx.msk $0xffff, v11  }
0x2d5: {  	[tilespmem:v12+s26+$0x0] =	vst.idx.msk $0xffff, v8  }
0x2d6: {  	[tilespmem:v10+s26+$0x0] =	vst.idx.msk $0xffff, v7  }
0x2d7: {  	v7 =	vld [tilespmem:s31+$0xFFFFFFF0]  }
0x2d8: {  	v8 =	vld [tilespmem:s0+$0xFFFFFBF0]  }
0x2d9: {  	v9 =	vld [tilespmem:s7+$0xFFFFF800]  }
0x2da: {  	v10 =	vmov s29;
	v11 =	vld [tilespmem:s0+$0xFFFFFFF0]  }
0x2db: {  	v10 =	vshll.u32 v10, $0x3  }
0x2dc: {  	v12 =	vor.u32 v1, v10;
	v7 =	vand.u32 $0x1, v7  }
0x2dd: {  	v13 =	vor.u32 $0x4, v12  }
0x2de: {  	v10 =	vor.u32 v6, v10;
	v14 =	vmul.f32 v9, v8  }
0x2df: {  	vm0 =	veq.s32 v7, $0x0;
	v7 =	vmul.f32 v9, v11  }
0x2e0: {  	v9 =	vnsel vm0, $0x0, v14  }
0x2e1: {  	[tilespmem:v12+s26+$0x0] =	vst.idx.msk $0xffff, v9;
	v9 =	vsel vm0, v7, v14  }
0x2e2: {  	v7 =	vsel vm0, $0x0, v7;
	[tilespmem:v13+s26+$0x0] =	vst.idx.msk $0xffff, v9  }
0x2e3: {  	[tilespmem:v10+s26+$0x0] =	vst.idx.msk $0xffff, v7  }
0x2e4: {  	v7 =	vld [tilespmem:s7+$0xFFFFFC00];
	_ =	sdelay $0x2  }
0x2e5: {  	v9 =	vor.u32 $0x1, v12  }
0x2e6: {  	v13 =	vor.u32 $0x5, v12  }
0x2e7: {  	v15 =	vor.u32 $0x1, v10;
	v14 =	vmul.f32 v7, v8;
	v7 =	vmul.f32 v7, v11;
	_ =	sdelay $0x1  }
0x2e8: {  	v16 =	vnsel vm0, $0x0, v14;
	v14 =	vsel vm0, v7, v14;
	v7 =	vsel vm0, $0x0, v7  }
0x2e9: {  	[tilespmem:v9+s26+$0x0] =	vst.idx.msk $0xffff, v16  }
0x2ea: {  	[tilespmem:v13+s26+$0x0] =	vst.idx.msk $0xffff, v14  }
0x2eb: {  	[tilespmem:v15+s26+$0x0] =	vst.idx.msk $0xffff, v7  }
0x2ec: {  	v7 =	vld [tilespmem:s7+$0x0];
	_ =	sdelay $0x2  }
0x2ed: {  	v9 =	vor.u32 $0x2, v12  }
0x2ee: {  	v13 =	vor.u32 $0x6, v12  }
0x2ef: {  	v15 =	vor.u32 $0x2, v10;
	v14 =	vmul.f32 v7, v8  }
0x2f0: {  	v7 =	vmul.f32 v7, v11  }
0x2f1: {  	v16 =	vnsel vm0, $0x0, v14  }
0x2f2: {  	[tilespmem:v9+s26+$0x0] =	vst.idx.msk $0xffff, v16;
	v9 =	vsel vm0, v7, v14  }
0x2f3: {  	v7 =	vsel vm0, $0x0, v7;
	[tilespmem:v13+s26+$0x0] =	vst.idx.msk $0xffff, v9  }
0x2f4: {  	[tilespmem:v15+s26+$0x0] =	vst.idx.msk $0xffff, v7  }
0x2f5: {  	v7 =	vld [tilespmem:s7+$0x400];
	_ =	sdelay $0x2  }
0x2f6: {  	v9 =	vor.u32 $0x3, v12  }
0x2f7: {  	v12 =	vor.u32 $0x7, v12  }
0x2f8: {  	v10 =	vor.u32 $0x3, v10;
	v8 =	vmul.f32 v7, v8;
	v7 =	vmul.f32 v7, v11  }
.Ltmp5:
0x2f9: {  	(pc) =	sbr.rel @p0 .LBB2_14-.Ltmp5, $4  }
0x2fa: {  	v11 =	vnsel vm0, $0x0, v8;
	v8 =	vsel vm0, v7, v8;
	v7 =	vsel vm0, $0x0, v7  }
0x2fb: {  	[tilespmem:v9+s26+$0x0] =	vst.idx.msk $0xffff, v11  }
0x2fc: {  	[tilespmem:v12+s26+$0x0] =	vst.idx.msk $0xffff, v8  }
0x2fd: {  	[tilespmem:v10+s26+$0x0] =	vst.idx.msk $0xffff, v7  }
0x2fe: {  	v7 =	vld [tilespmem:s10+$0x0]  }
0x2ff: {  	v8 =	vld [tilespmem:s30+$0xFFFFF810]  }
0x300: {  	v9 =	vld [tilespmem:s5+$0xFFFFFC00];
	s0 =	sadd.s32 $0x10, s29  }
0x301: {  	v11 =	vld [tilespmem:s5+$0x0];
	v10 =	vmov s0  }
0x302: {  	v10 =	vshll.u32 v10, $0x3  }
0x303: {  	v12 =	vor.u32 v1, v10  }
0x304: {  	v13 =	vor.u32 $0x4, v12  }
0x305: {  	v10 =	vor.u32 v6, v10;
	v7 =	vand.u32 $0x1, v7;
	v14 =	vmul.f32 v8, v9  }
0x306: {  	vm0 =	veq.s32 v7, $0x0;
	v7 =	vmul.f32 v8, v11  }
0x307: {  	v8 =	vnsel vm0, $0x0, v14  }
0x308: {  	[tilespmem:v12+s26+$0x0] =	vst.idx.msk $0xffff, v8;
	v8 =	vsel vm0, v7, v14  }
0x309: {  	v7 =	vsel vm0, $0x0, v7;
	[tilespmem:v13+s26+$0x0] =	vst.idx.msk $0xffff, v8  }
0x30a: {  	[tilespmem:v10+s26+$0x0] =	vst.idx.msk $0xffff, v7  }
0x30b: {  	v7 =	vld [tilespmem:s30+$0xFFFFFC10];
	_ =	sdelay $0x2  }
0x30c: {  	v8 =	vor.u32 $0x1, v12  }
0x30d: {  	v57 =	vor.u32 $0x5, v12  }
0x30e: {  	v15 =	vor.u32 $0x1, v10;
	v58 =	vmul.f32 v7, v9  }
0x30f: {  	v7 =	vmul.f32 v7, v11  }
0x310: {  	v16 =	vnsel vm0, $0x0, v58  }
0x311: {  	v14 =	vsel vm0, v7, v58;
	[tilespmem:v8+s26+$0x0] =	vst.idx.msk $0xffff, v16  }
0x312: {  	v7 =	vsel vm0, $0x0, v7;
	[tilespmem:v57+s26+$0x0] =	vst.idx.msk $0xffff, v14  }
0x313: {  	[tilespmem:v15+s26+$0x0] =	vst.idx.msk $0xffff, v7  }
0x314: {  	v7 =	vld [tilespmem:s30+$0x10];
	_ =	sdelay $0x2  }
0x315: {  	v8 =	vor.u32 $0x2, v12  }
0x316: {  	v59 =	vor.u32 $0x6, v12  }
0x317: {  	v61 =	vor.u32 $0x2, v10;
	v60 =	vmul.f32 v7, v9  }
0x318: {  	v7 =	vmul.f32 v7, v11  }
0x319: {  	v62 =	vnsel vm0, $0x0, v60  }
0x31a: {  	v14 =	vsel vm0, v7, v60;
	[tilespmem:v8+s26+$0x0] =	vst.idx.msk $0xffff, v62  }
0x31b: {  	v7 =	vsel vm0, $0x0, v7;
	[tilespmem:v59+s26+$0x0] =	vst.idx.msk $0xffff, v14  }
0x31c: {  	[tilespmem:v61+s26+$0x0] =	vst.idx.msk $0xffff, v7  }
0x31d: {  	v7 =	vld [tilespmem:s30+$0x410];
	_ =	sdelay $0x2  }
0x31e: {  	v8 =	vor.u32 $0x3, v12  }
0x31f: {  	v12 =	vor.u32 $0x7, v12  }
0x320: {  	v10 =	vor.u32 $0x3, v10;
	v9 =	vmul.f32 v7, v9  }
0x321: {  	v7 =	vmul.f32 v7, v11  }
0x322: {  	v63 =	vnsel vm0, $0x0, v9  }
0x323: {  	v9 =	vsel vm0, v7, v9;
	[tilespmem:v8+s26+$0x0] =	vst.idx.msk $0xffff, v63  }
0x324: {  	v7 =	vsel vm0, $0x0, v7;
	[tilespmem:v12+s26+$0x0] =	vst.idx.msk $0xffff, v9  }
0x325: {  	s7 =	simm.s32 $0x12C00;
	[tilespmem:v10+s26+$0x0] =	vst.idx.msk $0xffff, v7  }
0x326: {  	[spmem:s2] =	stream.indirect.scatter.add.f32 [tilespmem:s26], [sflag:$0x1], $0x8, s7, s28, $0xb8;
	[tilespmem:$0x1CC00] =	vst v63  }
0x327: {  	s10 =	simm.s32 $0x12C80;
	s18 =	simm.s32 $0x17800  }
0x328: {  	[spmem:s2] =	stream.indirect.scatter.add.f32 [tilespmem:s18], [sflag:$0x1], $0x8, s10, s28, $0xb8;
	[tilespmem:$0x1CC00] =	vst v63  }
0x329: {  	s19 =	simm.s32 $0x12D00;
	s29 =	simm.s32 $0x17C00  }
0x32a: {  	[spmem:s2] =	stream.indirect.scatter.add.f32 [tilespmem:s29], [sflag:$0x1], $0x8, s19, s28, $0xb8;
	[tilespmem:$0x1CC00] =	vst v63  }
0x32b: {  	s31 =	simm.s32 $0x18000;
	s30 =	simm.s32 $0x12D80  }
0x32c: {  	[spmem:s2] =	stream.indirect.scatter.add.f32 [tilespmem:s31], [sflag:$0x1], $0x8, s30, s28, $0xb8;
	[tilespmem:$0x1CC00] =	vst v63  }
0x32d: {  	s6 =	simm.s32 $0x12E00;
	s7 =	simm.s32 $0x18400  }
0x32e: {  	[spmem:s2] =	stream.indirect.scatter.add.f32 [tilespmem:s7], [sflag:$0x1], $0x8, s6, s28, $0xb8;
	[tilespmem:$0x1CC00] =	vst v63  }
0x32f: {  	s10 =	simm.s32 $0x12E80;
	s18 =	simm.s32 $0x18800  }
0x330: {  	[spmem:s2] =	stream.indirect.scatter.add.f32 [tilespmem:s18], [sflag:$0x1], $0x8, s10, s28, $0xb8;
	[tilespmem:$0x1CC00] =	vst v63  }
0x331: {  	s19 =	simm.s32 $0x12F00;
	s29 =	simm.s32 $0x18C00  }
0x332: {  	[spmem:s2] =	stream.indirect.scatter.add.f32 [tilespmem:s29], [sflag:$0x1], $0x8, s19, s28, $0xb8;
	[tilespmem:$0x1CC00] =	vst v63  }
0x333: {  	s30 =	simm.s32 $0x12F80;
	s31 =	simm.s32 $0x19000  }
0x334: {  	[spmem:s2] =	stream.indirect.scatter.add.f32 [tilespmem:s31], [sflag:$0x1], $0x8, s30, s28, $0xb8;
	[tilespmem:$0x1CC00] =	vst v63  }
0x335: {  	s6 =	simm.s32 $0x13000;
	s7 =	simm.s32 $0x19400  }
0x336: {  	[spmem:s2] =	stream.indirect.scatter.add.f32 [tilespmem:s7], [sflag:$0x1], $0x8, s6, s28, $0xb8;
	[tilespmem:$0x1CC00] =	vst v63  }
0x337: {  	s10 =	simm.s32 $0x13080;
	s18 =	simm.s32 $0x19800  }
0x338: {  	[spmem:s2] =	stream.indirect.scatter.add.f32 [tilespmem:s18], [sflag:$0x1], $0x8, s10, s28, $0xb8;
	[tilespmem:$0x1CC00] =	vst v63  }
0x339: {  	s19 =	simm.s32 $0x13100;
	s29 =	simm.s32 $0x19C00  }
0x33a: {  	[spmem:s2] =	stream.indirect.scatter.add.f32 [tilespmem:s29], [sflag:$0x1], $0x8, s19, s28, $0xb8;
	[tilespmem:$0x1CC00] =	vst v63  }
0x33b: {  	s30 =	simm.s32 $0x13180;
	s31 =	simm.s32 $0x1A000  }
0x33c: {  	[spmem:s2] =	stream.indirect.scatter.add.f32 [tilespmem:s31], [sflag:$0x1], $0x8, s30, s28, $0xb8;
	[tilespmem:$0x1CC00] =	vst v63  }
0x33d: {  	s8 =	sadd.s32 $0x1, s8;
	s6 =	simm.s32 $0x13200;
	s7 =	simm.s32 $0x1A400  }
0x33e: {  	[spmem:s2] =	stream.indirect.scatter.add.f32 [tilespmem:s7], [sflag:$0x1], $0x8, s6, s28, $0xb8;
	[tilespmem:$0x1CC00] =	vst v63  }
0x33f: {  	p0 =	sne.s32 s8, $0x10;
	s10 =	simm.s32 $0x13280;
	s18 =	simm.s32 $0x1A800  }
0x340: {  	[spmem:s2] =	stream.indirect.scatter.add.f32 [tilespmem:s18], [sflag:$0x1], $0x8, s10, s28, $0xb8;
	[tilespmem:$0x1CC00] =	vst v63  }
.Ltmp6:
0x341: {  	_ = 	snop;
	(pc) =	sbr.rel @p0 .LBB2_7-.Ltmp6, $4  }
0x342: {  	s19 =	simm.s32 $0x13300;
	s29 =	simm.s32 $0x1AC00  }
0x343: {  	[spmem:s2] =	stream.indirect.scatter.add.f32 [tilespmem:s29], [sflag:$0x1], $0x8, s19, s28, $0xb8;
	[tilespmem:$0x1CC00] =	vst v63  }
0x344: {  	s30 =	simm.s32 $0x13380;
	s31 =	simm.s32 $0x1B000  }
0x345: {  	[spmem:s2] =	stream.indirect.scatter.add.f32 [tilespmem:s31], [sflag:$0x1], $0x8, s30, s28, $0xb8;
	[tilespmem:$0x1CC00] =	vst v63  }
0x346: {  	_ =	swait.ge [sflag:s12], $0x400  }
0x347: {  	[sflag:s12] =	ssyncset.done $0x0  }
0x348: {  	[sflag:s12] =	ssyncadd.s32 $0xFFFFFC00  }
0x349: {  	_ =	swait.ge [sflag:s12], $0x400  }
0x34a: {  	[sflag:s12] =	ssyncset.done $0x0  }
0x34b: {  	[sflag:s12] =	ssyncadd.s32 $0xFFFFFC00  }
0x34c: {  	_ =	swait.ge [sflag:s12], $0x400  }
0x34d: {  	[sflag:s12] =	ssyncset.done $0x0  }
0x34e: {  	[sflag:s12] =	ssyncadd.s32 $0xFFFFFC00  }
0x34f: {  	_ =	swait.ge [sflag:s12], $0x400  }
0x350: {  	[sflag:s12] =	ssyncset.done $0x0  }
0x351: {  	[sflag:s12] =	ssyncadd.s32 $0xFFFFFC00  }
0x352: {  	_ =	swait.ge [sflag:s12], $0x400  }
0x353: {  	[sflag:s12] =	ssyncset.done $0x0  }
0x354: {  	[sflag:s12] =	ssyncadd.s32 $0xFFFFFC00  }
0x355: {  	_ =	swait.ge [sflag:s12], $0x400  }
0x356: {  	[sflag:s12] =	ssyncset.done $0x0  }
0x357: {  	[sflag:s12] =	ssyncadd.s32 $0xFFFFFC00  }
0x358: {  	_ =	swait.ge [sflag:s12], $0x400  }
0x359: {  	[sflag:s12] =	ssyncset.done $0x0  }
0x35a: {  	[sflag:s12] =	ssyncadd.s32 $0xFFFFFC00  }
0x35b: {  	_ =	swait.ge [sflag:s12], $0x400  }
0x35c: {  	[sflag:s12] =	ssyncset.done $0x0  }
0x35d: {  	[sflag:s12] =	ssyncadd.s32 $0xFFFFFC00  }
0x35e: {  	_ =	swait.ge [sflag:s12], $0x400  }
0x35f: {  	[sflag:s12] =	ssyncset.done $0x0  }
0x360: {  	[sflag:s12] =	ssyncadd.s32 $0xFFFFFC00  }
0x361: {  	_ =	swait.ge [sflag:s12], $0x400  }
0x362: {  	[sflag:s12] =	ssyncset.done $0x0  }
0x363: {  	[sflag:s12] =	ssyncadd.s32 $0xFFFFFC00  }
0x364: {  	_ =	swait.ge [sflag:s12], $0x400  }
0x365: {  	[sflag:s12] =	ssyncset.done $0x0  }
0x366: {  	[sflag:s12] =	ssyncadd.s32 $0xFFFFFC00  }
0x367: {  	_ =	swait.ge [sflag:s12], $0x400  }
0x368: {  	[sflag:s12] =	ssyncset.done $0x0  }
0x369: {  	[sflag:s12] =	ssyncadd.s32 $0xFFFFFC00  }
0x36a: {  	_ =	swait.ge [sflag:s12], $0x400  }
0x36b: {  	[sflag:s12] =	ssyncset.done $0x0  }
0x36c: {  	[sflag:s12] =	ssyncadd.s32 $0xFFFFFC00  }
0x36d: {  	_ =	swait.ge [sflag:s12], $0x400  }
0x36e: {  	[sflag:s12] =	ssyncset.done $0x0  }
0x36f: {  	[sflag:s12] =	ssyncadd.s32 $0xFFFFFC00  }
0x370: {  	_ =	swait.ge [sflag:s12], $0x400  }
0x371: {  	[sflag:s12] =	ssyncset.done $0x0  }
0x372: {  	[sflag:s12] =	ssyncadd.s32 $0xFFFFFC00  }
0x373: {  	_ =	swait.ge [sflag:s12], $0x400  }
0x374: {  	[sflag:s12] =	ssyncset.done $0x0  }
0x375: {  	[sflag:s12] =	ssyncadd.s32 $0xFFFFFC00  }
0x376: {  	_ =	swait.ge [sflag:s12], $0x400  }
0x377: {  	[sflag:s12] =	ssyncset.done $0x0  }
0x378: {  	[sflag:s12] =	ssyncadd.s32 $0xFFFFFC00  }
0x379: {  	_ =	swait.ge [sflag:s12], $0x400  }
0x37a: {  	[sflag:s12] =	ssyncset.done $0x0  }
0x37b: {  	[sflag:s12] =	ssyncadd.s32 $0xFFFFFC00  }
0x37c: {  	_ =	swait.ge [sflag:s12], $0x400  }
0x37d: {  	[sflag:s12] =	ssyncset.done $0x0  }
0x37e: {  	[sflag:s12] =	ssyncadd.s32 $0xFFFFFC00  }
0x37f: {  	_ =	swait.ge [sflag:s12], $0x400  }
0x380: {  	[sflag:s12] =	ssyncset.done $0x0  }
0x381: {  	[sflag:s12] =	ssyncadd.s32 $0xFFFFFC00  }
0x382: {  	_ =	swait.ge [sflag:s12], $0x400  }
0x383: {  	[sflag:s12] =	ssyncset.done $0x0  }
0x384: {  	[sflag:s12] =	ssyncadd.s32 $0xFFFFFC00  }
0x385: {  	_ =	swait.ge [sflag:s12], $0x400  }
0x386: {  	[sflag:s12] =	ssyncset.done $0x0  }
0x387: {  	[sflag:s12] =	ssyncadd.s32 $0xFFFFFC00  }
0x388: {  	_ =	swait.ge [sflag:s12], $0x400  }
0x389: {  	[sflag:s12] =	ssyncset.done $0x0  }
0x38a: {  	[sflag:s12] =	ssyncadd.s32 $0xFFFFFC00  }
0x38b: {  	_ =	swait.ge [sflag:s12], $0x400  }
0x38c: {  	[sflag:s12] =	ssyncset.done $0x0  }
0x38d: {  	[sflag:s12] =	ssyncadd.s32 $0xFFFFFC00  }
0x38e: {  	_ =	swait.ge [sflag:s12], $0x400  }
0x38f: {  	[sflag:s12] =	ssyncset.done $0x0  }
0x390: {  	[sflag:s12] =	ssyncadd.s32 $0xFFFFFC00  }
0x391: {  	_ =	swait.ge [sflag:s12], $0x400  }
0x392: {  	[sflag:s12] =	ssyncset.done $0x0  }
0x393: {  	[sflag:s12] =	ssyncadd.s32 $0xFFFFFC00  }
0x394: {  	_ =	swait.ge [sflag:s12], $0x400  }
0x395: {  	[sflag:s12] =	ssyncset.done $0x0  }
0x396: {  	[sflag:s12] =	ssyncadd.s32 $0xFFFFFC00  }
0x397: {  	_ =	swait.ge [sflag:s12], $0x400  }
0x398: {  	[sflag:s12] =	ssyncset.done $0x0  }
0x399: {  	[sflag:s12] =	ssyncadd.s32 $0xFFFFFC00  }
0x39a: {  	_ =	swait.ge [sflag:s12], $0x400  }
0x39b: {  	[sflag:s12] =	ssyncset.done $0x0  }
0x39c: {  	[sflag:s12] =	ssyncadd.s32 $0xFFFFFC00  }
0x39d: {  	_ =	swait.ge [sflag:s12], $0x400  }
0x39e: {  	[sflag:s12] =	ssyncset.done $0x0  }
0x39f: {  	[sflag:s12] =	ssyncadd.s32 $0xFFFFFC00  }
0x3a0: {  	_ =	swait.ge [sflag:s12], $0x400  }
0x3a1: {  	[sflag:s12] =	ssyncset.done $0x0  }
0x3a2: {  	[sflag:s12] =	ssyncadd.s32 $0xFFFFFC00  }
0x3a3: {  	_ =	swait.ge [sflag:s12], $0x400  }
0x3a4: {  	[sflag:s12] =	ssyncset.done $0x0  }
0x3a5: {  	[sflag:s12] =	ssyncadd.s32 $0xFFFFFC00  }
0x3a6: {  	[bflag:$0x0] =	sbarrier.arrive $0xFFFF  }
0x3a7: {  	s0 =	sor.u32 s9, s11;
	s18 =	rddreg [dreg:$0x7]  }
0x3a8: {  	s8 =	simm.s32 $0x0;
	s29 =	simm.s32 $0x1B400;
	s11 =	rddreg [dreg:$0x6]  }
0x3a9: {  	s30 =	simm.s32 $0x1B800;
	s31 =	simm.s32 $0x1BC00;
	s19 =	rddreg [dreg:$0x8]  }
0x3aa: {  	[tilespmem:s24], [sflag:$0x2] =	stream.linear.gather [spmem:s18], $0x1000, $0x38;
	[tilespmem:$0x1CC00] =	vst v63  }
.LBB2_17:
0x3ab: {  	p0 =	sne.s32 s8, $0xF  }
.Ltmp7:
0x3ac: {  	_ = 	snop;
	(pc) =	sbr.rel @p0 .LBB2_19-.Ltmp7, $4  }
0x3ad: {  	s5 =	sshll.u32 s8, $0x9  }
0x3ae: {  	_ =	swait.ge [sflag:s1], $0x1000;
	s5 =	sadd.s32 s19, s5  }
0x3af: {  	[sflag:s1] =	ssyncset.done $0x0;
	s5 =	sshll.u32 s5, $0x3  }
0x3b0: {  	[sflag:s1] =	ssyncadd.s32 $0xFFFFF000;
	s5 =	sand.u32 $0x3FFFFFF8, s5  }
.Ltmp8:
0x3b1: {  	(pc) =	sbr.rel .LBB2_20-.Ltmp8, $4  }
0x3b2: {  	s5 =	sadd.s32 s5, s2  }
0x3b3: {  	[spmem:s5] =	stream.linear.scatter [tilespmem:s16], [sflag:$0x3], $0x800, $0x38;
	[tilespmem:$0x1CC00] =	vst v63  }
0x3b4: {  	s5 =	sadd.s32 $0x800, s5  }
0x3b5: {  	[spmem:s5] =	stream.linear.scatter [tilespmem:s16], [sflag:$0x3], $0x800, $0x38;
	[tilespmem:$0x1CC00] =	vst v63  }
.LBB2_19:
0x3b6: {  	s6 =	sshll.u32 s8, $0xE  }
0x3b7: {  	s6 =	sadd.s32 $0x4000, s6  }
0x3b8: {  	s7 =	sand.u32 $0x4000, s6;
	s6 =	sshrl.u32 s6, $0x2  }
0x3b9: {  	p0 =	seq.s32 s8, $0x0;
	s7 =	sor.u32 $0x13400, s7;
	s6 =	sadd.s32 s6, s18  }
0x3ba: {  	[tilespmem:s7], [sflag:$0x2] =	stream.linear.gather [spmem:s6], $0x1000, $0x38;
	[tilespmem:$0x1CC00] =	vst v63  }
.Ltmp9:
0x3bb: {  	_ = 	snop;
	(pc) =	sbr.rel @p0 .LBB2_21-.Ltmp9, $4  }
0x3bc: {  	s5 =	sadd.s32 s5, s2  }
0x3bd: {  	[spmem:s5] =	stream.linear.scatter [tilespmem:s16], [sflag:$0x3], $0x800, $0x38;
	[tilespmem:$0x1CC00] =	vst v63  }
0x3be: {  	s5 =	sadd.s32 $0x800, s5  }
0x3bf: {  	[spmem:s5] =	stream.linear.scatter [tilespmem:s16], [sflag:$0x3], $0x800, $0x38;
	[tilespmem:$0x1CC00] =	vst v63  }
.LBB2_20:
0x3c0: {  	_ =	swait.ge [sflag:s25], $0x400  }
0x3c1: {  	[sflag:s25] =	ssyncset.done $0x0  }
0x3c2: {  	[sflag:s25] =	ssyncadd.s32 $0xFFFFFC00  }
0x3c3: {  	_ =	swait.ge [sflag:s25], $0x400  }
0x3c4: {  	[sflag:s25] =	ssyncset.done $0x0  }
0x3c5: {  	[sflag:s25] =	ssyncadd.s32 $0xFFFFFC00  }
0x3c6: {  	_ =	swait.ge [sflag:s25], $0x400  }
0x3c7: {  	[sflag:s25] =	ssyncset.done $0x0  }
0x3c8: {  	[sflag:s25] =	ssyncadd.s32 $0xFFFFFC00  }
0x3c9: {  	_ =	swait.ge [sflag:s25], $0x400  }
0x3ca: {  	[sflag:s25] =	ssyncset.done $0x0  }
0x3cb: {  	[sflag:s25] =	ssyncadd.s32 $0xFFFFFC00  }
.LBB2_21:
0x3cc: {  	s5 =	simm.s32 $0x0  }
0x3cd: {  	v7 =	vmul.u32 $0x4, v0;
	v8 =	vmov s5  }
0x3ce: {  	s10 =	sand.u32 $0x1, s8;
	v8 =	vshll.u32 v8, $0x2  }
0x3cf: {  	v10 =	vand.u32 $0x1, v0;
	s5 =	sshll.u32 s10, $0xE;
	v9 =	vor.u32 v7, v8  }
0x3d0: {  	v8 =	vmov s5;
	v11 =	vand.u32 $0xFB8, v9;
	v9 =	vmul.u32 $0x4, v10  }
0x3d1: {  	v13 =	vor.u32 v8, v11  }
0x3d2: {  	v10 =	vor.u32 v9, v13;
	_ =	sdelay $0x4  }
0x3d3: {  	v11 =	vld.idx.msk [tilespmem:v10+s24+$0x0], $0xffff;
	v10 =	vor.u32 $0x1, v9  }
0x3d4: {  	v12 =	vor.u32 v10, v13;
	_ =	sdelay $0x2  }
0x3d5: {  	s5 =	simm.s32 $0x1BC00  }
0x3d6: {  	[tilespmem:s5+$0xFFFFF800] =	vst v11  }
0x3d7: {  	v11 =	vor.u32 $0x2, v9;
	v12 =	vld.idx.msk [tilespmem:v12+s24+$0x0], $0xffff  }
0x3d8: {  	v14 =	vor.u32 v11, v13;
	_ =	sdelay $0x3  }
0x3d9: {  	[tilespmem:s5+$0xFFFFFC00] =	vst v12  }
0x3da: {  	v12 =	vor.u32 $0x3, v9;
	v14 =	vld.idx.msk [tilespmem:v14+s24+$0x0], $0xffff  }
0x3db: {  	s6 =	simm.s32 $0x10;
	v13 =	vor.u32 v12, v13  }
0x3dc: {  	v15 =	vmov s6  }
0x3dd: {  	v15 =	vshll.u32 v15, $0x2  }
0x3de: {  	v15 =	vor.u32 v7, v15  }
0x3df: {  	[tilespmem:s5+$0x0] =	vst v14;
	v14 =	vand.u32 $0x7FFFFFF8, v15  }
0x3e0: {  	v13 =	vld.idx.msk [tilespmem:v13+s24+$0x0], $0xffff;
	v15 =	vadd.s32 v8, v14  }
0x3e1: {  	v14 =	vor.u32 v9, v15;
	_ =	sdelay $0x3  }
0x3e2: {  	[tilespmem:s5+$0x400] =	vst v13  }
0x3e3: {  	v13 =	vld.idx.msk [tilespmem:v14+s24+$0x0], $0xffff  }
0x3e4: {  	v14 =	vor.u32 v10, v15;
	_ =	sdelay $0x3  }
0x3e5: {  	[tilespmem:s5+$0xFFFFF810] =	vst v13  }
0x3e6: {  	v13 =	vld.idx.msk [tilespmem:v14+s24+$0x0], $0xffff  }
0x3e7: {  	v14 =	vor.u32 v11, v15;
	_ =	sdelay $0x3  }
0x3e8: {  	[tilespmem:s5+$0xFFFFFC10] =	vst v13  }
0x3e9: {  	v14 =	vld.idx.msk [tilespmem:v14+s24+$0x0], $0xffff  }
0x3ea: {  	v13 =	vor.u32 v12, v15  }
0x3eb: {  	s6 =	simm.s32 $0x20  }
0x3ec: {  	s7 =	simm.s32 $0x40;
	v15 =	vmov s6  }
.LBB2_22:
0x3ed: {  	p0 =	sne.s32 s7, $0x3E0;
	v15 =	vshll.u32 v15, $0x2  }
0x3ee: {  	v15 =	vor.u32 v7, v15;
	[tilespmem:s5+$0x10] =	vst v14  }
0x3ef: {  	v14 =	vand.u32 $0xFB8, v15;
	v13 =	vld.idx.msk [tilespmem:v13+s24+$0x0], $0xffff  }
0x3f0: {  	v14 =	vor.u32 v8, v14  }
0x3f1: {  	v15 =	vor.u32 v9, v14;
	_ =	sdelay $0x3  }
0x3f2: {  	[tilespmem:s5+$0x410] =	vst v13  }
0x3f3: {  	v13 =	vld.idx.msk [tilespmem:v15+s24+$0x0], $0xffff;
	_ =	sdelay $0x1  }
0x3f4: {  	v15 =	vor.u32 v10, v14;
	_ =	sdelay $0x2  }
0x3f5: {  	s5 =	sadd.s32 $0x20, s5  }
0x3f6: {  	[tilespmem:s5+$0xFFFFF800] =	vst v13  }
0x3f7: {  	v13 =	vld.idx.msk [tilespmem:v15+s24+$0x0], $0xffff;
	_ =	sdelay $0x1  }
0x3f8: {  	v15 =	vor.u32 v11, v14;
	_ =	sdelay $0x3  }
0x3f9: {  	[tilespmem:s5+$0xFFFFFC00] =	vst v13  }
0x3fa: {  	v13 =	vld.idx.msk [tilespmem:v15+s24+$0x0], $0xffff;
	_ =	sdelay $0x1  }
0x3fb: {  	v14 =	vor.u32 v12, v14  }
0x3fc: {  	s10 =	sadd.s32 $0x10, s6;
	s6 =	smov.u32 s7  }
0x3fd: {  	v15 =	vmov s10  }
0x3fe: {  	v15 =	vshll.u32 v15, $0x2  }
0x3ff: {  	[tilespmem:s5+$0x0] =	vst v13;
	v13 =	vor.u32 v7, v15  }
0x400: {  	v14 =	vld.idx.msk [tilespmem:v14+s24+$0x0], $0xffff;
	v13 =	vand.u32 $0x7FFFFFF8, v13  }
0x401: {  	v13 =	vadd.s32 v8, v13  }
0x402: {  	v15 =	vor.u32 v9, v13;
	_ =	sdelay $0x3  }
0x403: {  	[tilespmem:s5+$0x400] =	vst v14  }
0x404: {  	v14 =	vld.idx.msk [tilespmem:v15+s24+$0x0], $0xffff;
	_ =	sdelay $0x1  }
0x405: {  	v15 =	vor.u32 v10, v13;
	_ =	sdelay $0x3  }
0x406: {  	[tilespmem:s5+$0xFFFFF810] =	vst v14  }
0x407: {  	v14 =	vld.idx.msk [tilespmem:v15+s24+$0x0], $0xffff;
	_ =	sdelay $0x1  }
0x408: {  	v15 =	vor.u32 v11, v13;
	_ =	sdelay $0x3  }
0x409: {  	[tilespmem:s5+$0xFFFFFC10] =	vst v14  }
.Ltmp10:
0x40a: {  	v14 =	vld.idx.msk [tilespmem:v15+s24+$0x0], $0xffff;
	(pc) =	sbr.rel @p0 .LBB2_22-.Ltmp10, $3  }
0x40b: {  	_ = 	snop  }
0x40c: {  	v13 =	vor.u32 v12, v13;
	_ =	sdelay $0x1  }
0x40d: {  	s7 =	sadd.s32 $0x20, s7;
	v15 =	vmov s6  }
0x40e: {  	_ = 	snop  }
0x40f: {  	v15 =	vshll.u32 v15, $0x2  }
0x410: {  	v15 =	vor.u32 v7, v15  }
0x411: {  	[tilespmem:s5+$0x10] =	vst v14;
	v57 =	vand.u32 $0xFB8, v15  }
0x412: {  	v13 =	vld.idx.msk [tilespmem:v13+s24+$0x0], $0xffff;
	v14 =	vor.u32 v8, v57  }
0x413: {  	v58 =	vor.u32 v9, v14;
	_ =	sdelay $0x3  }
0x414: {  	[tilespmem:s5+$0x410] =	vst v13  }
0x415: {  	v13 =	vld.idx.msk [tilespmem:v58+s24+$0x0], $0xffff  }
0x416: {  	v59 =	vor.u32 v10, v14;
	_ =	sdelay $0x2  }
0x417: {  	s10 =	sadd.s32 $0x20, s5  }
0x418: {  	[tilespmem:s10+$0xFFFFF800] =	vst v13  }
0x419: {  	v13 =	vld.idx.msk [tilespmem:v59+s24+$0x0], $0xffff  }
0x41a: {  	v60 =	vor.u32 v11, v14;
	_ =	sdelay $0x3  }
0x41b: {  	[tilespmem:s10+$0xFFFFFC00] =	vst v13  }
0x41c: {  	v13 =	vld.idx.msk [tilespmem:v60+s24+$0x0], $0xffff  }
0x41d: {  	s6 =	sadd.s32 $0x10, s6;
	v14 =	vor.u32 v12, v14  }
0x41e: {  	v61 =	vmov s6  }
0x41f: {  	v15 =	vshll.u32 v61, $0x2  }
0x420: {  	v7 =	vor.u32 v7, v15  }
0x421: {  	v7 =	vand.u32 $0x7FFFFFF8, v7;
	[tilespmem:s10+$0x0] =	vst v13  }
0x422: {  	v7 =	vadd.s32 v8, v7;
	v13 =	vld.idx.msk [tilespmem:v14+s24+$0x0], $0xffff  }
0x423: {  	v8 =	vor.u32 v9, v7;
	_ =	sdelay $0x3  }
0x424: {  	[tilespmem:s10+$0x400] =	vst v13  }
0x425: {  	v8 =	vld.idx.msk [tilespmem:v8+s24+$0x0], $0xffff  }
0x426: {  	v62 =	vor.u32 v10, v7;
	_ =	sdelay $0x3  }
0x427: {  	[tilespmem:s10+$0xFFFFF810] =	vst v8  }
0x428: {  	v8 =	vld.idx.msk [tilespmem:v62+s24+$0x0], $0xffff  }
0x429: {  	v63 =	vor.u32 v11, v7;
	_ =	sdelay $0x3  }
0x42a: {  	[tilespmem:s10+$0xFFFFFC10] =	vst v8  }
0x42b: {  	v8 =	vld.idx.msk [tilespmem:v63+s24+$0x0], $0xffff  }
0x42c: {  	v7 =	vor.u32 v12, v7;
	_ =	sdelay $0x3  }
0x42d: {  	[tilespmem:s10+$0x10] =	vst v8  }
0x42e: {  	v7 =	vld.idx.msk [tilespmem:v7+s24+$0x0], $0xffff;
	_ =	sdelay $0x1  }
0x42f: {  	s7 =	sshll.u32 s8, $0xA  }
0x430: {  	s6 =	sadd.s32 s0, s7  }
0x431: {  	s6 =	sshrl.u32 s6, $0x3  }
0x432: {  	s8 =	sadd.s32 $0x1, s8;
	[tilespmem:s10+$0x410] =	vst v7;
	s10 =	sadd.s32 s11, s6  }
0x433: {  	[hbm4b:s10+s3] =	stream.linear.scatter [tilespmem:s29], [sflag:$0x4], $0x400, $0x38;
	[tilespmem:$0x1CC00] =	vst v63  }
0x434: {  	p0 =	sne.s32 s8, $0x10;
	s7 =	sadd.s32 s6, s21  }
0x435: {  	[hbm4b:s7+s3] =	stream.linear.scatter [tilespmem:s30], [sflag:$0x4], $0x400, $0x38;
	[tilespmem:$0x1CC00] =	vst v63  }
.Ltmp11:
0x436: {  	_ = 	snop;
	(pc) =	sbr.rel @p0 .LBB2_17-.Ltmp11, $4  }
0x437: {  	s10 =	sadd.s32 s6, s22  }
0x438: {  	[hbm4b:s10+s3] =	stream.linear.scatter [tilespmem:s31], [sflag:$0x4], $0x400, $0x38;
	[tilespmem:$0x1CC00] =	vst v63  }
0x439: {  	s7 =	sadd.s32 s6, s23;
	s10 =	simm.s32 $0x1C000  }
0x43a: {  	[hbm4b:s7+s3] =	stream.linear.scatter [tilespmem:s10], [sflag:$0x4], $0x400, $0x38;
	[tilespmem:$0x1CC00] =	vst v63  }
0x43b: {  	_ =	swait.ge [sflag:s25], $0x400  }
0x43c: {  	[sflag:s25] =	ssyncset.done $0x0  }
0x43d: {  	[sflag:s25] =	ssyncadd.s32 $0xFFFFFC00  }
0x43e: {  	_ =	swait.ge [sflag:s25], $0x400  }
0x43f: {  	[sflag:s25] =	ssyncset.done $0x0  }
0x440: {  	[sflag:s25] =	ssyncadd.s32 $0xFFFFFC00  }
0x441: {  	_ =	swait.ge [sflag:s25], $0x400  }
0x442: {  	[sflag:s25] =	ssyncset.done $0x0  }
0x443: {  	[sflag:s25] =	ssyncadd.s32 $0xFFFFFC00  }
0x444: {  	_ =	swait.ge [sflag:s25], $0x400  }
0x445: {  	[sflag:s25] =	ssyncset.done $0x0  }
0x446: {  	[sflag:s25] =	ssyncadd.s32 $0xFFFFFC00  }
0x447: {  	_ =	swait.ge [sflag:s4], $0x800  }
0x448: {  	[sflag:s4] =	ssyncset.done $0x0  }
0x449: {  	[sflag:s4] =	ssyncadd.s32 $0xFFFFF800  }
0x44a: {  	_ =	swait.ge [sflag:s4], $0x800  }
0x44b: {  	[sflag:s4] =	ssyncset.done $0x0  }
0x44c: {  	[sflag:s4] =	ssyncadd.s32 $0xFFFFF800  }
0x44d: {  	_ =	swait.ge [sflag:s4], $0x800  }
0x44e: {  	[sflag:s4] =	ssyncset.done $0x0  }
0x44f: {  	[sflag:s4] =	ssyncadd.s32 $0xFFFFF800  }
0x450: {  	_ =	swait.ge [sflag:s4], $0x800  }
0x451: {  	[sflag:s4] =	ssyncset.done $0x0  }
0x452: {  	[sflag:s4] =	ssyncadd.s32 $0xFFFFF800  }
0x453: {  	_ =	swait.ge [sflag:s4], $0x800  }
0x454: {  	[sflag:s4] =	ssyncset.done $0x0  }
0x455: {  	[sflag:s4] =	ssyncadd.s32 $0xFFFFF800  }
0x456: {  	_ =	swait.ge [sflag:s4], $0x800  }
0x457: {  	[sflag:s4] =	ssyncset.done $0x0  }
0x458: {  	[sflag:s4] =	ssyncadd.s32 $0xFFFFF800  }
0x459: {  	_ =	swait.ge [sflag:s4], $0x800  }
0x45a: {  	[sflag:s4] =	ssyncset.done $0x0  }
0x45b: {  	[sflag:s4] =	ssyncadd.s32 $0xFFFFF800  }
0x45c: {  	_ =	swait.ge [sflag:s4], $0x800  }
0x45d: {  	[sflag:s4] =	ssyncset.done $0x0  }
0x45e: {  	[sflag:s4] =	ssyncadd.s32 $0xFFFFF800  }
0x45f: {  	_ =	swait.ge [sflag:s4], $0x800  }
0x460: {  	[sflag:s4] =	ssyncset.done $0x0  }
0x461: {  	[sflag:s4] =	ssyncadd.s32 $0xFFFFF800  }
0x462: {  	_ =	swait.ge [sflag:s4], $0x800  }
0x463: {  	[sflag:s4] =	ssyncset.done $0x0  }
0x464: {  	[sflag:s4] =	ssyncadd.s32 $0xFFFFF800  }
0x465: {  	_ =	swait.ge [sflag:s4], $0x800  }
0x466: {  	[sflag:s4] =	ssyncset.done $0x0  }
0x467: {  	[sflag:s4] =	ssyncadd.s32 $0xFFFFF800  }
0x468: {  	_ =	swait.ge [sflag:s4], $0x800  }
0x469: {  	[sflag:s4] =	ssyncset.done $0x0  }
0x46a: {  	[sflag:s4] =	ssyncadd.s32 $0xFFFFF800  }
0x46b: {  	_ =	swait.ge [sflag:s4], $0x800  }
0x46c: {  	[sflag:s4] =	ssyncset.done $0x0  }
0x46d: {  	[sflag:s4] =	ssyncadd.s32 $0xFFFFF800  }
0x46e: {  	_ =	swait.ge [sflag:s4], $0x800  }
0x46f: {  	[sflag:s4] =	ssyncset.done $0x0  }
0x470: {  	[sflag:s4] =	ssyncadd.s32 $0xFFFFF800  }
0x471: {  	_ =	swait.ge [sflag:s4], $0x800  }
0x472: {  	[sflag:s4] =	ssyncset.done $0x0  }
0x473: {  	[sflag:s4] =	ssyncadd.s32 $0xFFFFF800  }
0x474: {  	_ =	swait.ge [sflag:s4], $0x800  }
0x475: {  	[sflag:s4] =	ssyncset.done $0x0  }
0x476: {  	[sflag:s4] =	ssyncadd.s32 $0xFFFFF800  }
0x477: {  	_ =	swait.ge [sflag:s4], $0x800  }
0x478: {  	[sflag:s4] =	ssyncset.done $0x0  }
0x479: {  	[sflag:s4] =	ssyncadd.s32 $0xFFFFF800  }
0x47a: {  	_ =	swait.ge [sflag:s4], $0x800  }
0x47b: {  	[sflag:s4] =	ssyncset.done $0x0  }
0x47c: {  	[sflag:s4] =	ssyncadd.s32 $0xFFFFF800  }
0x47d: {  	_ =	swait.ge [sflag:s4], $0x800  }
0x47e: {  	[sflag:s4] =	ssyncset.done $0x0  }
0x47f: {  	[sflag:s4] =	ssyncadd.s32 $0xFFFFF800  }
0x480: {  	_ =	swait.ge [sflag:s4], $0x800  }
0x481: {  	[sflag:s4] =	ssyncset.done $0x0  }
0x482: {  	[sflag:s4] =	ssyncadd.s32 $0xFFFFF800  }
0x483: {  	_ =	swait.ge [sflag:s4], $0x800  }
0x484: {  	[sflag:s4] =	ssyncset.done $0x0  }
0x485: {  	[sflag:s4] =	ssyncadd.s32 $0xFFFFF800  }
0x486: {  	_ =	swait.ge [sflag:s4], $0x800  }
0x487: {  	[sflag:s4] =	ssyncset.done $0x0  }
0x488: {  	[sflag:s4] =	ssyncadd.s32 $0xFFFFF800  }
0x489: {  	_ =	swait.ge [sflag:s4], $0x800  }
0x48a: {  	[sflag:s4] =	ssyncset.done $0x0  }
0x48b: {  	[sflag:s4] =	ssyncadd.s32 $0xFFFFF800  }
0x48c: {  	_ =	swait.ge [sflag:s4], $0x800  }
0x48d: {  	[sflag:s4] =	ssyncset.done $0x0  }
0x48e: {  	[sflag:s4] =	ssyncadd.s32 $0xFFFFF800  }
0x48f: {  	_ =	swait.ge [sflag:s4], $0x800  }
0x490: {  	[sflag:s4] =	ssyncset.done $0x0  }
0x491: {  	[sflag:s4] =	ssyncadd.s32 $0xFFFFF800  }
0x492: {  	_ =	swait.ge [sflag:s4], $0x800  }
0x493: {  	[sflag:s4] =	ssyncset.done $0x0  }
0x494: {  	[sflag:s4] =	ssyncadd.s32 $0xFFFFF800  }
0x495: {  	_ =	swait.ge [sflag:s4], $0x800  }
0x496: {  	[sflag:s4] =	ssyncset.done $0x0  }
0x497: {  	[sflag:s4] =	ssyncadd.s32 $0xFFFFF800  }
0x498: {  	_ =	swait.ge [sflag:s4], $0x800  }
0x499: {  	[sflag:s4] =	ssyncset.done $0x0  }
0x49a: {  	[sflag:s4] =	ssyncadd.s32 $0xFFFFF800  }
0x49b: {  	_ =	swait.ge [sflag:s4], $0x800  }
0x49c: {  	[sflag:s4] =	ssyncset.done $0x0  }
0x49d: {  	[sflag:s4] =	ssyncadd.s32 $0xFFFFF800  }
0x49e: {  	_ =	swait.ge [sflag:s4], $0x800  }
0x49f: {  	[sflag:s4] =	ssyncset.done $0x0  }
0x4a0: {  	[sflag:s4] =	ssyncadd.s32 $0xFFFFF800  }
0x4a1: {  	_ =	swait.ge [sflag:s4], $0x800  }
0x4a2: {  	[sflag:s4] =	ssyncset.done $0x0  }
0x4a3: {  	[sflag:s4] =	ssyncadd.s32 $0xFFFFF800  }
0x4a4: {  	_ =	swait.ge [sflag:s4], $0x800  }
0x4a5: {  	s0 =	sld [smem:$0x7F0];
	_ =	sdelay $0x2  }
0x4a6: {  	s0 =	sadd.s32 $0x1, s0  }
0x4a7: {  	p0 =	sne.s32 s0, $0x18  }
.Ltmp12:
0x4a8: {  	_ = 	snop;
	(pc) =	sbr.rel @p0 .LBB2_6-.Ltmp12, $3  }
0x4a9: {  	[sflag:s4] =	ssyncset.done $0x0  }
0x4aa: {  	[sflag:s4] =	ssyncadd.s32 $0xFFFFF800  }
0x4ab: {  	[bflag:$0x0] =	sbarrier.arrive $0xFFFF;
	_ =	sdelay $0x1  }
0x4ac: {  	s5 =	sld [smem:$0x7F1];
	_ =	sdelay $0x2  }
0x4ad: {  	s0 =	rddreg [dreg:$0x12];
	s5 =	sadd.s32 $0x1, s5  }
0x4ae: {  	p0 =	sne.s32 s5, s0  }
.Ltmp13:
0x4af: {  	_ = 	snop;
	(pc) =	sbr.rel @p0 .LBB2_1-.Ltmp13, $1  }
0x4b0: {  	_ =	sdelay $0x3  }
0x4b1: {  	_ =	sfence.sel $0x180000  }
0x4b2: {  	[bflag:$0x0] =	sbarrier.arrive $0xFFFF  }
0x4b3: {  	_ =	strace $0x9000004A  }
0x4b4: {  	s0 =	stileid.u32;
	[bflag:$0x2] =	sbarrier.arrive $0xFFFF  }
0x4b5: {  	p0 =	sne.s32 s0, $0x0;
	s0 =	rddreg [dreg:$0x3]  }
0x4b6: {  	s0 =	sadd.s32 @!p0 $0x100000, s0  }
0x4b7: {  	[sflag:s0] =	ssyncadd.tile.s32 @!p0 $0x1;
	_ =	shalt  }
.Lfunc_end2:
_tile_overlayer_lowered:
.L_overlay_start_2:
0x4b8: {  	(tag) =	ssettag $0x2  }
0x4b9: {  	s0 =	rddreg [dreg:$0x0];
	s2 =	stileid.u32  }
0x4ba: {  	s1 =	rddreg [dreg:$0x1];
	p0 =	sne.s32 s2, $0x0  }
0x4bb: {  	s3 =	rddreg [dreg:$0x2];
	[bflag:$0x3] =	sbarrier.arrive $0xFFFF;
	s2 =	simm.s32 @!p0 $0x1C05  }
0x4bc: {  	[timem:s3], [sflag:s2] =	dma.local @!p0 [hbm:s0], s1  }
0x4bd: {  	s0 =	simm.s32 @!p0 $0x5  }
0x4be: {  	_ =	swait.ge @!p0 [sflag:s0], s1  }
0x4bf: {  	s1 =	ssub.s32 @!p0 $0x0, s1;
	[sflag:s0] =	ssyncset.done @!p0 $0x0  }
0x4c0: {  	[sflag:s0] =	ssyncadd.s32 @!p0 s1  }
0x4c1: {  	[bflag:$0x3] =	sbarrier.arrive $0xFFFF  }
0x4c2: {  	_ =	shalt  }

// kernel: sparse-core-data-format-call.cloned.1.call-start
scs
called_computation_lowered:
.L_overlay_start_0:
0x0: {  	s2 =	sld [smem:$0x3FD9]  }
0x1: {  	s3 =	sld [smem:$0x3FFE];
	_ =	sdelay $0x1  }
0x2: {  	s1 =	srdreg.scid  }
0x3: {  	s0 =	sand.u32 $0x1, s1  }
0x4: {  	s19 =	sshll.u32 s0, $0xA;
	s2 =	sadd.s32 s3, s2  }
0x5: {  	s2 =	sadd.s32 s2, s19  }
0x6: {  	[smem:$0x3FC6] =	sst s2  }
0x7: {  	_ = 	snop  }
0x8: {  	s2 =	sld [smem:$0x3FC9]  }
0x9: {  	s20 =	sld [smem:$0x3FD0];
	(tm) =	ssettm $0x1  }
0xa: {  	s4 =	sld [smem:$0x3FFB];
	_ =	sdelay $0x3  }
0xb: {  	_ =	strace s4  }
0xc: {  	s4 =	sld [smem:$0x3FFC];
	_ =	sdelay $0x3  }
0xd: {  	_ =	strace s4  }
0xe: {  	s4 =	sld [smem:$0x3FFD];
	_ =	sdelay $0x3  }
0xf: {  	_ =	strace s4  }
0x10: {  	_ =	strace $0x8FFFFFFF  }
0x11: {  	s21 =	sld [smem:$0x3FDB];
	_ =	sdelay $0x1  }
0x12: {  	s5 =	simm.s32 $_scs_section_size  }
0x13: {  	s6 =	simm.s32 $_size__tile_overlayer_lowered;
	s7 =	simm.s32 $_tile_overlayer_lowered  }
0x14: {  	s24 =	simm.s32 $0x1BFF;
	s23 =	sshll.u32 s7, $0x1;
	s4 =	sadd.s32 s5, s21  }
0x15: {  	s8 =	simm.s32 $0x0;
	s22 =	sshll.u32 s6, $0x1;
	s6 =	sadd.s32 s23, s4  }
0x16: {  	[timem:s8], [sflag:s24] =	dma.local [hbm:s6], s22  }
0x17: {  	_ =	swait.ge [sflag:s24], s22  }
0x18: {  	s5 =	ssub.s32 $0x0, s22;
	[sflag:s24] =	ssyncset.done $0x0  }
0x19: {  	[sflag:s24] =	ssyncadd.s32 s5;
	_ =	sdelay $0x1  }
0x1a: {  	s25 =	simm.s32 $0x1B8B  }
0x1b: {  	_ =	swait.ge [sflag:s25], $0x1  }
0x1c: {  	[sflag:s25] =	ssyncset.done $0x0  }
0x1d: {  	s26 =	simm.s32 $0x1B8E;
	[sflag:s25] =	ssyncadd.s32 $0xFFFFFFFF  }
0x1e: {  	s27 =	simm.s32 $execute0_lowered;
	[smem:$0x3FD2] =	sst s26  }
0x1f: {  	s5 =	sshll.u32 s27, $0x1;
	_ =	strace $0x80000046;
	[dreg:$0x1] =	wrdreg $0xFFFFFFFF  }
0x20: {  	s28 =	simm.s32 $_size_execute0_lowered;
	s4 =	sadd.s32 s4, s5;
	[dreg:$0x0] =	wrdreg $0x0  }
0x21: {  	s5 =	sshll.u32 s28, $0x1;
	[dreg:$0x2] =	wrdreg s4  }
0x22: {  	[dreg:$0x3] =	wrdreg s5  }
0x23: {  	[dreg:$0x4] =	wrdreg $0xC0  }
0x24: {  	_ =	task [dreg:s8], $0x5FFFF  }
0x25: {  	[dreg:$0x1] =	wrdreg $0xFFFFFFFF  }
0x26: {  	[dreg:$0x0] =	wrdreg $0x60  }
0x27: {  	[dreg:$0x2] =	wrdreg s2  }
0x28: {  	[dreg:$0x3] =	wrdreg s20  }
0x29: {  	[dreg:$0x4] =	wrdreg $0x9  }
0x2a: {  	_ =	task.clear_ibuf [dreg:s8], $0x5FFFF;
	_ =	strace $0x90000046  }
0x2b: {  	s29 =	simm.s32 $0x9;
	_ =	strace $0x80000048  }
0x2c: {  	_ =	swait.ge [sflag:s29], $0x1  }
0x2d: {  	[sflag:s29] =	ssyncadd.s32 $0xFFFFFFFF  }
0x2e: {  	_ =	strace $0x90000048  }
0x2f: {  	_ =	sfence  }
0x30: {  	s30 =	sld [smem:$0x0];
	_ =	sdelay $0x2  }
0x31: {  	s31 =	sshll.u32 s1, $0xD;
	s1 =	sshrl.u32 s1, $0x2  }
0x32: {  	s3 =	sand.u32 $0x4000, s31;
	s1 =	sadd.s32 s1, s30  }
0x33: {  	s0 =	sor.u32 s3, s0;
	s1 =	sshll.u32 s1, $0x11  }
0x34: {  	s0 =	sor.u32 s1, s0  }
0x35: {  	s0 =	sadd.s32 $0x8F2B, s0  }
0x36: {  	[sflag:s0] =	ssyncadd.remote.s32 $0x1  }
0x37: {  	_ =	sfence.sel $0xFFFF  }
0x38: {  	[dreg:$0x0] =	wrdreg $0xFFFFFFFF;
	(pc) =	sbr.abs _section_cstart, $3  }
0x39: {  	[dreg:$0x1] =	wrdreg $0xFFFFFFFF  }
0x3a: {  	_ =	task.clear_ibuf [dreg:s8], $0x2FFFF;
	_ =	strace $0x9FFFFFFF  }
0x3b: {  	(tm) =	ssettm $0x7FFFFFFF  }
tec
execute0_lowered:
.L_overlay_start_1:
0x0: {  	(tag) =	ssettag $0x1  }
0x1: {  	s0 =	srdreg.scid  }
0x2: {  	s1 =	sshll.u32 s0, $0x4  }
0x3: {  	s2 =	rddreg [dreg:$0x0];
	s0 =	stileid.u32;
	s1 =	sand.u32 $0x10, s1  }
0x4: {  	s4 =	rddreg [dreg:$0x1];
	s1 =	sor.u32 s0, s1  }
0x5: {  	s7 =	simm.s32 $0x1;
	s8 =	simm.s32 $0x2;
	s3 =	sshll.u32 s1, $0x2  }
0x6: {  	s9 =	simm.s32 $0x0;
	s12 =	simm.s32 $0x0;
	s6 =	ssub.s32 $0x3000, s3  }
.Ltmp0:
0x7: {  	s11 =	simm.s32 $0x0;
	s5 =	sand.u32 $0x7C, s6;
	(pc) =	sbr.rel .LBB1_1-.Ltmp0, $4  }
0x8: {  	s1 =	rddreg [dreg:$0x2];
	_ =	strace $0x80000047;
	p0 =	sne.s32 s5, $0x0  }
0x9: {  	s6 =	sshrl.u32 s6, $0x7;
	s5 =	simm.s32 $0x1;
	s7 =	simm.s32 @!p0 $0x0  }
0xa: {  	s10 =	smov.u32 s3;
	[sflag:s5] =	ssyncpa.u1 $0x0;
	s6 =	sadd.s32 s7, s6  }
0xb: {  	[sflag:s8] =	ssyncpa.u1 $0x0;
	s8 =	simm.s32 $0x0;
	s7 =	sadd.s32 $0x1, s6  }
.LBB1_9:
0xc: {  	s14 =	sadd.s32 $0x80, s10  }
0xd: {  	p1 =	sgt.s32 s14, $0x2FFF  }
0xe: {  	s14 =	smov.u32 @p1 s3;
	p1 =	sne.s32 s11, s7  }
.Ltmp1:
0xf: {  	p0 =	slt.u32 s11, $0x2;
	(pc) =	sbr.rel @!p1 .LBB1_10-.Ltmp1, $4  }
0x10: {  	s13 =	simm.s32 @!p0 $0x2  }
0x11: {  	s15 =	sadd.s32 $0x1, s11;
	_ =	swait.ge @!p0 [sflag:s13], $0x4000  }
0x12: {  	s12 =	smov.u32 s10;
	s9 =	sadd.s32 $0x4000, s9;
	[sflag:s13] =	ssyncset.done @!p0 $0x0  }
0x13: {  	s11 =	smov.u32 s15;
	s10 =	smov.u32 s14;
	[sflag:s13] =	ssyncadd.s32 @!p0 $0xFFFFC000  }
.LBB1_1:
0x14: {  	p0 =	sge.u32 s11, s6  }
0x15: {  	s13 =	sxor.u32 @!p0 $0xFFFFFFFF, s11  }
0x16: {  	s31 =	sadd.s32 $0xFFFFFFFF, s11;
	s14 =	sshll.u32 @!p0 s10, $0x9;
	s13 =	sshll.u32 @!p0 s13, $0xE  }
0x17: {  	s15 =	simm.s32 @!p0 $0x0;
	s14 =	sadd.s32 @!p0 s2, s14;
	s13 =	sand.u32 @!p0 $0x4000, s13  }
0x18: {  	[tilespmem:s13], [sflag:$0x1] =	stream.linear.gather @!p0 [hbm4b:s14+s15], $0x4000, $0x38;
	[tilespmem:$0x10000] =	vst v63  }
0x19: {  	p0 =	sge.u32 s31, s6  }
.Ltmp2:
0x1a: {  	_ = 	snop;
	(pc) =	sbr.rel @p0 .LBB1_9-.Ltmp2, $1  }
0x1b: {  	_ =	sdelay $0x3  }
0x1c: {  	s14 =	sand.u32 $0x4000, s9  }
0x1d: {  	_ =	swait.ge [sflag:s5], $0x4000;
	s15 =	sshll.u32 s11, $0xE;
	s16 =	simm.s32 $0x0  }
0x1e: {  	s13 =	sor.u32 $0x40, s14;
	[sflag:s5] =	ssyncset.done $0x0;
	s15 =	sand.u32 $0x4000, s15  }
0x1f: {  	s14 =	sor.u32 $0x8040, s14;
	[sflag:s5] =	ssyncadd.s32 $0xFFFFC000;
	s15 =	sor.u32 $0x8000, s15  }
.LBB1_3:
0x20: {  	s17 =	smov.u32 s14;
	s18 =	smov.u32 s13;
	s19 =	simm.s32 $0x0  }
.LBB1_4:
0x21: {  	v0 =	vmov s17;
	v2 =	vld [tilespmem:s18+$0x30]  }
0x22: {  	v4 =	vld [tilespmem:s18+$0xFFFFFFD0]  }
0x23: {  	v6 =	vld [tilespmem:s18+$0xFFFFFFE0]  }
0x24: {  	v7 =	vld [tilespmem:s18+$0xFFFFFFF0]  }
0x25: {  	s20 =	simm.s32 $0x0;
	v1 =	vld [tilespmem:s18+$0x0]  }
0x26: {  	v3 =	vld [tilespmem:s18+$0x10];
	[tilespmem:v0+s20+$0x30 ss:$0x1] =	vst.idx.msk $0xffff, v2  }
0x27: {  	v5 =	vld [tilespmem:s18+$0x20];
	[tilespmem:v0+s20+$0xFFFFFFD0 ss:$0x1] =	vst.idx.msk $0xffff, v4  }
0x28: {  	s21 =	sadd.s32 $0x80, s18;
	v2 =	vld [tilespmem:s18+$0xFFFFFFC0];
	[tilespmem:v0+s20+$0xFFFFFFE0 ss:$0x1] =	vst.idx.msk $0xffff, v6  }
0x29: {  	s22 =	simm.s32 $0x800;
	s23 =	simm.s32 $0x1000;
	v4 =	vld [tilespmem:s21+$0x30];
	[tilespmem:v0+s20+$0xFFFFFFF0 ss:$0x1] =	vst.idx.msk $0xffff, v7  }
.LBB1_5:
0x2a: {  	p0 =	sne.s32 s23, $0x3800;
	v6 =	vld [tilespmem:s21+$0xFFFFFFD0];
	[tilespmem:v0+s20+$0x0 ss:$0x1] =	vst.idx.msk $0xffff, v1  }
0x2b: {  	v7 =	vld [tilespmem:s21+$0xFFFFFFE0];
	[tilespmem:v0+s20+$0x10 ss:$0x1] =	vst.idx.msk $0xffff, v3  }
0x2c: {  	v8 =	vld [tilespmem:s21+$0xFFFFFFF0];
	[tilespmem:v0+s20+$0x20 ss:$0x1] =	vst.idx.msk $0xffff, v5  }
.Ltmp3:
0x2d: {  	v1 =	vld [tilespmem:s21+$0x0];
	[tilespmem:v0+s20+$0xFFFFFFC0 ss:$0x1] =	vst.idx.msk $0xffff, v2;
	s20 =	sshra.s32 s22, $0x2;
	s22 =	smov.u32 s23;
	(pc) =	sbr.rel @p0 .LBB1_5-.Ltmp3, $4  }
0x2e: {  	v3 =	vld [tilespmem:s21+$0x10];
	[tilespmem:v0+s20+$0x30 ss:$0x1] =	vst.idx.msk $0xffff, v4  }
0x2f: {  	[tilespmem:v0+s20+$0xFFFFFFD0 ss:$0x1] =	vst.idx.msk $0xffff, v6;
	v5 =	vld [tilespmem:s21+$0x20]  }
0x30: {  	v2 =	vld [tilespmem:s21+$0xFFFFFFC0];
	[tilespmem:v0+s20+$0xFFFFFFE0 ss:$0x1] =	vst.idx.msk $0xffff, v7;
	s21 =	sadd.s32 $0x80, s21  }
0x31: {  	s23 =	sadd.s32 $0x800, s23;
	v4 =	vld [tilespmem:s21+$0x30];
	[tilespmem:v0+s20+$0xFFFFFFF0 ss:$0x1] =	vst.idx.msk $0xffff, v8  }
0x32: {  	_ =	sdelay $0x3  }
0x33: {  	v6 =	vld [tilespmem:s21+$0xFFFFFFD0];
	[tilespmem:v0+s20+$0x0 ss:$0x1] =	vst.idx.msk $0xffff, v1  }
0x34: {  	v58 =	vld [tilespmem:s21+$0xFFFFFFE0];
	[tilespmem:v0+s20+$0x10 ss:$0x1] =	vst.idx.msk $0xffff, v3  }
0x35: {  	v59 =	vld [tilespmem:s21+$0xFFFFFFF0];
	[tilespmem:v0+s20+$0x20 ss:$0x1] =	vst.idx.msk $0xffff, v5  }
0x36: {  	s22 =	sshra.s32 s22, $0x2;
	v60 =	vld [tilespmem:s21+$0x0];
	[tilespmem:v0+s20+$0xFFFFFFC0 ss:$0x1] =	vst.idx.msk $0xffff, v2  }
0x37: {  	v61 =	vld [tilespmem:s21+$0x10];
	[tilespmem:v0+s22+$0x30 ss:$0x1] =	vst.idx.msk $0xffff, v4  }
0x38: {  	v62 =	vld [tilespmem:s21+$0x20];
	s19 =	sadd.s32 $0x1, s19;
	[tilespmem:v0+s22+$0xFFFFFFD0 ss:$0x1] =	vst.idx.msk $0xffff, v6  }
0x39: {  	v63 =	vld [tilespmem:s21+$0xFFFFFFC0];
	p0 =	sne.s32 s19, $0x4;
	[tilespmem:v0+s22+$0xFFFFFFE0 ss:$0x1] =	vst.idx.msk $0xffff, v58  }
.Ltmp4:
0x3a: {  	[tilespmem:v0+s22+$0xFFFFFFF0 ss:$0x1] =	vst.idx.msk $0xffff, v59;
	(pc) =	sbr.rel @p0 .LBB1_4-.Ltmp4, $4  }
0x3b: {  	[tilespmem:v0+s22+$0x0 ss:$0x1] =	vst.idx.msk $0xffff, v60  }
0x3c: {  	[tilespmem:v0+s22+$0x10 ss:$0x1] =	vst.idx.msk $0xffff, v61  }
0x3d: {  	[tilespmem:v0+s22+$0x20 ss:$0x1] =	vst.idx.msk $0xffff, v62  }
0x3e: {  	s18 =	sadd.s32 $0x400, s18;
	s17 =	sadd.s32 $0x80, s17;
	[tilespmem:v0+s22+$0xFFFFFFC0 ss:$0x1] =	vst.idx.msk $0xffff, v63  }
0x3f: {  	s16 =	sadd.s32 $0x1, s16  }
0x40: {  	p0 =	sne.s32 s16, $0x4  }
.Ltmp5:
0x41: {  	_ = 	snop;
	(pc) =	sbr.rel @p0 .LBB1_3-.Ltmp5, $2  }
0x42: {  	_ =	sdelay $0x2  }
0x43: {  	s13 =	sadd.s32 $0x1000, s13;
	s14 =	sadd.s32 $0x1000, s14  }
.Ltmp6:
0x44: {  	(pc) =	sbr.rel .LBB1_9-.Ltmp6, $4  }
0x45: {  	_ = 	snop  }
0x46: {  	s12 =	sshll.u32 s12, $0x9  }
0x47: {  	s12 =	sadd.s32 s4, s12  }
0x48: {  	[hbm4b:s12+s8] =	stream.linear.scatter [tilespmem:s15], [sflag:$0x2], $0x4000, $0x38;
	[tilespmem:$0x10000] =	vst v63  }
.LBB1_10:
0x49: {  	_ =	sfence.sel $0x180000  }
0x4a: {  	s2 =	simm.s32 $0x1;
	[bflag:$0x0] =	sbarrier.arrive $0xFFFF  }
0x4b: {  	s31 =	simm.s32 $0x2;
	[sflag:s2] =	ssyncpa.u1 $0x1  }
0x4c: {  	[sflag:s31] =	ssyncpa.u1 $0x1  }
0x4d: {  	p0 =	sne.s32 s0, $0x0;
	_ =	strace $0x90000047  }
0x4e: {  	s0 =	sadd.s32 @!p0 $0x100000, s1;
	[bflag:$0x2] =	sbarrier.arrive $0xFFFF  }
0x4f: {  	[sflag:s0] =	ssyncadd.tile.s32 @!p0 $0x1;
	_ =	shalt  }
.Lfunc_end1:
_tile_overlayer_lowered:
.L_overlay_start_2:
0x50: {  	(tag) =	ssettag $0x2  }
0x51: {  	s0 =	rddreg [dreg:$0x0];
	s2 =	stileid.u32  }
0x52: {  	s1 =	rddreg [dreg:$0x1];
	p0 =	sne.s32 s2, $0x0  }
0x53: {  	s3 =	rddreg [dreg:$0x2];
	[bflag:$0x3] =	sbarrier.arrive $0xFFFF;
	s2 =	simm.s32 @!p0 $0x1C01  }
0x54: {  	[timem:s3], [sflag:s2] =	dma.local @!p0 [hbm:s0], s1  }
0x55: {  	s0 =	simm.s32 @!p0 $0x1  }
0x56: {  	_ =	swait.ge @!p0 [sflag:s0], s1  }
0x57: {  	s1 =	ssub.s32 @!p0 $0x0, s1;
	[sflag:s0] =	ssyncset.done @!p0 $0x0  }
0x58: {  	[sflag:s0] =	ssyncadd.s32 @!p0 s1  }
0x59: {  	[bflag:$0x3] =	sbarrier.arrive $0xFFFF  }
0x5a: {  	_ =	shalt  }

</sc_bundles>
